<compile_context>
chip_gen: v7x
topology: tpu7x:2x2x1
jax: 0.10.2.dev20260603
libtpu: 0.0.44.dev20260713+nightly
codegen_flags: <defaults>
</compile_context>

<pallas_src>
import functools

import jax
import jax.numpy as jnp
from jax import lax
from jax.experimental import pallas as pl
from jax.experimental.pallas import tpu as pltpu
from jax.experimental.pallas import tpu_sc as plsc

N_NODES = 10000
N_EDGES = 160000
D = 256

NC = 2
NS = 16
L = 16
NW = NC * NS

RPW = 320
TRASH = RPW
ACCR = RPW + 1
BIG = 1664
E_PAD = 164736
NBIG = E_PAD // BIG
CB = 2 * BIG
GB = 64
PR = 2048
PEND = PR + L


def _sc_body(x_hbm, comb_hbm, out_hbm, acc_v, rows_v, combb_v,
             psrc_v, pldst_v, sem, gsem):
    c = lax.axis_index("c")
    s = lax.axis_index("s")
    w = s * NC + c
    lo = w * RPW

    @pl.loop(0, ACCR)
    def _(r):
        for j in range(D // L):
            acc_v[r, pl.ds(j * L, L)] = jnp.zeros((L,), jnp.float32)

    def issue_gather(off, bm):
        off = pl.multiple_of(off, GB)
        pltpu.async_copy(x_hbm.at[psrc_v.at[pl.ds(off, GB)]],
                         rows_v.at[bm], gsem)

    def wait_gather(bm):
        pltpu.make_async_copy(x_hbm.at[pl.ds(0, GB)], rows_v.at[bm],
                              gsem).wait()

    def accum_block(off, bm):
        @pl.loop(0, GB, step=2)
        def _(e):
            lv = pldst_v[pl.ds(off + e, L)]
            ld0 = lv[0]
            ld1 = lv[1]
            vals0 = [rows_v[bm, e, pl.ds(j * L, L)] for j in range(D // L)]
            vals1 = [rows_v[bm, e + 1, pl.ds(j * L, L)] for j in range(D // L)]
            for j in range(D // L):
                plsc.addupdate(acc_v.at[ld0, pl.ds(j * L, L)], vals0[j])
            for j in range(D // L):
                plsc.addupdate(acc_v.at[ld1, pl.ds(j * L, L)], vals1[j])

    def issue_idx(big):
        pltpu.async_copy(comb_hbm.at[pl.ds(big * CB, CB)],
                         combb_v.at[big % 2], sem)

    issue_idx(0)

    @pl.loop(0, NBIG,
             init_carry=(jnp.int32(0), jnp.int32(0), jnp.int32(0)))
    def st(big, carry):
        T0, issued0, done0 = carry
        bb = big % 2
        pltpu.make_async_copy(comb_hbm.at[pl.ds(0, CB)], combb_v.at[bb], sem).wait()

        @pl.when(big + 1 < NBIG)
        def _():
            issue_idx(big + 1)

        @pl.loop(0, BIG // (L * 8), init_carry=T0)
        def T(j8, cc):
            data = []
            for u in range(8):
                d = combb_v[bb, pl.ds(BIG + (j8 * 8 + u) * L, L)]
                sv = combb_v[bb, pl.ds((j8 * 8 + u) * L, L)]
                ld = d - lo
                m = (ld >= 0) & (ld < RPW)
                sc = plsc.cumsum(m.astype(jnp.int32))
                data.append((sv, ld, m, sc))
            tot = cc
            for sv, ld, m, sc in data:
                pos = (sc + (tot - 1)) & (PR - 1)
                plsc.store_scatter(psrc_v, [pos], sv, mask=m)
                plsc.store_scatter(pldst_v, [pos], ld, mask=m)
                tot = tot + sc[L - 1]
            return tot

        @pl.loop(done0, issued0)
        def _(k):
            wait_gather(k % 2)
            accum_block((k * GB) & (PR - 1), k % 2)

        navail = T // GB - issued0
        nsync = jnp.maximum(navail - 2, 0)

        @pl.loop(issued0, issued0 + nsync)
        def _(k):
            issue_gather((k * GB) & (PR - 1), k % 2)
            wait_gather(k % 2)
            accum_block((k * GB) & (PR - 1), k % 2)

        issued1 = issued0 + nsync

        @pl.loop(issued1, issued1 + (navail - nsync))
        def _(k):
            issue_gather((k * GB) & (PR - 1), k % 2)

        return (T, issued1 + (navail - nsync), issued1)

    Tf, issuedf, donef = st

    @pl.loop(donef, issuedf)
    def _(k):
        wait_gather(k % 2)
        accum_block((k * GB) & (PR - 1), k % 2)

    @pl.when(Tf > issuedf * GB)
    def _():
        iota = lax.iota(jnp.int32, L)
        for j in range(GB // L + 1):
            pos = (Tf + j * L + iota) & (PR - 1)
            plsc.store_scatter(psrc_v, [pos], jnp.zeros((L,), jnp.int32))
            plsc.store_scatter(pldst_v, [pos], jnp.full((L,), TRASH, jnp.int32))
        issue_gather((issuedf * GB) & (PR - 1), 0)
        wait_gather(0)
        accum_block((issuedf * GB) & (PR - 1), 0)

    pltpu.sync_copy(acc_v.at[pl.ds(0, RPW)], out_hbm.at[pl.ds(lo, RPW)])


@functools.cache
def _sc_agg_fn():
    return pl.kernel(
        _sc_body,
        out_type=jax.ShapeDtypeStruct((NW * RPW, D), jnp.float32),
        mesh=plsc.VectorSubcoreMesh(core_axis_name="c", subcore_axis_name="s",
                                    num_cores=NC, num_subcores=NS),
        compiler_params=pltpu.CompilerParams(needs_layout_passes=False),
        scratch_types=[
            pltpu.VMEM((ACCR, D), jnp.float32),
            pltpu.VMEM((2, GB, D), jnp.float32),
            pltpu.VMEM((2, CB), jnp.int32),
            pltpu.VMEM((PEND,), jnp.int32),
            pltpu.VMEM((PEND,), jnp.int32),
            pltpu.SemaphoreType.DMA,
            pltpu.SemaphoreType.DMA,
        ],
    )


ROWS_BLK = 400


def _mlp_body(x_ref, agg_ref, w1_ref, b1_ref, w2_ref, b2_ref, eps_ref, o_ref):
    h = x_ref[...] * eps_ref[0, 0] + agg_ref[...]
    h = jnp.dot(h, w1_ref[...], preferred_element_type=jnp.float32) + b1_ref[...]
    h = jnp.maximum(h, 0.0)
    o_ref[...] = jnp.dot(h, w2_ref[...], preferred_element_type=jnp.float32) + b2_ref[...]


def _mlp(x, agg_pad, W1, b1, W2, b2, scale):
    grid = (N_NODES // ROWS_BLK,)
    return pl.pallas_call(
        _mlp_body,
        grid=grid,
        in_specs=[
            pl.BlockSpec((ROWS_BLK, D), lambda i: (i, 0)),
            pl.BlockSpec((ROWS_BLK, D), lambda i: (i, 0)),
            pl.BlockSpec((D, D), lambda i: (0, 0)),
            pl.BlockSpec((1, D), lambda i: (0, 0)),
            pl.BlockSpec((D, D), lambda i: (0, 0)),
            pl.BlockSpec((1, D), lambda i: (0, 0)),
            pl.BlockSpec((1, 1), lambda i: (0, 0), memory_space=pltpu.SMEM),
        ],
        out_specs=pl.BlockSpec((ROWS_BLK, D), lambda i: (i, 0)),
        out_shape=jax.ShapeDtypeStruct((N_NODES, D), jnp.float32),
    )(x, agg_pad, W1, b1, W2, b2, scale)


def kernel(x, edge_index, W1, b1, W2, b2, eps):
    ei = edge_index.astype(jnp.int32)
    src = jnp.concatenate([ei[0], jnp.zeros((E_PAD - N_EDGES,), jnp.int32)])
    dst = jnp.concatenate([ei[1], jnp.full((E_PAD - N_EDGES,), NW * RPW, jnp.int32)])
    comb = jnp.concatenate([src.reshape(NBIG, BIG), dst.reshape(NBIG, BIG)],
                           axis=1).reshape(-1)
    agg_pad = _sc_agg_fn()(x, comb)
    scale = jnp.reshape(1.0 + eps, (1, 1)).astype(jnp.float32)
    return _mlp(x, agg_pad, W1, b1.reshape(1, D), W2, b2.reshape(1, D), scale)

# --- scband reference (transcript-rebuilt; emitter-appended) ---
"""Pipeline reference for scband-gin-classifier-1-layer-29609504539439 (READ-ONLY COPY).

The authoritative reference and input builder live on the scoring server;
editing this copy changes nothing except your own understanding.
"""

import jax, jax.numpy as jnp
import numpy as np

N_NODES = 10000
N_EDGES = 160000
D_IN = 256
D_HID = 256
D_OUT = 256


def setup_inputs(seed: int = 0) -> dict:
    key = jax.random.key(seed)
    k_x, k_ei, k_w1, k_b1, k_w2, k_b2 = jax.random.split(key, 6)
    x = jax.random.normal(k_x, (N_NODES, D_IN), dtype=jnp.float32)
    edge_index = jax.random.randint(k_ei, (2, N_EDGES), 0, N_NODES, dtype=jnp.int64)
    # GINConv MLP parameters: Linear(in, hidden) -> ReLU -> Linear(hidden, out)
    s1 = 1.0 / np.sqrt(D_IN)
    s2 = 1.0 / np.sqrt(D_HID)
    W1 = jax.random.uniform(k_w1, (D_IN, D_HID), dtype=jnp.float32, minval=-s1, maxval=s1)
    b1 = jax.random.uniform(k_b1, (D_HID,), dtype=jnp.float32, minval=-s1, maxval=s1)
    W2 = jax.random.uniform(k_w2, (D_HID, D_OUT), dtype=jnp.float32, minval=-s2, maxval=s2)
    b2 = jax.random.uniform(k_b2, (D_OUT,), dtype=jnp.float32, minval=-s2, maxval=s2)
    eps = jnp.zeros((), dtype=jnp.float32)  # GIN eps, train_eps=False default
    return {"x": x, "edge_index": edge_index, "W1": W1, "b1": b1, "W2": W2, "b2": b2, "eps": eps}


def reference(x, edge_index, W1, b1, W2, b2, eps):
    # GINConv: out = MLP((1 + eps) * x + sum_{j in N(i)} x_j)
    src = edge_index[0]
    dst = edge_index[1]
    msgs = jnp.take(x, src, axis=0)  # gather source node features per edge
    agg = jax.ops.segment_sum(msgs, dst, num_segments=N_NODES)  # scatter-add to dst
    h = (1.0 + eps) * x + agg
    h = jnp.dot(h, W1) + b1
    h = jax.nn.relu(h)
    out = jnp.dot(h, W2) + b2
    return out

if __name__ == "__main__":
    import jax
    _d = setup_inputs()
    print(jax.jit(kernel)(*tuple(_d.values())))

</pallas_src>

<mosaic_0001>
#map = affine_map<(d0, d1) -> (0, 0)>
#map1 = affine_map<(d0, d1) -> (0)>
module attributes {stable_mosaic.version = 14 : i64} {
  func.func @_sc_body(%arg0: i32, %arg1: i32, %arg2: memref<10000x256xf32, #tpu.memory_space<hbm>>, %arg3: memref<329472xi32, #tpu.memory_space<hbm>>, %arg4: memref<10240x256xf32, #tpu.memory_space<hbm>>, %arg5: memref<321x256xf32, #tpu.memory_space<vmem>>, %arg6: memref<2x64x256xf32, #tpu.memory_space<vmem>>, %arg7: memref<2x3328xi32, #tpu.memory_space<vmem>>, %arg8: memref<2064xi32, #tpu.memory_space<vmem>>, %arg9: memref<2064xi32, #tpu.memory_space<vmem>>, %arg10: memref<!tpu.dma_semaphore, #tpu.memory_space<semaphore_mem>>, %arg11: memref<!tpu.dma_semaphore, #tpu.memory_space<semaphore_mem>>) attributes {dimension_semantics = [#tpu.dimension_semantics<core_parallel>, #tpu.dimension_semantics<subcore_parallel>], iteration_bounds = array<i64: 2, 16>, scalar_prefetch = 0 : i64, scratch_operands = 7 : i64, tpu.core_type = #tpu.core_type<sc_vector_subcore>, window_params = [{transform_indices = #map}, {transform_indices = #map1}, {transform_indices = #map}]} {
    %mul3A = arith.constant 2 : i32
    %mul3A_0 = arith.muli %arg1, %mul3A : i32
    %add3A = arith.addi %mul3A_0, %arg0 : i32
    %mul3A_1 = arith.constant 320 : i32
    %mul3A_2 = arith.muli %add3A, %mul3A_1 : i32
    %scan3A = arith.constant 0 : i32
    %scan3A_3 = arith.constant 321 : i32
    %scan3A_4 = arith.addi %scan3A, %scan3A_3 : i32
    %scan3A_5 = arith.constant 1 : i32
    scf.for %scan3A_43 = %scan3A to %scan3A_4 step %scan3A_5  : i32 {
      %mul3A_44 = arith.constant 1 : i32
      %mul3A_45 = arith.muli %scan3A_43, %mul3A_44 : i32
      %add3A_46 = arith.constant 0 : i32
      %add3A_47 = arith.addi %add3A_46, %mul3A_45 : i32
      %broadcast_in_dim3A = arith.constant 0.000000e+00 : f32
      %broadcast_in_dim3A_48 = vector.broadcast %broadcast_in_dim3A : f32 to vector<16xf32>
      %swap3A = arith.index_cast %add3A_47 : i32 to index
      %swap3A_49 = arith.constant 0 : index
      %swap3A_50 = tpu.vector_load %arg5[%swap3A, %swap3A_49] {strides = array<i32>} : memref<321x256xf32, #tpu.memory_space<vmem>>, vector<16xf32>,
      tpu.vector_store %arg5[%swap3A, %swap3A_49], %broadcast_in_dim3A_48 {strides = array<i32>} : memref<321x256xf32, #tpu.memory_space<vmem>>, vector<16xf32>,
      %broadcast_in_dim3A_51 = arith.constant 0.000000e+00 : f32
      %broadcast_in_dim3A_52 = vector.broadcast %broadcast_in_dim3A_51 : f32 to vector<16xf32>
      %swap3A_53 = arith.index_cast %add3A_47 : i32 to index
      %swap3A_54 = arith.constant 16 : index
      %swap3A_55 = tpu.vector_load %arg5[%swap3A_53, %swap3A_54] {strides = array<i32>} : memref<321x256xf32, #tpu.memory_space<vmem>>, vector<16xf32>,
      tpu.vector_store %arg5[%swap3A_53, %swap3A_54], %broadcast_in_dim3A_52 {strides = array<i32>} : memref<321x256xf32, #tpu.memory_space<vmem>>, vector<16xf32>,
      %broadcast_in_dim3A_56 = arith.constant 0.000000e+00 : f32
      %broadcast_in_dim3A_57 = vector.broadcast %broadcast_in_dim3A_56 : f32 to vector<16xf32>
      %swap3A_58 = arith.index_cast %add3A_47 : i32 to index
      %swap3A_59 = arith.constant 32 : index
      %swap3A_60 = tpu.vector_load %arg5[%swap3A_58, %swap3A_59] {strides = array<i32>} : memref<321x256xf32, #tpu.memory_space<vmem>>, vector<16xf32>,
      tpu.vector_store %arg5[%swap3A_58, %swap3A_59], %broadcast_in_dim3A_57 {strides = array<i32>} : memref<321x256xf32, #tpu.memory_space<vmem>>, vector<16xf32>,
      %broadcast_in_dim3A_61 = arith.constant 0.000000e+00 : f32
      %broadcast_in_dim3A_62 = vector.broadcast %broadcast_in_dim3A_61 : f32 to vector<16xf32>
      %swap3A_63 = arith.index_cast %add3A_47 : i32 to index
      %swap3A_64 = arith.constant 48 : index
      %swap3A_65 = tpu.vector_load %arg5[%swap3A_63, %swap3A_64] {strides = array<i32>} : memref<321x256xf32, #tpu.memory_space<vmem>>, vector<16xf32>,
      tpu.vector_store %arg5[%swap3A_63, %swap3A_64], %broadcast_in_dim3A_62 {strides = array<i32>} : memref<321x256xf32, #tpu.memory_space<vmem>>, vector<16xf32>,
      %broadcast_in_dim3A_66 = arith.constant 0.000000e+00 : f32
      %broadcast_in_dim3A_67 = vector.broadcast %broadcast_in_dim3A_66 : f32 to vector<16xf32>
      %swap3A_68 = arith.index_cast %add3A_47 : i32 to index
      %swap3A_69 = arith.constant 64 : index
      %swap3A_70 = tpu.vector_load %arg5[%swap3A_68, %swap3A_69] {strides = array<i32>} : memref<321x256xf32, #tpu.memory_space<vmem>>, vector<16xf32>,
      tpu.vector_store %arg5[%swap3A_68, %swap3A_69], %broadcast_in_dim3A_67 {strides = array<i32>} : memref<321x256xf32, #tpu.memory_space<vmem>>, vector<16xf32>,
      %broadcast_in_dim3A_71 = arith.constant 0.000000e+00 : f32
      %broadcast_in_dim3A_72 = vector.broadcast %broadcast_in_dim3A_71 : f32 to vector<16xf32>
      %swap3A_73 = arith.index_cast %add3A_47 : i32 to index
      %swap3A_74 = arith.constant 80 : index
      %swap3A_75 = tpu.vector_load %arg5[%swap3A_73, %swap3A_74] {strides = array<i32>} : memref<321x256xf32, #tpu.memory_space<vmem>>, vector<16xf32>,
      tpu.vector_store %arg5[%swap3A_73, %swap3A_74], %broadcast_in_dim3A_72 {strides = array<i32>} : memref<321x256xf32, #tpu.memory_space<vmem>>, vector<16xf32>,
      %broadcast_in_dim3A_76 = arith.constant 0.000000e+00 : f32
      %broadcast_in_dim3A_77 = vector.broadcast %broadcast_in_dim3A_76 : f32 to vector<16xf32>
      %swap3A_78 = arith.index_cast %add3A_47 : i32 to index
      %swap3A_79 = arith.constant 96 : index
      %swap3A_80 = tpu.vector_load %arg5[%swap3A_78, %swap3A_79] {strides = array<i32>} : memref<321x256xf32, #tpu.memory_space<vmem>>, vector<16xf32>,
      tpu.vector_store %arg5[%swap3A_78, %swap3A_79], %broadcast_in_dim3A_77 {strides = array<i32>} : memref<321x256xf32, #tpu.memory_space<vmem>>, vector<16xf32>,
      %broadcast_in_dim3A_81 = arith.constant 0.000000e+00 : f32
      %broadcast_in_dim3A_82 = vector.broadcast %broadcast_in_dim3A_81 : f32 to vector<16xf32>
      %swap3A_83 = arith.index_cast %add3A_47 : i32 to index
      %swap3A_84 = arith.constant 112 : index
      %swap3A_85 = tpu.vector_load %arg5[%swap3A_83, %swap3A_84] {strides = array<i32>} : memref<321x256xf32, #tpu.memory_space<vmem>>, vector<16xf32>,
      tpu.vector_store %arg5[%swap3A_83, %swap3A_84], %broadcast_in_dim3A_82 {strides = array<i32>} : memref<321x256xf32, #tpu.memory_space<vmem>>, vector<16xf32>,
      %broadcast_in_dim3A_86 = arith.constant 0.000000e+00 : f32
      %broadcast_in_dim3A_87 = vector.broadcast %broadcast_in_dim3A_86 : f32 to vector<16xf32>
      %swap3A_88 = arith.index_cast %add3A_47 : i32 to index
      %swap3A_89 = arith.constant 128 : index
      %swap3A_90 = tpu.vector_load %arg5[%swap3A_88, %swap3A_89] {strides = array<i32>} : memref<321x256xf32, #tpu.memory_space<vmem>>, vector<16xf32>,
      tpu.vector_store %arg5[%swap3A_88, %swap3A_89], %broadcast_in_dim3A_87 {strides = array<i32>} : memref<321x256xf32, #tpu.memory_space<vmem>>, vector<16xf32>,
      %broadcast_in_dim3A_91 = arith.constant 0.000000e+00 : f32
      %broadcast_in_dim3A_92 = vector.broadcast %broadcast_in_dim3A_91 : f32 to vector<16xf32>
      %swap3A_93 = arith.index_cast %add3A_47 : i32 to index
      %swap3A_94 = arith.constant 144 : index
      %swap3A_95 = tpu.vector_load %arg5[%swap3A_93, %swap3A_94] {strides = array<i32>} : memref<321x256xf32, #tpu.memory_space<vmem>>, vector<16xf32>,
      tpu.vector_store %arg5[%swap3A_93, %swap3A_94], %broadcast_in_dim3A_92 {strides = array<i32>} : memref<321x256xf32, #tpu.memory_space<vmem>>, vector<16xf32>,
      %broadcast_in_dim3A_96 = arith.constant 0.000000e+00 : f32
      %broadcast_in_dim3A_97 = vector.broadcast %broadcast_in_dim3A_96 : f32 to vector<16xf32>
      %swap3A_98 = arith.index_cast %add3A_47 : i32 to index
      %swap3A_99 = arith.constant 160 : index
      %swap3A_100 = tpu.vector_load %arg5[%swap3A_98, %swap3A_99] {strides = array<i32>} : memref<321x256xf32, #tpu.memory_space<vmem>>, vector<16xf32>,
      tpu.vector_store %arg5[%swap3A_98, %swap3A_99], %broadcast_in_dim3A_97 {strides = array<i32>} : memref<321x256xf32, #tpu.memory_space<vmem>>, vector<16xf32>,
      %broadcast_in_dim3A_101 = arith.constant 0.000000e+00 : f32
      %broadcast_in_dim3A_102 = vector.broadcast %broadcast_in_dim3A_101 : f32 to vector<16xf32>
      %swap3A_103 = arith.index_cast %add3A_47 : i32 to index
      %swap3A_104 = arith.constant 176 : index
      %swap3A_105 = tpu.vector_load %arg5[%swap3A_103, %swap3A_104] {strides = array<i32>} : memref<321x256xf32, #tpu.memory_space<vmem>>, vector<16xf32>,
      tpu.vector_store %arg5[%swap3A_103, %swap3A_104], %broadcast_in_dim3A_102 {strides = array<i32>} : memref<321x256xf32, #tpu.memory_space<vmem>>, vector<16xf32>,
      %broadcast_in_dim3A_106 = arith.constant 0.000000e+00 : f32
      %broadcast_in_dim3A_107 = vector.broadcast %broadcast_in_dim3A_106 : f32 to vector<16xf32>
      %swap3A_108 = arith.index_cast %add3A_47 : i32 to index
      %swap3A_109 = arith.constant 192 : index
      %swap3A_110 = tpu.vector_load %arg5[%swap3A_108, %swap3A_109] {strides = array<i32>} : memref<321x256xf32, #tpu.memory_space<vmem>>, vector<16xf32>,
      tpu.vector_store %arg5[%swap3A_108, %swap3A_109], %broadcast_in_dim3A_107 {strides = array<i32>} : memref<321x256xf32, #tpu.memory_space<vmem>>, vector<16xf32>,
      %broadcast_in_dim3A_111 = arith.constant 0.000000e+00 : f32
      %broadcast_in_dim3A_112 = vector.broadcast %broadcast_in_dim3A_111 : f32 to vector<16xf32>
      %swap3A_113 = arith.index_cast %add3A_47 : i32 to index
      %swap3A_114 = arith.constant 208 : index
      %swap3A_115 = tpu.vector_load %arg5[%swap3A_113, %swap3A_114] {strides = array<i32>} : memref<321x256xf32, #tpu.memory_space<vmem>>, vector<16xf32>,
      tpu.vector_store %arg5[%swap3A_113, %swap3A_114], %broadcast_in_dim3A_112 {strides = array<i32>} : memref<321x256xf32, #tpu.memory_space<vmem>>, vector<16xf32>,
      %broadcast_in_dim3A_116 = arith.constant 0.000000e+00 : f32
      %broadcast_in_dim3A_117 = vector.broadcast %broadcast_in_dim3A_116 : f32 to vector<16xf32>
      %swap3A_118 = arith.index_cast %add3A_47 : i32 to index
      %swap3A_119 = arith.constant 224 : index
      %swap3A_120 = tpu.vector_load %arg5[%swap3A_118, %swap3A_119] {strides = array<i32>} : memref<321x256xf32, #tpu.memory_space<vmem>>, vector<16xf32>,
      tpu.vector_store %arg5[%swap3A_118, %swap3A_119], %broadcast_in_dim3A_117 {strides = array<i32>} : memref<321x256xf32, #tpu.memory_space<vmem>>, vector<16xf32>,
      %broadcast_in_dim3A_121 = arith.constant 0.000000e+00 : f32
      %broadcast_in_dim3A_122 = vector.broadcast %broadcast_in_dim3A_121 : f32 to vector<16xf32>
      %swap3A_123 = arith.index_cast %add3A_47 : i32 to index
      %swap3A_124 = arith.constant 240 : index
      %swap3A_125 = tpu.vector_load %arg5[%swap3A_123, %swap3A_124] {strides = array<i32>} : memref<321x256xf32, #tpu.memory_space<vmem>>, vector<16xf32>,
      tpu.vector_store %arg5[%swap3A_123, %swap3A_124], %broadcast_in_dim3A_122 {strides = array<i32>} : memref<321x256xf32, #tpu.memory_space<vmem>>, vector<16xf32>,
    }
    %scan3A_6 = arith.constant 321 : i32
    %dma_start3A = arith.constant 0 : i32
    %dma_start3A_7 = arith.constant 0 : i32
    %dma_start3A_8 = tpu.memref_slice %arg7[%dma_start3A, %dma_start3A_7] : memref<2x3328xi32, #tpu.memory_space<vmem>> -> memref<1x3328xi32, #tpu.memory_space<vmem>>
    %dma_start3A_9 = tpu.memref_squeeze %dma_start3A_8 : memref<1x3328xi32, #tpu.memory_space<vmem>> -> memref<3328xi32, #tpu.memory_space<vmem>>
    %dma_start3A_10 = arith.constant 0 : i32
    %dma_start3A_11 = tpu.memref_slice %arg3[%dma_start3A_10] : memref<329472xi32, #tpu.memory_space<hbm>> -> memref<3328xi32, #tpu.memory_space<hbm>>
    %dma_start3A_12 = arith.constant 0 : i32
    %dma_start3A_13 = tpu.memref_slice %arg7[%dma_start3A, %dma_start3A_12] : memref<2x3328xi32, #tpu.memory_space<vmem>> -> memref<1x3328xi32, #tpu.memory_space<vmem>>
    %dma_start3A_14 = tpu.memref_squeeze %dma_start3A_13 : memref<1x3328xi32, #tpu.memory_space<vmem>> -> memref<3328xi32, #tpu.memory_space<vmem>>
    %dma_start3A_15 = arith.constant 0 : i32
    %dma_start3A_16 = tpu.memref_slice %arg3[%dma_start3A_15] : memref<329472xi32, #tpu.memory_space<hbm>> -> memref<3328xi32, #tpu.memory_space<hbm>>
    tpu.enqueue_dma source(%dma_start3A_16 : memref<3328xi32, #tpu.memory_space<hbm>>) target(%dma_start3A_14 : memref<3328xi32, #tpu.memory_space<vmem>>) target_semaphore(%arg10 : memref<!tpu.dma_semaphore, #tpu.memory_space<semaphore_mem>>)
    %scan3A_17 = arith.constant 0 : i32
    %scan3A_18 = arith.constant 0 : i32
    %scan3A_19 = arith.constant 0 : i32
    %scan3A_20 = arith.constant 0 : i32
    %scan3A_21 = arith.constant 99 : i32
    %scan3A_22 = arith.addi %scan3A_20, %scan3A_21 : i32
    %scan3A_23 = arith.constant 1 : i32
    %scan3A_24:3 = scf.for %scan3A_43 = %scan3A_20 to %scan3A_22 step %scan3A_23 iter_args(%scan3A_44 = %scan3A_17, %scan3A_45 = %scan3A_18, %scan3A_46 = %scan3A_19) -> (i32, i32, i32)  : i32 {
      %mul3A_47 = arith.constant 1 : i32
      %mul3A_48 = arith.muli %scan3A_43, %mul3A_47 : i32
      %add3A_49 = arith.constant 0 : i32
      %add3A_50 = arith.addi %add3A_49, %mul3A_48 : i32
      %jit3A = arith.constant 2 : i32
      %eq3A = arith.constant 0 : i32
      %eq3A_51 = arith.cmpi eq, %jit3A, %eq3A : i32
      %jit3A_52 = arith.constant 1 : i32
      %select_n3A = arith.select %eq3A_51, %jit3A_52, %jit3A : i32
      %rem3A = arith.remsi %add3A_50, %select_n3A : i32
      %ne3A = arith.constant 0 : i32
      %ne3A_53 = arith.cmpi ne, %rem3A, %ne3A : i32
      %lt3A = arith.constant 0 : i32
      %lt3A_54 = arith.cmpi slt, %rem3A, %lt3A : i32
      %lt3A_55 = arith.constant 0 : i32
      %lt3A_56 = arith.cmpi slt, %select_n3A, %lt3A_55 : i32
      %ne3A_57 = arith.xori %lt3A_54, %lt3A_56 : i1
      %and3A = arith.andi %ne3A_57, %ne3A_53 : i1
      %add3A_58 = arith.addi %rem3A, %select_n3A : i32
      %select_n3A_59 = arith.select %and3A, %add3A_58, %rem3A : i32
      %dma_wait3A = arith.constant 0 : i32
      %dma_wait3A_60 = tpu.memref_slice %arg7[%select_n3A_59, %dma_wait3A] : memref<2x3328xi32, #tpu.memory_space<vmem>> -> memref<1x3328xi32, #tpu.memory_space<vmem>>
      %dma_wait3A_61 = tpu.memref_squeeze %dma_wait3A_60 : memref<1x3328xi32, #tpu.memory_space<vmem>> -> memref<3328xi32, #tpu.memory_space<vmem>>
      %dma_wait3A_62 = arith.constant 0 : i32
      %dma_wait3A_63 = tpu.memref_slice %arg3[%dma_wait3A_62] : memref<329472xi32, #tpu.memory_space<hbm>> -> memref<3328xi32, #tpu.memory_space<hbm>>
      %dma_wait3A_64 = arith.constant 0 : i32
      %dma_wait3A_65 = tpu.memref_slice %arg7[%select_n3A_59, %dma_wait3A_64] : memref<2x3328xi32, #tpu.memory_space<vmem>> -> memref<1x3328xi32, #tpu.memory_space<vmem>>
      %dma_wait3A_66 = tpu.memref_squeeze %dma_wait3A_65 : memref<1x3328xi32, #tpu.memory_space<vmem>> -> memref<3328xi32, #tpu.memory_space<vmem>>
      %dma_wait3A_67 = arith.constant 0 : i32
      %dma_wait3A_68 = tpu.memref_slice %arg3[%dma_wait3A_67] : memref<329472xi32, #tpu.memory_space<hbm>> -> memref<3328xi32, #tpu.memory_space<hbm>>
      tpu.wait_dma2 semaphore(%arg10 : memref<!tpu.dma_semaphore, #tpu.memory_space<semaphore_mem>>) src(%dma_wait3A_68 : memref<3328xi32, #tpu.memory_space<hbm>>) dst(%dma_wait3A_66 : memref<3328xi32, #tpu.memory_space<vmem>>)
      %add3A_69 = arith.constant 1 : i32
      %add3A_70 = arith.addi %add3A_50, %add3A_69 : i32
      %lt3A_71 = arith.constant 99 : i32
      %lt3A_72 = arith.cmpi slt, %add3A_70, %lt3A_71 : i32
      %convert_element_type3A_73 = arith.extui %lt3A_72 : i1 to i32
      %cond3A_74 = arith.constant 0 : i32
      %cond3A_75 = arith.cmpi ne, %convert_element_type3A_73, %cond3A_74 : i32
      scf.if %cond3A_75 {
        %add3A_166 = arith.constant 1 : i32
        %add3A_167 = arith.addi %add3A_50, %add3A_166 : i32
        %mul3A_168 = arith.constant 3328 : i32
        %mul3A_169 = arith.muli %add3A_167, %mul3A_168 : i32
        %jit3A_170 = arith.constant 2 : i32
        %eq3A_171 = arith.constant 0 : i32
        %eq3A_172 = arith.cmpi eq, %jit3A_170, %eq3A_171 : i32
        %jit3A_173 = arith.constant 1 : i32
        %select_n3A_174 = arith.select %eq3A_172, %jit3A_173, %jit3A_170 : i32
        %rem3A_175 = arith.remsi %add3A_167, %select_n3A_174 : i32
        %ne3A_176 = arith.constant 0 : i32
        %ne3A_177 = arith.cmpi ne, %rem3A_175, %ne3A_176 : i32
        %lt3A_178 = arith.constant 0 : i32
        %lt3A_179 = arith.cmpi slt, %rem3A_175, %lt3A_178 : i32
        %lt3A_180 = arith.constant 0 : i32
        %lt3A_181 = arith.cmpi slt, %select_n3A_174, %lt3A_180 : i32
        %ne3A_182 = arith.xori %lt3A_179, %lt3A_181 : i1
        %and3A_183 = arith.andi %ne3A_182, %ne3A_177 : i1
        %add3A_184 = arith.addi %rem3A_175, %select_n3A_174 : i32
        %select_n3A_185 = arith.select %and3A_183, %add3A_184, %rem3A_175 : i32
        %dma_start3A_186 = arith.constant 0 : i32
        %dma_start3A_187 = tpu.memref_slice %arg7[%select_n3A_185, %dma_start3A_186] : memref<2x3328xi32, #tpu.memory_space<vmem>> -> memref<1x3328xi32, #tpu.memory_space<vmem>>
        %dma_start3A_188 = tpu.memref_squeeze %dma_start3A_187 : memref<1x3328xi32, #tpu.memory_space<vmem>> -> memref<3328xi32, #tpu.memory_space<vmem>>
        %dma_start3A_189 = tpu.memref_slice %arg3[%mul3A_169] : memref<329472xi32, #tpu.memory_space<hbm>> -> memref<3328xi32, #tpu.memory_space<hbm>>
        %dma_start3A_190 = arith.constant 0 : i32
        %dma_start3A_191 = tpu.memref_slice %arg7[%select_n3A_185, %dma_start3A_190] : memref<2x3328xi32, #tpu.memory_space<vmem>> -> memref<1x3328xi32, #tpu.memory_space<vmem>>
        %dma_start3A_192 = tpu.memref_squeeze %dma_start3A_191 : memref<1x3328xi32, #tpu.memory_space<vmem>> -> memref<3328xi32, #tpu.memory_space<vmem>>
        %dma_start3A_193 = tpu.memref_slice %arg3[%mul3A_169] : memref<329472xi32, #tpu.memory_space<hbm>> -> memref<3328xi32, #tpu.memory_space<hbm>>
        tpu.enqueue_dma source(%dma_start3A_193 : memref<3328xi32, #tpu.memory_space<hbm>>) target(%dma_start3A_192 : memref<3328xi32, #tpu.memory_space<vmem>>) target_semaphore(%arg10 : memref<!tpu.dma_semaphore, #tpu.memory_space<semaphore_mem>>)
      } else {
      }
      %scan3A_76 = arith.constant 0 : i32
      %scan3A_77 = arith.constant 13 : i32
      %scan3A_78 = arith.addi %scan3A_76, %scan3A_77 : i32
      %scan3A_79 = arith.constant 1 : i32
      %scan3A_80 = scf.for %scan3A_166 = %scan3A_76 to %scan3A_78 step %scan3A_79 iter_args(%scan3A_167 = %scan3A_44) -> (i32)  : i32 {
        %mul3A_168 = arith.constant 1 : i32
        %mul3A_169 = arith.muli %scan3A_166, %mul3A_168 : i32
        %add3A_170 = arith.constant 0 : i32
        %add3A_171 = arith.addi %add3A_170, %mul3A_169 : i32
        %mul3A_172 = arith.constant 8 : i32
        %mul3A_173 = arith.muli %add3A_171, %mul3A_172 : i32
        %add3A_174 = arith.constant 0 : i32
        %add3A_175 = arith.addi %mul3A_173, %add3A_174 : i32
        %mul3A_176 = arith.constant 16 : i32
        %mul3A_177 = arith.muli %add3A_175, %mul3A_176 : i32
        %add3A_178 = arith.constant 1664 : i32
        %add3A_179 = arith.addi %add3A_178, %mul3A_177 : i32
        %get3A = arith.index_cast %select_n3A_59 : i32 to index
        %get3A_180 = arith.index_cast %add3A_179 : i32 to index
        %get3A_181 = tpu.vector_load %arg7[%get3A, %get3A_180] {strides = array<i32>} : memref<2x3328xi32, #tpu.memory_space<vmem>>, vector<16xi32>,
        %mul3A_182 = arith.constant 8 : i32
        %mul3A_183 = arith.muli %add3A_171, %mul3A_182 : i32
        %add3A_184 = arith.constant 0 : i32
        %add3A_185 = arith.addi %mul3A_183, %add3A_184 : i32
        %mul3A_186 = arith.constant 16 : i32
        %mul3A_187 = arith.muli %add3A_185, %mul3A_186 : i32
        %get3A_188 = arith.index_cast %select_n3A_59 : i32 to index
        %get3A_189 = arith.index_cast %mul3A_187 : i32 to index
        %get3A_190 = tpu.vector_load %arg7[%get3A_188, %get3A_189] {strides = array<i32>} : memref<2x3328xi32, #tpu.memory_space<vmem>>, vector<16xi32>,
        %sub3A_191 = vector.broadcast %mul3A_2 : i32 to vector<16xi32>
        %sub3A_192 = arith.subi %get3A_181, %sub3A_191 : vector<16xi32>
        %ge3A = arith.constant 0 : i32
        %ge3A_193 = vector.broadcast %ge3A : i32 to vector<16xi32>
        %ge3A_194 = arith.cmpi sge, %sub3A_192, %ge3A_193 : vector<16xi32>
        %lt3A_195 = arith.constant 320 : i32
        %lt3A_196 = vector.broadcast %lt3A_195 : i32 to vector<16xi32>
        %lt3A_197 = arith.cmpi slt, %sub3A_192, %lt3A_196 : vector<16xi32>
        %and3A_198 = arith.andi %ge3A_194, %lt3A_197 : vector<16xi1>
        %convert_element_type3A_199 = arith.extui %and3A_198 : vector<16xi1> to vector<16xi32>
        %broadcast_in_dim3A = arith.constant true
        %broadcast_in_dim3A_200 = vector.broadcast %broadcast_in_dim3A : i1 to vector<16xi1>
        %masked_cumsum3A = tpu.scan <sum>, %convert_element_type3A_199 masked %broadcast_in_dim3A_200 : vector<16xi32>, vector<16xi1> -> vector<16xi32>
        %mul3A_201 = arith.constant 8 : i32
        %mul3A_202 = arith.muli %add3A_171, %mul3A_201 : i32
        %add3A_203 = arith.constant 1 : i32
        %add3A_204 = arith.addi %mul3A_202, %add3A_203 : i32
        %mul3A_205 = arith.constant 16 : i32
        %mul3A_206 = arith.muli %add3A_204, %mul3A_205 : i32
        %add3A_207 = arith.constant 1664 : i32
        %add3A_208 = arith.addi %add3A_207, %mul3A_206 : i32
        %get3A_209 = arith.index_cast %select_n3A_59 : i32 to index
        %get3A_210 = arith.index_cast %add3A_208 : i32 to index
        %get3A_211 = tpu.vector_load %arg7[%get3A_209, %get3A_210] {strides = array<i32>} : memref<2x3328xi32, #tpu.memory_space<vmem>>, vector<16xi32>,
        %mul3A_212 = arith.constant 8 : i32
        %mul3A_213 = arith.muli %add3A_171, %mul3A_212 : i32
        %add3A_214 = arith.constant 1 : i32
        %add3A_215 = arith.addi %mul3A_213, %add3A_214 : i32
        %mul3A_216 = arith.constant 16 : i32
        %mul3A_217 = arith.muli %add3A_215, %mul3A_216 : i32
        %get3A_218 = arith.index_cast %select_n3A_59 : i32 to index
        %get3A_219 = arith.index_cast %mul3A_217 : i32 to index
        %get3A_220 = tpu.vector_load %arg7[%get3A_218, %get3A_219] {strides = array<i32>} : memref<2x3328xi32, #tpu.memory_space<vmem>>, vector<16xi32>,
        %sub3A_221 = vector.broadcast %mul3A_2 : i32 to vector<16xi32>
        %sub3A_222 = arith.subi %get3A_211, %sub3A_221 : vector<16xi32>
        %ge3A_223 = arith.constant 0 : i32
        %ge3A_224 = vector.broadcast %ge3A_223 : i32 to vector<16xi32>
        %ge3A_225 = arith.cmpi sge, %sub3A_222, %ge3A_224 : vector<16xi32>
        %lt3A_226 = arith.constant 320 : i32
        %lt3A_227 = vector.broadcast %lt3A_226 : i32 to vector<16xi32>
        %lt3A_228 = arith.cmpi slt, %sub3A_222, %lt3A_227 : vector<16xi32>
        %and3A_229 = arith.andi %ge3A_225, %lt3A_228 : vector<16xi1>
        %convert_element_type3A_230 = arith.extui %and3A_229 : vector<16xi1> to vector<16xi32>
        %broadcast_in_dim3A_231 = arith.constant true
        %broadcast_in_dim3A_232 = vector.broadcast %broadcast_in_dim3A_231 : i1 to vector<16xi1>
        %masked_cumsum3A_233 = tpu.scan <sum>, %convert_element_type3A_230 masked %broadcast_in_dim3A_232 : vector<16xi32>, vector<16xi1> -> vector<16xi32>
        %mul3A_234 = arith.constant 8 : i32
        %mul3A_235 = arith.muli %add3A_171, %mul3A_234 : i32
        %add3A_236 = arith.constant 2 : i32
        %add3A_237 = arith.addi %mul3A_235, %add3A_236 : i32
        %mul3A_238 = arith.constant 16 : i32
        %mul3A_239 = arith.muli %add3A_237, %mul3A_238 : i32
        %add3A_240 = arith.constant 1664 : i32
        %add3A_241 = arith.addi %add3A_240, %mul3A_239 : i32
        %get3A_242 = arith.index_cast %select_n3A_59 : i32 to index
        %get3A_243 = arith.index_cast %add3A_241 : i32 to index
        %get3A_244 = tpu.vector_load %arg7[%get3A_242, %get3A_243] {strides = array<i32>} : memref<2x3328xi32, #tpu.memory_space<vmem>>, vector<16xi32>,
        %mul3A_245 = arith.constant 8 : i32
        %mul3A_246 = arith.muli %add3A_171, %mul3A_245 : i32
        %add3A_247 = arith.constant 2 : i32
        %add3A_248 = arith.addi %mul3A_246, %add3A_247 : i32
        %mul3A_249 = arith.constant 16 : i32
        %mul3A_250 = arith.muli %add3A_248, %mul3A_249 : i32
        %get3A_251 = arith.index_cast %select_n3A_59 : i32 to index
        %get3A_252 = arith.index_cast %mul3A_250 : i32 to index
        %get3A_253 = tpu.vector_load %arg7[%get3A_251, %get3A_252] {strides = array<i32>} : memref<2x3328xi32, #tpu.memory_space<vmem>>, vector<16xi32>,
        %sub3A_254 = vector.broadcast %mul3A_2 : i32 to vector<16xi32>
        %sub3A_255 = arith.subi %get3A_244, %sub3A_254 : vector<16xi32>
        %ge3A_256 = arith.constant 0 : i32
        %ge3A_257 = vector.broadcast %ge3A_256 : i32 to vector<16xi32>
        %ge3A_258 = arith.cmpi sge, %sub3A_255, %ge3A_257 : vector<16xi32>
        %lt3A_259 = arith.constant 320 : i32
        %lt3A_260 = vector.broadcast %lt3A_259 : i32 to vector<16xi32>
        %lt3A_261 = arith.cmpi slt, %sub3A_255, %lt3A_260 : vector<16xi32>
        %and3A_262 = arith.andi %ge3A_258, %lt3A_261 : vector<16xi1>
        %convert_element_type3A_263 = arith.extui %and3A_262 : vector<16xi1> to vector<16xi32>
        %broadcast_in_dim3A_264 = arith.constant true
        %broadcast_in_dim3A_265 = vector.broadcast %broadcast_in_dim3A_264 : i1 to vector<16xi1>
        %masked_cumsum3A_266 = tpu.scan <sum>, %convert_element_type3A_263 masked %broadcast_in_dim3A_265 : vector<16xi32>, vector<16xi1> -> vector<16xi32>
        %mul3A_267 = arith.constant 8 : i32
        %mul3A_268 = arith.muli %add3A_171, %mul3A_267 : i32
        %add3A_269 = arith.constant 3 : i32
        %add3A_270 = arith.addi %mul3A_268, %add3A_269 : i32
        %mul3A_271 = arith.constant 16 : i32
        %mul3A_272 = arith.muli %add3A_270, %mul3A_271 : i32
        %add3A_273 = arith.constant 1664 : i32
        %add3A_274 = arith.addi %add3A_273, %mul3A_272 : i32
        %get3A_275 = arith.index_cast %select_n3A_59 : i32 to index
        %get3A_276 = arith.index_cast %add3A_274 : i32 to index
        %get3A_277 = tpu.vector_load %arg7[%get3A_275, %get3A_276] {strides = array<i32>} : memref<2x3328xi32, #tpu.memory_space<vmem>>, vector<16xi32>,
        %mul3A_278 = arith.constant 8 : i32
        %mul3A_279 = arith.muli %add3A_171, %mul3A_278 : i32
        %add3A_280 = arith.constant 3 : i32
        %add3A_281 = arith.addi %mul3A_279, %add3A_280 : i32
        %mul3A_282 = arith.constant 16 : i32
        %mul3A_283 = arith.muli %add3A_281, %mul3A_282 : i32
        %get3A_284 = arith.index_cast %select_n3A_59 : i32 to index
        %get3A_285 = arith.index_cast %mul3A_283 : i32 to index
        %get3A_286 = tpu.vector_load %arg7[%get3A_284, %get3A_285] {strides = array<i32>} : memref<2x3328xi32, #tpu.memory_space<vmem>>, vector<16xi32>,
        %sub3A_287 = vector.broadcast %mul3A_2 : i32 to vector<16xi32>
        %sub3A_288 = arith.subi %get3A_277, %sub3A_287 : vector<16xi32>
        %ge3A_289 = arith.constant 0 : i32
        %ge3A_290 = vector.broadcast %ge3A_289 : i32 to vector<16xi32>
        %ge3A_291 = arith.cmpi sge, %sub3A_288, %ge3A_290 : vector<16xi32>
        %lt3A_292 = arith.constant 320 : i32
        %lt3A_293 = vector.broadcast %lt3A_292 : i32 to vector<16xi32>
        %lt3A_294 = arith.cmpi slt, %sub3A_288, %lt3A_293 : vector<16xi32>
        %and3A_295 = arith.andi %ge3A_291, %lt3A_294 : vector<16xi1>
        %convert_element_type3A_296 = arith.extui %and3A_295 : vector<16xi1> to vector<16xi32>
        %broadcast_in_dim3A_297 = arith.constant true
        %broadcast_in_dim3A_298 = vector.broadcast %broadcast_in_dim3A_297 : i1 to vector<16xi1>
        %masked_cumsum3A_299 = tpu.scan <sum>, %convert_element_type3A_296 masked %broadcast_in_dim3A_298 : vector<16xi32>, vector<16xi1> -> vector<16xi32>
        %mul3A_300 = arith.constant 8 : i32
        %mul3A_301 = arith.muli %add3A_171, %mul3A_300 : i32
        %add3A_302 = arith.constant 4 : i32
        %add3A_303 = arith.addi %mul3A_301, %add3A_302 : i32
        %mul3A_304 = arith.constant 16 : i32
        %mul3A_305 = arith.muli %add3A_303, %mul3A_304 : i32
        %add3A_306 = arith.constant 1664 : i32
        %add3A_307 = arith.addi %add3A_306, %mul3A_305 : i32
        %get3A_308 = arith.index_cast %select_n3A_59 : i32 to index
        %get3A_309 = arith.index_cast %add3A_307 : i32 to index
        %get3A_310 = tpu.vector_load %arg7[%get3A_308, %get3A_309] {strides = array<i32>} : memref<2x3328xi32, #tpu.memory_space<vmem>>, vector<16xi32>,
        %mul3A_311 = arith.constant 8 : i32
        %mul3A_312 = arith.muli %add3A_171, %mul3A_311 : i32
        %add3A_313 = arith.constant 4 : i32
        %add3A_314 = arith.addi %mul3A_312, %add3A_313 : i32
        %mul3A_315 = arith.constant 16 : i32
        %mul3A_316 = arith.muli %add3A_314, %mul3A_315 : i32
        %get3A_317 = arith.index_cast %select_n3A_59 : i32 to index
        %get3A_318 = arith.index_cast %mul3A_316 : i32 to index
        %get3A_319 = tpu.vector_load %arg7[%get3A_317, %get3A_318] {strides = array<i32>} : memref<2x3328xi32, #tpu.memory_space<vmem>>, vector<16xi32>,
        %sub3A_320 = vector.broadcast %mul3A_2 : i32 to vector<16xi32>
        %sub3A_321 = arith.subi %get3A_310, %sub3A_320 : vector<16xi32>
        %ge3A_322 = arith.constant 0 : i32
        %ge3A_323 = vector.broadcast %ge3A_322 : i32 to vector<16xi32>
        %ge3A_324 = arith.cmpi sge, %sub3A_321, %ge3A_323 : vector<16xi32>
        %lt3A_325 = arith.constant 320 : i32
        %lt3A_326 = vector.broadcast %lt3A_325 : i32 to vector<16xi32>
        %lt3A_327 = arith.cmpi slt, %sub3A_321, %lt3A_326 : vector<16xi32>
        %and3A_328 = arith.andi %ge3A_324, %lt3A_327 : vector<16xi1>
        %convert_element_type3A_329 = arith.extui %and3A_328 : vector<16xi1> to vector<16xi32>
        %broadcast_in_dim3A_330 = arith.constant true
        %broadcast_in_dim3A_331 = vector.broadcast %broadcast_in_dim3A_330 : i1 to vector<16xi1>
        %masked_cumsum3A_332 = tpu.scan <sum>, %convert_element_type3A_329 masked %broadcast_in_dim3A_331 : vector<16xi32>, vector<16xi1> -> vector<16xi32>
        %mul3A_333 = arith.constant 8 : i32
        %mul3A_334 = arith.muli %add3A_171, %mul3A_333 : i32
        %add3A_335 = arith.constant 5 : i32
        %add3A_336 = arith.addi %mul3A_334, %add3A_335 : i32
        %mul3A_337 = arith.constant 16 : i32
        %mul3A_338 = arith.muli %add3A_336, %mul3A_337 : i32
        %add3A_339 = arith.constant 1664 : i32
        %add3A_340 = arith.addi %add3A_339, %mul3A_338 : i32
        %get3A_341 = arith.index_cast %select_n3A_59 : i32 to index
        %get3A_342 = arith.index_cast %add3A_340 : i32 to index
        %get3A_343 = tpu.vector_load %arg7[%get3A_341, %get3A_342] {strides = array<i32>} : memref<2x3328xi32, #tpu.memory_space<vmem>>, vector<16xi32>,
        %mul3A_344 = arith.constant 8 : i32
        %mul3A_345 = arith.muli %add3A_171, %mul3A_344 : i32
        %add3A_346 = arith.constant 5 : i32
        %add3A_347 = arith.addi %mul3A_345, %add3A_346 : i32
        %mul3A_348 = arith.constant 16 : i32
        %mul3A_349 = arith.muli %add3A_347, %mul3A_348 : i32
        %get3A_350 = arith.index_cast %select_n3A_59 : i32 to index
        %get3A_351 = arith.index_cast %mul3A_349 : i32 to index
        %get3A_352 = tpu.vector_load %arg7[%get3A_350, %get3A_351] {strides = array<i32>} : memref<2x3328xi32, #tpu.memory_space<vmem>>, vector<16xi32>,
        %sub3A_353 = vector.broadcast %mul3A_2 : i32 to vector<16xi32>
        %sub3A_354 = arith.subi %get3A_343, %sub3A_353 : vector<16xi32>
        %ge3A_355 = arith.constant 0 : i32
        %ge3A_356 = vector.broadcast %ge3A_355 : i32 to vector<16xi32>
        %ge3A_357 = arith.cmpi sge, %sub3A_354, %ge3A_356 : vector<16xi32>
        %lt3A_358 = arith.constant 320 : i32
        %lt3A_359 = vector.broadcast %lt3A_358 : i32 to vector<16xi32>
        %lt3A_360 = arith.cmpi slt, %sub3A_354, %lt3A_359 : vector<16xi32>
        %and3A_361 = arith.andi %ge3A_357, %lt3A_360 : vector<16xi1>
        %convert_element_type3A_362 = arith.extui %and3A_361 : vector<16xi1> to vector<16xi32>
        %broadcast_in_dim3A_363 = arith.constant true
        %broadcast_in_dim3A_364 = vector.broadcast %broadcast_in_dim3A_363 : i1 to vector<16xi1>
        %masked_cumsum3A_365 = tpu.scan <sum>, %convert_element_type3A_362 masked %broadcast_in_dim3A_364 : vector<16xi32>, vector<16xi1> -> vector<16xi32>
        %mul3A_366 = arith.constant 8 : i32
        %mul3A_367 = arith.muli %add3A_171, %mul3A_366 : i32
        %add3A_368 = arith.constant 6 : i32
        %add3A_369 = arith.addi %mul3A_367, %add3A_368 : i32
        %mul3A_370 = arith.constant 16 : i32
        %mul3A_371 = arith.muli %add3A_369, %mul3A_370 : i32
        %add3A_372 = arith.constant 1664 : i32
        %add3A_373 = arith.addi %add3A_372, %mul3A_371 : i32
        %get3A_374 = arith.index_cast %select_n3A_59 : i32 to index
        %get3A_375 = arith.index_cast %add3A_373 : i32 to index
        %get3A_376 = tpu.vector_load %arg7[%get3A_374, %get3A_375] {strides = array<i32>} : memref<2x3328xi32, #tpu.memory_space<vmem>>, vector<16xi32>,
        %mul3A_377 = arith.constant 8 : i32
        %mul3A_378 = arith.muli %add3A_171, %mul3A_377 : i32
        %add3A_379 = arith.constant 6 : i32
        %add3A_380 = arith.addi %mul3A_378, %add3A_379 : i32
        %mul3A_381 = arith.constant 16 : i32
        %mul3A_382 = arith.muli %add3A_380, %mul3A_381 : i32
        %get3A_383 = arith.index_cast %select_n3A_59 : i32 to index
        %get3A_384 = arith.index_cast %mul3A_382 : i32 to index
        %get3A_385 = tpu.vector_load %arg7[%get3A_383, %get3A_384] {strides = array<i32>} : memref<2x3328xi32, #tpu.memory_space<vmem>>, vector<16xi32>,
        %sub3A_386 = vector.broadcast %mul3A_2 : i32 to vector<16xi32>
        %sub3A_387 = arith.subi %get3A_376, %sub3A_386 : vector<16xi32>
        %ge3A_388 = arith.constant 0 : i32
        %ge3A_389 = vector.broadcast %ge3A_388 : i32 to vector<16xi32>
        %ge3A_390 = arith.cmpi sge, %sub3A_387, %ge3A_389 : vector<16xi32>
        %lt3A_391 = arith.constant 320 : i32
        %lt3A_392 = vector.broadcast %lt3A_391 : i32 to vector<16xi32>
        %lt3A_393 = arith.cmpi slt, %sub3A_387, %lt3A_392 : vector<16xi32>
        %and3A_394 = arith.andi %ge3A_390, %lt3A_393 : vector<16xi1>
        %convert_element_type3A_395 = arith.extui %and3A_394 : vector<16xi1> to vector<16xi32>
        %broadcast_in_dim3A_396 = arith.constant true
        %broadcast_in_dim3A_397 = vector.broadcast %broadcast_in_dim3A_396 : i1 to vector<16xi1>
        %masked_cumsum3A_398 = tpu.scan <sum>, %convert_element_type3A_395 masked %broadcast_in_dim3A_397 : vector<16xi32>, vector<16xi1> -> vector<16xi32>
        %mul3A_399 = arith.constant 8 : i32
        %mul3A_400 = arith.muli %add3A_171, %mul3A_399 : i32
        %add3A_401 = arith.constant 7 : i32
        %add3A_402 = arith.addi %mul3A_400, %add3A_401 : i32
        %mul3A_403 = arith.constant 16 : i32
        %mul3A_404 = arith.muli %add3A_402, %mul3A_403 : i32
        %add3A_405 = arith.constant 1664 : i32
        %add3A_406 = arith.addi %add3A_405, %mul3A_404 : i32
        %get3A_407 = arith.index_cast %select_n3A_59 : i32 to index
        %get3A_408 = arith.index_cast %add3A_406 : i32 to index
        %get3A_409 = tpu.vector_load %arg7[%get3A_407, %get3A_408] {strides = array<i32>} : memref<2x3328xi32, #tpu.memory_space<vmem>>, vector<16xi32>,
        %mul3A_410 = arith.constant 8 : i32
        %mul3A_411 = arith.muli %add3A_171, %mul3A_410 : i32
        %add3A_412 = arith.constant 7 : i32
        %add3A_413 = arith.addi %mul3A_411, %add3A_412 : i32
        %mul3A_414 = arith.constant 16 : i32
        %mul3A_415 = arith.muli %add3A_413, %mul3A_414 : i32
        %get3A_416 = arith.index_cast %select_n3A_59 : i32 to index
        %get3A_417 = arith.index_cast %mul3A_415 : i32 to index
        %get3A_418 = tpu.vector_load %arg7[%get3A_416, %get3A_417] {strides = array<i32>} : memref<2x3328xi32, #tpu.memory_space<vmem>>, vector<16xi32>,
        %sub3A_419 = vector.broadcast %mul3A_2 : i32 to vector<16xi32>
        %sub3A_420 = arith.subi %get3A_409, %sub3A_419 : vector<16xi32>
        %ge3A_421 = arith.constant 0 : i32
        %ge3A_422 = vector.broadcast %ge3A_421 : i32 to vector<16xi32>
        %ge3A_423 = arith.cmpi sge, %sub3A_420, %ge3A_422 : vector<16xi32>
        %lt3A_424 = arith.constant 320 : i32
        %lt3A_425 = vector.broadcast %lt3A_424 : i32 to vector<16xi32>
        %lt3A_426 = arith.cmpi slt, %sub3A_420, %lt3A_425 : vector<16xi32>
        %and3A_427 = arith.andi %ge3A_423, %lt3A_426 : vector<16xi1>
        %convert_element_type3A_428 = arith.extui %and3A_427 : vector<16xi1> to vector<16xi32>
        %broadcast_in_dim3A_429 = arith.constant true
        %broadcast_in_dim3A_430 = vector.broadcast %broadcast_in_dim3A_429 : i1 to vector<16xi1>
        %masked_cumsum3A_431 = tpu.scan <sum>, %convert_element_type3A_428 masked %broadcast_in_dim3A_430 : vector<16xi32>, vector<16xi1> -> vector<16xi32>
        %sub3A_432 = arith.constant 1 : i32
        %sub3A_433 = arith.subi %scan3A_167, %sub3A_432 : i32
        %add3A_434 = vector.broadcast %sub3A_433 : i32 to vector<16xi32>
        %add3A_435 = arith.addi %masked_cumsum3A, %add3A_434 : vector<16xi32>
        %and3A_436 = arith.constant 2047 : i32
        %and3A_437 = vector.broadcast %and3A_436 : i32 to vector<16xi32>
        %and3A_438 = arith.andi %add3A_435, %and3A_437 : vector<16xi32>
        tpu.vector_store_idx %arg8[%and3A_438], %get3A_190 masked %and3A_198 : memref<2064xi32, #tpu.memory_space<vmem>>[vector<16xi32>], vector<16xi32>, vector<16xi1>
        tpu.vector_store_idx %arg9[%and3A_438], %sub3A_192 masked %and3A_198 : memref<2064xi32, #tpu.memory_space<vmem>>[vector<16xi32>], vector<16xi32>, vector<16xi1>
        %slice3A = vector.extract_strided_slice %masked_cumsum3A {offsets = [15], sizes = [1], strides = [1]} : vector<16xi32> to vector<1xi32>
        %squeeze3A = vector.extract %slice3A[0] : i32 from vector<1xi32>
        %add3A_439 = arith.addi %scan3A_167, %squeeze3A : i32
        %sub3A_440 = arith.constant 1 : i32
        %sub3A_441 = arith.subi %add3A_439, %sub3A_440 : i32
        %add3A_442 = vector.broadcast %sub3A_441 : i32 to vector<16xi32>
        %add3A_443 = arith.addi %masked_cumsum3A_233, %add3A_442 : vector<16xi32>
        %and3A_444 = arith.constant 2047 : i32
        %and3A_445 = vector.broadcast %and3A_444 : i32 to vector<16xi32>
        %and3A_446 = arith.andi %add3A_443, %and3A_445 : vector<16xi32>
        tpu.vector_store_idx %arg8[%and3A_446], %get3A_220 masked %and3A_229 : memref<2064xi32, #tpu.memory_space<vmem>>[vector<16xi32>], vector<16xi32>, vector<16xi1>
        tpu.vector_store_idx %arg9[%and3A_446], %sub3A_222 masked %and3A_229 : memref<2064xi32, #tpu.memory_space<vmem>>[vector<16xi32>], vector<16xi32>, vector<16xi1>
        %slice3A_447 = vector.extract_strided_slice %masked_cumsum3A_233 {offsets = [15], sizes = [1], strides = [1]} : vector<16xi32> to vector<1xi32>
        %squeeze3A_448 = vector.extract %slice3A_447[0] : i32 from vector<1xi32>
        %add3A_449 = arith.addi %add3A_439, %squeeze3A_448 : i32
        %sub3A_450 = arith.constant 1 : i32
        %sub3A_451 = arith.subi %add3A_449, %sub3A_450 : i32
        %add3A_452 = vector.broadcast %sub3A_451 : i32 to vector<16xi32>
        %add3A_453 = arith.addi %masked_cumsum3A_266, %add3A_452 : vector<16xi32>
        %and3A_454 = arith.constant 2047 : i32
        %and3A_455 = vector.broadcast %and3A_454 : i32 to vector<16xi32>
        %and3A_456 = arith.andi %add3A_453, %and3A_455 : vector<16xi32>
        tpu.vector_store_idx %arg8[%and3A_456], %get3A_253 masked %and3A_262 : memref<2064xi32, #tpu.memory_space<vmem>>[vector<16xi32>], vector<16xi32>, vector<16xi1>
        tpu.vector_store_idx %arg9[%and3A_456], %sub3A_255 masked %and3A_262 : memref<2064xi32, #tpu.memory_space<vmem>>[vector<16xi32>], vector<16xi32>, vector<16xi1>
        %slice3A_457 = vector.extract_strided_slice %masked_cumsum3A_266 {offsets = [15], sizes = [1], strides = [1]} : vector<16xi32> to vector<1xi32>
        %squeeze3A_458 = vector.extract %slice3A_457[0] : i32 from vector<1xi32>
        %add3A_459 = arith.addi %add3A_449, %squeeze3A_458 : i32
        %sub3A_460 = arith.constant 1 : i32
        %sub3A_461 = arith.subi %add3A_459, %sub3A_460 : i32
        %add3A_462 = vector.broadcast %sub3A_461 : i32 to vector<16xi32>
        %add3A_463 = arith.addi %masked_cumsum3A_299, %add3A_462 : vector<16xi32>
        %and3A_464 = arith.constant 2047 : i32
        %and3A_465 = vector.broadcast %and3A_464 : i32 to vector<16xi32>
        %and3A_466 = arith.andi %add3A_463, %and3A_465 : vector<16xi32>
        tpu.vector_store_idx %arg8[%and3A_466], %get3A_286 masked %and3A_295 : memref<2064xi32, #tpu.memory_space<vmem>>[vector<16xi32>], vector<16xi32>, vector<16xi1>
        tpu.vector_store_idx %arg9[%and3A_466], %sub3A_288 masked %and3A_295 : memref<2064xi32, #tpu.memory_space<vmem>>[vector<16xi32>], vector<16xi32>, vector<16xi1>
        %slice3A_467 = vector.extract_strided_slice %masked_cumsum3A_299 {offsets = [15], sizes = [1], strides = [1]} : vector<16xi32> to vector<1xi32>
        %squeeze3A_468 = vector.extract %slice3A_467[0] : i32 from vector<1xi32>
        %add3A_469 = arith.addi %add3A_459, %squeeze3A_468 : i32
        %sub3A_470 = arith.constant 1 : i32
        %sub3A_471 = arith.subi %add3A_469, %sub3A_470 : i32
        %add3A_472 = vector.broadcast %sub3A_471 : i32 to vector<16xi32>
        %add3A_473 = arith.addi %masked_cumsum3A_332, %add3A_472 : vector<16xi32>
        %and3A_474 = arith.constant 2047 : i32
        %and3A_475 = vector.broadcast %and3A_474 : i32 to vector<16xi32>
        %and3A_476 = arith.andi %add3A_473, %and3A_475 : vector<16xi32>
        tpu.vector_store_idx %arg8[%and3A_476], %get3A_319 masked %and3A_328 : memref<2064xi32, #tpu.memory_space<vmem>>[vector<16xi32>], vector<16xi32>, vector<16xi1>
        tpu.vector_store_idx %arg9[%and3A_476], %sub3A_321 masked %and3A_328 : memref<2064xi32, #tpu.memory_space<vmem>>[vector<16xi32>], vector<16xi32>, vector<16xi1>
        %slice3A_477 = vector.extract_strided_slice %masked_cumsum3A_332 {offsets = [15], sizes = [1], strides = [1]} : vector<16xi32> to vector<1xi32>
        %squeeze3A_478 = vector.extract %slice3A_477[0] : i32 from vector<1xi32>
        %add3A_479 = arith.addi %add3A_469, %squeeze3A_478 : i32
        %sub3A_480 = arith.constant 1 : i32
        %sub3A_481 = arith.subi %add3A_479, %sub3A_480 : i32
        %add3A_482 = vector.broadcast %sub3A_481 : i32 to vector<16xi32>
        %add3A_483 = arith.addi %masked_cumsum3A_365, %add3A_482 : vector<16xi32>
        %and3A_484 = arith.constant 2047 : i32
        %and3A_485 = vector.broadcast %and3A_484 : i32 to vector<16xi32>
        %and3A_486 = arith.andi %add3A_483, %and3A_485 : vector<16xi32>
        tpu.vector_store_idx %arg8[%and3A_486], %get3A_352 masked %and3A_361 : memref<2064xi32, #tpu.memory_space<vmem>>[vector<16xi32>], vector<16xi32>, vector<16xi1>
        tpu.vector_store_idx %arg9[%and3A_486], %sub3A_354 masked %and3A_361 : memref<2064xi32, #tpu.memory_space<vmem>>[vector<16xi32>], vector<16xi32>, vector<16xi1>
        %slice3A_487 = vector.extract_strided_slice %masked_cumsum3A_365 {offsets = [15], sizes = [1], strides = [1]} : vector<16xi32> to vector<1xi32>
        %squeeze3A_488 = vector.extract %slice3A_487[0] : i32 from vector<1xi32>
        %add3A_489 = arith.addi %add3A_479, %squeeze3A_488 : i32
        %sub3A_490 = arith.constant 1 : i32
        %sub3A_491 = arith.subi %add3A_489, %sub3A_490 : i32
        %add3A_492 = vector.broadcast %sub3A_491 : i32 to vector<16xi32>
        %add3A_493 = arith.addi %masked_cumsum3A_398, %add3A_492 : vector<16xi32>
        %and3A_494 = arith.constant 2047 : i32
        %and3A_495 = vector.broadcast %and3A_494 : i32 to vector<16xi32>
        %and3A_496 = arith.andi %add3A_493, %and3A_495 : vector<16xi32>
        tpu.vector_store_idx %arg8[%and3A_496], %get3A_385 masked %and3A_394 : memref<2064xi32, #tpu.memory_space<vmem>>[vector<16xi32>], vector<16xi32>, vector<16xi1>
        tpu.vector_store_idx %arg9[%and3A_496], %sub3A_387 masked %and3A_394 : memref<2064xi32, #tpu.memory_space<vmem>>[vector<16xi32>], vector<16xi32>, vector<16xi1>
        %slice3A_497 = vector.extract_strided_slice %masked_cumsum3A_398 {offsets = [15], sizes = [1], strides = [1]} : vector<16xi32> to vector<1xi32>
        %squeeze3A_498 = vector.extract %slice3A_497[0] : i32 from vector<1xi32>
        %add3A_499 = arith.addi %add3A_489, %squeeze3A_498 : i32
        %sub3A_500 = arith.constant 1 : i32
        %sub3A_501 = arith.subi %add3A_499, %sub3A_500 : i32
        %add3A_502 = vector.broadcast %sub3A_501 : i32 to vector<16xi32>
        %add3A_503 = arith.addi %masked_cumsum3A_431, %add3A_502 : vector<16xi32>
        %and3A_504 = arith.constant 2047 : i32
        %and3A_505 = vector.broadcast %and3A_504 : i32 to vector<16xi32>
        %and3A_506 = arith.andi %add3A_503, %and3A_505 : vector<16xi32>
        tpu.vector_store_idx %arg8[%and3A_506], %get3A_418 masked %and3A_427 : memref<2064xi32, #tpu.memory_space<vmem>>[vector<16xi32>], vector<16xi32>, vector<16xi1>
        tpu.vector_store_idx %arg9[%and3A_506], %sub3A_420 masked %and3A_427 : memref<2064xi32, #tpu.memory_space<vmem>>[vector<16xi32>], vector<16xi32>, vector<16xi1>
        %slice3A_507 = vector.extract_strided_slice %masked_cumsum3A_431 {offsets = [15], sizes = [1], strides = [1]} : vector<16xi32> to vector<1xi32>
        %squeeze3A_508 = vector.extract %slice3A_507[0] : i32 from vector<1xi32>
        %add3A_509 = arith.addi %add3A_499, %squeeze3A_508 : i32
        scf.yield %add3A_509 : i32
      }
      %scan3A_81 = arith.constant 13 : i32
      %sub3A_82 = arith.subi %scan3A_45, %scan3A_46 : i32
      %sub3A_83 = arith.constant 1 : i32
      %sub3A_84 = arith.constant 1 : i32
      %sub3A_85 = arith.subi %sub3A_83, %sub3A_84 : i32
      %add3A_86 = arith.addi %sub3A_82, %sub3A_85 : i32
      %div3A_87 = arith.constant 1 : i32
      %div3A_88 = arith.divsi %add3A_86, %div3A_87 : i32
      %while3A_89 = arith.constant 1 : i32
      %while3A_90 = arith.constant 0 : i32
      %while3A_91 = arith.subi %div3A_88, %while3A_90 : i32
      %while3A_92 = arith.addi %while3A_90, %while3A_91 : i32
      %while3A_93 = arith.constant 1 : i32
      %while3A_94 = arith.divsi %while3A_91, %while3A_93 : i32
      %while3A_95 = arith.muli %while3A_94, %while3A_93 : i32
      %while3A_96 = arith.addi %while3A_90, %while3A_95 : i32
      %while3A_97 = arith.constant 1 : i32
      scf.for %while3A_166 = %while3A_90 to %while3A_96 step %while3A_97  : i32 {
        %mul3A_167 = arith.muli %while3A_166, %while3A_89 : i32
        %add3A_168 = arith.addi %scan3A_46, %mul3A_167 : i32
        %jit3A_169 = arith.constant 2 : i32
        %eq3A_170 = arith.constant 0 : i32
        %eq3A_171 = arith.cmpi eq, %jit3A_169, %eq3A_170 : i32
        %jit3A_172 = arith.constant 1 : i32
        %select_n3A_173 = arith.select %eq3A_171, %jit3A_172, %jit3A_169 : i32
        %rem3A_174 = arith.remsi %add3A_168, %select_n3A_173 : i32
        %ne3A_175 = arith.constant 0 : i32
        %ne3A_176 = arith.cmpi ne, %rem3A_174, %ne3A_175 : i32
        %lt3A_177 = arith.constant 0 : i32
        %lt3A_178 = arith.cmpi slt, %rem3A_174, %lt3A_177 : i32
        %lt3A_179 = arith.constant 0 : i32
        %lt3A_180 = arith.cmpi slt, %select_n3A_173, %lt3A_179 : i32
        %ne3A_181 = arith.xori %lt3A_178, %lt3A_180 : i1
        %and3A_182 = arith.andi %ne3A_181, %ne3A_176 : i1
        %add3A_183 = arith.addi %rem3A_174, %select_n3A_173 : i32
        %select_n3A_184 = arith.select %and3A_182, %add3A_183, %rem3A_174 : i32
        %dma_wait3A_185 = arith.constant 0 : i32
        %dma_wait3A_186 = arith.constant 0 : i32
        %dma_wait3A_187 = tpu.memref_slice %arg6[%select_n3A_184, %dma_wait3A_185, %dma_wait3A_186] : memref<2x64x256xf32, #tpu.memory_space<vmem>> -> memref<1x64x256xf32, #tpu.memory_space<vmem>>
        %dma_wait3A_188 = tpu.memref_squeeze %dma_wait3A_187 : memref<1x64x256xf32, #tpu.memory_space<vmem>> -> memref<64x256xf32, #tpu.memory_space<vmem>>
        %dma_wait3A_189 = arith.constant 0 : i32
        %dma_wait3A_190 = arith.constant 0 : i32
        %dma_wait3A_191 = tpu.memref_slice %arg2[%dma_wait3A_189, %dma_wait3A_190] : memref<10000x256xf32, #tpu.memory_space<hbm>> -> memref<64x256xf32, #tpu.memory_space<hbm>>
        %dma_wait3A_192 = arith.constant 0 : i32
        %dma_wait3A_193 = arith.constant 0 : i32
        %dma_wait3A_194 = tpu.memref_slice %arg6[%select_n3A_184, %dma_wait3A_192, %dma_wait3A_193] : memref<2x64x256xf32, #tpu.memory_space<vmem>> -> memref<1x64x256xf32, #tpu.memory_space<vmem>>
        %dma_wait3A_195 = tpu.memref_squeeze %dma_wait3A_194 : memref<1x64x256xf32, #tpu.memory_space<vmem>> -> memref<64x256xf32, #tpu.memory_space<vmem>>
        %dma_wait3A_196 = arith.constant 0 : i32
        %dma_wait3A_197 = arith.constant 0 : i32
        %dma_wait3A_198 = tpu.memref_slice %arg2[%dma_wait3A_196, %dma_wait3A_197] : memref<10000x256xf32, #tpu.memory_space<hbm>> -> memref<64x256xf32, #tpu.memory_space<hbm>>
        tpu.wait_dma2 semaphore(%arg11 : memref<!tpu.dma_semaphore, #tpu.memory_space<semaphore_mem>>) src(%dma_wait3A_198 : memref<64x256xf32, #tpu.memory_space<hbm>>) dst(%dma_wait3A_195 : memref<64x256xf32, #tpu.memory_space<vmem>>)
        %mul3A_199 = arith.constant 64 : i32
        %mul3A_200 = arith.muli %add3A_168, %mul3A_199 : i32
        %and3A_201 = arith.constant 2047 : i32
        %and3A_202 = arith.andi %mul3A_200, %and3A_201 : i32
        %jit3A_203 = arith.constant 2 : i32
        %eq3A_204 = arith.constant 0 : i32
        %eq3A_205 = arith.cmpi eq, %jit3A_203, %eq3A_204 : i32
        %jit3A_206 = arith.constant 1 : i32
        %select_n3A_207 = arith.select %eq3A_205, %jit3A_206, %jit3A_203 : i32
        %rem3A_208 = arith.remsi %add3A_168, %select_n3A_207 : i32
        %ne3A_209 = arith.constant 0 : i32
        %ne3A_210 = arith.cmpi ne, %rem3A_208, %ne3A_209 : i32
        %lt3A_211 = arith.constant 0 : i32
        %lt3A_212 = arith.cmpi slt, %rem3A_208, %lt3A_211 : i32
        %lt3A_213 = arith.constant 0 : i32
        %lt3A_214 = arith.cmpi slt, %select_n3A_207, %lt3A_213 : i32
        %ne3A_215 = arith.xori %lt3A_212, %lt3A_214 : i1
        %and3A_216 = arith.andi %ne3A_215, %ne3A_210 : i1
        %add3A_217 = arith.addi %rem3A_208, %select_n3A_207 : i32
        %select_n3A_218 = arith.select %and3A_216, %add3A_217, %rem3A_208 : i32
        %scan3A_219 = arith.constant 0 : i32
        %scan3A_220 = arith.constant 32 : i32
        %scan3A_221 = arith.addi %scan3A_219, %scan3A_220 : i32
        %scan3A_222 = arith.constant 1 : i32
        scf.for %scan3A_224 = %scan3A_219 to %scan3A_221 step %scan3A_222  : i32 {
          %mul3A_225 = arith.constant 2 : i32
          %mul3A_226 = arith.muli %scan3A_224, %mul3A_225 : i32
          %add3A_227 = arith.constant 0 : i32
          %add3A_228 = arith.addi %add3A_227, %mul3A_226 : i32
          %add3A_229 = arith.addi %and3A_202, %add3A_228 : i32
          %get3A = arith.index_cast %add3A_229 : i32 to index
          %get3A_230 = tpu.vector_load %arg9[%get3A] {strides = array<i32>} : memref<2064xi32, #tpu.memory_space<vmem>>, vector<16xi32>,
          %slice3A = vector.extract_strided_slice %get3A_230 {offsets = [0], sizes = [1], strides = [1]} : vector<16xi32> to vector<1xi32>
          %squeeze3A = vector.extract %slice3A[0] : i32 from vector<1xi32>
          %slice3A_231 = vector.extract_strided_slice %get3A_230 {offsets = [1], sizes = [1], strides = [1]} : vector<16xi32> to vector<1xi32>
          %squeeze3A_232 = vector.extract %slice3A_231[0] : i32 from vector<1xi32>
          %get3A_233 = arith.index_cast %select_n3A_218 : i32 to index
          %get3A_234 = arith.index_cast %add3A_228 : i32 to index
          %get3A_235 = arith.constant 0 : index
          %get3A_236 = tpu.vector_load %arg6[%get3A_233, %get3A_234, %get3A_235] {strides = array<i32>} : memref<2x64x256xf32, #tpu.memory_space<vmem>>, vector<16xf32>,
          %get3A_237 = arith.index_cast %select_n3A_218 : i32 to index
          %get3A_238 = arith.index_cast %add3A_228 : i32 to index
          %get3A_239 = arith.constant 16 : index
          %get3A_240 = tpu.vector_load %arg6[%get3A_237, %get3A_238, %get3A_239] {strides = array<i32>} : memref<2x64x256xf32, #tpu.memory_space<vmem>>, vector<16xf32>,
          %get3A_241 = arith.index_cast %select_n3A_218 : i32 to index
          %get3A_242 = arith.index_cast %add3A_228 : i32 to index
          %get3A_243 = arith.constant 32 : index
          %get3A_244 = tpu.vector_load %arg6[%get3A_241, %get3A_242, %get3A_243] {strides = array<i32>} : memref<2x64x256xf32, #tpu.memory_space<vmem>>, vector<16xf32>,
          %get3A_245 = arith.index_cast %select_n3A_218 : i32 to index
          %get3A_246 = arith.index_cast %add3A_228 : i32 to index
          %get3A_247 = arith.constant 48 : index
          %get3A_248 = tpu.vector_load %arg6[%get3A_245, %get3A_246, %get3A_247] {strides = array<i32>} : memref<2x64x256xf32, #tpu.memory_space<vmem>>, vector<16xf32>,
          %get3A_249 = arith.index_cast %select_n3A_218 : i32 to index
          %get3A_250 = arith.index_cast %add3A_228 : i32 to index
          %get3A_251 = arith.constant 64 : index
          %get3A_252 = tpu.vector_load %arg6[%get3A_249, %get3A_250, %get3A_251] {strides = array<i32>} : memref<2x64x256xf32, #tpu.memory_space<vmem>>, vector<16xf32>,
          %get3A_253 = arith.index_cast %select_n3A_218 : i32 to index
          %get3A_254 = arith.index_cast %add3A_228 : i32 to index
          %get3A_255 = arith.constant 80 : index
          %get3A_256 = tpu.vector_load %arg6[%get3A_253, %get3A_254, %get3A_255] {strides = array<i32>} : memref<2x64x256xf32, #tpu.memory_space<vmem>>, vector<16xf32>,
          %get3A_257 = arith.index_cast %select_n3A_218 : i32 to index
          %get3A_258 = arith.index_cast %add3A_228 : i32 to index
          %get3A_259 = arith.constant 96 : index
          %get3A_260 = tpu.vector_load %arg6[%get3A_257, %get3A_258, %get3A_259] {strides = array<i32>} : memref<2x64x256xf32, #tpu.memory_space<vmem>>, vector<16xf32>,
          %get3A_261 = arith.index_cast %select_n3A_218 : i32 to index
          %get3A_262 = arith.index_cast %add3A_228 : i32 to index
          %get3A_263 = arith.constant 112 : index
          %get3A_264 = tpu.vector_load %arg6[%get3A_261, %get3A_262, %get3A_263] {strides = array<i32>} : memref<2x64x256xf32, #tpu.memory_space<vmem>>, vector<16xf32>,
          %get3A_265 = arith.index_cast %select_n3A_218 : i32 to index
          %get3A_266 = arith.index_cast %add3A_228 : i32 to index
          %get3A_267 = arith.constant 128 : index
          %get3A_268 = tpu.vector_load %arg6[%get3A_265, %get3A_266, %get3A_267] {strides = array<i32>} : memref<2x64x256xf32, #tpu.memory_space<vmem>>, vector<16xf32>,
          %get3A_269 = arith.index_cast %select_n3A_218 : i32 to index
          %get3A_270 = arith.index_cast %add3A_228 : i32 to index
          %get3A_271 = arith.constant 144 : index
          %get3A_272 = tpu.vector_load %arg6[%get3A_269, %get3A_270, %get3A_271] {strides = array<i32>} : memref<2x64x256xf32, #tpu.memory_space<vmem>>, vector<16xf32>,
          %get3A_273 = arith.index_cast %select_n3A_218 : i32 to index
          %get3A_274 = arith.index_cast %add3A_228 : i32 to index
          %get3A_275 = arith.constant 160 : index
          %get3A_276 = tpu.vector_load %arg6[%get3A_273, %get3A_274, %get3A_275] {strides = array<i32>} : memref<2x64x256xf32, #tpu.memory_space<vmem>>, vector<16xf32>,
          %get3A_277 = arith.index_cast %select_n3A_218 : i32 to index
          %get3A_278 = arith.index_cast %add3A_228 : i32 to index
          %get3A_279 = arith.constant 176 : index
          %get3A_280 = tpu.vector_load %arg6[%get3A_277, %get3A_278, %get3A_279] {strides = array<i32>} : memref<2x64x256xf32, #tpu.memory_space<vmem>>, vector<16xf32>,
          %get3A_281 = arith.index_cast %select_n3A_218 : i32 to index
          %get3A_282 = arith.index_cast %add3A_228 : i32 to index
          %get3A_283 = arith.constant 192 : index
          %get3A_284 = tpu.vector_load %arg6[%get3A_281, %get3A_282, %get3A_283] {strides = array<i32>} : memref<2x64x256xf32, #tpu.memory_space<vmem>>, vector<16xf32>,
          %get3A_285 = arith.index_cast %select_n3A_218 : i32 to index
          %get3A_286 = arith.index_cast %add3A_228 : i32 to index
          %get3A_287 = arith.constant 208 : index
          %get3A_288 = tpu.vector_load %arg6[%get3A_285, %get3A_286, %get3A_287] {strides = array<i32>} : memref<2x64x256xf32, #tpu.memory_space<vmem>>, vector<16xf32>,
          %get3A_289 = arith.index_cast %select_n3A_218 : i32 to index
          %get3A_290 = arith.index_cast %add3A_228 : i32 to index
          %get3A_291 = arith.constant 224 : index
          %get3A_292 = tpu.vector_load %arg6[%get3A_289, %get3A_290, %get3A_291] {strides = array<i32>} : memref<2x64x256xf32, #tpu.memory_space<vmem>>, vector<16xf32>,
          %get3A_293 = arith.index_cast %select_n3A_218 : i32 to index
          %get3A_294 = arith.index_cast %add3A_228 : i32 to index
          %get3A_295 = arith.constant 240 : index
          %get3A_296 = tpu.vector_load %arg6[%get3A_293, %get3A_294, %get3A_295] {strides = array<i32>} : memref<2x64x256xf32, #tpu.memory_space<vmem>>, vector<16xf32>,
          %add3A_297 = arith.constant 1 : i32
          %add3A_298 = arith.addi %add3A_228, %add3A_297 : i32
          %get3A_299 = arith.index_cast %select_n3A_218 : i32 to index
          %get3A_300 = arith.index_cast %add3A_298 : i32 to index
          %get3A_301 = arith.constant 0 : index
          %get3A_302 = tpu.vector_load %arg6[%get3A_299, %get3A_300, %get3A_301] {strides = array<i32>} : memref<2x64x256xf32, #tpu.memory_space<vmem>>, vector<16xf32>,
          %add3A_303 = arith.constant 1 : i32
          %add3A_304 = arith.addi %add3A_228, %add3A_303 : i32
          %get3A_305 = arith.index_cast %select_n3A_218 : i32 to index
          %get3A_306 = arith.index_cast %add3A_304 : i32 to index
          %get3A_307 = arith.constant 16 : index
          %get3A_308 = tpu.vector_load %arg6[%get3A_305, %get3A_306, %get3A_307] {strides = array<i32>} : memref<2x64x256xf32, #tpu.memory_space<vmem>>, vector<16xf32>,
          %add3A_309 = arith.constant 1 : i32
          %add3A_310 = arith.addi %add3A_228, %add3A_309 : i32
          %get3A_311 = arith.index_cast %select_n3A_218 : i32 to index
          %get3A_312 = arith.index_cast %add3A_310 : i32 to index
          %get3A_313 = arith.constant 32 : index
          %get3A_314 = tpu.vector_load %arg6[%get3A_311, %get3A_312, %get3A_313] {strides = array<i32>} : memref<2x64x256xf32, #tpu.memory_space<vmem>>, vector<16xf32>,
          %add3A_315 = arith.constant 1 : i32
          %add3A_316 = arith.addi %add3A_228, %add3A_315 : i32
          %get3A_317 = arith.index_cast %select_n3A_218 : i32 to index
          %get3A_318 = arith.index_cast %add3A_316 : i32 to index
          %get3A_319 = arith.constant 48 : index
          %get3A_320 = tpu.vector_load %arg6[%get3A_317, %get3A_318, %get3A_319] {strides = array<i32>} : memref<2x64x256xf32, #tpu.memory_space<vmem>>, vector<16xf32>,
          %add3A_321 = arith.constant 1 : i32
          %add3A_322 = arith.addi %add3A_228, %add3A_321 : i32
          %get3A_323 = arith.index_cast %select_n3A_218 : i32 to index
          %get3A_324 = arith.index_cast %add3A_322 : i32 to index
          %get3A_325 = arith.constant 64 : index
          %get3A_326 = tpu.vector_load %arg6[%get3A_323, %get3A_324, %get3A_325] {strides = array<i32>} : memref<2x64x256xf32, #tpu.memory_space<vmem>>, vector<16xf32>,
          %add3A_327 = arith.constant 1 : i32
          %add3A_328 = arith.addi %add3A_228, %add3A_327 : i32
          %get3A_329 = arith.index_cast %select_n3A_218 : i32 to index
          %get3A_330 = arith.index_cast %add3A_328 : i32 to index
          %get3A_331 = arith.constant 80 : index
          %get3A_332 = tpu.vector_load %arg6[%get3A_329, %get3A_330, %get3A_331] {strides = array<i32>} : memref<2x64x256xf32, #tpu.memory_space<vmem>>, vector<16xf32>,
          %add3A_333 = arith.constant 1 : i32
          %add3A_334 = arith.addi %add3A_228, %add3A_333 : i32
          %get3A_335 = arith.index_cast %select_n3A_218 : i32 to index
          %get3A_336 = arith.index_cast %add3A_334 : i32 to index
          %get3A_337 = arith.constant 96 : index
          %get3A_338 = tpu.vector_load %arg6[%get3A_335, %get3A_336, %get3A_337] {strides = array<i32>} : memref<2x64x256xf32, #tpu.memory_space<vmem>>, vector<16xf32>,
          %add3A_339 = arith.constant 1 : i32
          %add3A_340 = arith.addi %add3A_228, %add3A_339 : i32
          %get3A_341 = arith.index_cast %select_n3A_218 : i32 to index
          %get3A_342 = arith.index_cast %add3A_340 : i32 to index
          %get3A_343 = arith.constant 112 : index
          %get3A_344 = tpu.vector_load %arg6[%get3A_341, %get3A_342, %get3A_343] {strides = array<i32>} : memref<2x64x256xf32, #tpu.memory_space<vmem>>, vector<16xf32>,
          %add3A_345 = arith.constant 1 : i32
          %add3A_346 = arith.addi %add3A_228, %add3A_345 : i32
          %get3A_347 = arith.index_cast %select_n3A_218 : i32 to index
          %get3A_348 = arith.index_cast %add3A_346 : i32 to index
          %get3A_349 = arith.constant 128 : index
          %get3A_350 = tpu.vector_load %arg6[%get3A_347, %get3A_348, %get3A_349] {strides = array<i32>} : memref<2x64x256xf32, #tpu.memory_space<vmem>>, vector<16xf32>,
          %add3A_351 = arith.constant 1 : i32
          %add3A_352 = arith.addi %add3A_228, %add3A_351 : i32
          %get3A_353 = arith.index_cast %select_n3A_218 : i32 to index
          %get3A_354 = arith.index_cast %add3A_352 : i32 to index
          %get3A_355 = arith.constant 144 : index
          %get3A_356 = tpu.vector_load %arg6[%get3A_353, %get3A_354, %get3A_355] {strides = array<i32>} : memref<2x64x256xf32, #tpu.memory_space<vmem>>, vector<16xf32>,
          %add3A_357 = arith.constant 1 : i32
          %add3A_358 = arith.addi %add3A_228, %add3A_357 : i32
          %get3A_359 = arith.index_cast %select_n3A_218 : i32 to index
          %get3A_360 = arith.index_cast %add3A_358 : i32 to index
          %get3A_361 = arith.constant 160 : index
          %get3A_362 = tpu.vector_load %arg6[%get3A_359, %get3A_360, %get3A_361] {strides = array<i32>} : memref<2x64x256xf32, #tpu.memory_space<vmem>>, vector<16xf32>,
          %add3A_363 = arith.constant 1 : i32
          %add3A_364 = arith.addi %add3A_228, %add3A_363 : i32
          %get3A_365 = arith.index_cast %select_n3A_218 : i32 to index
          %get3A_366 = arith.index_cast %add3A_364 : i32 to index
          %get3A_367 = arith.constant 176 : index
          %get3A_368 = tpu.vector_load %arg6[%get3A_365, %get3A_366, %get3A_367] {strides = array<i32>} : memref<2x64x256xf32, #tpu.memory_space<vmem>>, vector<16xf32>,
          %add3A_369 = arith.constant 1 : i32
          %add3A_370 = arith.addi %add3A_228, %add3A_369 : i32
          %get3A_371 = arith.index_cast %select_n3A_218 : i32 to index
          %get3A_372 = arith.index_cast %add3A_370 : i32 to index
          %get3A_373 = arith.constant 192 : index
          %get3A_374 = tpu.vector_load %arg6[%get3A_371, %get3A_372, %get3A_373] {strides = array<i32>} : memref<2x64x256xf32, #tpu.memory_space<vmem>>, vector<16xf32>,
          %add3A_375 = arith.constant 1 : i32
          %add3A_376 = arith.addi %add3A_228, %add3A_375 : i32
          %get3A_377 = arith.index_cast %select_n3A_218 : i32 to index
          %get3A_378 = arith.index_cast %add3A_376 : i32 to index
          %get3A_379 = arith.constant 208 : index
          %get3A_380 = tpu.vector_load %arg6[%get3A_377, %get3A_378, %get3A_379] {strides = array<i32>} : memref<2x64x256xf32, #tpu.memory_space<vmem>>, vector<16xf32>,
          %add3A_381 = arith.constant 1 : i32
          %add3A_382 = arith.addi %add3A_228, %add3A_381 : i32
          %get3A_383 = arith.index_cast %select_n3A_218 : i32 to index
          %get3A_384 = arith.index_cast %add3A_382 : i32 to index
          %get3A_385 = arith.constant 224 : index
          %get3A_386 = tpu.vector_load %arg6[%get3A_383, %get3A_384, %get3A_385] {strides = array<i32>} : memref<2x64x256xf32, #tpu.memory_space<vmem>>, vector<16xf32>,
          %add3A_387 = arith.constant 1 : i32
          %add3A_388 = arith.addi %add3A_228, %add3A_387 : i32
          %get3A_389 = arith.index_cast %select_n3A_218 : i32 to index
          %get3A_390 = arith.index_cast %add3A_388 : i32 to index
          %get3A_391 = arith.constant 240 : index
          %get3A_392 = tpu.vector_load %arg6[%get3A_389, %get3A_390, %get3A_391] {strides = array<i32>} : memref<2x64x256xf32, #tpu.memory_space<vmem>>, vector<16xf32>,
          %swap3A = arith.index_cast %squeeze3A : i32 to index
          %swap3A_393 = arith.constant 0 : index
          %swap3A_394 = tpu.vector_load %arg5[%swap3A, %swap3A_393] {strides = array<i32>} : memref<321x256xf32, #tpu.memory_space<vmem>>, vector<16xf32>,
          tpu.vector_store %arg5[%swap3A, %swap3A_393], %get3A_236 {add = true, strides = array<i32>} : memref<321x256xf32, #tpu.memory_space<vmem>>, vector<16xf32>,
          %swap3A_395 = arith.index_cast %squeeze3A : i32 to index
          %swap3A_396 = arith.constant 16 : index
          %swap3A_397 = tpu.vector_load %arg5[%swap3A_395, %swap3A_396] {strides = array<i32>} : memref<321x256xf32, #tpu.memory_space<vmem>>, vector<16xf32>,
          tpu.vector_store %arg5[%swap3A_395, %swap3A_396], %get3A_240 {add = true, strides = array<i32>} : memref<321x256xf32, #tpu.memory_space<vmem>>, vector<16xf32>,
          %swap3A_398 = arith.index_cast %squeeze3A : i32 to index
          %swap3A_399 = arith.constant 32 : index
          %swap3A_400 = tpu.vector_load %arg5[%swap3A_398, %swap3A_399] {strides = array<i32>} : memref<321x256xf32, #tpu.memory_space<vmem>>, vector<16xf32>,
          tpu.vector_store %arg5[%swap3A_398, %swap3A_399], %get3A_244 {add = true, strides = array<i32>} : memref<321x256xf32, #tpu.memory_space<vmem>>, vector<16xf32>,
          %swap3A_401 = arith.index_cast %squeeze3A : i32 to index
          %swap3A_402 = arith.constant 48 : index
          %swap3A_403 = tpu.vector_load %arg5[%swap3A_401, %swap3A_402] {strides = array<i32>} : memref<321x256xf32, #tpu.memory_space<vmem>>, vector<16xf32>,
          tpu.vector_store %arg5[%swap3A_401, %swap3A_402], %get3A_248 {add = true, strides = array<i32>} : memref<321x256xf32, #tpu.memory_space<vmem>>, vector<16xf32>,
          %swap3A_404 = arith.index_cast %squeeze3A : i32 to index
          %swap3A_405 = arith.constant 64 : index
          %swap3A_406 = tpu.vector_load %arg5[%swap3A_404, %swap3A_405] {strides = array<i32>} : memref<321x256xf32, #tpu.memory_space<vmem>>, vector<16xf32>,
          tpu.vector_store %arg5[%swap3A_404, %swap3A_405], %get3A_252 {add = true, strides = array<i32>} : memref<321x256xf32, #tpu.memory_space<vmem>>, vector<16xf32>,
          %swap3A_407 = arith.index_cast %squeeze3A : i32 to index
          %swap3A_408 = arith.constant 80 : index
          %swap3A_409 = tpu.vector_load %arg5[%swap3A_407, %swap3A_408] {strides = array<i32>} : memref<321x256xf32, #tpu.memory_space<vmem>>, vector<16xf32>,
          tpu.vector_store %arg5[%swap3A_407, %swap3A_408], %get3A_256 {add = true, strides = array<i32>} : memref<321x256xf32, #tpu.memory_space<vmem>>, vector<16xf32>,
          %swap3A_410 = arith.index_cast %squeeze3A : i32 to index
          %swap3A_411 = arith.constant 96 : index
          %swap3A_412 = tpu.vector_load %arg5[%swap3A_410, %swap3A_411] {strides = array<i32>} : memref<321x256xf32, #tpu.memory_space<vmem>>, vector<16xf32>,
          tpu.vector_store %arg5[%swap3A_410, %swap3A_411], %get3A_260 {add = true, strides = array<i32>} : memref<321x256xf32, #tpu.memory_space<vmem>>, vector<16xf32>,
          %swap3A_413 = arith.index_cast %squeeze3A : i32 to index
          %swap3A_414 = arith.constant 112 : index
          %swap3A_415 = tpu.vector_load %arg5[%swap3A_413, %swap3A_414] {strides = array<i32>} : memref<321x256xf32, #tpu.memory_space<vmem>>, vector<16xf32>,
          tpu.vector_store %arg5[%swap3A_413, %swap3A_414], %get3A_264 {add = true, strides = array<i32>} : memref<321x256xf32, #tpu.memory_space<vmem>>, vector<16xf32>,
          %swap3A_416 = arith.index_cast %squeeze3A : i32 to index
          %swap3A_417 = arith.constant 128 : index
          %swap3A_418 = tpu.vector_load %arg5[%swap3A_416, %swap3A_417] {strides = array<i32>} : memref<321x256xf32, #tpu.memory_space<vmem>>, vector<16xf32>,
          tpu.vector_store %arg5[%swap3A_416, %swap3A_417], %get3A_268 {add = true, strides = array<i32>} : memref<321x256xf32, #tpu.memory_space<vmem>>, vector<16xf32>,
          %swap3A_419 = arith.index_cast %squeeze3A : i32 to index
          %swap3A_420 = arith.constant 144 : index
          %swap3A_421 = tpu.vector_load %arg5[%swap3A_419, %swap3A_420] {strides = array<i32>} : memref<321x256xf32, #tpu.memory_space<vmem>>, vector<16xf32>,
          tpu.vector_store %arg5[%swap3A_419, %swap3A_420], %get3A_272 {add = true, strides = array<i32>} : memref<321x256xf32, #tpu.memory_space<vmem>>, vector<16xf32>,
          %swap3A_422 = arith.index_cast %squeeze3A : i32 to index
          %swap3A_423 = arith.constant 160 : index
          %swap3A_424 = tpu.vector_load %arg5[%swap3A_422, %swap3A_423] {strides = array<i32>} : memref<321x256xf32, #tpu.memory_space<vmem>>, vector<16xf32>,
          tpu.vector_store %arg5[%swap3A_422, %swap3A_423], %get3A_276 {add = true, strides = array<i32>} : memref<321x256xf32, #tpu.memory_space<vmem>>, vector<16xf32>,
          %swap3A_425 = arith.index_cast %squeeze3A : i32 to index
          %swap3A_426 = arith.constant 176 : index
          %swap3A_427 = tpu.vector_load %arg5[%swap3A_425, %swap3A_426] {strides = array<i32>} : memref<321x256xf32, #tpu.memory_space<vmem>>, vector<16xf32>,
          tpu.vector_store %arg5[%swap3A_425, %swap3A_426], %get3A_280 {add = true, strides = array<i32>} : memref<321x256xf32, #tpu.memory_space<vmem>>, vector<16xf32>,
          %swap3A_428 = arith.index_cast %squeeze3A : i32 to index
          %swap3A_429 = arith.constant 192 : index
          %swap3A_430 = tpu.vector_load %arg5[%swap3A_428, %swap3A_429] {strides = array<i32>} : memref<321x256xf32, #tpu.memory_space<vmem>>, vector<16xf32>,
          tpu.vector_store %arg5[%swap3A_428, %swap3A_429], %get3A_284 {add = true, strides = array<i32>} : memref<321x256xf32, #tpu.memory_space<vmem>>, vector<16xf32>,
          %swap3A_431 = arith.index_cast %squeeze3A : i32 to index
          %swap3A_432 = arith.constant 208 : index
          %swap3A_433 = tpu.vector_load %arg5[%swap3A_431, %swap3A_432] {strides = array<i32>} : memref<321x256xf32, #tpu.memory_space<vmem>>, vector<16xf32>,
          tpu.vector_store %arg5[%swap3A_431, %swap3A_432], %get3A_288 {add = true, strides = array<i32>} : memref<321x256xf32, #tpu.memory_space<vmem>>, vector<16xf32>,
          %swap3A_434 = arith.index_cast %squeeze3A : i32 to index
          %swap3A_435 = arith.constant 224 : index
          %swap3A_436 = tpu.vector_load %arg5[%swap3A_434, %swap3A_435] {strides = array<i32>} : memref<321x256xf32, #tpu.memory_space<vmem>>, vector<16xf32>,
          tpu.vector_store %arg5[%swap3A_434, %swap3A_435], %get3A_292 {add = true, strides = array<i32>} : memref<321x256xf32, #tpu.memory_space<vmem>>, vector<16xf32>,
          %swap3A_437 = arith.index_cast %squeeze3A : i32 to index
          %swap3A_438 = arith.constant 240 : index
          %swap3A_439 = tpu.vector_load %arg5[%swap3A_437, %swap3A_438] {strides = array<i32>} : memref<321x256xf32, #tpu.memory_space<vmem>>, vector<16xf32>,
          tpu.vector_store %arg5[%swap3A_437, %swap3A_438], %get3A_296 {add = true, strides = array<i32>} : memref<321x256xf32, #tpu.memory_space<vmem>>, vector<16xf32>,
          %swap3A_440 = arith.index_cast %squeeze3A_232 : i32 to index
          %swap3A_441 = arith.constant 0 : index
          %swap3A_442 = tpu.vector_load %arg5[%swap3A_440, %swap3A_441] {strides = array<i32>} : memref<321x256xf32, #tpu.memory_space<vmem>>, vector<16xf32>,
          tpu.vector_store %arg5[%swap3A_440, %swap3A_441], %get3A_302 {add = true, strides = array<i32>} : memref<321x256xf32, #tpu.memory_space<vmem>>, vector<16xf32>,
          %swap3A_443 = arith.index_cast %squeeze3A_232 : i32 to index
          %swap3A_444 = arith.constant 16 : index
          %swap3A_445 = tpu.vector_load %arg5[%swap3A_443, %swap3A_444] {strides = array<i32>} : memref<321x256xf32, #tpu.memory_space<vmem>>, vector<16xf32>,
          tpu.vector_store %arg5[%swap3A_443, %swap3A_444], %get3A_308 {add = true, strides = array<i32>} : memref<321x256xf32, #tpu.memory_space<vmem>>, vector<16xf32>,
          %swap3A_446 = arith.index_cast %squeeze3A_232 : i32 to index
          %swap3A_447 = arith.constant 32 : index
          %swap3A_448 = tpu.vector_load %arg5[%swap3A_446, %swap3A_447] {strides = array<i32>} : memref<321x256xf32, #tpu.memory_space<vmem>>, vector<16xf32>,
          tpu.vector_store %arg5[%swap3A_446, %swap3A_447], %get3A_314 {add = true, strides = array<i32>} : memref<321x256xf32, #tpu.memory_space<vmem>>, vector<16xf32>,
          %swap3A_449 = arith.index_cast %squeeze3A_232 : i32 to index
          %swap3A_450 = arith.constant 48 : index
          %swap3A_451 = tpu.vector_load %arg5[%swap3A_449, %swap3A_450] {strides = array<i32>} : memref<321x256xf32, #tpu.memory_space<vmem>>, vector<16xf32>,
          tpu.vector_store %arg5[%swap3A_449, %swap3A_450], %get3A_320 {add = true, strides = array<i32>} : memref<321x256xf32, #tpu.memory_space<vmem>>, vector<16xf32>,
          %swap3A_452 = arith.index_cast %squeeze3A_232 : i32 to index
          %swap3A_453 = arith.constant 64 : index
          %swap3A_454 = tpu.vector_load %arg5[%swap3A_452, %swap3A_453] {strides = array<i32>} : memref<321x256xf32, #tpu.memory_space<vmem>>, vector<16xf32>,
          tpu.vector_store %arg5[%swap3A_452, %swap3A_453], %get3A_326 {add = true, strides = array<i32>} : memref<321x256xf32, #tpu.memory_space<vmem>>, vector<16xf32>,
          %swap3A_455 = arith.index_cast %squeeze3A_232 : i32 to index
          %swap3A_456 = arith.constant 80 : index
          %swap3A_457 = tpu.vector_load %arg5[%swap3A_455, %swap3A_456] {strides = array<i32>} : memref<321x256xf32, #tpu.memory_space<vmem>>, vector<16xf32>,
          tpu.vector_store %arg5[%swap3A_455, %swap3A_456], %get3A_332 {add = true, strides = array<i32>} : memref<321x256xf32, #tpu.memory_space<vmem>>, vector<16xf32>,
          %swap3A_458 = arith.index_cast %squeeze3A_232 : i32 to index
          %swap3A_459 = arith.constant 96 : index
          %swap3A_460 = tpu.vector_load %arg5[%swap3A_458, %swap3A_459] {strides = array<i32>} : memref<321x256xf32, #tpu.memory_space<vmem>>, vector<16xf32>,
          tpu.vector_store %arg5[%swap3A_458, %swap3A_459], %get3A_338 {add = true, strides = array<i32>} : memref<321x256xf32, #tpu.memory_space<vmem>>, vector<16xf32>,
          %swap3A_461 = arith.index_cast %squeeze3A_232 : i32 to index
          %swap3A_462 = arith.constant 112 : index
          %swap3A_463 = tpu.vector_load %arg5[%swap3A_461, %swap3A_462] {strides = array<i32>} : memref<321x256xf32, #tpu.memory_space<vmem>>, vector<16xf32>,
          tpu.vector_store %arg5[%swap3A_461, %swap3A_462], %get3A_344 {add = true, strides = array<i32>} : memref<321x256xf32, #tpu.memory_space<vmem>>, vector<16xf32>,
          %swap3A_464 = arith.index_cast %squeeze3A_232 : i32 to index
          %swap3A_465 = arith.constant 128 : index
          %swap3A_466 = tpu.vector_load %arg5[%swap3A_464, %swap3A_465] {strides = array<i32>} : memref<321x256xf32, #tpu.memory_space<vmem>>, vector<16xf32>,
          tpu.vector_store %arg5[%swap3A_464, %swap3A_465], %get3A_350 {add = true, strides = array<i32>} : memref<321x256xf32, #tpu.memory_space<vmem>>, vector<16xf32>,
          %swap3A_467 = arith.index_cast %squeeze3A_232 : i32 to index
          %swap3A_468 = arith.constant 144 : index
          %swap3A_469 = tpu.vector_load %arg5[%swap3A_467, %swap3A_468] {strides = array<i32>} : memref<321x256xf32, #tpu.memory_space<vmem>>, vector<16xf32>,
          tpu.vector_store %arg5[%swap3A_467, %swap3A_468], %get3A_356 {add = true, strides = array<i32>} : memref<321x256xf32, #tpu.memory_space<vmem>>, vector<16xf32>,
          %swap3A_470 = arith.index_cast %squeeze3A_232 : i32 to index
          %swap3A_471 = arith.constant 160 : index
          %swap3A_472 = tpu.vector_load %arg5[%swap3A_470, %swap3A_471] {strides = array<i32>} : memref<321x256xf32, #tpu.memory_space<vmem>>, vector<16xf32>,
          tpu.vector_store %arg5[%swap3A_470, %swap3A_471], %get3A_362 {add = true, strides = array<i32>} : memref<321x256xf32, #tpu.memory_space<vmem>>, vector<16xf32>,
          %swap3A_473 = arith.index_cast %squeeze3A_232 : i32 to index
          %swap3A_474 = arith.constant 176 : index
          %swap3A_475 = tpu.vector_load %arg5[%swap3A_473, %swap3A_474] {strides = array<i32>} : memref<321x256xf32, #tpu.memory_space<vmem>>, vector<16xf32>,
          tpu.vector_store %arg5[%swap3A_473, %swap3A_474], %get3A_368 {add = true, strides = array<i32>} : memref<321x256xf32, #tpu.memory_space<vmem>>, vector<16xf32>,
          %swap3A_476 = arith.index_cast %squeeze3A_232 : i32 to index
          %swap3A_477 = arith.constant 192 : index
          %swap3A_478 = tpu.vector_load %arg5[%swap3A_476, %swap3A_477] {strides = array<i32>} : memref<321x256xf32, #tpu.memory_space<vmem>>, vector<16xf32>,
          tpu.vector_store %arg5[%swap3A_476, %swap3A_477], %get3A_374 {add = true, strides = array<i32>} : memref<321x256xf32, #tpu.memory_space<vmem>>, vector<16xf32>,
          %swap3A_479 = arith.index_cast %squeeze3A_232 : i32 to index
          %swap3A_480 = arith.constant 208 : index
          %swap3A_481 = tpu.vector_load %arg5[%swap3A_479, %swap3A_480] {strides = array<i32>} : memref<321x256xf32, #tpu.memory_space<vmem>>, vector<16xf32>,
          tpu.vector_store %arg5[%swap3A_479, %swap3A_480], %get3A_380 {add = true, strides = array<i32>} : memref<321x256xf32, #tpu.memory_space<vmem>>, vector<16xf32>,
          %swap3A_482 = arith.index_cast %squeeze3A_232 : i32 to index
          %swap3A_483 = arith.constant 224 : index
          %swap3A_484 = tpu.vector_load %arg5[%swap3A_482, %swap3A_483] {strides = array<i32>} : memref<321x256xf32, #tpu.memory_space<vmem>>, vector<16xf32>,
          tpu.vector_store %arg5[%swap3A_482, %swap3A_483], %get3A_386 {add = true, strides = array<i32>} : memref<321x256xf32, #tpu.memory_space<vmem>>, vector<16xf32>,
          %swap3A_485 = arith.index_cast %squeeze3A_232 : i32 to index
          %swap3A_486 = arith.constant 240 : index
          %swap3A_487 = tpu.vector_load %arg5[%swap3A_485, %swap3A_486] {strides = array<i32>} : memref<321x256xf32, #tpu.memory_space<vmem>>, vector<16xf32>,
          tpu.vector_store %arg5[%swap3A_485, %swap3A_486], %get3A_392 {add = true, strides = array<i32>} : memref<321x256xf32, #tpu.memory_space<vmem>>, vector<16xf32>,
        }
        %scan3A_223 = arith.constant 32 : i32
      }
      %while3A_98 = arith.constant 1 : i32
      scf.for %while3A_166 = %while3A_96 to %while3A_92 step %while3A_98  : i32 {
        %mul3A_167 = arith.muli %while3A_166, %while3A_89 : i32
        %add3A_168 = arith.addi %scan3A_46, %mul3A_167 : i32
        %jit3A_169 = arith.constant 2 : i32
        %eq3A_170 = arith.constant 0 : i32
        %eq3A_171 = arith.cmpi eq, %jit3A_169, %eq3A_170 : i32
        %jit3A_172 = arith.constant 1 : i32
        %select_n3A_173 = arith.select %eq3A_171, %jit3A_172, %jit3A_169 : i32
        %rem3A_174 = arith.remsi %add3A_168, %select_n3A_173 : i32
        %ne3A_175 = arith.constant 0 : i32
        %ne3A_176 = arith.cmpi ne, %rem3A_174, %ne3A_175 : i32
        %lt3A_177 = arith.constant 0 : i32
        %lt3A_178 = arith.cmpi slt, %rem3A_174, %lt3A_177 : i32
        %lt3A_179 = arith.constant 0 : i32
        %lt3A_180 = arith.cmpi slt, %select_n3A_173, %lt3A_179 : i32
        %ne3A_181 = arith.xori %lt3A_178, %lt3A_180 : i1
        %and3A_182 = arith.andi %ne3A_181, %ne3A_176 : i1
        %add3A_183 = arith.addi %rem3A_174, %select_n3A_173 : i32
        %select_n3A_184 = arith.select %and3A_182, %add3A_183, %rem3A_174 : i32
        %dma_wait3A_185 = arith.constant 0 : i32
        %dma_wait3A_186 = arith.constant 0 : i32
        %dma_wait3A_187 = tpu.memref_slice %arg6[%select_n3A_184, %dma_wait3A_185, %dma_wait3A_186] : memref<2x64x256xf32, #tpu.memory_space<vmem>> -> memref<1x64x256xf32, #tpu.memory_space<vmem>>
        %dma_wait3A_188 = tpu.memref_squeeze %dma_wait3A_187 : memref<1x64x256xf32, #tpu.memory_space<vmem>> -> memref<64x256xf32, #tpu.memory_space<vmem>>
        %dma_wait3A_189 = arith.constant 0 : i32
        %dma_wait3A_190 = arith.constant 0 : i32
        %dma_wait3A_191 = tpu.memref_slice %arg2[%dma_wait3A_189, %dma_wait3A_190] : memref<10000x256xf32, #tpu.memory_space<hbm>> -> memref<64x256xf32, #tpu.memory_space<hbm>>
        %dma_wait3A_192 = arith.constant 0 : i32
        %dma_wait3A_193 = arith.constant 0 : i32
        %dma_wait3A_194 = tpu.memref_slice %arg6[%select_n3A_184, %dma_wait3A_192, %dma_wait3A_193] : memref<2x64x256xf32, #tpu.memory_space<vmem>> -> memref<1x64x256xf32, #tpu.memory_space<vmem>>
        %dma_wait3A_195 = tpu.memref_squeeze %dma_wait3A_194 : memref<1x64x256xf32, #tpu.memory_space<vmem>> -> memref<64x256xf32, #tpu.memory_space<vmem>>
        %dma_wait3A_196 = arith.constant 0 : i32
        %dma_wait3A_197 = arith.constant 0 : i32
        %dma_wait3A_198 = tpu.memref_slice %arg2[%dma_wait3A_196, %dma_wait3A_197] : memref<10000x256xf32, #tpu.memory_space<hbm>> -> memref<64x256xf32, #tpu.memory_space<hbm>>
        tpu.wait_dma2 semaphore(%arg11 : memref<!tpu.dma_semaphore, #tpu.memory_space<semaphore_mem>>) src(%dma_wait3A_198 : memref<64x256xf32, #tpu.memory_space<hbm>>) dst(%dma_wait3A_195 : memref<64x256xf32, #tpu.memory_space<vmem>>)
        %mul3A_199 = arith.constant 64 : i32
        %mul3A_200 = arith.muli %add3A_168, %mul3A_199 : i32
        %and3A_201 = arith.constant 2047 : i32
        %and3A_202 = arith.andi %mul3A_200, %and3A_201 : i32
        %jit3A_203 = arith.constant 2 : i32
        %eq3A_204 = arith.constant 0 : i32
        %eq3A_205 = arith.cmpi eq, %jit3A_203, %eq3A_204 : i32
        %jit3A_206 = arith.constant 1 : i32
        %select_n3A_207 = arith.select %eq3A_205, %jit3A_206, %jit3A_203 : i32
        %rem3A_208 = arith.remsi %add3A_168, %select_n3A_207 : i32
        %ne3A_209 = arith.constant 0 : i32
        %ne3A_210 = arith.cmpi ne, %rem3A_208, %ne3A_209 : i32
        %lt3A_211 = arith.constant 0 : i32
        %lt3A_212 = arith.cmpi slt, %rem3A_208, %lt3A_211 : i32
        %lt3A_213 = arith.constant 0 : i32
        %lt3A_214 = arith.cmpi slt, %select_n3A_207, %lt3A_213 : i32
        %ne3A_215 = arith.xori %lt3A_212, %lt3A_214 : i1
        %and3A_216 = arith.andi %ne3A_215, %ne3A_210 : i1
        %add3A_217 = arith.addi %rem3A_208, %select_n3A_207 : i32
        %select_n3A_218 = arith.select %and3A_216, %add3A_217, %rem3A_208 : i32
        %scan3A_219 = arith.constant 0 : i32
        %scan3A_220 = arith.constant 32 : i32
        %scan3A_221 = arith.addi %scan3A_219, %scan3A_220 : i32
        %scan3A_222 = arith.constant 1 : i32
        scf.for %scan3A_224 = %scan3A_219 to %scan3A_221 step %scan3A_222  : i32 {
          %mul3A_225 = arith.constant 2 : i32
          %mul3A_226 = arith.muli %scan3A_224, %mul3A_225 : i32
          %add3A_227 = arith.constant 0 : i32
          %add3A_228 = arith.addi %add3A_227, %mul3A_226 : i32
          %add3A_229 = arith.addi %and3A_202, %add3A_228 : i32
          %get3A = arith.index_cast %add3A_229 : i32 to index
          %get3A_230 = tpu.vector_load %arg9[%get3A] {strides = array<i32>} : memref<2064xi32, #tpu.memory_space<vmem>>, vector<16xi32>,
          %slice3A = vector.extract_strided_slice %get3A_230 {offsets = [0], sizes = [1], strides = [1]} : vector<16xi32> to vector<1xi32>
          %squeeze3A = vector.extract %slice3A[0] : i32 from vector<1xi32>
          %slice3A_231 = vector.extract_strided_slice %get3A_230 {offsets = [1], sizes = [1], strides = [1]} : vector<16xi32> to vector<1xi32>
          %squeeze3A_232 = vector.extract %slice3A_231[0] : i32 from vector<1xi32>
          %get3A_233 = arith.index_cast %select_n3A_218 : i32 to index
          %get3A_234 = arith.index_cast %add3A_228 : i32 to index
          %get3A_235 = arith.constant 0 : index
          %get3A_236 = tpu.vector_load %arg6[%get3A_233, %get3A_234, %get3A_235] {strides = array<i32>} : memref<2x64x256xf32, #tpu.memory_space<vmem>>, vector<16xf32>,
          %get3A_237 = arith.index_cast %select_n3A_218 : i32 to index
          %get3A_238 = arith.index_cast %add3A_228 : i32 to index
          %get3A_239 = arith.constant 16 : index
          %get3A_240 = tpu.vector_load %arg6[%get3A_237, %get3A_238, %get3A_239] {strides = array<i32>} : memref<2x64x256xf32, #tpu.memory_space<vmem>>, vector<16xf32>,
          %get3A_241 = arith.index_cast %select_n3A_218 : i32 to index
          %get3A_242 = arith.index_cast %add3A_228 : i32 to index
          %get3A_243 = arith.constant 32 : index
          %get3A_244 = tpu.vector_load %arg6[%get3A_241, %get3A_242, %get3A_243] {strides = array<i32>} : memref<2x64x256xf32, #tpu.memory_space<vmem>>, vector<16xf32>,
          %get3A_245 = arith.index_cast %select_n3A_218 : i32 to index
          %get3A_246 = arith.index_cast %add3A_228 : i32 to index
          %get3A_247 = arith.constant 48 : index
          %get3A_248 = tpu.vector_load %arg6[%get3A_245, %get3A_246, %get3A_247] {strides = array<i32>} : memref<2x64x256xf32, #tpu.memory_space<vmem>>, vector<16xf32>,
          %get3A_249 = arith.index_cast %select_n3A_218 : i32 to index
          %get3A_250 = arith.index_cast %add3A_228 : i32 to index
          %get3A_251 = arith.constant 64 : index
          %get3A_252 = tpu.vector_load %arg6[%get3A_249, %get3A_250, %get3A_251] {strides = array<i32>} : memref<2x64x256xf32, #tpu.memory_space<vmem>>, vector<16xf32>,
          %get3A_253 = arith.index_cast %select_n3A_218 : i32 to index
          %get3A_254 = arith.index_cast %add3A_228 : i32 to index
          %get3A_255 = arith.constant 80 : index
          %get3A_256 = tpu.vector_load %arg6[%get3A_253, %get3A_254, %get3A_255] {strides = array<i32>} : memref<2x64x256xf32, #tpu.memory_space<vmem>>, vector<16xf32>,
          %get3A_257 = arith.index_cast %select_n3A_218 : i32 to index
          %get3A_258 = arith.index_cast %add3A_228 : i32 to index
          %get3A_259 = arith.constant 96 : index
          %get3A_260 = tpu.vector_load %arg6[%get3A_257, %get3A_258, %get3A_259] {strides = array<i32>} : memref<2x64x256xf32, #tpu.memory_space<vmem>>, vector<16xf32>,
          %get3A_261 = arith.index_cast %select_n3A_218 : i32 to index
          %get3A_262 = arith.index_cast %add3A_228 : i32 to index
          %get3A_263 = arith.constant 112 : index
          %get3A_264 = tpu.vector_load %arg6[%get3A_261, %get3A_262, %get3A_263] {strides = array<i32>} : memref<2x64x256xf32, #tpu.memory_space<vmem>>, vector<16xf32>,
          %get3A_265 = arith.index_cast %select_n3A_218 : i32 to index
          %get3A_266 = arith.index_cast %add3A_228 : i32 to index
          %get3A_267 = arith.constant 128 : index
          %get3A_268 = tpu.vector_load %arg6[%get3A_265, %get3A_266, %get3A_267] {strides = array<i32>} : memref<2x64x256xf32, #tpu.memory_space<vmem>>, vector<16xf32>,
          %get3A_269 = arith.index_cast %select_n3A_218 : i32 to index
          %get3A_270 = arith.index_cast %add3A_228 : i32 to index
          %get3A_271 = arith.constant 144 : index
          %get3A_272 = tpu.vector_load %arg6[%get3A_269, %get3A_270, %get3A_271] {strides = array<i32>} : memref<2x64x256xf32, #tpu.memory_space<vmem>>, vector<16xf32>,
          %get3A_273 = arith.index_cast %select_n3A_218 : i32 to index
          %get3A_274 = arith.index_cast %add3A_228 : i32 to index
          %get3A_275 = arith.constant 160 : index
          %get3A_276 = tpu.vector_load %arg6[%get3A_273, %get3A_274, %get3A_275] {strides = array<i32>} : memref<2x64x256xf32, #tpu.memory_space<vmem>>, vector<16xf32>,
          %get3A_277 = arith.index_cast %select_n3A_218 : i32 to index
          %get3A_278 = arith.index_cast %add3A_228 : i32 to index
          %get3A_279 = arith.constant 176 : index
          %get3A_280 = tpu.vector_load %arg6[%get3A_277, %get3A_278, %get3A_279] {strides = array<i32>} : memref<2x64x256xf32, #tpu.memory_space<vmem>>, vector<16xf32>,
          %get3A_281 = arith.index_cast %select_n3A_218 : i32 to index
          %get3A_282 = arith.index_cast %add3A_228 : i32 to index
          %get3A_283 = arith.constant 192 : index
          %get3A_284 = tpu.vector_load %arg6[%get3A_281, %get3A_282, %get3A_283] {strides = array<i32>} : memref<2x64x256xf32, #tpu.memory_space<vmem>>, vector<16xf32>,
          %get3A_285 = arith.index_cast %select_n3A_218 : i32 to index
          %get3A_286 = arith.index_cast %add3A_228 : i32 to index
          %get3A_287 = arith.constant 208 : index
          %get3A_288 = tpu.vector_load %arg6[%get3A_285, %get3A_286, %get3A_287] {strides = array<i32>} : memref<2x64x256xf32, #tpu.memory_space<vmem>>, vector<16xf32>,
          %get3A_289 = arith.index_cast %select_n3A_218 : i32 to index
          %get3A_290 = arith.index_cast %add3A_228 : i32 to index
          %get3A_291 = arith.constant 224 : index
          %get3A_292 = tpu.vector_load %arg6[%get3A_289, %get3A_290, %get3A_291] {strides = array<i32>} : memref<2x64x256xf32, #tpu.memory_space<vmem>>, vector<16xf32>,
          %get3A_293 = arith.index_cast %select_n3A_218 : i32 to index
          %get3A_294 = arith.index_cast %add3A_228 : i32 to index
          %get3A_295 = arith.constant 240 : index
          %get3A_296 = tpu.vector_load %arg6[%get3A_293, %get3A_294, %get3A_295] {strides = array<i32>} : memref<2x64x256xf32, #tpu.memory_space<vmem>>, vector<16xf32>,
          %add3A_297 = arith.constant 1 : i32
          %add3A_298 = arith.addi %add3A_228, %add3A_297 : i32
          %get3A_299 = arith.index_cast %select_n3A_218 : i32 to index
          %get3A_300 = arith.index_cast %add3A_298 : i32 to index
          %get3A_301 = arith.constant 0 : index
          %get3A_302 = tpu.vector_load %arg6[%get3A_299, %get3A_300, %get3A_301] {strides = array<i32>} : memref<2x64x256xf32, #tpu.memory_space<vmem>>, vector<16xf32>,
          %add3A_303 = arith.constant 1 : i32
          %add3A_304 = arith.addi %add3A_228, %add3A_303 : i32
          %get3A_305 = arith.index_cast %select_n3A_218 : i32 to index
          %get3A_306 = arith.index_cast %add3A_304 : i32 to index
          %get3A_307 = arith.constant 16 : index
          %get3A_308 = tpu.vector_load %arg6[%get3A_305, %get3A_306, %get3A_307] {strides = array<i32>} : memref<2x64x256xf32, #tpu.memory_space<vmem>>, vector<16xf32>,
          %add3A_309 = arith.constant 1 : i32
          %add3A_310 = arith.addi %add3A_228, %add3A_309 : i32
          %get3A_311 = arith.index_cast %select_n3A_218 : i32 to index
          %get3A_312 = arith.index_cast %add3A_310 : i32 to index
          %get3A_313 = arith.constant 32 : index
          %get3A_314 = tpu.vector_load %arg6[%get3A_311, %get3A_312, %get3A_313] {strides = array<i32>} : memref<2x64x256xf32, #tpu.memory_space<vmem>>, vector<16xf32>,
          %add3A_315 = arith.constant 1 : i32
          %add3A_316 = arith.addi %add3A_228, %add3A_315 : i32
          %get3A_317 = arith.index_cast %select_n3A_218 : i32 to index
          %get3A_318 = arith.index_cast %add3A_316 : i32 to index
          %get3A_319 = arith.constant 48 : index
          %get3A_320 = tpu.vector_load %arg6[%get3A_317, %get3A_318, %get3A_319] {strides = array<i32>} : memref<2x64x256xf32, #tpu.memory_space<vmem>>, vector<16xf32>,
          %add3A_321 = arith.constant 1 : i32
          %add3A_322 = arith.addi %add3A_228, %add3A_321 : i32
          %get3A_323 = arith.index_cast %select_n3A_218 : i32 to index
          %get3A_324 = arith.index_cast %add3A_322 : i32 to index
          %get3A_325 = arith.constant 64 : index
          %get3A_326 = tpu.vector_load %arg6[%get3A_323, %get3A_324, %get3A_325] {strides = array<i32>} : memref<2x64x256xf32, #tpu.memory_space<vmem>>, vector<16xf32>,
          %add3A_327 = arith.constant 1 : i32
          %add3A_328 = arith.addi %add3A_228, %add3A_327 : i32
          %get3A_329 = arith.index_cast %select_n3A_218 : i32 to index
          %get3A_330 = arith.index_cast %add3A_328 : i32 to index
          %get3A_331 = arith.constant 80 : index
          %get3A_332 = tpu.vector_load %arg6[%get3A_329, %get3A_330, %get3A_331] {strides = array<i32>} : memref<2x64x256xf32, #tpu.memory_space<vmem>>, vector<16xf32>,
          %add3A_333 = arith.constant 1 : i32
          %add3A_334 = arith.addi %add3A_228, %add3A_333 : i32
          %get3A_335 = arith.index_cast %select_n3A_218 : i32 to index
          %get3A_336 = arith.index_cast %add3A_334 : i32 to index
          %get3A_337 = arith.constant 96 : index
          %get3A_338 = tpu.vector_load %arg6[%get3A_335, %get3A_336, %get3A_337] {strides = array<i32>} : memref<2x64x256xf32, #tpu.memory_space<vmem>>, vector<16xf32>,
          %add3A_339 = arith.constant 1 : i32
          %add3A_340 = arith.addi %add3A_228, %add3A_339 : i32
          %get3A_341 = arith.index_cast %select_n3A_218 : i32 to index
          %get3A_342 = arith.index_cast %add3A_340 : i32 to index
          %get3A_343 = arith.constant 112 : index
          %get3A_344 = tpu.vector_load %arg6[%get3A_341, %get3A_342, %get3A_343] {strides = array<i32>} : memref<2x64x256xf32, #tpu.memory_space<vmem>>, vector<16xf32>,
          %add3A_345 = arith.constant 1 : i32
          %add3A_346 = arith.addi %add3A_228, %add3A_345 : i32
          %get3A_347 = arith.index_cast %select_n3A_218 : i32 to index
          %get3A_348 = arith.index_cast %add3A_346 : i32 to index
          %get3A_349 = arith.constant 128 : index
          %get3A_350 = tpu.vector_load %arg6[%get3A_347, %get3A_348, %get3A_349] {strides = array<i32>} : memref<2x64x256xf32, #tpu.memory_space<vmem>>, vector<16xf32>,
          %add3A_351 = arith.constant 1 : i32
          %add3A_352 = arith.addi %add3A_228, %add3A_351 : i32
          %get3A_353 = arith.index_cast %select_n3A_218 : i32 to index
          %get3A_354 = arith.index_cast %add3A_352 : i32 to index
          %get3A_355 = arith.constant 144 : index
          %get3A_356 = tpu.vector_load %arg6[%get3A_353, %get3A_354, %get3A_355] {strides = array<i32>} : memref<2x64x256xf32, #tpu.memory_space<vmem>>, vector<16xf32>,
          %add3A_357 = arith.constant 1 : i32
          %add3A_358 = arith.addi %add3A_228, %add3A_357 : i32
          %get3A_359 = arith.index_cast %select_n3A_218 : i32 to index
          %get3A_360 = arith.index_cast %add3A_358 : i32 to index
          %get3A_361 = arith.constant 160 : index
          %get3A_362 = tpu.vector_load %arg6[%get3A_359, %get3A_360, %get3A_361] {strides = array<i32>} : memref<2x64x256xf32, #tpu.memory_space<vmem>>, vector<16xf32>,
          %add3A_363 = arith.constant 1 : i32
          %add3A_364 = arith.addi %add3A_228, %add3A_363 : i32
          %get3A_365 = arith.index_cast %select_n3A_218 : i32 to index
          %get3A_366 = arith.index_cast %add3A_364 : i32 to index
          %get3A_367 = arith.constant 176 : index
          %get3A_368 = tpu.vector_load %arg6[%get3A_365, %get3A_366, %get3A_367] {strides = array<i32>} : memref<2x64x256xf32, #tpu.memory_space<vmem>>, vector<16xf32>,
          %add3A_369 = arith.constant 1 : i32
          %add3A_370 = arith.addi %add3A_228, %add3A_369 : i32
          %get3A_371 = arith.index_cast %select_n3A_218 : i32 to index
          %get3A_372 = arith.index_cast %add3A_370 : i32 to index
          %get3A_373 = arith.constant 192 : index
          %get3A_374 = tpu.vector_load %arg6[%get3A_371, %get3A_372, %get3A_373] {strides = array<i32>} : memref<2x64x256xf32, #tpu.memory_space<vmem>>, vector<16xf32>,
          %add3A_375 = arith.constant 1 : i32
          %add3A_376 = arith.addi %add3A_228, %add3A_375 : i32
          %get3A_377 = arith.index_cast %select_n3A_218 : i32 to index
          %get3A_378 = arith.index_cast %add3A_376 : i32 to index
          %get3A_379 = arith.constant 208 : index
          %get3A_380 = tpu.vector_load %arg6[%get3A_377, %get3A_378, %get3A_379] {strides = array<i32>} : memref<2x64x256xf32, #tpu.memory_space<vmem>>, vector<16xf32>,
          %add3A_381 = arith.constant 1 : i32
          %add3A_382 = arith.addi %add3A_228, %add3A_381 : i32
          %get3A_383 = arith.index_cast %select_n3A_218 : i32 to index
          %get3A_384 = arith.index_cast %add3A_382 : i32 to index
          %get3A_385 = arith.constant 224 : index
          %get3A_386 = tpu.vector_load %arg6[%get3A_383, %get3A_384, %get3A_385] {strides = array<i32>} : memref<2x64x256xf32, #tpu.memory_space<vmem>>, vector<16xf32>,
          %add3A_387 = arith.constant 1 : i32
          %add3A_388 = arith.addi %add3A_228, %add3A_387 : i32
          %get3A_389 = arith.index_cast %select_n3A_218 : i32 to index
          %get3A_390 = arith.index_cast %add3A_388 : i32 to index
          %get3A_391 = arith.constant 240 : index
          %get3A_392 = tpu.vector_load %arg6[%get3A_389, %get3A_390, %get3A_391] {strides = array<i32>} : memref<2x64x256xf32, #tpu.memory_space<vmem>>, vector<16xf32>,
          %swap3A = arith.index_cast %squeeze3A : i32 to index
          %swap3A_393 = arith.constant 0 : index
          %swap3A_394 = tpu.vector_load %arg5[%swap3A, %swap3A_393] {strides = array<i32>} : memref<321x256xf32, #tpu.memory_space<vmem>>, vector<16xf32>,
          tpu.vector_store %arg5[%swap3A, %swap3A_393], %get3A_236 {add = true, strides = array<i32>} : memref<321x256xf32, #tpu.memory_space<vmem>>, vector<16xf32>,
          %swap3A_395 = arith.index_cast %squeeze3A : i32 to index
          %swap3A_396 = arith.constant 16 : index
          %swap3A_397 = tpu.vector_load %arg5[%swap3A_395, %swap3A_396] {strides = array<i32>} : memref<321x256xf32, #tpu.memory_space<vmem>>, vector<16xf32>,
          tpu.vector_store %arg5[%swap3A_395, %swap3A_396], %get3A_240 {add = true, strides = array<i32>} : memref<321x256xf32, #tpu.memory_space<vmem>>, vector<16xf32>,
          %swap3A_398 = arith.index_cast %squeeze3A : i32 to index
          %swap3A_399 = arith.constant 32 : index
          %swap3A_400 = tpu.vector_load %arg5[%swap3A_398, %swap3A_399] {strides = array<i32>} : memref<321x256xf32, #tpu.memory_space<vmem>>, vector<16xf32>,
          tpu.vector_store %arg5[%swap3A_398, %swap3A_399], %get3A_244 {add = true, strides = array<i32>} : memref<321x256xf32, #tpu.memory_space<vmem>>, vector<16xf32>,
          %swap3A_401 = arith.index_cast %squeeze3A : i32 to index
          %swap3A_402 = arith.constant 48 : index
          %swap3A_403 = tpu.vector_load %arg5[%swap3A_401, %swap3A_402] {strides = array<i32>} : memref<321x256xf32, #tpu.memory_space<vmem>>, vector<16xf32>,
          tpu.vector_store %arg5[%swap3A_401, %swap3A_402], %get3A_248 {add = true, strides = array<i32>} : memref<321x256xf32, #tpu.memory_space<vmem>>, vector<16xf32>,
          %swap3A_404 = arith.index_cast %squeeze3A : i32 to index
          %swap3A_405 = arith.constant 64 : index
          %swap3A_406 = tpu.vector_load %arg5[%swap3A_404, %swap3A_405] {strides = array<i32>} : memref<321x256xf32, #tpu.memory_space<vmem>>, vector<16xf32>,
          tpu.vector_store %arg5[%swap3A_404, %swap3A_405], %get3A_252 {add = true, strides = array<i32>} : memref<321x256xf32, #tpu.memory_space<vmem>>, vector<16xf32>,
          %swap3A_407 = arith.index_cast %squeeze3A : i32 to index
          %swap3A_408 = arith.constant 80 : index
          %swap3A_409 = tpu.vector_load %arg5[%swap3A_407, %swap3A_408] {strides = array<i32>} : memref<321x256xf32, #tpu.memory_space<vmem>>, vector<16xf32>,
          tpu.vector_store %arg5[%swap3A_407, %swap3A_408], %get3A_256 {add = true, strides = array<i32>} : memref<321x256xf32, #tpu.memory_space<vmem>>, vector<16xf32>,
          %swap3A_410 = arith.index_cast %squeeze3A : i32 to index
          %swap3A_411 = arith.constant 96 : index
          %swap3A_412 = tpu.vector_load %arg5[%swap3A_410, %swap3A_411] {strides = array<i32>} : memref<321x256xf32, #tpu.memory_space<vmem>>, vector<16xf32>,
          tpu.vector_store %arg5[%swap3A_410, %swap3A_411], %get3A_260 {add = true, strides = array<i32>} : memref<321x256xf32, #tpu.memory_space<vmem>>, vector<16xf32>,
          %swap3A_413 = arith.index_cast %squeeze3A : i32 to index
          %swap3A_414 = arith.constant 112 : index
          %swap3A_415 = tpu.vector_load %arg5[%swap3A_413, %swap3A_414] {strides = array<i32>} : memref<321x256xf32, #tpu.memory_space<vmem>>, vector<16xf32>,
          tpu.vector_store %arg5[%swap3A_413, %swap3A_414], %get3A_264 {add = true, strides = array<i32>} : memref<321x256xf32, #tpu.memory_space<vmem>>, vector<16xf32>,
          %swap3A_416 = arith.index_cast %squeeze3A : i32 to index
          %swap3A_417 = arith.constant 128 : index
          %swap3A_418 = tpu.vector_load %arg5[%swap3A_416, %swap3A_417] {strides = array<i32>} : memref<321x256xf32, #tpu.memory_space<vmem>>, vector<16xf32>,
          tpu.vector_store %arg5[%swap3A_416, %swap3A_417], %get3A_268 {add = true, strides = array<i32>} : memref<321x256xf32, #tpu.memory_space<vmem>>, vector<16xf32>,
          %swap3A_419 = arith.index_cast %squeeze3A : i32 to index
          %swap3A_420 = arith.constant 144 : index
          %swap3A_421 = tpu.vector_load %arg5[%swap3A_419, %swap3A_420] {strides = array<i32>} : memref<321x256xf32, #tpu.memory_space<vmem>>, vector<16xf32>,
          tpu.vector_store %arg5[%swap3A_419, %swap3A_420], %get3A_272 {add = true, strides = array<i32>} : memref<321x256xf32, #tpu.memory_space<vmem>>, vector<16xf32>,
          %swap3A_422 = arith.index_cast %squeeze3A : i32 to index
          %swap3A_423 = arith.constant 160 : index
          %swap3A_424 = tpu.vector_load %arg5[%swap3A_422, %swap3A_423] {strides = array<i32>} : memref<321x256xf32, #tpu.memory_space<vmem>>, vector<16xf32>,
          tpu.vector_store %arg5[%swap3A_422, %swap3A_423], %get3A_276 {add = true, strides = array<i32>} : memref<321x256xf32, #tpu.memory_space<vmem>>, vector<16xf32>,
          %swap3A_425 = arith.index_cast %squeeze3A : i32 to index
          %swap3A_426 = arith.constant 176 : index
          %swap3A_427 = tpu.vector_load %arg5[%swap3A_425, %swap3A_426] {strides = array<i32>} : memref<321x256xf32, #tpu.memory_space<vmem>>, vector<16xf32>,
          tpu.vector_store %arg5[%swap3A_425, %swap3A_426], %get3A_280 {add = true, strides = array<i32>} : memref<321x256xf32, #tpu.memory_space<vmem>>, vector<16xf32>,
          %swap3A_428 = arith.index_cast %squeeze3A : i32 to index
          %swap3A_429 = arith.constant 192 : index
          %swap3A_430 = tpu.vector_load %arg5[%swap3A_428, %swap3A_429] {strides = array<i32>} : memref<321x256xf32, #tpu.memory_space<vmem>>, vector<16xf32>,
          tpu.vector_store %arg5[%swap3A_428, %swap3A_429], %get3A_284 {add = true, strides = array<i32>} : memref<321x256xf32, #tpu.memory_space<vmem>>, vector<16xf32>,
          %swap3A_431 = arith.index_cast %squeeze3A : i32 to index
          %swap3A_432 = arith.constant 208 : index
          %swap3A_433 = tpu.vector_load %arg5[%swap3A_431, %swap3A_432] {strides = array<i32>} : memref<321x256xf32, #tpu.memory_space<vmem>>, vector<16xf32>,
          tpu.vector_store %arg5[%swap3A_431, %swap3A_432], %get3A_288 {add = true, strides = array<i32>} : memref<321x256xf32, #tpu.memory_space<vmem>>, vector<16xf32>,
          %swap3A_434 = arith.index_cast %squeeze3A : i32 to index
          %swap3A_435 = arith.constant 224 : index
          %swap3A_436 = tpu.vector_load %arg5[%swap3A_434, %swap3A_435] {strides = array<i32>} : memref<321x256xf32, #tpu.memory_space<vmem>>, vector<16xf32>,
          tpu.vector_store %arg5[%swap3A_434, %swap3A_435], %get3A_292 {add = true, strides = array<i32>} : memref<321x256xf32, #tpu.memory_space<vmem>>, vector<16xf32>,
          %swap3A_437 = arith.index_cast %squeeze3A : i32 to index
          %swap3A_438 = arith.constant 240 : index
          %swap3A_439 = tpu.vector_load %arg5[%swap3A_437, %swap3A_438] {strides = array<i32>} : memref<321x256xf32, #tpu.memory_space<vmem>>, vector<16xf32>,
          tpu.vector_store %arg5[%swap3A_437, %swap3A_438], %get3A_296 {add = true, strides = array<i32>} : memref<321x256xf32, #tpu.memory_space<vmem>>, vector<16xf32>,
          %swap3A_440 = arith.index_cast %squeeze3A_232 : i32 to index
          %swap3A_441 = arith.constant 0 : index
          %swap3A_442 = tpu.vector_load %arg5[%swap3A_440, %swap3A_441] {strides = array<i32>} : memref<321x256xf32, #tpu.memory_space<vmem>>, vector<16xf32>,
          tpu.vector_store %arg5[%swap3A_440, %swap3A_441], %get3A_302 {add = true, strides = array<i32>} : memref<321x256xf32, #tpu.memory_space<vmem>>, vector<16xf32>,
          %swap3A_443 = arith.index_cast %squeeze3A_232 : i32 to index
          %swap3A_444 = arith.constant 16 : index
          %swap3A_445 = tpu.vector_load %arg5[%swap3A_443, %swap3A_444] {strides = array<i32>} : memref<321x256xf32, #tpu.memory_space<vmem>>, vector<16xf32>,
          tpu.vector_store %arg5[%swap3A_443, %swap3A_444], %get3A_308 {add = true, strides = array<i32>} : memref<321x256xf32, #tpu.memory_space<vmem>>, vector<16xf32>,
          %swap3A_446 = arith.index_cast %squeeze3A_232 : i32 to index
          %swap3A_447 = arith.constant 32 : index
          %swap3A_448 = tpu.vector_load %arg5[%swap3A_446, %swap3A_447] {strides = array<i32>} : memref<321x256xf32, #tpu.memory_space<vmem>>, vector<16xf32>,
          tpu.vector_store %arg5[%swap3A_446, %swap3A_447], %get3A_314 {add = true, strides = array<i32>} : memref<321x256xf32, #tpu.memory_space<vmem>>, vector<16xf32>,
          %swap3A_449 = arith.index_cast %squeeze3A_232 : i32 to index
          %swap3A_450 = arith.constant 48 : index
          %swap3A_451 = tpu.vector_load %arg5[%swap3A_449, %swap3A_450] {strides = array<i32>} : memref<321x256xf32, #tpu.memory_space<vmem>>, vector<16xf32>,
          tpu.vector_store %arg5[%swap3A_449, %swap3A_450], %get3A_320 {add = true, strides = array<i32>} : memref<321x256xf32, #tpu.memory_space<vmem>>, vector<16xf32>,
          %swap3A_452 = arith.index_cast %squeeze3A_232 : i32 to index
          %swap3A_453 = arith.constant 64 : index
          %swap3A_454 = tpu.vector_load %arg5[%swap3A_452, %swap3A_453] {strides = array<i32>} : memref<321x256xf32, #tpu.memory_space<vmem>>, vector<16xf32>,
          tpu.vector_store %arg5[%swap3A_452, %swap3A_453], %get3A_326 {add = true, strides = array<i32>} : memref<321x256xf32, #tpu.memory_space<vmem>>, vector<16xf32>,
          %swap3A_455 = arith.index_cast %squeeze3A_232 : i32 to index
          %swap3A_456 = arith.constant 80 : index
          %swap3A_457 = tpu.vector_load %arg5[%swap3A_455, %swap3A_456] {strides = array<i32>} : memref<321x256xf32, #tpu.memory_space<vmem>>, vector<16xf32>,
          tpu.vector_store %arg5[%swap3A_455, %swap3A_456], %get3A_332 {add = true, strides = array<i32>} : memref<321x256xf32, #tpu.memory_space<vmem>>, vector<16xf32>,
          %swap3A_458 = arith.index_cast %squeeze3A_232 : i32 to index
          %swap3A_459 = arith.constant 96 : index
          %swap3A_460 = tpu.vector_load %arg5[%swap3A_458, %swap3A_459] {strides = array<i32>} : memref<321x256xf32, #tpu.memory_space<vmem>>, vector<16xf32>,
          tpu.vector_store %arg5[%swap3A_458, %swap3A_459], %get3A_338 {add = true, strides = array<i32>} : memref<321x256xf32, #tpu.memory_space<vmem>>, vector<16xf32>,
          %swap3A_461 = arith.index_cast %squeeze3A_232 : i32 to index
          %swap3A_462 = arith.constant 112 : index
          %swap3A_463 = tpu.vector_load %arg5[%swap3A_461, %swap3A_462] {strides = array<i32>} : memref<321x256xf32, #tpu.memory_space<vmem>>, vector<16xf32>,
          tpu.vector_store %arg5[%swap3A_461, %swap3A_462], %get3A_344 {add = true, strides = array<i32>} : memref<321x256xf32, #tpu.memory_space<vmem>>, vector<16xf32>,
          %swap3A_464 = arith.index_cast %squeeze3A_232 : i32 to index
          %swap3A_465 = arith.constant 128 : index
          %swap3A_466 = tpu.vector_load %arg5[%swap3A_464, %swap3A_465] {strides = array<i32>} : memref<321x256xf32, #tpu.memory_space<vmem>>, vector<16xf32>,
          tpu.vector_store %arg5[%swap3A_464, %swap3A_465], %get3A_350 {add = true, strides = array<i32>} : memref<321x256xf32, #tpu.memory_space<vmem>>, vector<16xf32>,
          %swap3A_467 = arith.index_cast %squeeze3A_232 : i32 to index
          %swap3A_468 = arith.constant 144 : index
          %swap3A_469 = tpu.vector_load %arg5[%swap3A_467, %swap3A_468] {strides = array<i32>} : memref<321x256xf32, #tpu.memory_space<vmem>>, vector<16xf32>,
          tpu.vector_store %arg5[%swap3A_467, %swap3A_468], %get3A_356 {add = true, strides = array<i32>} : memref<321x256xf32, #tpu.memory_space<vmem>>, vector<16xf32>,
          %swap3A_470 = arith.index_cast %squeeze3A_232 : i32 to index
          %swap3A_471 = arith.constant 160 : index
          %swap3A_472 = tpu.vector_load %arg5[%swap3A_470, %swap3A_471] {strides = array<i32>} : memref<321x256xf32, #tpu.memory_space<vmem>>, vector<16xf32>,
          tpu.vector_store %arg5[%swap3A_470, %swap3A_471], %get3A_362 {add = true, strides = array<i32>} : memref<321x256xf32, #tpu.memory_space<vmem>>, vector<16xf32>,
          %swap3A_473 = arith.index_cast %squeeze3A_232 : i32 to index
          %swap3A_474 = arith.constant 176 : index
          %swap3A_475 = tpu.vector_load %arg5[%swap3A_473, %swap3A_474] {strides = array<i32>} : memref<321x256xf32, #tpu.memory_space<vmem>>, vector<16xf32>,
          tpu.vector_store %arg5[%swap3A_473, %swap3A_474], %get3A_368 {add = true, strides = array<i32>} : memref<321x256xf32, #tpu.memory_space<vmem>>, vector<16xf32>,
          %swap3A_476 = arith.index_cast %squeeze3A_232 : i32 to index
          %swap3A_477 = arith.constant 192 : index
          %swap3A_478 = tpu.vector_load %arg5[%swap3A_476, %swap3A_477] {strides = array<i32>} : memref<321x256xf32, #tpu.memory_space<vmem>>, vector<16xf32>,
          tpu.vector_store %arg5[%swap3A_476, %swap3A_477], %get3A_374 {add = true, strides = array<i32>} : memref<321x256xf32, #tpu.memory_space<vmem>>, vector<16xf32>,
          %swap3A_479 = arith.index_cast %squeeze3A_232 : i32 to index
          %swap3A_480 = arith.constant 208 : index
          %swap3A_481 = tpu.vector_load %arg5[%swap3A_479, %swap3A_480] {strides = array<i32>} : memref<321x256xf32, #tpu.memory_space<vmem>>, vector<16xf32>,
          tpu.vector_store %arg5[%swap3A_479, %swap3A_480], %get3A_380 {add = true, strides = array<i32>} : memref<321x256xf32, #tpu.memory_space<vmem>>, vector<16xf32>,
          %swap3A_482 = arith.index_cast %squeeze3A_232 : i32 to index
          %swap3A_483 = arith.constant 224 : index
          %swap3A_484 = tpu.vector_load %arg5[%swap3A_482, %swap3A_483] {strides = array<i32>} : memref<321x256xf32, #tpu.memory_space<vmem>>, vector<16xf32>,
          tpu.vector_store %arg5[%swap3A_482, %swap3A_483], %get3A_386 {add = true, strides = array<i32>} : memref<321x256xf32, #tpu.memory_space<vmem>>, vector<16xf32>,
          %swap3A_485 = arith.index_cast %squeeze3A_232 : i32 to index
          %swap3A_486 = arith.constant 240 : index
          %swap3A_487 = tpu.vector_load %arg5[%swap3A_485, %swap3A_486] {strides = array<i32>} : memref<321x256xf32, #tpu.memory_space<vmem>>, vector<16xf32>,
          tpu.vector_store %arg5[%swap3A_485, %swap3A_486], %get3A_392 {add = true, strides = array<i32>} : memref<321x256xf32, #tpu.memory_space<vmem>>, vector<16xf32>,
        }
        %scan3A_223 = arith.constant 32 : i32
      }
      %jit3A_99 = arith.constant 64 : i32
      %div3A_100 = arith.divsi %scan3A_80, %jit3A_99 : i32
      %sign3A = arith.constant 0 : i32
      %sign3A_101 = arith.cmpi sgt, %scan3A_80, %sign3A : i32
      %sign3A_102 = arith.extui %sign3A_101 : i1 to i32
      %sign3A_103 = arith.constant 0 : i32
      %sign3A_104 = arith.cmpi slt, %scan3A_80, %sign3A_103 : i32
      %sign3A_105 = arith.extui %sign3A_104 : i1 to i32
      %sign3A_106 = arith.subi %sign3A_102, %sign3A_105 : i32
      %sign3A_107 = arith.constant 0 : i32
      %sign3A_108 = arith.cmpi sgt, %jit3A_99, %sign3A_107 : i32
      %sign3A_109 = arith.extui %sign3A_108 : i1 to i32
      %sign3A_110 = arith.constant 0 : i32
      %sign3A_111 = arith.cmpi slt, %jit3A_99, %sign3A_110 : i32
      %sign3A_112 = arith.extui %sign3A_111 : i1 to i32
      %sign3A_113 = arith.subi %sign3A_109, %sign3A_112 : i32
      %ne3A_114 = arith.cmpi ne, %sign3A_106, %sign3A_113 : i32
      %rem3A_115 = arith.remsi %scan3A_80, %jit3A_99 : i32
      %ne3A_116 = arith.constant 0 : i32
      %ne3A_117 = arith.cmpi ne, %rem3A_115, %ne3A_116 : i32
      %and3A_118 = arith.andi %ne3A_114, %ne3A_117 : i1
      %sub3A_119 = arith.constant 1 : i32
      %sub3A_120 = arith.subi %div3A_100, %sub3A_119 : i32
      %select_n3A_121 = arith.select %and3A_118, %sub3A_120, %div3A_100 : i32
      %sub3A_122 = arith.subi %select_n3A_121, %scan3A_45 : i32
      %sub3A_123 = arith.constant 2 : i32
      %sub3A_124 = arith.subi %sub3A_122, %sub3A_123 : i32
      %max3A = arith.constant 0 : i32
      %max3A_125 = arith.maxsi %sub3A_124, %max3A : i32
      %add3A_126 = arith.addi %scan3A_45, %max3A_125 : i32
      %sub3A_127 = arith.subi %add3A_126, %scan3A_45 : i32
      %sub3A_128 = arith.constant 1 : i32
      %sub3A_129 = arith.constant 1 : i32
      %sub3A_130 = arith.subi %sub3A_128, %sub3A_129 : i32
      %add3A_131 = arith.addi %sub3A_127, %sub3A_130 : i32
      %div3A_132 = arith.constant 1 : i32
      %div3A_133 = arith.divsi %add3A_131, %div3A_132 : i32
      %while3A_134 = arith.constant 1 : i32
      %while3A_135 = arith.constant 0 : i32
      %while3A_136 = arith.subi %div3A_133, %while3A_135 : i32
      %while3A_137 = arith.addi %while3A_135, %while3A_136 : i32
      %while3A_138 = arith.constant 1 : i32
      %while3A_139 = arith.divsi %while3A_136, %while3A_138 : i32
      %while3A_140 = arith.muli %while3A_139, %while3A_138 : i32
      %while3A_141 = arith.addi %while3A_135, %while3A_140 : i32
      %while3A_142 = arith.constant 1 : i32
      scf.for %while3A_166 = %while3A_135 to %while3A_141 step %while3A_142  : i32 {
        %mul3A_167 = arith.muli %while3A_166, %while3A_134 : i32
        %add3A_168 = arith.addi %scan3A_45, %mul3A_167 : i32
        %mul3A_169 = arith.constant 64 : i32
        %mul3A_170 = arith.muli %add3A_168, %mul3A_169 : i32
        %and3A_171 = arith.constant 2047 : i32
        %and3A_172 = arith.andi %mul3A_170, %and3A_171 : i32
        %jit3A_173 = arith.constant 2 : i32
        %eq3A_174 = arith.constant 0 : i32
        %eq3A_175 = arith.cmpi eq, %jit3A_173, %eq3A_174 : i32
        %jit3A_176 = arith.constant 1 : i32
        %select_n3A_177 = arith.select %eq3A_175, %jit3A_176, %jit3A_173 : i32
        %rem3A_178 = arith.remsi %add3A_168, %select_n3A_177 : i32
        %ne3A_179 = arith.constant 0 : i32
        %ne3A_180 = arith.cmpi ne, %rem3A_178, %ne3A_179 : i32
        %lt3A_181 = arith.constant 0 : i32
        %lt3A_182 = arith.cmpi slt, %rem3A_178, %lt3A_181 : i32
        %lt3A_183 = arith.constant 0 : i32
        %lt3A_184 = arith.cmpi slt, %select_n3A_177, %lt3A_183 : i32
        %ne3A_185 = arith.xori %lt3A_182, %lt3A_184 : i1
        %and3A_186 = arith.andi %ne3A_185, %ne3A_180 : i1
        %add3A_187 = arith.addi %rem3A_178, %select_n3A_177 : i32
        %select_n3A_188 = arith.select %and3A_186, %add3A_187, %rem3A_178 : i32
        %multiple_of3A = tpu.assume_multiple %and3A_172, 64 : i32
        %dma_start3A_189 = arith.constant 0 : i32
        %dma_start3A_190 = arith.constant 0 : i32
        %dma_start3A_191 = tpu.memref_slice %arg6[%select_n3A_188, %dma_start3A_189, %dma_start3A_190] : memref<2x64x256xf32, #tpu.memory_space<vmem>> -> memref<1x64x256xf32, #tpu.memory_space<vmem>>
        %dma_start3A_192 = tpu.memref_squeeze %dma_start3A_191 : memref<1x64x256xf32, #tpu.memory_space<vmem>> -> memref<64x256xf32, #tpu.memory_space<vmem>>
        %dma_start3A_193 = tpu.memref_slice %arg8[%multiple_of3A] : memref<2064xi32, #tpu.memory_space<vmem>> -> memref<64xi32, #tpu.memory_space<vmem>>
        %dma_start3A_194 = arith.constant 0 : i32
        %dma_start3A_195 = arith.constant 0 : i32
        %dma_start3A_196 = tpu.memref_slice %arg2[%dma_start3A_194, %dma_start3A_195] : memref<10000x256xf32, #tpu.memory_space<hbm>> -> memref<10000x256xf32, #tpu.memory_space<hbm>>
        tpu.enqueue_indirect_dma source(%dma_start3A_196 : memref<10000x256xf32, #tpu.memory_space<hbm>>) target(%dma_start3A_192 : memref<64x256xf32, #tpu.memory_space<vmem>>) offsets(%dma_start3A_193 : memref<64xi32, #tpu.memory_space<vmem>>) semaphore(%arg11 : memref<!tpu.dma_semaphore, #tpu.memory_space<semaphore_mem>>)
        %jit3A_197 = arith.constant 2 : i32
        %eq3A_198 = arith.constant 0 : i32
        %eq3A_199 = arith.cmpi eq, %jit3A_197, %eq3A_198 : i32
        %jit3A_200 = arith.constant 1 : i32
        %select_n3A_201 = arith.select %eq3A_199, %jit3A_200, %jit3A_197 : i32
        %rem3A_202 = arith.remsi %add3A_168, %select_n3A_201 : i32
        %ne3A_203 = arith.constant 0 : i32
        %ne3A_204 = arith.cmpi ne, %rem3A_202, %ne3A_203 : i32
        %lt3A_205 = arith.constant 0 : i32
        %lt3A_206 = arith.cmpi slt, %rem3A_202, %lt3A_205 : i32
        %lt3A_207 = arith.constant 0 : i32
        %lt3A_208 = arith.cmpi slt, %select_n3A_201, %lt3A_207 : i32
        %ne3A_209 = arith.xori %lt3A_206, %lt3A_208 : i1
        %and3A_210 = arith.andi %ne3A_209, %ne3A_204 : i1
        %add3A_211 = arith.addi %rem3A_202, %select_n3A_201 : i32
        %select_n3A_212 = arith.select %and3A_210, %add3A_211, %rem3A_202 : i32
        %dma_wait3A_213 = arith.constant 0 : i32
        %dma_wait3A_214 = arith.constant 0 : i32
        %dma_wait3A_215 = tpu.memref_slice %arg6[%select_n3A_212, %dma_wait3A_213, %dma_wait3A_214] : memref<2x64x256xf32, #tpu.memory_space<vmem>> -> memref<1x64x256xf32, #tpu.memory_space<vmem>>
        %dma_wait3A_216 = tpu.memref_squeeze %dma_wait3A_215 : memref<1x64x256xf32, #tpu.memory_space<vmem>> -> memref<64x256xf32, #tpu.memory_space<vmem>>
        %dma_wait3A_217 = arith.constant 0 : i32
        %dma_wait3A_218 = arith.constant 0 : i32
        %dma_wait3A_219 = tpu.memref_slice %arg2[%dma_wait3A_217, %dma_wait3A_218] : memref<10000x256xf32, #tpu.memory_space<hbm>> -> memref<64x256xf32, #tpu.memory_space<hbm>>
        %dma_wait3A_220 = arith.constant 0 : i32
        %dma_wait3A_221 = arith.constant 0 : i32
        %dma_wait3A_222 = tpu.memref_slice %arg6[%select_n3A_212, %dma_wait3A_220, %dma_wait3A_221] : memref<2x64x256xf32, #tpu.memory_space<vmem>> -> memref<1x64x256xf32, #tpu.memory_space<vmem>>
        %dma_wait3A_223 = tpu.memref_squeeze %dma_wait3A_222 : memref<1x64x256xf32, #tpu.memory_space<vmem>> -> memref<64x256xf32, #tpu.memory_space<vmem>>
        %dma_wait3A_224 = arith.constant 0 : i32
        %dma_wait3A_225 = arith.constant 0 : i32
        %dma_wait3A_226 = tpu.memref_slice %arg2[%dma_wait3A_224, %dma_wait3A_225] : memref<10000x256xf32, #tpu.memory_space<hbm>> -> memref<64x256xf32, #tpu.memory_space<hbm>>
        tpu.wait_dma2 semaphore(%arg11 : memref<!tpu.dma_semaphore, #tpu.memory_space<semaphore_mem>>) src(%dma_wait3A_226 : memref<64x256xf32, #tpu.memory_space<hbm>>) dst(%dma_wait3A_223 : memref<64x256xf32, #tpu.memory_space<vmem>>)
        %mul3A_227 = arith.constant 64 : i32
        %mul3A_228 = arith.muli %add3A_168, %mul3A_227 : i32
        %and3A_229 = arith.constant 2047 : i32
        %and3A_230 = arith.andi %mul3A_228, %and3A_229 : i32
        %jit3A_231 = arith.constant 2 : i32
        %eq3A_232 = arith.constant 0 : i32
        %eq3A_233 = arith.cmpi eq, %jit3A_231, %eq3A_232 : i32
        %jit3A_234 = arith.constant 1 : i32
        %select_n3A_235 = arith.select %eq3A_233, %jit3A_234, %jit3A_231 : i32
        %rem3A_236 = arith.remsi %add3A_168, %select_n3A_235 : i32
        %ne3A_237 = arith.constant 0 : i32
        %ne3A_238 = arith.cmpi ne, %rem3A_236, %ne3A_237 : i32
        %lt3A_239 = arith.constant 0 : i32
        %lt3A_240 = arith.cmpi slt, %rem3A_236, %lt3A_239 : i32
        %lt3A_241 = arith.constant 0 : i32
        %lt3A_242 = arith.cmpi slt, %select_n3A_235, %lt3A_241 : i32
        %ne3A_243 = arith.xori %lt3A_240, %lt3A_242 : i1
        %and3A_244 = arith.andi %ne3A_243, %ne3A_238 : i1
        %add3A_245 = arith.addi %rem3A_236, %select_n3A_235 : i32
        %select_n3A_246 = arith.select %and3A_244, %add3A_245, %rem3A_236 : i32
        %scan3A_247 = arith.constant 0 : i32
        %scan3A_248 = arith.constant 32 : i32
        %scan3A_249 = arith.addi %scan3A_247, %scan3A_248 : i32
        %scan3A_250 = arith.constant 1 : i32
        scf.for %scan3A_252 = %scan3A_247 to %scan3A_249 step %scan3A_250  : i32 {
          %mul3A_253 = arith.constant 2 : i32
          %mul3A_254 = arith.muli %scan3A_252, %mul3A_253 : i32
          %add3A_255 = arith.constant 0 : i32
          %add3A_256 = arith.addi %add3A_255, %mul3A_254 : i32
          %add3A_257 = arith.addi %and3A_230, %add3A_256 : i32
          %get3A = arith.index_cast %add3A_257 : i32 to index
          %get3A_258 = tpu.vector_load %arg9[%get3A] {strides = array<i32>} : memref<2064xi32, #tpu.memory_space<vmem>>, vector<16xi32>,
          %slice3A = vector.extract_strided_slice %get3A_258 {offsets = [0], sizes = [1], strides = [1]} : vector<16xi32> to vector<1xi32>
          %squeeze3A = vector.extract %slice3A[0] : i32 from vector<1xi32>
          %slice3A_259 = vector.extract_strided_slice %get3A_258 {offsets = [1], sizes = [1], strides = [1]} : vector<16xi32> to vector<1xi32>
          %squeeze3A_260 = vector.extract %slice3A_259[0] : i32 from vector<1xi32>
          %get3A_261 = arith.index_cast %select_n3A_246 : i32 to index
          %get3A_262 = arith.index_cast %add3A_256 : i32 to index
          %get3A_263 = arith.constant 0 : index
          %get3A_264 = tpu.vector_load %arg6[%get3A_261, %get3A_262, %get3A_263] {strides = array<i32>} : memref<2x64x256xf32, #tpu.memory_space<vmem>>, vector<16xf32>,
          %get3A_265 = arith.index_cast %select_n3A_246 : i32 to index
          %get3A_266 = arith.index_cast %add3A_256 : i32 to index
          %get3A_267 = arith.constant 16 : index
          %get3A_268 = tpu.vector_load %arg6[%get3A_265, %get3A_266, %get3A_267] {strides = array<i32>} : memref<2x64x256xf32, #tpu.memory_space<vmem>>, vector<16xf32>,
          %get3A_269 = arith.index_cast %select_n3A_246 : i32 to index
          %get3A_270 = arith.index_cast %add3A_256 : i32 to index
          %get3A_271 = arith.constant 32 : index
          %get3A_272 = tpu.vector_load %arg6[%get3A_269, %get3A_270, %get3A_271] {strides = array<i32>} : memref<2x64x256xf32, #tpu.memory_space<vmem>>, vector<16xf32>,
          %get3A_273 = arith.index_cast %select_n3A_246 : i32 to index
          %get3A_274 = arith.index_cast %add3A_256 : i32 to index
          %get3A_275 = arith.constant 48 : index
          %get3A_276 = tpu.vector_load %arg6[%get3A_273, %get3A_274, %get3A_275] {strides = array<i32>} : memref<2x64x256xf32, #tpu.memory_space<vmem>>, vector<16xf32>,
          %get3A_277 = arith.index_cast %select_n3A_246 : i32 to index
          %get3A_278 = arith.index_cast %add3A_256 : i32 to index
          %get3A_279 = arith.constant 64 : index
          %get3A_280 = tpu.vector_load %arg6[%get3A_277, %get3A_278, %get3A_279] {strides = array<i32>} : memref<2x64x256xf32, #tpu.memory_space<vmem>>, vector<16xf32>,
          %get3A_281 = arith.index_cast %select_n3A_246 : i32 to index
          %get3A_282 = arith.index_cast %add3A_256 : i32 to index
          %get3A_283 = arith.constant 80 : index
          %get3A_284 = tpu.vector_load %arg6[%get3A_281, %get3A_282, %get3A_283] {strides = array<i32>} : memref<2x64x256xf32, #tpu.memory_space<vmem>>, vector<16xf32>,
          %get3A_285 = arith.index_cast %select_n3A_246 : i32 to index
          %get3A_286 = arith.index_cast %add3A_256 : i32 to index
          %get3A_287 = arith.constant 96 : index
          %get3A_288 = tpu.vector_load %arg6[%get3A_285, %get3A_286, %get3A_287] {strides = array<i32>} : memref<2x64x256xf32, #tpu.memory_space<vmem>>, vector<16xf32>,
          %get3A_289 = arith.index_cast %select_n3A_246 : i32 to index
          %get3A_290 = arith.index_cast %add3A_256 : i32 to index
          %get3A_291 = arith.constant 112 : index
          %get3A_292 = tpu.vector_load %arg6[%get3A_289, %get3A_290, %get3A_291] {strides = array<i32>} : memref<2x64x256xf32, #tpu.memory_space<vmem>>, vector<16xf32>,
          %get3A_293 = arith.index_cast %select_n3A_246 : i32 to index
          %get3A_294 = arith.index_cast %add3A_256 : i32 to index
          %get3A_295 = arith.constant 128 : index
          %get3A_296 = tpu.vector_load %arg6[%get3A_293, %get3A_294, %get3A_295] {strides = array<i32>} : memref<2x64x256xf32, #tpu.memory_space<vmem>>, vector<16xf32>,
          %get3A_297 = arith.index_cast %select_n3A_246 : i32 to index
          %get3A_298 = arith.index_cast %add3A_256 : i32 to index
          %get3A_299 = arith.constant 144 : index
          %get3A_300 = tpu.vector_load %arg6[%get3A_297, %get3A_298, %get3A_299] {strides = array<i32>} : memref<2x64x256xf32, #tpu.memory_space<vmem>>, vector<16xf32>,
          %get3A_301 = arith.index_cast %select_n3A_246 : i32 to index
          %get3A_302 = arith.index_cast %add3A_256 : i32 to index
          %get3A_303 = arith.constant 160 : index
          %get3A_304 = tpu.vector_load %arg6[%get3A_301, %get3A_302, %get3A_303] {strides = array<i32>} : memref<2x64x256xf32, #tpu.memory_space<vmem>>, vector<16xf32>,
          %get3A_305 = arith.index_cast %select_n3A_246 : i32 to index
          %get3A_306 = arith.index_cast %add3A_256 : i32 to index
          %get3A_307 = arith.constant 176 : index
          %get3A_308 = tpu.vector_load %arg6[%get3A_305, %get3A_306, %get3A_307] {strides = array<i32>} : memref<2x64x256xf32, #tpu.memory_space<vmem>>, vector<16xf32>,
          %get3A_309 = arith.index_cast %select_n3A_246 : i32 to index
          %get3A_310 = arith.index_cast %add3A_256 : i32 to index
          %get3A_311 = arith.constant 192 : index
          %get3A_312 = tpu.vector_load %arg6[%get3A_309, %get3A_310, %get3A_311] {strides = array<i32>} : memref<2x64x256xf32, #tpu.memory_space<vmem>>, vector<16xf32>,
          %get3A_313 = arith.index_cast %select_n3A_246 : i32 to index
          %get3A_314 = arith.index_cast %add3A_256 : i32 to index
          %get3A_315 = arith.constant 208 : index
          %get3A_316 = tpu.vector_load %arg6[%get3A_313, %get3A_314, %get3A_315] {strides = array<i32>} : memref<2x64x256xf32, #tpu.memory_space<vmem>>, vector<16xf32>,
          %get3A_317 = arith.index_cast %select_n3A_246 : i32 to index
          %get3A_318 = arith.index_cast %add3A_256 : i32 to index
          %get3A_319 = arith.constant 224 : index
          %get3A_320 = tpu.vector_load %arg6[%get3A_317, %get3A_318, %get3A_319] {strides = array<i32>} : memref<2x64x256xf32, #tpu.memory_space<vmem>>, vector<16xf32>,
          %get3A_321 = arith.index_cast %select_n3A_246 : i32 to index
          %get3A_322 = arith.index_cast %add3A_256 : i32 to index
          %get3A_323 = arith.constant 240 : index
          %get3A_324 = tpu.vector_load %arg6[%get3A_321, %get3A_322, %get3A_323] {strides = array<i32>} : memref<2x64x256xf32, #tpu.memory_space<vmem>>, vector<16xf32>,
          %add3A_325 = arith.constant 1 : i32
          %add3A_326 = arith.addi %add3A_256, %add3A_325 : i32
          %get3A_327 = arith.index_cast %select_n3A_246 : i32 to index
          %get3A_328 = arith.index_cast %add3A_326 : i32 to index
          %get3A_329 = arith.constant 0 : index
          %get3A_330 = tpu.vector_load %arg6[%get3A_327, %get3A_328, %get3A_329] {strides = array<i32>} : memref<2x64x256xf32, #tpu.memory_space<vmem>>, vector<16xf32>,
          %add3A_331 = arith.constant 1 : i32
          %add3A_332 = arith.addi %add3A_256, %add3A_331 : i32
          %get3A_333 = arith.index_cast %select_n3A_246 : i32 to index
          %get3A_334 = arith.index_cast %add3A_332 : i32 to index
          %get3A_335 = arith.constant 16 : index
          %get3A_336 = tpu.vector_load %arg6[%get3A_333, %get3A_334, %get3A_335] {strides = array<i32>} : memref<2x64x256xf32, #tpu.memory_space<vmem>>, vector<16xf32>,
          %add3A_337 = arith.constant 1 : i32
          %add3A_338 = arith.addi %add3A_256, %add3A_337 : i32
          %get3A_339 = arith.index_cast %select_n3A_246 : i32 to index
          %get3A_340 = arith.index_cast %add3A_338 : i32 to index
          %get3A_341 = arith.constant 32 : index
          %get3A_342 = tpu.vector_load %arg6[%get3A_339, %get3A_340, %get3A_341] {strides = array<i32>} : memref<2x64x256xf32, #tpu.memory_space<vmem>>, vector<16xf32>,
          %add3A_343 = arith.constant 1 : i32
          %add3A_344 = arith.addi %add3A_256, %add3A_343 : i32
          %get3A_345 = arith.index_cast %select_n3A_246 : i32 to index
          %get3A_346 = arith.index_cast %add3A_344 : i32 to index
          %get3A_347 = arith.constant 48 : index
          %get3A_348 = tpu.vector_load %arg6[%get3A_345, %get3A_346, %get3A_347] {strides = array<i32>} : memref<2x64x256xf32, #tpu.memory_space<vmem>>, vector<16xf32>,
          %add3A_349 = arith.constant 1 : i32
          %add3A_350 = arith.addi %add3A_256, %add3A_349 : i32
          %get3A_351 = arith.index_cast %select_n3A_246 : i32 to index
          %get3A_352 = arith.index_cast %add3A_350 : i32 to index
          %get3A_353 = arith.constant 64 : index
          %get3A_354 = tpu.vector_load %arg6[%get3A_351, %get3A_352, %get3A_353] {strides = array<i32>} : memref<2x64x256xf32, #tpu.memory_space<vmem>>, vector<16xf32>,
          %add3A_355 = arith.constant 1 : i32
          %add3A_356 = arith.addi %add3A_256, %add3A_355 : i32
          %get3A_357 = arith.index_cast %select_n3A_246 : i32 to index
          %get3A_358 = arith.index_cast %add3A_356 : i32 to index
          %get3A_359 = arith.constant 80 : index
          %get3A_360 = tpu.vector_load %arg6[%get3A_357, %get3A_358, %get3A_359] {strides = array<i32>} : memref<2x64x256xf32, #tpu.memory_space<vmem>>, vector<16xf32>,
          %add3A_361 = arith.constant 1 : i32
          %add3A_362 = arith.addi %add3A_256, %add3A_361 : i32
          %get3A_363 = arith.index_cast %select_n3A_246 : i32 to index
          %get3A_364 = arith.index_cast %add3A_362 : i32 to index
          %get3A_365 = arith.constant 96 : index
          %get3A_366 = tpu.vector_load %arg6[%get3A_363, %get3A_364, %get3A_365] {strides = array<i32>} : memref<2x64x256xf32, #tpu.memory_space<vmem>>, vector<16xf32>,
          %add3A_367 = arith.constant 1 : i32
          %add3A_368 = arith.addi %add3A_256, %add3A_367 : i32
          %get3A_369 = arith.index_cast %select_n3A_246 : i32 to index
          %get3A_370 = arith.index_cast %add3A_368 : i32 to index
          %get3A_371 = arith.constant 112 : index
          %get3A_372 = tpu.vector_load %arg6[%get3A_369, %get3A_370, %get3A_371] {strides = array<i32>} : memref<2x64x256xf32, #tpu.memory_space<vmem>>, vector<16xf32>,
          %add3A_373 = arith.constant 1 : i32
          %add3A_374 = arith.addi %add3A_256, %add3A_373 : i32
          %get3A_375 = arith.index_cast %select_n3A_246 : i32 to index
          %get3A_376 = arith.index_cast %add3A_374 : i32 to index
          %get3A_377 = arith.constant 128 : index
          %get3A_378 = tpu.vector_load %arg6[%get3A_375, %get3A_376, %get3A_377] {strides = array<i32>} : memref<2x64x256xf32, #tpu.memory_space<vmem>>, vector<16xf32>,
          %add3A_379 = arith.constant 1 : i32
          %add3A_380 = arith.addi %add3A_256, %add3A_379 : i32
          %get3A_381 = arith.index_cast %select_n3A_246 : i32 to index
          %get3A_382 = arith.index_cast %add3A_380 : i32 to index
          %get3A_383 = arith.constant 144 : index
          %get3A_384 = tpu.vector_load %arg6[%get3A_381, %get3A_382, %get3A_383] {strides = array<i32>} : memref<2x64x256xf32, #tpu.memory_space<vmem>>, vector<16xf32>,
          %add3A_385 = arith.constant 1 : i32
          %add3A_386 = arith.addi %add3A_256, %add3A_385 : i32
          %get3A_387 = arith.index_cast %select_n3A_246 : i32 to index
          %get3A_388 = arith.index_cast %add3A_386 : i32 to index
          %get3A_389 = arith.constant 160 : index
          %get3A_390 = tpu.vector_load %arg6[%get3A_387, %get3A_388, %get3A_389] {strides = array<i32>} : memref<2x64x256xf32, #tpu.memory_space<vmem>>, vector<16xf32>,
          %add3A_391 = arith.constant 1 : i32
          %add3A_392 = arith.addi %add3A_256, %add3A_391 : i32
          %get3A_393 = arith.index_cast %select_n3A_246 : i32 to index
          %get3A_394 = arith.index_cast %add3A_392 : i32 to index
          %get3A_395 = arith.constant 176 : index
          %get3A_396 = tpu.vector_load %arg6[%get3A_393, %get3A_394, %get3A_395] {strides = array<i32>} : memref<2x64x256xf32, #tpu.memory_space<vmem>>, vector<16xf32>,
          %add3A_397 = arith.constant 1 : i32
          %add3A_398 = arith.addi %add3A_256, %add3A_397 : i32
          %get3A_399 = arith.index_cast %select_n3A_246 : i32 to index
          %get3A_400 = arith.index_cast %add3A_398 : i32 to index
          %get3A_401 = arith.constant 192 : index
          %get3A_402 = tpu.vector_load %arg6[%get3A_399, %get3A_400, %get3A_401] {strides = array<i32>} : memref<2x64x256xf32, #tpu.memory_space<vmem>>, vector<16xf32>,
          %add3A_403 = arith.constant 1 : i32
          %add3A_404 = arith.addi %add3A_256, %add3A_403 : i32
          %get3A_405 = arith.index_cast %select_n3A_246 : i32 to index
          %get3A_406 = arith.index_cast %add3A_404 : i32 to index
          %get3A_407 = arith.constant 208 : index
          %get3A_408 = tpu.vector_load %arg6[%get3A_405, %get3A_406, %get3A_407] {strides = array<i32>} : memref<2x64x256xf32, #tpu.memory_space<vmem>>, vector<16xf32>,
          %add3A_409 = arith.constant 1 : i32
          %add3A_410 = arith.addi %add3A_256, %add3A_409 : i32
          %get3A_411 = arith.index_cast %select_n3A_246 : i32 to index
          %get3A_412 = arith.index_cast %add3A_410 : i32 to index
          %get3A_413 = arith.constant 224 : index
          %get3A_414 = tpu.vector_load %arg6[%get3A_411, %get3A_412, %get3A_413] {strides = array<i32>} : memref<2x64x256xf32, #tpu.memory_space<vmem>>, vector<16xf32>,
          %add3A_415 = arith.constant 1 : i32
          %add3A_416 = arith.addi %add3A_256, %add3A_415 : i32
          %get3A_417 = arith.index_cast %select_n3A_246 : i32 to index
          %get3A_418 = arith.index_cast %add3A_416 : i32 to index
          %get3A_419 = arith.constant 240 : index
          %get3A_420 = tpu.vector_load %arg6[%get3A_417, %get3A_418, %get3A_419] {strides = array<i32>} : memref<2x64x256xf32, #tpu.memory_space<vmem>>, vector<16xf32>,
          %swap3A = arith.index_cast %squeeze3A : i32 to index
          %swap3A_421 = arith.constant 0 : index
          %swap3A_422 = tpu.vector_load %arg5[%swap3A, %swap3A_421] {strides = array<i32>} : memref<321x256xf32, #tpu.memory_space<vmem>>, vector<16xf32>,
          tpu.vector_store %arg5[%swap3A, %swap3A_421], %get3A_264 {add = true, strides = array<i32>} : memref<321x256xf32, #tpu.memory_space<vmem>>, vector<16xf32>,
          %swap3A_423 = arith.index_cast %squeeze3A : i32 to index
          %swap3A_424 = arith.constant 16 : index
          %swap3A_425 = tpu.vector_load %arg5[%swap3A_423, %swap3A_424] {strides = array<i32>} : memref<321x256xf32, #tpu.memory_space<vmem>>, vector<16xf32>,
          tpu.vector_store %arg5[%swap3A_423, %swap3A_424], %get3A_268 {add = true, strides = array<i32>} : memref<321x256xf32, #tpu.memory_space<vmem>>, vector<16xf32>,
          %swap3A_426 = arith.index_cast %squeeze3A : i32 to index
          %swap3A_427 = arith.constant 32 : index
          %swap3A_428 = tpu.vector_load %arg5[%swap3A_426, %swap3A_427] {strides = array<i32>} : memref<321x256xf32, #tpu.memory_space<vmem>>, vector<16xf32>,
          tpu.vector_store %arg5[%swap3A_426, %swap3A_427], %get3A_272 {add = true, strides = array<i32>} : memref<321x256xf32, #tpu.memory_space<vmem>>, vector<16xf32>,
          %swap3A_429 = arith.index_cast %squeeze3A : i32 to index
          %swap3A_430 = arith.constant 48 : index
          %swap3A_431 = tpu.vector_load %arg5[%swap3A_429, %swap3A_430] {strides = array<i32>} : memref<321x256xf32, #tpu.memory_space<vmem>>, vector<16xf32>,
          tpu.vector_store %arg5[%swap3A_429, %swap3A_430], %get3A_276 {add = true, strides = array<i32>} : memref<321x256xf32, #tpu.memory_space<vmem>>, vector<16xf32>,
          %swap3A_432 = arith.index_cast %squeeze3A : i32 to index
          %swap3A_433 = arith.constant 64 : index
          %swap3A_434 = tpu.vector_load %arg5[%swap3A_432, %swap3A_433] {strides = array<i32>} : memref<321x256xf32, #tpu.memory_space<vmem>>, vector<16xf32>,
          tpu.vector_store %arg5[%swap3A_432, %swap3A_433], %get3A_280 {add = true, strides = array<i32>} : memref<321x256xf32, #tpu.memory_space<vmem>>, vector<16xf32>,
          %swap3A_435 = arith.index_cast %squeeze3A : i32 to index
          %swap3A_436 = arith.constant 80 : index
          %swap3A_437 = tpu.vector_load %arg5[%swap3A_435, %swap3A_436] {strides = array<i32>} : memref<321x256xf32, #tpu.memory_space<vmem>>, vector<16xf32>,
          tpu.vector_store %arg5[%swap3A_435, %swap3A_436], %get3A_284 {add = true, strides = array<i32>} : memref<321x256xf32, #tpu.memory_space<vmem>>, vector<16xf32>,
          %swap3A_438 = arith.index_cast %squeeze3A : i32 to index
          %swap3A_439 = arith.constant 96 : index
          %swap3A_440 = tpu.vector_load %arg5[%swap3A_438, %swap3A_439] {strides = array<i32>} : memref<321x256xf32, #tpu.memory_space<vmem>>, vector<16xf32>,
          tpu.vector_store %arg5[%swap3A_438, %swap3A_439], %get3A_288 {add = true, strides = array<i32>} : memref<321x256xf32, #tpu.memory_space<vmem>>, vector<16xf32>,
          %swap3A_441 = arith.index_cast %squeeze3A : i32 to index
          %swap3A_442 = arith.constant 112 : index
          %swap3A_443 = tpu.vector_load %arg5[%swap3A_441, %swap3A_442] {strides = array<i32>} : memref<321x256xf32, #tpu.memory_space<vmem>>, vector<16xf32>,
          tpu.vector_store %arg5[%swap3A_441, %swap3A_442], %get3A_292 {add = true, strides = array<i32>} : memref<321x256xf32, #tpu.memory_space<vmem>>, vector<16xf32>,
          %swap3A_444 = arith.index_cast %squeeze3A : i32 to index
          %swap3A_445 = arith.constant 128 : index
          %swap3A_446 = tpu.vector_load %arg5[%swap3A_444, %swap3A_445] {strides = array<i32>} : memref<321x256xf32, #tpu.memory_space<vmem>>, vector<16xf32>,
          tpu.vector_store %arg5[%swap3A_444, %swap3A_445], %get3A_296 {add = true, strides = array<i32>} : memref<321x256xf32, #tpu.memory_space<vmem>>, vector<16xf32>,
          %swap3A_447 = arith.index_cast %squeeze3A : i32 to index
          %swap3A_448 = arith.constant 144 : index
          %swap3A_449 = tpu.vector_load %arg5[%swap3A_447, %swap3A_448] {strides = array<i32>} : memref<321x256xf32, #tpu.memory_space<vmem>>, vector<16xf32>,
          tpu.vector_store %arg5[%swap3A_447, %swap3A_448], %get3A_300 {add = true, strides = array<i32>} : memref<321x256xf32, #tpu.memory_space<vmem>>, vector<16xf32>,
          %swap3A_450 = arith.index_cast %squeeze3A : i32 to index
          %swap3A_451 = arith.constant 160 : index
          %swap3A_452 = tpu.vector_load %arg5[%swap3A_450, %swap3A_451] {strides = array<i32>} : memref<321x256xf32, #tpu.memory_space<vmem>>, vector<16xf32>,
          tpu.vector_store %arg5[%swap3A_450, %swap3A_451], %get3A_304 {add = true, strides = array<i32>} : memref<321x256xf32, #tpu.memory_space<vmem>>, vector<16xf32>,
          %swap3A_453 = arith.index_cast %squeeze3A : i32 to index
          %swap3A_454 = arith.constant 176 : index
          %swap3A_455 = tpu.vector_load %arg5[%swap3A_453, %swap3A_454] {strides = array<i32>} : memref<321x256xf32, #tpu.memory_space<vmem>>, vector<16xf32>,
          tpu.vector_store %arg5[%swap3A_453, %swap3A_454], %get3A_308 {add = true, strides = array<i32>} : memref<321x256xf32, #tpu.memory_space<vmem>>, vector<16xf32>,
          %swap3A_456 = arith.index_cast %squeeze3A : i32 to index
          %swap3A_457 = arith.constant 192 : index
          %swap3A_458 = tpu.vector_load %arg5[%swap3A_456, %swap3A_457] {strides = array<i32>} : memref<321x256xf32, #tpu.memory_space<vmem>>, vector<16xf32>,
          tpu.vector_store %arg5[%swap3A_456, %swap3A_457], %get3A_312 {add = true, strides = array<i32>} : memref<321x256xf32, #tpu.memory_space<vmem>>, vector<16xf32>,
          %swap3A_459 = arith.index_cast %squeeze3A : i32 to index
          %swap3A_460 = arith.constant 208 : index
          %swap3A_461 = tpu.vector_load %arg5[%swap3A_459, %swap3A_460] {strides = array<i32>} : memref<321x256xf32, #tpu.memory_space<vmem>>, vector<16xf32>,
          tpu.vector_store %arg5[%swap3A_459, %swap3A_460], %get3A_316 {add = true, strides = array<i32>} : memref<321x256xf32, #tpu.memory_space<vmem>>, vector<16xf32>,
          %swap3A_462 = arith.index_cast %squeeze3A : i32 to index
          %swap3A_463 = arith.constant 224 : index
          %swap3A_464 = tpu.vector_load %arg5[%swap3A_462, %swap3A_463] {strides = array<i32>} : memref<321x256xf32, #tpu.memory_space<vmem>>, vector<16xf32>,
          tpu.vector_store %arg5[%swap3A_462, %swap3A_463], %get3A_320 {add = true, strides = array<i32>} : memref<321x256xf32, #tpu.memory_space<vmem>>, vector<16xf32>,
          %swap3A_465 = arith.index_cast %squeeze3A : i32 to index
          %swap3A_466 = arith.constant 240 : index
          %swap3A_467 = tpu.vector_load %arg5[%swap3A_465, %swap3A_466] {strides = array<i32>} : memref<321x256xf32, #tpu.memory_space<vmem>>, vector<16xf32>,
          tpu.vector_store %arg5[%swap3A_465, %swap3A_466], %get3A_324 {add = true, strides = array<i32>} : memref<321x256xf32, #tpu.memory_space<vmem>>, vector<16xf32>,
          %swap3A_468 = arith.index_cast %squeeze3A_260 : i32 to index
          %swap3A_469 = arith.constant 0 : index
          %swap3A_470 = tpu.vector_load %arg5[%swap3A_468, %swap3A_469] {strides = array<i32>} : memref<321x256xf32, #tpu.memory_space<vmem>>, vector<16xf32>,
          tpu.vector_store %arg5[%swap3A_468, %swap3A_469], %get3A_330 {add = true, strides = array<i32>} : memref<321x256xf32, #tpu.memory_space<vmem>>, vector<16xf32>,
          %swap3A_471 = arith.index_cast %squeeze3A_260 : i32 to index
          %swap3A_472 = arith.constant 16 : index
          %swap3A_473 = tpu.vector_load %arg5[%swap3A_471, %swap3A_472] {strides = array<i32>} : memref<321x256xf32, #tpu.memory_space<vmem>>, vector<16xf32>,
          tpu.vector_store %arg5[%swap3A_471, %swap3A_472], %get3A_336 {add = true, strides = array<i32>} : memref<321x256xf32, #tpu.memory_space<vmem>>, vector<16xf32>,
          %swap3A_474 = arith.index_cast %squeeze3A_260 : i32 to index
          %swap3A_475 = arith.constant 32 : index
          %swap3A_476 = tpu.vector_load %arg5[%swap3A_474, %swap3A_475] {strides = array<i32>} : memref<321x256xf32, #tpu.memory_space<vmem>>, vector<16xf32>,
          tpu.vector_store %arg5[%swap3A_474, %swap3A_475], %get3A_342 {add = true, strides = array<i32>} : memref<321x256xf32, #tpu.memory_space<vmem>>, vector<16xf32>,
          %swap3A_477 = arith.index_cast %squeeze3A_260 : i32 to index
          %swap3A_478 = arith.constant 48 : index
          %swap3A_479 = tpu.vector_load %arg5[%swap3A_477, %swap3A_478] {strides = array<i32>} : memref<321x256xf32, #tpu.memory_space<vmem>>, vector<16xf32>,
          tpu.vector_store %arg5[%swap3A_477, %swap3A_478], %get3A_348 {add = true, strides = array<i32>} : memref<321x256xf32, #tpu.memory_space<vmem>>, vector<16xf32>,
          %swap3A_480 = arith.index_cast %squeeze3A_260 : i32 to index
          %swap3A_481 = arith.constant 64 : index
          %swap3A_482 = tpu.vector_load %arg5[%swap3A_480, %swap3A_481] {strides = array<i32>} : memref<321x256xf32, #tpu.memory_space<vmem>>, vector<16xf32>,
          tpu.vector_store %arg5[%swap3A_480, %swap3A_481], %get3A_354 {add = true, strides = array<i32>} : memref<321x256xf32, #tpu.memory_space<vmem>>, vector<16xf32>,
          %swap3A_483 = arith.index_cast %squeeze3A_260 : i32 to index
          %swap3A_484 = arith.constant 80 : index
          %swap3A_485 = tpu.vector_load %arg5[%swap3A_483, %swap3A_484] {strides = array<i32>} : memref<321x256xf32, #tpu.memory_space<vmem>>, vector<16xf32>,
          tpu.vector_store %arg5[%swap3A_483, %swap3A_484], %get3A_360 {add = true, strides = array<i32>} : memref<321x256xf32, #tpu.memory_space<vmem>>, vector<16xf32>,
          %swap3A_486 = arith.index_cast %squeeze3A_260 : i32 to index
          %swap3A_487 = arith.constant 96 : index
          %swap3A_488 = tpu.vector_load %arg5[%swap3A_486, %swap3A_487] {strides = array<i32>} : memref<321x256xf32, #tpu.memory_space<vmem>>, vector<16xf32>,
          tpu.vector_store %arg5[%swap3A_486, %swap3A_487], %get3A_366 {add = true, strides = array<i32>} : memref<321x256xf32, #tpu.memory_space<vmem>>, vector<16xf32>,
          %swap3A_489 = arith.index_cast %squeeze3A_260 : i32 to index
          %swap3A_490 = arith.constant 112 : index
          %swap3A_491 = tpu.vector_load %arg5[%swap3A_489, %swap3A_490] {strides = array<i32>} : memref<321x256xf32, #tpu.memory_space<vmem>>, vector<16xf32>,
          tpu.vector_store %arg5[%swap3A_489, %swap3A_490], %get3A_372 {add = true, strides = array<i32>} : memref<321x256xf32, #tpu.memory_space<vmem>>, vector<16xf32>,
          %swap3A_492 = arith.index_cast %squeeze3A_260 : i32 to index
          %swap3A_493 = arith.constant 128 : index
          %swap3A_494 = tpu.vector_load %arg5[%swap3A_492, %swap3A_493] {strides = array<i32>} : memref<321x256xf32, #tpu.memory_space<vmem>>, vector<16xf32>,
          tpu.vector_store %arg5[%swap3A_492, %swap3A_493], %get3A_378 {add = true, strides = array<i32>} : memref<321x256xf32, #tpu.memory_space<vmem>>, vector<16xf32>,
          %swap3A_495 = arith.index_cast %squeeze3A_260 : i32 to index
          %swap3A_496 = arith.constant 144 : index
          %swap3A_497 = tpu.vector_load %arg5[%swap3A_495, %swap3A_496] {strides = array<i32>} : memref<321x256xf32, #tpu.memory_space<vmem>>, vector<16xf32>,
          tpu.vector_store %arg5[%swap3A_495, %swap3A_496], %get3A_384 {add = true, strides = array<i32>} : memref<321x256xf32, #tpu.memory_space<vmem>>, vector<16xf32>,
          %swap3A_498 = arith.index_cast %squeeze3A_260 : i32 to index
          %swap3A_499 = arith.constant 160 : index
          %swap3A_500 = tpu.vector_load %arg5[%swap3A_498, %swap3A_499] {strides = array<i32>} : memref<321x256xf32, #tpu.memory_space<vmem>>, vector<16xf32>,
          tpu.vector_store %arg5[%swap3A_498, %swap3A_499], %get3A_390 {add = true, strides = array<i32>} : memref<321x256xf32, #tpu.memory_space<vmem>>, vector<16xf32>,
          %swap3A_501 = arith.index_cast %squeeze3A_260 : i32 to index
          %swap3A_502 = arith.constant 176 : index
          %swap3A_503 = tpu.vector_load %arg5[%swap3A_501, %swap3A_502] {strides = array<i32>} : memref<321x256xf32, #tpu.memory_space<vmem>>, vector<16xf32>,
          tpu.vector_store %arg5[%swap3A_501, %swap3A_502], %get3A_396 {add = true, strides = array<i32>} : memref<321x256xf32, #tpu.memory_space<vmem>>, vector<16xf32>,
          %swap3A_504 = arith.index_cast %squeeze3A_260 : i32 to index
          %swap3A_505 = arith.constant 192 : index
          %swap3A_506 = tpu.vector_load %arg5[%swap3A_504, %swap3A_505] {strides = array<i32>} : memref<321x256xf32, #tpu.memory_space<vmem>>, vector<16xf32>,
          tpu.vector_store %arg5[%swap3A_504, %swap3A_505], %get3A_402 {add = true, strides = array<i32>} : memref<321x256xf32, #tpu.memory_space<vmem>>, vector<16xf32>,
          %swap3A_507 = arith.index_cast %squeeze3A_260 : i32 to index
          %swap3A_508 = arith.constant 208 : index
          %swap3A_509 = tpu.vector_load %arg5[%swap3A_507, %swap3A_508] {strides = array<i32>} : memref<321x256xf32, #tpu.memory_space<vmem>>, vector<16xf32>,
          tpu.vector_store %arg5[%swap3A_507, %swap3A_508], %get3A_408 {add = true, strides = array<i32>} : memref<321x256xf32, #tpu.memory_space<vmem>>, vector<16xf32>,
          %swap3A_510 = arith.index_cast %squeeze3A_260 : i32 to index
          %swap3A_511 = arith.constant 224 : index
          %swap3A_512 = tpu.vector_load %arg5[%swap3A_510, %swap3A_511] {strides = array<i32>} : memref<321x256xf32, #tpu.memory_space<vmem>>, vector<16xf32>,
          tpu.vector_store %arg5[%swap3A_510, %swap3A_511], %get3A_414 {add = true, strides = array<i32>} : memref<321x256xf32, #tpu.memory_space<vmem>>, vector<16xf32>,
          %swap3A_513 = arith.index_cast %squeeze3A_260 : i32 to index
          %swap3A_514 = arith.constant 240 : index
          %swap3A_515 = tpu.vector_load %arg5[%swap3A_513, %swap3A_514] {strides = array<i32>} : memref<321x256xf32, #tpu.memory_space<vmem>>, vector<16xf32>,
          tpu.vector_store %arg5[%swap3A_513, %swap3A_514], %get3A_420 {add = true, strides = array<i32>} : memref<321x256xf32, #tpu.memory_space<vmem>>, vector<16xf32>,
        }
        %scan3A_251 = arith.constant 32 : i32
      }
      %while3A_143 = arith.constant 1 : i32
      scf.for %while3A_166 = %while3A_141 to %while3A_137 step %while3A_143  : i32 {
        %mul3A_167 = arith.muli %while3A_166, %while3A_134 : i32
        %add3A_168 = arith.addi %scan3A_45, %mul3A_167 : i32
        %mul3A_169 = arith.constant 64 : i32
        %mul3A_170 = arith.muli %add3A_168, %mul3A_169 : i32
        %and3A_171 = arith.constant 2047 : i32
        %and3A_172 = arith.andi %mul3A_170, %and3A_171 : i32
        %jit3A_173 = arith.constant 2 : i32
        %eq3A_174 = arith.constant 0 : i32
        %eq3A_175 = arith.cmpi eq, %jit3A_173, %eq3A_174 : i32
        %jit3A_176 = arith.constant 1 : i32
        %select_n3A_177 = arith.select %eq3A_175, %jit3A_176, %jit3A_173 : i32
        %rem3A_178 = arith.remsi %add3A_168, %select_n3A_177 : i32
        %ne3A_179 = arith.constant 0 : i32
        %ne3A_180 = arith.cmpi ne, %rem3A_178, %ne3A_179 : i32
        %lt3A_181 = arith.constant 0 : i32
        %lt3A_182 = arith.cmpi slt, %rem3A_178, %lt3A_181 : i32
        %lt3A_183 = arith.constant 0 : i32
        %lt3A_184 = arith.cmpi slt, %select_n3A_177, %lt3A_183 : i32
        %ne3A_185 = arith.xori %lt3A_182, %lt3A_184 : i1
        %and3A_186 = arith.andi %ne3A_185, %ne3A_180 : i1
        %add3A_187 = arith.addi %rem3A_178, %select_n3A_177 : i32
        %select_n3A_188 = arith.select %and3A_186, %add3A_187, %rem3A_178 : i32
        %multiple_of3A = tpu.assume_multiple %and3A_172, 64 : i32
        %dma_start3A_189 = arith.constant 0 : i32
        %dma_start3A_190 = arith.constant 0 : i32
        %dma_start3A_191 = tpu.memref_slice %arg6[%select_n3A_188, %dma_start3A_189, %dma_start3A_190] : memref<2x64x256xf32, #tpu.memory_space<vmem>> -> memref<1x64x256xf32, #tpu.memory_space<vmem>>
        %dma_start3A_192 = tpu.memref_squeeze %dma_start3A_191 : memref<1x64x256xf32, #tpu.memory_space<vmem>> -> memref<64x256xf32, #tpu.memory_space<vmem>>
        %dma_start3A_193 = tpu.memref_slice %arg8[%multiple_of3A] : memref<2064xi32, #tpu.memory_space<vmem>> -> memref<64xi32, #tpu.memory_space<vmem>>
        %dma_start3A_194 = arith.constant 0 : i32
        %dma_start3A_195 = arith.constant 0 : i32
        %dma_start3A_196 = tpu.memref_slice %arg2[%dma_start3A_194, %dma_start3A_195] : memref<10000x256xf32, #tpu.memory_space<hbm>> -> memref<10000x256xf32, #tpu.memory_space<hbm>>
        tpu.enqueue_indirect_dma source(%dma_start3A_196 : memref<10000x256xf32, #tpu.memory_space<hbm>>) target(%dma_start3A_192 : memref<64x256xf32, #tpu.memory_space<vmem>>) offsets(%dma_start3A_193 : memref<64xi32, #tpu.memory_space<vmem>>) semaphore(%arg11 : memref<!tpu.dma_semaphore, #tpu.memory_space<semaphore_mem>>)
        %jit3A_197 = arith.constant 2 : i32
        %eq3A_198 = arith.constant 0 : i32
        %eq3A_199 = arith.cmpi eq, %jit3A_197, %eq3A_198 : i32
        %jit3A_200 = arith.constant 1 : i32
        %select_n3A_201 = arith.select %eq3A_199, %jit3A_200, %jit3A_197 : i32
        %rem3A_202 = arith.remsi %add3A_168, %select_n3A_201 : i32
        %ne3A_203 = arith.constant 0 : i32
        %ne3A_204 = arith.cmpi ne, %rem3A_202, %ne3A_203 : i32
        %lt3A_205 = arith.constant 0 : i32
        %lt3A_206 = arith.cmpi slt, %rem3A_202, %lt3A_205 : i32
        %lt3A_207 = arith.constant 0 : i32
        %lt3A_208 = arith.cmpi slt, %select_n3A_201, %lt3A_207 : i32
        %ne3A_209 = arith.xori %lt3A_206, %lt3A_208 : i1
        %and3A_210 = arith.andi %ne3A_209, %ne3A_204 : i1
        %add3A_211 = arith.addi %rem3A_202, %select_n3A_201 : i32
        %select_n3A_212 = arith.select %and3A_210, %add3A_211, %rem3A_202 : i32
        %dma_wait3A_213 = arith.constant 0 : i32
        %dma_wait3A_214 = arith.constant 0 : i32
        %dma_wait3A_215 = tpu.memref_slice %arg6[%select_n3A_212, %dma_wait3A_213, %dma_wait3A_214] : memref<2x64x256xf32, #tpu.memory_space<vmem>> -> memref<1x64x256xf32, #tpu.memory_space<vmem>>
        %dma_wait3A_216 = tpu.memref_squeeze %dma_wait3A_215 : memref<1x64x256xf32, #tpu.memory_space<vmem>> -> memref<64x256xf32, #tpu.memory_space<vmem>>
        %dma_wait3A_217 = arith.constant 0 : i32
        %dma_wait3A_218 = arith.constant 0 : i32
        %dma_wait3A_219 = tpu.memref_slice %arg2[%dma_wait3A_217, %dma_wait3A_218] : memref<10000x256xf32, #tpu.memory_space<hbm>> -> memref<64x256xf32, #tpu.memory_space<hbm>>
        %dma_wait3A_220 = arith.constant 0 : i32
        %dma_wait3A_221 = arith.constant 0 : i32
        %dma_wait3A_222 = tpu.memref_slice %arg6[%select_n3A_212, %dma_wait3A_220, %dma_wait3A_221] : memref<2x64x256xf32, #tpu.memory_space<vmem>> -> memref<1x64x256xf32, #tpu.memory_space<vmem>>
        %dma_wait3A_223 = tpu.memref_squeeze %dma_wait3A_222 : memref<1x64x256xf32, #tpu.memory_space<vmem>> -> memref<64x256xf32, #tpu.memory_space<vmem>>
        %dma_wait3A_224 = arith.constant 0 : i32
        %dma_wait3A_225 = arith.constant 0 : i32
        %dma_wait3A_226 = tpu.memref_slice %arg2[%dma_wait3A_224, %dma_wait3A_225] : memref<10000x256xf32, #tpu.memory_space<hbm>> -> memref<64x256xf32, #tpu.memory_space<hbm>>
        tpu.wait_dma2 semaphore(%arg11 : memref<!tpu.dma_semaphore, #tpu.memory_space<semaphore_mem>>) src(%dma_wait3A_226 : memref<64x256xf32, #tpu.memory_space<hbm>>) dst(%dma_wait3A_223 : memref<64x256xf32, #tpu.memory_space<vmem>>)
        %mul3A_227 = arith.constant 64 : i32
        %mul3A_228 = arith.muli %add3A_168, %mul3A_227 : i32
        %and3A_229 = arith.constant 2047 : i32
        %and3A_230 = arith.andi %mul3A_228, %and3A_229 : i32
        %jit3A_231 = arith.constant 2 : i32
        %eq3A_232 = arith.constant 0 : i32
        %eq3A_233 = arith.cmpi eq, %jit3A_231, %eq3A_232 : i32
        %jit3A_234 = arith.constant 1 : i32
        %select_n3A_235 = arith.select %eq3A_233, %jit3A_234, %jit3A_231 : i32
        %rem3A_236 = arith.remsi %add3A_168, %select_n3A_235 : i32
        %ne3A_237 = arith.constant 0 : i32
        %ne3A_238 = arith.cmpi ne, %rem3A_236, %ne3A_237 : i32
        %lt3A_239 = arith.constant 0 : i32
        %lt3A_240 = arith.cmpi slt, %rem3A_236, %lt3A_239 : i32
        %lt3A_241 = arith.constant 0 : i32
        %lt3A_242 = arith.cmpi slt, %select_n3A_235, %lt3A_241 : i32
        %ne3A_243 = arith.xori %lt3A_240, %lt3A_242 : i1
        %and3A_244 = arith.andi %ne3A_243, %ne3A_238 : i1
        %add3A_245 = arith.addi %rem3A_236, %select_n3A_235 : i32
        %select_n3A_246 = arith.select %and3A_244, %add3A_245, %rem3A_236 : i32
        %scan3A_247 = arith.constant 0 : i32
        %scan3A_248 = arith.constant 32 : i32
        %scan3A_249 = arith.addi %scan3A_247, %scan3A_248 : i32
        %scan3A_250 = arith.constant 1 : i32
        scf.for %scan3A_252 = %scan3A_247 to %scan3A_249 step %scan3A_250  : i32 {
          %mul3A_253 = arith.constant 2 : i32
          %mul3A_254 = arith.muli %scan3A_252, %mul3A_253 : i32
          %add3A_255 = arith.constant 0 : i32
          %add3A_256 = arith.addi %add3A_255, %mul3A_254 : i32
          %add3A_257 = arith.addi %and3A_230, %add3A_256 : i32
          %get3A = arith.index_cast %add3A_257 : i32 to index
          %get3A_258 = tpu.vector_load %arg9[%get3A] {strides = array<i32>} : memref<2064xi32, #tpu.memory_space<vmem>>, vector<16xi32>,
          %slice3A = vector.extract_strided_slice %get3A_258 {offsets = [0], sizes = [1], strides = [1]} : vector<16xi32> to vector<1xi32>
          %squeeze3A = vector.extract %slice3A[0] : i32 from vector<1xi32>
          %slice3A_259 = vector.extract_strided_slice %get3A_258 {offsets = [1], sizes = [1], strides = [1]} : vector<16xi32> to vector<1xi32>
          %squeeze3A_260 = vector.extract %slice3A_259[0] : i32 from vector<1xi32>
          %get3A_261 = arith.index_cast %select_n3A_246 : i32 to index
          %get3A_262 = arith.index_cast %add3A_256 : i32 to index
          %get3A_263 = arith.constant 0 : index
          %get3A_264 = tpu.vector_load %arg6[%get3A_261, %get3A_262, %get3A_263] {strides = array<i32>} : memref<2x64x256xf32, #tpu.memory_space<vmem>>, vector<16xf32>,
          %get3A_265 = arith.index_cast %select_n3A_246 : i32 to index
          %get3A_266 = arith.index_cast %add3A_256 : i32 to index
          %get3A_267 = arith.constant 16 : index
          %get3A_268 = tpu.vector_load %arg6[%get3A_265, %get3A_266, %get3A_267] {strides = array<i32>} : memref<2x64x256xf32, #tpu.memory_space<vmem>>, vector<16xf32>,
          %get3A_269 = arith.index_cast %select_n3A_246 : i32 to index
          %get3A_270 = arith.index_cast %add3A_256 : i32 to index
          %get3A_271 = arith.constant 32 : index
          %get3A_272 = tpu.vector_load %arg6[%get3A_269, %get3A_270, %get3A_271] {strides = array<i32>} : memref<2x64x256xf32, #tpu.memory_space<vmem>>, vector<16xf32>,
          %get3A_273 = arith.index_cast %select_n3A_246 : i32 to index
          %get3A_274 = arith.index_cast %add3A_256 : i32 to index
          %get3A_275 = arith.constant 48 : index
          %get3A_276 = tpu.vector_load %arg6[%get3A_273, %get3A_274, %get3A_275] {strides = array<i32>} : memref<2x64x256xf32, #tpu.memory_space<vmem>>, vector<16xf32>,
          %get3A_277 = arith.index_cast %select_n3A_246 : i32 to index
          %get3A_278 = arith.index_cast %add3A_256 : i32 to index
          %get3A_279 = arith.constant 64 : index
          %get3A_280 = tpu.vector_load %arg6[%get3A_277, %get3A_278, %get3A_279] {strides = array<i32>} : memref<2x64x256xf32, #tpu.memory_space<vmem>>, vector<16xf32>,
          %get3A_281 = arith.index_cast %select_n3A_246 : i32 to index
          %get3A_282 = arith.index_cast %add3A_256 : i32 to index
          %get3A_283 = arith.constant 80 : index
          %get3A_284 = tpu.vector_load %arg6[%get3A_281, %get3A_282, %get3A_283] {strides = array<i32>} : memref<2x64x256xf32, #tpu.memory_space<vmem>>, vector<16xf32>,
          %get3A_285 = arith.index_cast %select_n3A_246 : i32 to index
          %get3A_286 = arith.index_cast %add3A_256 : i32 to index
          %get3A_287 = arith.constant 96 : index
          %get3A_288 = tpu.vector_load %arg6[%get3A_285, %get3A_286, %get3A_287] {strides = array<i32>} : memref<2x64x256xf32, #tpu.memory_space<vmem>>, vector<16xf32>,
          %get3A_289 = arith.index_cast %select_n3A_246 : i32 to index
          %get3A_290 = arith.index_cast %add3A_256 : i32 to index
          %get3A_291 = arith.constant 112 : index
          %get3A_292 = tpu.vector_load %arg6[%get3A_289, %get3A_290, %get3A_291] {strides = array<i32>} : memref<2x64x256xf32, #tpu.memory_space<vmem>>, vector<16xf32>,
          %get3A_293 = arith.index_cast %select_n3A_246 : i32 to index
          %get3A_294 = arith.index_cast %add3A_256 : i32 to index
          %get3A_295 = arith.constant 128 : index
          %get3A_296 = tpu.vector_load %arg6[%get3A_293, %get3A_294, %get3A_295] {strides = array<i32>} : memref<2x64x256xf32, #tpu.memory_space<vmem>>, vector<16xf32>,
          %get3A_297 = arith.index_cast %select_n3A_246 : i32 to index
          %get3A_298 = arith.index_cast %add3A_256 : i32 to index
          %get3A_299 = arith.constant 144 : index
          %get3A_300 = tpu.vector_load %arg6[%get3A_297, %get3A_298, %get3A_299] {strides = array<i32>} : memref<2x64x256xf32, #tpu.memory_space<vmem>>, vector<16xf32>,
          %get3A_301 = arith.index_cast %select_n3A_246 : i32 to index
          %get3A_302 = arith.index_cast %add3A_256 : i32 to index
          %get3A_303 = arith.constant 160 : index
          %get3A_304 = tpu.vector_load %arg6[%get3A_301, %get3A_302, %get3A_303] {strides = array<i32>} : memref<2x64x256xf32, #tpu.memory_space<vmem>>, vector<16xf32>,
          %get3A_305 = arith.index_cast %select_n3A_246 : i32 to index
          %get3A_306 = arith.index_cast %add3A_256 : i32 to index
          %get3A_307 = arith.constant 176 : index
          %get3A_308 = tpu.vector_load %arg6[%get3A_305, %get3A_306, %get3A_307] {strides = array<i32>} : memref<2x64x256xf32, #tpu.memory_space<vmem>>, vector<16xf32>,
          %get3A_309 = arith.index_cast %select_n3A_246 : i32 to index
          %get3A_310 = arith.index_cast %add3A_256 : i32 to index
          %get3A_311 = arith.constant 192 : index
          %get3A_312 = tpu.vector_load %arg6[%get3A_309, %get3A_310, %get3A_311] {strides = array<i32>} : memref<2x64x256xf32, #tpu.memory_space<vmem>>, vector<16xf32>,
          %get3A_313 = arith.index_cast %select_n3A_246 : i32 to index
          %get3A_314 = arith.index_cast %add3A_256 : i32 to index
          %get3A_315 = arith.constant 208 : index
          %get3A_316 = tpu.vector_load %arg6[%get3A_313, %get3A_314, %get3A_315] {strides = array<i32>} : memref<2x64x256xf32, #tpu.memory_space<vmem>>, vector<16xf32>,
          %get3A_317 = arith.index_cast %select_n3A_246 : i32 to index
          %get3A_318 = arith.index_cast %add3A_256 : i32 to index
          %get3A_319 = arith.constant 224 : index
          %get3A_320 = tpu.vector_load %arg6[%get3A_317, %get3A_318, %get3A_319] {strides = array<i32>} : memref<2x64x256xf32, #tpu.memory_space<vmem>>, vector<16xf32>,
          %get3A_321 = arith.index_cast %select_n3A_246 : i32 to index
          %get3A_322 = arith.index_cast %add3A_256 : i32 to index
          %get3A_323 = arith.constant 240 : index
          %get3A_324 = tpu.vector_load %arg6[%get3A_321, %get3A_322, %get3A_323] {strides = array<i32>} : memref<2x64x256xf32, #tpu.memory_space<vmem>>, vector<16xf32>,
          %add3A_325 = arith.constant 1 : i32
          %add3A_326 = arith.addi %add3A_256, %add3A_325 : i32
          %get3A_327 = arith.index_cast %select_n3A_246 : i32 to index
          %get3A_328 = arith.index_cast %add3A_326 : i32 to index
          %get3A_329 = arith.constant 0 : index
          %get3A_330 = tpu.vector_load %arg6[%get3A_327, %get3A_328, %get3A_329] {strides = array<i32>} : memref<2x64x256xf32, #tpu.memory_space<vmem>>, vector<16xf32>,
          %add3A_331 = arith.constant 1 : i32
          %add3A_332 = arith.addi %add3A_256, %add3A_331 : i32
          %get3A_333 = arith.index_cast %select_n3A_246 : i32 to index
          %get3A_334 = arith.index_cast %add3A_332 : i32 to index
          %get3A_335 = arith.constant 16 : index
          %get3A_336 = tpu.vector_load %arg6[%get3A_333, %get3A_334, %get3A_335] {strides = array<i32>} : memref<2x64x256xf32, #tpu.memory_space<vmem>>, vector<16xf32>,
          %add3A_337 = arith.constant 1 : i32
          %add3A_338 = arith.addi %add3A_256, %add3A_337 : i32
          %get3A_339 = arith.index_cast %select_n3A_246 : i32 to index
          %get3A_340 = arith.index_cast %add3A_338 : i32 to index
          %get3A_341 = arith.constant 32 : index
          %get3A_342 = tpu.vector_load %arg6[%get3A_339, %get3A_340, %get3A_341] {strides = array<i32>} : memref<2x64x256xf32, #tpu.memory_space<vmem>>, vector<16xf32>,
          %add3A_343 = arith.constant 1 : i32
          %add3A_344 = arith.addi %add3A_256, %add3A_343 : i32
          %get3A_345 = arith.index_cast %select_n3A_246 : i32 to index
          %get3A_346 = arith.index_cast %add3A_344 : i32 to index
          %get3A_347 = arith.constant 48 : index
          %get3A_348 = tpu.vector_load %arg6[%get3A_345, %get3A_346, %get3A_347] {strides = array<i32>} : memref<2x64x256xf32, #tpu.memory_space<vmem>>, vector<16xf32>,
          %add3A_349 = arith.constant 1 : i32
          %add3A_350 = arith.addi %add3A_256, %add3A_349 : i32
          %get3A_351 = arith.index_cast %select_n3A_246 : i32 to index
          %get3A_352 = arith.index_cast %add3A_350 : i32 to index
          %get3A_353 = arith.constant 64 : index
          %get3A_354 = tpu.vector_load %arg6[%get3A_351, %get3A_352, %get3A_353] {strides = array<i32>} : memref<2x64x256xf32, #tpu.memory_space<vmem>>, vector<16xf32>,
          %add3A_355 = arith.constant 1 : i32
          %add3A_356 = arith.addi %add3A_256, %add3A_355 : i32
          %get3A_357 = arith.index_cast %select_n3A_246 : i32 to index
          %get3A_358 = arith.index_cast %add3A_356 : i32 to index
          %get3A_359 = arith.constant 80 : index
          %get3A_360 = tpu.vector_load %arg6[%get3A_357, %get3A_358, %get3A_359] {strides = array<i32>} : memref<2x64x256xf32, #tpu.memory_space<vmem>>, vector<16xf32>,
          %add3A_361 = arith.constant 1 : i32
          %add3A_362 = arith.addi %add3A_256, %add3A_361 : i32
          %get3A_363 = arith.index_cast %select_n3A_246 : i32 to index
          %get3A_364 = arith.index_cast %add3A_362 : i32 to index
          %get3A_365 = arith.constant 96 : index
          %get3A_366 = tpu.vector_load %arg6[%get3A_363, %get3A_364, %get3A_365] {strides = array<i32>} : memref<2x64x256xf32, #tpu.memory_space<vmem>>, vector<16xf32>,
          %add3A_367 = arith.constant 1 : i32
          %add3A_368 = arith.addi %add3A_256, %add3A_367 : i32
          %get3A_369 = arith.index_cast %select_n3A_246 : i32 to index
          %get3A_370 = arith.index_cast %add3A_368 : i32 to index
          %get3A_371 = arith.constant 112 : index
          %get3A_372 = tpu.vector_load %arg6[%get3A_369, %get3A_370, %get3A_371] {strides = array<i32>} : memref<2x64x256xf32, #tpu.memory_space<vmem>>, vector<16xf32>,
          %add3A_373 = arith.constant 1 : i32
          %add3A_374 = arith.addi %add3A_256, %add3A_373 : i32
          %get3A_375 = arith.index_cast %select_n3A_246 : i32 to index
          %get3A_376 = arith.index_cast %add3A_374 : i32 to index
          %get3A_377 = arith.constant 128 : index
          %get3A_378 = tpu.vector_load %arg6[%get3A_375, %get3A_376, %get3A_377] {strides = array<i32>} : memref<2x64x256xf32, #tpu.memory_space<vmem>>, vector<16xf32>,
          %add3A_379 = arith.constant 1 : i32
          %add3A_380 = arith.addi %add3A_256, %add3A_379 : i32
          %get3A_381 = arith.index_cast %select_n3A_246 : i32 to index
          %get3A_382 = arith.index_cast %add3A_380 : i32 to index
          %get3A_383 = arith.constant 144 : index
          %get3A_384 = tpu.vector_load %arg6[%get3A_381, %get3A_382, %get3A_383] {strides = array<i32>} : memref<2x64x256xf32, #tpu.memory_space<vmem>>, vector<16xf32>,
          %add3A_385 = arith.constant 1 : i32
          %add3A_386 = arith.addi %add3A_256, %add3A_385 : i32
          %get3A_387 = arith.index_cast %select_n3A_246 : i32 to index
          %get3A_388 = arith.index_cast %add3A_386 : i32 to index
          %get3A_389 = arith.constant 160 : index
          %get3A_390 = tpu.vector_load %arg6[%get3A_387, %get3A_388, %get3A_389] {strides = array<i32>} : memref<2x64x256xf32, #tpu.memory_space<vmem>>, vector<16xf32>,
          %add3A_391 = arith.constant 1 : i32
          %add3A_392 = arith.addi %add3A_256, %add3A_391 : i32
          %get3A_393 = arith.index_cast %select_n3A_246 : i32 to index
          %get3A_394 = arith.index_cast %add3A_392 : i32 to index
          %get3A_395 = arith.constant 176 : index
          %get3A_396 = tpu.vector_load %arg6[%get3A_393, %get3A_394, %get3A_395] {strides = array<i32>} : memref<2x64x256xf32, #tpu.memory_space<vmem>>, vector<16xf32>,
          %add3A_397 = arith.constant 1 : i32
          %add3A_398 = arith.addi %add3A_256, %add3A_397 : i32
          %get3A_399 = arith.index_cast %select_n3A_246 : i32 to index
          %get3A_400 = arith.index_cast %add3A_398 : i32 to index
          %get3A_401 = arith.constant 192 : index
          %get3A_402 = tpu.vector_load %arg6[%get3A_399, %get3A_400, %get3A_401] {strides = array<i32>} : memref<2x64x256xf32, #tpu.memory_space<vmem>>, vector<16xf32>,
          %add3A_403 = arith.constant 1 : i32
          %add3A_404 = arith.addi %add3A_256, %add3A_403 : i32
          %get3A_405 = arith.index_cast %select_n3A_246 : i32 to index
          %get3A_406 = arith.index_cast %add3A_404 : i32 to index
          %get3A_407 = arith.constant 208 : index
          %get3A_408 = tpu.vector_load %arg6[%get3A_405, %get3A_406, %get3A_407] {strides = array<i32>} : memref<2x64x256xf32, #tpu.memory_space<vmem>>, vector<16xf32>,
          %add3A_409 = arith.constant 1 : i32
          %add3A_410 = arith.addi %add3A_256, %add3A_409 : i32
          %get3A_411 = arith.index_cast %select_n3A_246 : i32 to index
          %get3A_412 = arith.index_cast %add3A_410 : i32 to index
          %get3A_413 = arith.constant 224 : index
          %get3A_414 = tpu.vector_load %arg6[%get3A_411, %get3A_412, %get3A_413] {strides = array<i32>} : memref<2x64x256xf32, #tpu.memory_space<vmem>>, vector<16xf32>,
          %add3A_415 = arith.constant 1 : i32
          %add3A_416 = arith.addi %add3A_256, %add3A_415 : i32
          %get3A_417 = arith.index_cast %select_n3A_246 : i32 to index
          %get3A_418 = arith.index_cast %add3A_416 : i32 to index
          %get3A_419 = arith.constant 240 : index
          %get3A_420 = tpu.vector_load %arg6[%get3A_417, %get3A_418, %get3A_419] {strides = array<i32>} : memref<2x64x256xf32, #tpu.memory_space<vmem>>, vector<16xf32>,
          %swap3A = arith.index_cast %squeeze3A : i32 to index
          %swap3A_421 = arith.constant 0 : index
          %swap3A_422 = tpu.vector_load %arg5[%swap3A, %swap3A_421] {strides = array<i32>} : memref<321x256xf32, #tpu.memory_space<vmem>>, vector<16xf32>,
          tpu.vector_store %arg5[%swap3A, %swap3A_421], %get3A_264 {add = true, strides = array<i32>} : memref<321x256xf32, #tpu.memory_space<vmem>>, vector<16xf32>,
          %swap3A_423 = arith.index_cast %squeeze3A : i32 to index
          %swap3A_424 = arith.constant 16 : index
          %swap3A_425 = tpu.vector_load %arg5[%swap3A_423, %swap3A_424] {strides = array<i32>} : memref<321x256xf32, #tpu.memory_space<vmem>>, vector<16xf32>,
          tpu.vector_store %arg5[%swap3A_423, %swap3A_424], %get3A_268 {add = true, strides = array<i32>} : memref<321x256xf32, #tpu.memory_space<vmem>>, vector<16xf32>,
          %swap3A_426 = arith.index_cast %squeeze3A : i32 to index
          %swap3A_427 = arith.constant 32 : index
          %swap3A_428 = tpu.vector_load %arg5[%swap3A_426, %swap3A_427] {strides = array<i32>} : memref<321x256xf32, #tpu.memory_space<vmem>>, vector<16xf32>,
          tpu.vector_store %arg5[%swap3A_426, %swap3A_427], %get3A_272 {add = true, strides = array<i32>} : memref<321x256xf32, #tpu.memory_space<vmem>>, vector<16xf32>,
          %swap3A_429 = arith.index_cast %squeeze3A : i32 to index
          %swap3A_430 = arith.constant 48 : index
          %swap3A_431 = tpu.vector_load %arg5[%swap3A_429, %swap3A_430] {strides = array<i32>} : memref<321x256xf32, #tpu.memory_space<vmem>>, vector<16xf32>,
          tpu.vector_store %arg5[%swap3A_429, %swap3A_430], %get3A_276 {add = true, strides = array<i32>} : memref<321x256xf32, #tpu.memory_space<vmem>>, vector<16xf32>,
          %swap3A_432 = arith.index_cast %squeeze3A : i32 to index
          %swap3A_433 = arith.constant 64 : index
          %swap3A_434 = tpu.vector_load %arg5[%swap3A_432, %swap3A_433] {strides = array<i32>} : memref<321x256xf32, #tpu.memory_space<vmem>>, vector<16xf32>,
          tpu.vector_store %arg5[%swap3A_432, %swap3A_433], %get3A_280 {add = true, strides = array<i32>} : memref<321x256xf32, #tpu.memory_space<vmem>>, vector<16xf32>,
          %swap3A_435 = arith.index_cast %squeeze3A : i32 to index
          %swap3A_436 = arith.constant 80 : index
          %swap3A_437 = tpu.vector_load %arg5[%swap3A_435, %swap3A_436] {strides = array<i32>} : memref<321x256xf32, #tpu.memory_space<vmem>>, vector<16xf32>,
          tpu.vector_store %arg5[%swap3A_435, %swap3A_436], %get3A_284 {add = true, strides = array<i32>} : memref<321x256xf32, #tpu.memory_space<vmem>>, vector<16xf32>,
          %swap3A_438 = arith.index_cast %squeeze3A : i32 to index
          %swap3A_439 = arith.constant 96 : index
          %swap3A_440 = tpu.vector_load %arg5[%swap3A_438, %swap3A_439] {strides = array<i32>} : memref<321x256xf32, #tpu.memory_space<vmem>>, vector<16xf32>,
          tpu.vector_store %arg5[%swap3A_438, %swap3A_439], %get3A_288 {add = true, strides = array<i32>} : memref<321x256xf32, #tpu.memory_space<vmem>>, vector<16xf32>,
          %swap3A_441 = arith.index_cast %squeeze3A : i32 to index
          %swap3A_442 = arith.constant 112 : index
          %swap3A_443 = tpu.vector_load %arg5[%swap3A_441, %swap3A_442] {strides = array<i32>} : memref<321x256xf32, #tpu.memory_space<vmem>>, vector<16xf32>,
          tpu.vector_store %arg5[%swap3A_441, %swap3A_442], %get3A_292 {add = true, strides = array<i32>} : memref<321x256xf32, #tpu.memory_space<vmem>>, vector<16xf32>,
          %swap3A_444 = arith.index_cast %squeeze3A : i32 to index
          %swap3A_445 = arith.constant 128 : index
          %swap3A_446 = tpu.vector_load %arg5[%swap3A_444, %swap3A_445] {strides = array<i32>} : memref<321x256xf32, #tpu.memory_space<vmem>>, vector<16xf32>,
          tpu.vector_store %arg5[%swap3A_444, %swap3A_445], %get3A_296 {add = true, strides = array<i32>} : memref<321x256xf32, #tpu.memory_space<vmem>>, vector<16xf32>,
          %swap3A_447 = arith.index_cast %squeeze3A : i32 to index
          %swap3A_448 = arith.constant 144 : index
          %swap3A_449 = tpu.vector_load %arg5[%swap3A_447, %swap3A_448] {strides = array<i32>} : memref<321x256xf32, #tpu.memory_space<vmem>>, vector<16xf32>,
          tpu.vector_store %arg5[%swap3A_447, %swap3A_448], %get3A_300 {add = true, strides = array<i32>} : memref<321x256xf32, #tpu.memory_space<vmem>>, vector<16xf32>,
          %swap3A_450 = arith.index_cast %squeeze3A : i32 to index
          %swap3A_451 = arith.constant 160 : index
          %swap3A_452 = tpu.vector_load %arg5[%swap3A_450, %swap3A_451] {strides = array<i32>} : memref<321x256xf32, #tpu.memory_space<vmem>>, vector<16xf32>,
          tpu.vector_store %arg5[%swap3A_450, %swap3A_451], %get3A_304 {add = true, strides = array<i32>} : memref<321x256xf32, #tpu.memory_space<vmem>>, vector<16xf32>,
          %swap3A_453 = arith.index_cast %squeeze3A : i32 to index
          %swap3A_454 = arith.constant 176 : index
          %swap3A_455 = tpu.vector_load %arg5[%swap3A_453, %swap3A_454] {strides = array<i32>} : memref<321x256xf32, #tpu.memory_space<vmem>>, vector<16xf32>,
          tpu.vector_store %arg5[%swap3A_453, %swap3A_454], %get3A_308 {add = true, strides = array<i32>} : memref<321x256xf32, #tpu.memory_space<vmem>>, vector<16xf32>,
          %swap3A_456 = arith.index_cast %squeeze3A : i32 to index
          %swap3A_457 = arith.constant 192 : index
          %swap3A_458 = tpu.vector_load %arg5[%swap3A_456, %swap3A_457] {strides = array<i32>} : memref<321x256xf32, #tpu.memory_space<vmem>>, vector<16xf32>,
          tpu.vector_store %arg5[%swap3A_456, %swap3A_457], %get3A_312 {add = true, strides = array<i32>} : memref<321x256xf32, #tpu.memory_space<vmem>>, vector<16xf32>,
          %swap3A_459 = arith.index_cast %squeeze3A : i32 to index
          %swap3A_460 = arith.constant 208 : index
          %swap3A_461 = tpu.vector_load %arg5[%swap3A_459, %swap3A_460] {strides = array<i32>} : memref<321x256xf32, #tpu.memory_space<vmem>>, vector<16xf32>,
          tpu.vector_store %arg5[%swap3A_459, %swap3A_460], %get3A_316 {add = true, strides = array<i32>} : memref<321x256xf32, #tpu.memory_space<vmem>>, vector<16xf32>,
          %swap3A_462 = arith.index_cast %squeeze3A : i32 to index
          %swap3A_463 = arith.constant 224 : index
          %swap3A_464 = tpu.vector_load %arg5[%swap3A_462, %swap3A_463] {strides = array<i32>} : memref<321x256xf32, #tpu.memory_space<vmem>>, vector<16xf32>,
          tpu.vector_store %arg5[%swap3A_462, %swap3A_463], %get3A_320 {add = true, strides = array<i32>} : memref<321x256xf32, #tpu.memory_space<vmem>>, vector<16xf32>,
          %swap3A_465 = arith.index_cast %squeeze3A : i32 to index
          %swap3A_466 = arith.constant 240 : index
          %swap3A_467 = tpu.vector_load %arg5[%swap3A_465, %swap3A_466] {strides = array<i32>} : memref<321x256xf32, #tpu.memory_space<vmem>>, vector<16xf32>,
          tpu.vector_store %arg5[%swap3A_465, %swap3A_466], %get3A_324 {add = true, strides = array<i32>} : memref<321x256xf32, #tpu.memory_space<vmem>>, vector<16xf32>,
          %swap3A_468 = arith.index_cast %squeeze3A_260 : i32 to index
          %swap3A_469 = arith.constant 0 : index
          %swap3A_470 = tpu.vector_load %arg5[%swap3A_468, %swap3A_469] {strides = array<i32>} : memref<321x256xf32, #tpu.memory_space<vmem>>, vector<16xf32>,
          tpu.vector_store %arg5[%swap3A_468, %swap3A_469], %get3A_330 {add = true, strides = array<i32>} : memref<321x256xf32, #tpu.memory_space<vmem>>, vector<16xf32>,
          %swap3A_471 = arith.index_cast %squeeze3A_260 : i32 to index
          %swap3A_472 = arith.constant 16 : index
          %swap3A_473 = tpu.vector_load %arg5[%swap3A_471, %swap3A_472] {strides = array<i32>} : memref<321x256xf32, #tpu.memory_space<vmem>>, vector<16xf32>,
          tpu.vector_store %arg5[%swap3A_471, %swap3A_472], %get3A_336 {add = true, strides = array<i32>} : memref<321x256xf32, #tpu.memory_space<vmem>>, vector<16xf32>,
          %swap3A_474 = arith.index_cast %squeeze3A_260 : i32 to index
          %swap3A_475 = arith.constant 32 : index
          %swap3A_476 = tpu.vector_load %arg5[%swap3A_474, %swap3A_475] {strides = array<i32>} : memref<321x256xf32, #tpu.memory_space<vmem>>, vector<16xf32>,
          tpu.vector_store %arg5[%swap3A_474, %swap3A_475], %get3A_342 {add = true, strides = array<i32>} : memref<321x256xf32, #tpu.memory_space<vmem>>, vector<16xf32>,
          %swap3A_477 = arith.index_cast %squeeze3A_260 : i32 to index
          %swap3A_478 = arith.constant 48 : index
          %swap3A_479 = tpu.vector_load %arg5[%swap3A_477, %swap3A_478] {strides = array<i32>} : memref<321x256xf32, #tpu.memory_space<vmem>>, vector<16xf32>,
          tpu.vector_store %arg5[%swap3A_477, %swap3A_478], %get3A_348 {add = true, strides = array<i32>} : memref<321x256xf32, #tpu.memory_space<vmem>>, vector<16xf32>,
          %swap3A_480 = arith.index_cast %squeeze3A_260 : i32 to index
          %swap3A_481 = arith.constant 64 : index
          %swap3A_482 = tpu.vector_load %arg5[%swap3A_480, %swap3A_481] {strides = array<i32>} : memref<321x256xf32, #tpu.memory_space<vmem>>, vector<16xf32>,
          tpu.vector_store %arg5[%swap3A_480, %swap3A_481], %get3A_354 {add = true, strides = array<i32>} : memref<321x256xf32, #tpu.memory_space<vmem>>, vector<16xf32>,
          %swap3A_483 = arith.index_cast %squeeze3A_260 : i32 to index
          %swap3A_484 = arith.constant 80 : index
          %swap3A_485 = tpu.vector_load %arg5[%swap3A_483, %swap3A_484] {strides = array<i32>} : memref<321x256xf32, #tpu.memory_space<vmem>>, vector<16xf32>,
          tpu.vector_store %arg5[%swap3A_483, %swap3A_484], %get3A_360 {add = true, strides = array<i32>} : memref<321x256xf32, #tpu.memory_space<vmem>>, vector<16xf32>,
          %swap3A_486 = arith.index_cast %squeeze3A_260 : i32 to index
          %swap3A_487 = arith.constant 96 : index
          %swap3A_488 = tpu.vector_load %arg5[%swap3A_486, %swap3A_487] {strides = array<i32>} : memref<321x256xf32, #tpu.memory_space<vmem>>, vector<16xf32>,
          tpu.vector_store %arg5[%swap3A_486, %swap3A_487], %get3A_366 {add = true, strides = array<i32>} : memref<321x256xf32, #tpu.memory_space<vmem>>, vector<16xf32>,
          %swap3A_489 = arith.index_cast %squeeze3A_260 : i32 to index
          %swap3A_490 = arith.constant 112 : index
          %swap3A_491 = tpu.vector_load %arg5[%swap3A_489, %swap3A_490] {strides = array<i32>} : memref<321x256xf32, #tpu.memory_space<vmem>>, vector<16xf32>,
          tpu.vector_store %arg5[%swap3A_489, %swap3A_490], %get3A_372 {add = true, strides = array<i32>} : memref<321x256xf32, #tpu.memory_space<vmem>>, vector<16xf32>,
          %swap3A_492 = arith.index_cast %squeeze3A_260 : i32 to index
          %swap3A_493 = arith.constant 128 : index
          %swap3A_494 = tpu.vector_load %arg5[%swap3A_492, %swap3A_493] {strides = array<i32>} : memref<321x256xf32, #tpu.memory_space<vmem>>, vector<16xf32>,
          tpu.vector_store %arg5[%swap3A_492, %swap3A_493], %get3A_378 {add = true, strides = array<i32>} : memref<321x256xf32, #tpu.memory_space<vmem>>, vector<16xf32>,
          %swap3A_495 = arith.index_cast %squeeze3A_260 : i32 to index
          %swap3A_496 = arith.constant 144 : index
          %swap3A_497 = tpu.vector_load %arg5[%swap3A_495, %swap3A_496] {strides = array<i32>} : memref<321x256xf32, #tpu.memory_space<vmem>>, vector<16xf32>,
          tpu.vector_store %arg5[%swap3A_495, %swap3A_496], %get3A_384 {add = true, strides = array<i32>} : memref<321x256xf32, #tpu.memory_space<vmem>>, vector<16xf32>,
          %swap3A_498 = arith.index_cast %squeeze3A_260 : i32 to index
          %swap3A_499 = arith.constant 160 : index
          %swap3A_500 = tpu.vector_load %arg5[%swap3A_498, %swap3A_499] {strides = array<i32>} : memref<321x256xf32, #tpu.memory_space<vmem>>, vector<16xf32>,
          tpu.vector_store %arg5[%swap3A_498, %swap3A_499], %get3A_390 {add = true, strides = array<i32>} : memref<321x256xf32, #tpu.memory_space<vmem>>, vector<16xf32>,
          %swap3A_501 = arith.index_cast %squeeze3A_260 : i32 to index
          %swap3A_502 = arith.constant 176 : index
          %swap3A_503 = tpu.vector_load %arg5[%swap3A_501, %swap3A_502] {strides = array<i32>} : memref<321x256xf32, #tpu.memory_space<vmem>>, vector<16xf32>,
          tpu.vector_store %arg5[%swap3A_501, %swap3A_502], %get3A_396 {add = true, strides = array<i32>} : memref<321x256xf32, #tpu.memory_space<vmem>>, vector<16xf32>,
          %swap3A_504 = arith.index_cast %squeeze3A_260 : i32 to index
          %swap3A_505 = arith.constant 192 : index
          %swap3A_506 = tpu.vector_load %arg5[%swap3A_504, %swap3A_505] {strides = array<i32>} : memref<321x256xf32, #tpu.memory_space<vmem>>, vector<16xf32>,
          tpu.vector_store %arg5[%swap3A_504, %swap3A_505], %get3A_402 {add = true, strides = array<i32>} : memref<321x256xf32, #tpu.memory_space<vmem>>, vector<16xf32>,
          %swap3A_507 = arith.index_cast %squeeze3A_260 : i32 to index
          %swap3A_508 = arith.constant 208 : index
          %swap3A_509 = tpu.vector_load %arg5[%swap3A_507, %swap3A_508] {strides = array<i32>} : memref<321x256xf32, #tpu.memory_space<vmem>>, vector<16xf32>,
          tpu.vector_store %arg5[%swap3A_507, %swap3A_508], %get3A_408 {add = true, strides = array<i32>} : memref<321x256xf32, #tpu.memory_space<vmem>>, vector<16xf32>,
          %swap3A_510 = arith.index_cast %squeeze3A_260 : i32 to index
          %swap3A_511 = arith.constant 224 : index
          %swap3A_512 = tpu.vector_load %arg5[%swap3A_510, %swap3A_511] {strides = array<i32>} : memref<321x256xf32, #tpu.memory_space<vmem>>, vector<16xf32>,
          tpu.vector_store %arg5[%swap3A_510, %swap3A_511], %get3A_414 {add = true, strides = array<i32>} : memref<321x256xf32, #tpu.memory_space<vmem>>, vector<16xf32>,
          %swap3A_513 = arith.index_cast %squeeze3A_260 : i32 to index
          %swap3A_514 = arith.constant 240 : index
          %swap3A_515 = tpu.vector_load %arg5[%swap3A_513, %swap3A_514] {strides = array<i32>} : memref<321x256xf32, #tpu.memory_space<vmem>>, vector<16xf32>,
          tpu.vector_store %arg5[%swap3A_513, %swap3A_514], %get3A_420 {add = true, strides = array<i32>} : memref<321x256xf32, #tpu.memory_space<vmem>>, vector<16xf32>,
        }
        %scan3A_251 = arith.constant 32 : i32
      }
      %add3A_144 = arith.addi %scan3A_45, %max3A_125 : i32
      %sub3A_145 = arith.subi %sub3A_122, %max3A_125 : i32
      %add3A_146 = arith.addi %add3A_144, %sub3A_145 : i32
      %sub3A_147 = arith.subi %add3A_146, %add3A_144 : i32
      %sub3A_148 = arith.constant 1 : i32
      %sub3A_149 = arith.constant 1 : i32
      %sub3A_150 = arith.subi %sub3A_148, %sub3A_149 : i32
      %add3A_151 = arith.addi %sub3A_147, %sub3A_150 : i32
      %div3A_152 = arith.constant 1 : i32
      %div3A_153 = arith.divsi %add3A_151, %div3A_152 : i32
      %while3A_154 = arith.constant 1 : i32
      %while3A_155 = arith.constant 0 : i32
      %while3A_156 = arith.subi %div3A_153, %while3A_155 : i32
      %while3A_157 = arith.addi %while3A_155, %while3A_156 : i32
      %while3A_158 = arith.constant 1 : i32
      %while3A_159 = arith.divsi %while3A_156, %while3A_158 : i32
      %while3A_160 = arith.muli %while3A_159, %while3A_158 : i32
      %while3A_161 = arith.addi %while3A_155, %while3A_160 : i32
      %while3A_162 = arith.constant 1 : i32
      scf.for %while3A_166 = %while3A_155 to %while3A_161 step %while3A_162  : i32 {
        %mul3A_167 = arith.muli %while3A_166, %while3A_154 : i32
        %add3A_168 = arith.addi %add3A_144, %mul3A_167 : i32
        %mul3A_169 = arith.constant 64 : i32
        %mul3A_170 = arith.muli %add3A_168, %mul3A_169 : i32
        %and3A_171 = arith.constant 2047 : i32
        %and3A_172 = arith.andi %mul3A_170, %and3A_171 : i32
        %jit3A_173 = arith.constant 2 : i32
        %eq3A_174 = arith.constant 0 : i32
        %eq3A_175 = arith.cmpi eq, %jit3A_173, %eq3A_174 : i32
        %jit3A_176 = arith.constant 1 : i32
        %select_n3A_177 = arith.select %eq3A_175, %jit3A_176, %jit3A_173 : i32
        %rem3A_178 = arith.remsi %add3A_168, %select_n3A_177 : i32
        %ne3A_179 = arith.constant 0 : i32
        %ne3A_180 = arith.cmpi ne, %rem3A_178, %ne3A_179 : i32
        %lt3A_181 = arith.constant 0 : i32
        %lt3A_182 = arith.cmpi slt, %rem3A_178, %lt3A_181 : i32
        %lt3A_183 = arith.constant 0 : i32
        %lt3A_184 = arith.cmpi slt, %select_n3A_177, %lt3A_183 : i32
        %ne3A_185 = arith.xori %lt3A_182, %lt3A_184 : i1
        %and3A_186 = arith.andi %ne3A_185, %ne3A_180 : i1
        %add3A_187 = arith.addi %rem3A_178, %select_n3A_177 : i32
        %select_n3A_188 = arith.select %and3A_186, %add3A_187, %rem3A_178 : i32
        %multiple_of3A = tpu.assume_multiple %and3A_172, 64 : i32
        %dma_start3A_189 = arith.constant 0 : i32
        %dma_start3A_190 = arith.constant 0 : i32
        %dma_start3A_191 = tpu.memref_slice %arg6[%select_n3A_188, %dma_start3A_189, %dma_start3A_190] : memref<2x64x256xf32, #tpu.memory_space<vmem>> -> memref<1x64x256xf32, #tpu.memory_space<vmem>>
        %dma_start3A_192 = tpu.memref_squeeze %dma_start3A_191 : memref<1x64x256xf32, #tpu.memory_space<vmem>> -> memref<64x256xf32, #tpu.memory_space<vmem>>
        %dma_start3A_193 = tpu.memref_slice %arg8[%multiple_of3A] : memref<2064xi32, #tpu.memory_space<vmem>> -> memref<64xi32, #tpu.memory_space<vmem>>
        %dma_start3A_194 = arith.constant 0 : i32
        %dma_start3A_195 = arith.constant 0 : i32
        %dma_start3A_196 = tpu.memref_slice %arg2[%dma_start3A_194, %dma_start3A_195] : memref<10000x256xf32, #tpu.memory_space<hbm>> -> memref<10000x256xf32, #tpu.memory_space<hbm>>
        tpu.enqueue_indirect_dma source(%dma_start3A_196 : memref<10000x256xf32, #tpu.memory_space<hbm>>) target(%dma_start3A_192 : memref<64x256xf32, #tpu.memory_space<vmem>>) offsets(%dma_start3A_193 : memref<64xi32, #tpu.memory_space<vmem>>) semaphore(%arg11 : memref<!tpu.dma_semaphore, #tpu.memory_space<semaphore_mem>>)
      }
      %while3A_163 = arith.constant 1 : i32
      scf.for %while3A_166 = %while3A_161 to %while3A_157 step %while3A_163  : i32 {
        %mul3A_167 = arith.muli %while3A_166, %while3A_154 : i32
        %add3A_168 = arith.addi %add3A_144, %mul3A_167 : i32
        %mul3A_169 = arith.constant 64 : i32
        %mul3A_170 = arith.muli %add3A_168, %mul3A_169 : i32
        %and3A_171 = arith.constant 2047 : i32
        %and3A_172 = arith.andi %mul3A_170, %and3A_171 : i32
        %jit3A_173 = arith.constant 2 : i32
        %eq3A_174 = arith.constant 0 : i32
        %eq3A_175 = arith.cmpi eq, %jit3A_173, %eq3A_174 : i32
        %jit3A_176 = arith.constant 1 : i32
        %select_n3A_177 = arith.select %eq3A_175, %jit3A_176, %jit3A_173 : i32
        %rem3A_178 = arith.remsi %add3A_168, %select_n3A_177 : i32
        %ne3A_179 = arith.constant 0 : i32
        %ne3A_180 = arith.cmpi ne, %rem3A_178, %ne3A_179 : i32
        %lt3A_181 = arith.constant 0 : i32
        %lt3A_182 = arith.cmpi slt, %rem3A_178, %lt3A_181 : i32
        %lt3A_183 = arith.constant 0 : i32
        %lt3A_184 = arith.cmpi slt, %select_n3A_177, %lt3A_183 : i32
        %ne3A_185 = arith.xori %lt3A_182, %lt3A_184 : i1
        %and3A_186 = arith.andi %ne3A_185, %ne3A_180 : i1
        %add3A_187 = arith.addi %rem3A_178, %select_n3A_177 : i32
        %select_n3A_188 = arith.select %and3A_186, %add3A_187, %rem3A_178 : i32
        %multiple_of3A = tpu.assume_multiple %and3A_172, 64 : i32
        %dma_start3A_189 = arith.constant 0 : i32
        %dma_start3A_190 = arith.constant 0 : i32
        %dma_start3A_191 = tpu.memref_slice %arg6[%select_n3A_188, %dma_start3A_189, %dma_start3A_190] : memref<2x64x256xf32, #tpu.memory_space<vmem>> -> memref<1x64x256xf32, #tpu.memory_space<vmem>>
        %dma_start3A_192 = tpu.memref_squeeze %dma_start3A_191 : memref<1x64x256xf32, #tpu.memory_space<vmem>> -> memref<64x256xf32, #tpu.memory_space<vmem>>
        %dma_start3A_193 = tpu.memref_slice %arg8[%multiple_of3A] : memref<2064xi32, #tpu.memory_space<vmem>> -> memref<64xi32, #tpu.memory_space<vmem>>
        %dma_start3A_194 = arith.constant 0 : i32
        %dma_start3A_195 = arith.constant 0 : i32
        %dma_start3A_196 = tpu.memref_slice %arg2[%dma_start3A_194, %dma_start3A_195] : memref<10000x256xf32, #tpu.memory_space<hbm>> -> memref<10000x256xf32, #tpu.memory_space<hbm>>
        tpu.enqueue_indirect_dma source(%dma_start3A_196 : memref<10000x256xf32, #tpu.memory_space<hbm>>) target(%dma_start3A_192 : memref<64x256xf32, #tpu.memory_space<vmem>>) offsets(%dma_start3A_193 : memref<64xi32, #tpu.memory_space<vmem>>) semaphore(%arg11 : memref<!tpu.dma_semaphore, #tpu.memory_space<semaphore_mem>>)
      }
      %sub3A_164 = arith.subi %sub3A_122, %max3A_125 : i32
      %add3A_165 = arith.addi %add3A_144, %sub3A_164 : i32
      scf.yield %scan3A_80, %add3A_165, %add3A_144 : i32, i32, i32
    }
    %scan3A_25 = arith.constant 99 : i32
    %sub3A = arith.subi %scan3A_24#1, %scan3A_24#2 : i32
    %sub3A_26 = arith.constant 1 : i32
    %sub3A_27 = arith.constant 1 : i32
    %sub3A_28 = arith.subi %sub3A_26, %sub3A_27 : i32
    %add3A_29 = arith.addi %sub3A, %sub3A_28 : i32
    %div3A = arith.constant 1 : i32
    %div3A_30 = arith.divsi %add3A_29, %div3A : i32
    %while3A = arith.constant 1 : i32
    %while3A_31 = arith.constant 0 : i32
    %while3A_32 = arith.subi %div3A_30, %while3A_31 : i32
    %while3A_33 = arith.addi %while3A_31, %while3A_32 : i32
    %while3A_34 = arith.constant 1 : i32
    %while3A_35 = arith.divsi %while3A_32, %while3A_34 : i32
    %while3A_36 = arith.muli %while3A_35, %while3A_34 : i32
    %while3A_37 = arith.addi %while3A_31, %while3A_36 : i32
    %while3A_38 = arith.constant 1 : i32
    scf.for %while3A_43 = %while3A_31 to %while3A_37 step %while3A_38  : i32 {
      %mul3A_44 = arith.muli %while3A_43, %while3A : i32
      %add3A_45 = arith.addi %scan3A_24#2, %mul3A_44 : i32
      %jit3A = arith.constant 2 : i32
      %eq3A = arith.constant 0 : i32
      %eq3A_46 = arith.cmpi eq, %jit3A, %eq3A : i32
      %jit3A_47 = arith.constant 1 : i32
      %select_n3A = arith.select %eq3A_46, %jit3A_47, %jit3A : i32
      %rem3A = arith.remsi %add3A_45, %select_n3A : i32
      %ne3A = arith.constant 0 : i32
      %ne3A_48 = arith.cmpi ne, %rem3A, %ne3A : i32
      %lt3A = arith.constant 0 : i32
      %lt3A_49 = arith.cmpi slt, %rem3A, %lt3A : i32
      %lt3A_50 = arith.constant 0 : i32
      %lt3A_51 = arith.cmpi slt, %select_n3A, %lt3A_50 : i32
      %ne3A_52 = arith.xori %lt3A_49, %lt3A_51 : i1
      %and3A = arith.andi %ne3A_52, %ne3A_48 : i1
      %add3A_53 = arith.addi %rem3A, %select_n3A : i32
      %select_n3A_54 = arith.select %and3A, %add3A_53, %rem3A : i32
      %dma_wait3A = arith.constant 0 : i32
      %dma_wait3A_55 = arith.constant 0 : i32
      %dma_wait3A_56 = tpu.memref_slice %arg6[%select_n3A_54, %dma_wait3A, %dma_wait3A_55] : memref<2x64x256xf32, #tpu.memory_space<vmem>> -> memref<1x64x256xf32, #tpu.memory_space<vmem>>
      %dma_wait3A_57 = tpu.memref_squeeze %dma_wait3A_56 : memref<1x64x256xf32, #tpu.memory_space<vmem>> -> memref<64x256xf32, #tpu.memory_space<vmem>>
      %dma_wait3A_58 = arith.constant 0 : i32
      %dma_wait3A_59 = arith.constant 0 : i32
      %dma_wait3A_60 = tpu.memref_slice %arg2[%dma_wait3A_58, %dma_wait3A_59] : memref<10000x256xf32, #tpu.memory_space<hbm>> -> memref<64x256xf32, #tpu.memory_space<hbm>>
      %dma_wait3A_61 = arith.constant 0 : i32
      %dma_wait3A_62 = arith.constant 0 : i32
      %dma_wait3A_63 = tpu.memref_slice %arg6[%select_n3A_54, %dma_wait3A_61, %dma_wait3A_62] : memref<2x64x256xf32, #tpu.memory_space<vmem>> -> memref<1x64x256xf32, #tpu.memory_space<vmem>>
      %dma_wait3A_64 = tpu.memref_squeeze %dma_wait3A_63 : memref<1x64x256xf32, #tpu.memory_space<vmem>> -> memref<64x256xf32, #tpu.memory_space<vmem>>
      %dma_wait3A_65 = arith.constant 0 : i32
      %dma_wait3A_66 = arith.constant 0 : i32
      %dma_wait3A_67 = tpu.memref_slice %arg2[%dma_wait3A_65, %dma_wait3A_66] : memref<10000x256xf32, #tpu.memory_space<hbm>> -> memref<64x256xf32, #tpu.memory_space<hbm>>
      tpu.wait_dma2 semaphore(%arg11 : memref<!tpu.dma_semaphore, #tpu.memory_space<semaphore_mem>>) src(%dma_wait3A_67 : memref<64x256xf32, #tpu.memory_space<hbm>>) dst(%dma_wait3A_64 : memref<64x256xf32, #tpu.memory_space<vmem>>)
      %mul3A_68 = arith.constant 64 : i32
      %mul3A_69 = arith.muli %add3A_45, %mul3A_68 : i32
      %and3A_70 = arith.constant 2047 : i32
      %and3A_71 = arith.andi %mul3A_69, %and3A_70 : i32
      %jit3A_72 = arith.constant 2 : i32
      %eq3A_73 = arith.constant 0 : i32
      %eq3A_74 = arith.cmpi eq, %jit3A_72, %eq3A_73 : i32
      %jit3A_75 = arith.constant 1 : i32
      %select_n3A_76 = arith.select %eq3A_74, %jit3A_75, %jit3A_72 : i32
      %rem3A_77 = arith.remsi %add3A_45, %select_n3A_76 : i32
      %ne3A_78 = arith.constant 0 : i32
      %ne3A_79 = arith.cmpi ne, %rem3A_77, %ne3A_78 : i32
      %lt3A_80 = arith.constant 0 : i32
      %lt3A_81 = arith.cmpi slt, %rem3A_77, %lt3A_80 : i32
      %lt3A_82 = arith.constant 0 : i32
      %lt3A_83 = arith.cmpi slt, %select_n3A_76, %lt3A_82 : i32
      %ne3A_84 = arith.xori %lt3A_81, %lt3A_83 : i1
      %and3A_85 = arith.andi %ne3A_84, %ne3A_79 : i1
      %add3A_86 = arith.addi %rem3A_77, %select_n3A_76 : i32
      %select_n3A_87 = arith.select %and3A_85, %add3A_86, %rem3A_77 : i32
      %scan3A_88 = arith.constant 0 : i32
      %scan3A_89 = arith.constant 32 : i32
      %scan3A_90 = arith.addi %scan3A_88, %scan3A_89 : i32
      %scan3A_91 = arith.constant 1 : i32
      scf.for %scan3A_93 = %scan3A_88 to %scan3A_90 step %scan3A_91  : i32 {
        %mul3A_94 = arith.constant 2 : i32
        %mul3A_95 = arith.muli %scan3A_93, %mul3A_94 : i32
        %add3A_96 = arith.constant 0 : i32
        %add3A_97 = arith.addi %add3A_96, %mul3A_95 : i32
        %add3A_98 = arith.addi %and3A_71, %add3A_97 : i32
        %get3A = arith.index_cast %add3A_98 : i32 to index
        %get3A_99 = tpu.vector_load %arg9[%get3A] {strides = array<i32>} : memref<2064xi32, #tpu.memory_space<vmem>>, vector<16xi32>,
        %slice3A = vector.extract_strided_slice %get3A_99 {offsets = [0], sizes = [1], strides = [1]} : vector<16xi32> to vector<1xi32>
        %squeeze3A = vector.extract %slice3A[0] : i32 from vector<1xi32>
        %slice3A_100 = vector.extract_strided_slice %get3A_99 {offsets = [1], sizes = [1], strides = [1]} : vector<16xi32> to vector<1xi32>
        %squeeze3A_101 = vector.extract %slice3A_100[0] : i32 from vector<1xi32>
        %get3A_102 = arith.index_cast %select_n3A_87 : i32 to index
        %get3A_103 = arith.index_cast %add3A_97 : i32 to index
        %get3A_104 = arith.constant 0 : index
        %get3A_105 = tpu.vector_load %arg6[%get3A_102, %get3A_103, %get3A_104] {strides = array<i32>} : memref<2x64x256xf32, #tpu.memory_space<vmem>>, vector<16xf32>,
        %get3A_106 = arith.index_cast %select_n3A_87 : i32 to index
        %get3A_107 = arith.index_cast %add3A_97 : i32 to index
        %get3A_108 = arith.constant 16 : index
        %get3A_109 = tpu.vector_load %arg6[%get3A_106, %get3A_107, %get3A_108] {strides = array<i32>} : memref<2x64x256xf32, #tpu.memory_space<vmem>>, vector<16xf32>,
        %get3A_110 = arith.index_cast %select_n3A_87 : i32 to index
        %get3A_111 = arith.index_cast %add3A_97 : i32 to index
        %get3A_112 = arith.constant 32 : index
        %get3A_113 = tpu.vector_load %arg6[%get3A_110, %get3A_111, %get3A_112] {strides = array<i32>} : memref<2x64x256xf32, #tpu.memory_space<vmem>>, vector<16xf32>,
        %get3A_114 = arith.index_cast %select_n3A_87 : i32 to index
        %get3A_115 = arith.index_cast %add3A_97 : i32 to index
        %get3A_116 = arith.constant 48 : index
        %get3A_117 = tpu.vector_load %arg6[%get3A_114, %get3A_115, %get3A_116] {strides = array<i32>} : memref<2x64x256xf32, #tpu.memory_space<vmem>>, vector<16xf32>,
        %get3A_118 = arith.index_cast %select_n3A_87 : i32 to index
        %get3A_119 = arith.index_cast %add3A_97 : i32 to index
        %get3A_120 = arith.constant 64 : index
        %get3A_121 = tpu.vector_load %arg6[%get3A_118, %get3A_119, %get3A_120] {strides = array<i32>} : memref<2x64x256xf32, #tpu.memory_space<vmem>>, vector<16xf32>,
        %get3A_122 = arith.index_cast %select_n3A_87 : i32 to index
        %get3A_123 = arith.index_cast %add3A_97 : i32 to index
        %get3A_124 = arith.constant 80 : index
        %get3A_125 = tpu.vector_load %arg6[%get3A_122, %get3A_123, %get3A_124] {strides = array<i32>} : memref<2x64x256xf32, #tpu.memory_space<vmem>>, vector<16xf32>,
        %get3A_126 = arith.index_cast %select_n3A_87 : i32 to index
        %get3A_127 = arith.index_cast %add3A_97 : i32 to index
        %get3A_128 = arith.constant 96 : index
        %get3A_129 = tpu.vector_load %arg6[%get3A_126, %get3A_127, %get3A_128] {strides = array<i32>} : memref<2x64x256xf32, #tpu.memory_space<vmem>>, vector<16xf32>,
        %get3A_130 = arith.index_cast %select_n3A_87 : i32 to index
        %get3A_131 = arith.index_cast %add3A_97 : i32 to index
        %get3A_132 = arith.constant 112 : index
        %get3A_133 = tpu.vector_load %arg6[%get3A_130, %get3A_131, %get3A_132] {strides = array<i32>} : memref<2x64x256xf32, #tpu.memory_space<vmem>>, vector<16xf32>,
        %get3A_134 = arith.index_cast %select_n3A_87 : i32 to index
        %get3A_135 = arith.index_cast %add3A_97 : i32 to index
        %get3A_136 = arith.constant 128 : index
        %get3A_137 = tpu.vector_load %arg6[%get3A_134, %get3A_135, %get3A_136] {strides = array<i32>} : memref<2x64x256xf32, #tpu.memory_space<vmem>>, vector<16xf32>,
        %get3A_138 = arith.index_cast %select_n3A_87 : i32 to index
        %get3A_139 = arith.index_cast %add3A_97 : i32 to index
        %get3A_140 = arith.constant 144 : index
        %get3A_141 = tpu.vector_load %arg6[%get3A_138, %get3A_139, %get3A_140] {strides = array<i32>} : memref<2x64x256xf32, #tpu.memory_space<vmem>>, vector<16xf32>,
        %get3A_142 = arith.index_cast %select_n3A_87 : i32 to index
        %get3A_143 = arith.index_cast %add3A_97 : i32 to index
        %get3A_144 = arith.constant 160 : index
        %get3A_145 = tpu.vector_load %arg6[%get3A_142, %get3A_143, %get3A_144] {strides = array<i32>} : memref<2x64x256xf32, #tpu.memory_space<vmem>>, vector<16xf32>,
        %get3A_146 = arith.index_cast %select_n3A_87 : i32 to index
        %get3A_147 = arith.index_cast %add3A_97 : i32 to index
        %get3A_148 = arith.constant 176 : index
        %get3A_149 = tpu.vector_load %arg6[%get3A_146, %get3A_147, %get3A_148] {strides = array<i32>} : memref<2x64x256xf32, #tpu.memory_space<vmem>>, vector<16xf32>,
        %get3A_150 = arith.index_cast %select_n3A_87 : i32 to index
        %get3A_151 = arith.index_cast %add3A_97 : i32 to index
        %get3A_152 = arith.constant 192 : index
        %get3A_153 = tpu.vector_load %arg6[%get3A_150, %get3A_151, %get3A_152] {strides = array<i32>} : memref<2x64x256xf32, #tpu.memory_space<vmem>>, vector<16xf32>,
        %get3A_154 = arith.index_cast %select_n3A_87 : i32 to index
        %get3A_155 = arith.index_cast %add3A_97 : i32 to index
        %get3A_156 = arith.constant 208 : index
        %get3A_157 = tpu.vector_load %arg6[%get3A_154, %get3A_155, %get3A_156] {strides = array<i32>} : memref<2x64x256xf32, #tpu.memory_space<vmem>>, vector<16xf32>,
        %get3A_158 = arith.index_cast %select_n3A_87 : i32 to index
        %get3A_159 = arith.index_cast %add3A_97 : i32 to index
        %get3A_160 = arith.constant 224 : index
        %get3A_161 = tpu.vector_load %arg6[%get3A_158, %get3A_159, %get3A_160] {strides = array<i32>} : memref<2x64x256xf32, #tpu.memory_space<vmem>>, vector<16xf32>,
        %get3A_162 = arith.index_cast %select_n3A_87 : i32 to index
        %get3A_163 = arith.index_cast %add3A_97 : i32 to index
        %get3A_164 = arith.constant 240 : index
        %get3A_165 = tpu.vector_load %arg6[%get3A_162, %get3A_163, %get3A_164] {strides = array<i32>} : memref<2x64x256xf32, #tpu.memory_space<vmem>>, vector<16xf32>,
        %add3A_166 = arith.constant 1 : i32
        %add3A_167 = arith.addi %add3A_97, %add3A_166 : i32
        %get3A_168 = arith.index_cast %select_n3A_87 : i32 to index
        %get3A_169 = arith.index_cast %add3A_167 : i32 to index
        %get3A_170 = arith.constant 0 : index
        %get3A_171 = tpu.vector_load %arg6[%get3A_168, %get3A_169, %get3A_170] {strides = array<i32>} : memref<2x64x256xf32, #tpu.memory_space<vmem>>, vector<16xf32>,
        %add3A_172 = arith.constant 1 : i32
        %add3A_173 = arith.addi %add3A_97, %add3A_172 : i32
        %get3A_174 = arith.index_cast %select_n3A_87 : i32 to index
        %get3A_175 = arith.index_cast %add3A_173 : i32 to index
        %get3A_176 = arith.constant 16 : index
        %get3A_177 = tpu.vector_load %arg6[%get3A_174, %get3A_175, %get3A_176] {strides = array<i32>} : memref<2x64x256xf32, #tpu.memory_space<vmem>>, vector<16xf32>,
        %add3A_178 = arith.constant 1 : i32
        %add3A_179 = arith.addi %add3A_97, %add3A_178 : i32
        %get3A_180 = arith.index_cast %select_n3A_87 : i32 to index
        %get3A_181 = arith.index_cast %add3A_179 : i32 to index
        %get3A_182 = arith.constant 32 : index
        %get3A_183 = tpu.vector_load %arg6[%get3A_180, %get3A_181, %get3A_182] {strides = array<i32>} : memref<2x64x256xf32, #tpu.memory_space<vmem>>, vector<16xf32>,
        %add3A_184 = arith.constant 1 : i32
        %add3A_185 = arith.addi %add3A_97, %add3A_184 : i32
        %get3A_186 = arith.index_cast %select_n3A_87 : i32 to index
        %get3A_187 = arith.index_cast %add3A_185 : i32 to index
        %get3A_188 = arith.constant 48 : index
        %get3A_189 = tpu.vector_load %arg6[%get3A_186, %get3A_187, %get3A_188] {strides = array<i32>} : memref<2x64x256xf32, #tpu.memory_space<vmem>>, vector<16xf32>,
        %add3A_190 = arith.constant 1 : i32
        %add3A_191 = arith.addi %add3A_97, %add3A_190 : i32
        %get3A_192 = arith.index_cast %select_n3A_87 : i32 to index
        %get3A_193 = arith.index_cast %add3A_191 : i32 to index
        %get3A_194 = arith.constant 64 : index
        %get3A_195 = tpu.vector_load %arg6[%get3A_192, %get3A_193, %get3A_194] {strides = array<i32>} : memref<2x64x256xf32, #tpu.memory_space<vmem>>, vector<16xf32>,
        %add3A_196 = arith.constant 1 : i32
        %add3A_197 = arith.addi %add3A_97, %add3A_196 : i32
        %get3A_198 = arith.index_cast %select_n3A_87 : i32 to index
        %get3A_199 = arith.index_cast %add3A_197 : i32 to index
        %get3A_200 = arith.constant 80 : index
        %get3A_201 = tpu.vector_load %arg6[%get3A_198, %get3A_199, %get3A_200] {strides = array<i32>} : memref<2x64x256xf32, #tpu.memory_space<vmem>>, vector<16xf32>,
        %add3A_202 = arith.constant 1 : i32
        %add3A_203 = arith.addi %add3A_97, %add3A_202 : i32
        %get3A_204 = arith.index_cast %select_n3A_87 : i32 to index
        %get3A_205 = arith.index_cast %add3A_203 : i32 to index
        %get3A_206 = arith.constant 96 : index
        %get3A_207 = tpu.vector_load %arg6[%get3A_204, %get3A_205, %get3A_206] {strides = array<i32>} : memref<2x64x256xf32, #tpu.memory_space<vmem>>, vector<16xf32>,
        %add3A_208 = arith.constant 1 : i32
        %add3A_209 = arith.addi %add3A_97, %add3A_208 : i32
        %get3A_210 = arith.index_cast %select_n3A_87 : i32 to index
        %get3A_211 = arith.index_cast %add3A_209 : i32 to index
        %get3A_212 = arith.constant 112 : index
        %get3A_213 = tpu.vector_load %arg6[%get3A_210, %get3A_211, %get3A_212] {strides = array<i32>} : memref<2x64x256xf32, #tpu.memory_space<vmem>>, vector<16xf32>,
        %add3A_214 = arith.constant 1 : i32
        %add3A_215 = arith.addi %add3A_97, %add3A_214 : i32
        %get3A_216 = arith.index_cast %select_n3A_87 : i32 to index
        %get3A_217 = arith.index_cast %add3A_215 : i32 to index
        %get3A_218 = arith.constant 128 : index
        %get3A_219 = tpu.vector_load %arg6[%get3A_216, %get3A_217, %get3A_218] {strides = array<i32>} : memref<2x64x256xf32, #tpu.memory_space<vmem>>, vector<16xf32>,
        %add3A_220 = arith.constant 1 : i32
        %add3A_221 = arith.addi %add3A_97, %add3A_220 : i32
        %get3A_222 = arith.index_cast %select_n3A_87 : i32 to index
        %get3A_223 = arith.index_cast %add3A_221 : i32 to index
        %get3A_224 = arith.constant 144 : index
        %get3A_225 = tpu.vector_load %arg6[%get3A_222, %get3A_223, %get3A_224] {strides = array<i32>} : memref<2x64x256xf32, #tpu.memory_space<vmem>>, vector<16xf32>,
        %add3A_226 = arith.constant 1 : i32
        %add3A_227 = arith.addi %add3A_97, %add3A_226 : i32
        %get3A_228 = arith.index_cast %select_n3A_87 : i32 to index
        %get3A_229 = arith.index_cast %add3A_227 : i32 to index
        %get3A_230 = arith.constant 160 : index
        %get3A_231 = tpu.vector_load %arg6[%get3A_228, %get3A_229, %get3A_230] {strides = array<i32>} : memref<2x64x256xf32, #tpu.memory_space<vmem>>, vector<16xf32>,
        %add3A_232 = arith.constant 1 : i32
        %add3A_233 = arith.addi %add3A_97, %add3A_232 : i32
        %get3A_234 = arith.index_cast %select_n3A_87 : i32 to index
        %get3A_235 = arith.index_cast %add3A_233 : i32 to index
        %get3A_236 = arith.constant 176 : index
        %get3A_237 = tpu.vector_load %arg6[%get3A_234, %get3A_235, %get3A_236] {strides = array<i32>} : memref<2x64x256xf32, #tpu.memory_space<vmem>>, vector<16xf32>,
        %add3A_238 = arith.constant 1 : i32
        %add3A_239 = arith.addi %add3A_97, %add3A_238 : i32
        %get3A_240 = arith.index_cast %select_n3A_87 : i32 to index
        %get3A_241 = arith.index_cast %add3A_239 : i32 to index
        %get3A_242 = arith.constant 192 : index
        %get3A_243 = tpu.vector_load %arg6[%get3A_240, %get3A_241, %get3A_242] {strides = array<i32>} : memref<2x64x256xf32, #tpu.memory_space<vmem>>, vector<16xf32>,
        %add3A_244 = arith.constant 1 : i32
        %add3A_245 = arith.addi %add3A_97, %add3A_244 : i32
        %get3A_246 = arith.index_cast %select_n3A_87 : i32 to index
        %get3A_247 = arith.index_cast %add3A_245 : i32 to index
        %get3A_248 = arith.constant 208 : index
        %get3A_249 = tpu.vector_load %arg6[%get3A_246, %get3A_247, %get3A_248] {strides = array<i32>} : memref<2x64x256xf32, #tpu.memory_space<vmem>>, vector<16xf32>,
        %add3A_250 = arith.constant 1 : i32
        %add3A_251 = arith.addi %add3A_97, %add3A_250 : i32
        %get3A_252 = arith.index_cast %select_n3A_87 : i32 to index
        %get3A_253 = arith.index_cast %add3A_251 : i32 to index
        %get3A_254 = arith.constant 224 : index
        %get3A_255 = tpu.vector_load %arg6[%get3A_252, %get3A_253, %get3A_254] {strides = array<i32>} : memref<2x64x256xf32, #tpu.memory_space<vmem>>, vector<16xf32>,
        %add3A_256 = arith.constant 1 : i32
        %add3A_257 = arith.addi %add3A_97, %add3A_256 : i32
        %get3A_258 = arith.index_cast %select_n3A_87 : i32 to index
        %get3A_259 = arith.index_cast %add3A_257 : i32 to index
        %get3A_260 = arith.constant 240 : index
        %get3A_261 = tpu.vector_load %arg6[%get3A_258, %get3A_259, %get3A_260] {strides = array<i32>} : memref<2x64x256xf32, #tpu.memory_space<vmem>>, vector<16xf32>,
        %swap3A = arith.index_cast %squeeze3A : i32 to index
        %swap3A_262 = arith.constant 0 : index
        %swap3A_263 = tpu.vector_load %arg5[%swap3A, %swap3A_262] {strides = array<i32>} : memref<321x256xf32, #tpu.memory_space<vmem>>, vector<16xf32>,
        tpu.vector_store %arg5[%swap3A, %swap3A_262], %get3A_105 {add = true, strides = array<i32>} : memref<321x256xf32, #tpu.memory_space<vmem>>, vector<16xf32>,
        %swap3A_264 = arith.index_cast %squeeze3A : i32 to index
        %swap3A_265 = arith.constant 16 : index
        %swap3A_266 = tpu.vector_load %arg5[%swap3A_264, %swap3A_265] {strides = array<i32>} : memref<321x256xf32, #tpu.memory_space<vmem>>, vector<16xf32>,
        tpu.vector_store %arg5[%swap3A_264, %swap3A_265], %get3A_109 {add = true, strides = array<i32>} : memref<321x256xf32, #tpu.memory_space<vmem>>, vector<16xf32>,
        %swap3A_267 = arith.index_cast %squeeze3A : i32 to index
        %swap3A_268 = arith.constant 32 : index
        %swap3A_269 = tpu.vector_load %arg5[%swap3A_267, %swap3A_268] {strides = array<i32>} : memref<321x256xf32, #tpu.memory_space<vmem>>, vector<16xf32>,
        tpu.vector_store %arg5[%swap3A_267, %swap3A_268], %get3A_113 {add = true, strides = array<i32>} : memref<321x256xf32, #tpu.memory_space<vmem>>, vector<16xf32>,
        %swap3A_270 = arith.index_cast %squeeze3A : i32 to index
        %swap3A_271 = arith.constant 48 : index
        %swap3A_272 = tpu.vector_load %arg5[%swap3A_270, %swap3A_271] {strides = array<i32>} : memref<321x256xf32, #tpu.memory_space<vmem>>, vector<16xf32>,
        tpu.vector_store %arg5[%swap3A_270, %swap3A_271], %get3A_117 {add = true, strides = array<i32>} : memref<321x256xf32, #tpu.memory_space<vmem>>, vector<16xf32>,
        %swap3A_273 = arith.index_cast %squeeze3A : i32 to index
        %swap3A_274 = arith.constant 64 : index
        %swap3A_275 = tpu.vector_load %arg5[%swap3A_273, %swap3A_274] {strides = array<i32>} : memref<321x256xf32, #tpu.memory_space<vmem>>, vector<16xf32>,
        tpu.vector_store %arg5[%swap3A_273, %swap3A_274], %get3A_121 {add = true, strides = array<i32>} : memref<321x256xf32, #tpu.memory_space<vmem>>, vector<16xf32>,
        %swap3A_276 = arith.index_cast %squeeze3A : i32 to index
        %swap3A_277 = arith.constant 80 : index
        %swap3A_278 = tpu.vector_load %arg5[%swap3A_276, %swap3A_277] {strides = array<i32>} : memref<321x256xf32, #tpu.memory_space<vmem>>, vector<16xf32>,
        tpu.vector_store %arg5[%swap3A_276, %swap3A_277], %get3A_125 {add = true, strides = array<i32>} : memref<321x256xf32, #tpu.memory_space<vmem>>, vector<16xf32>,
        %swap3A_279 = arith.index_cast %squeeze3A : i32 to index
        %swap3A_280 = arith.constant 96 : index
        %swap3A_281 = tpu.vector_load %arg5[%swap3A_279, %swap3A_280] {strides = array<i32>} : memref<321x256xf32, #tpu.memory_space<vmem>>, vector<16xf32>,
        tpu.vector_store %arg5[%swap3A_279, %swap3A_280], %get3A_129 {add = true, strides = array<i32>} : memref<321x256xf32, #tpu.memory_space<vmem>>, vector<16xf32>,
        %swap3A_282 = arith.index_cast %squeeze3A : i32 to index
        %swap3A_283 = arith.constant 112 : index
        %swap3A_284 = tpu.vector_load %arg5[%swap3A_282, %swap3A_283] {strides = array<i32>} : memref<321x256xf32, #tpu.memory_space<vmem>>, vector<16xf32>,
        tpu.vector_store %arg5[%swap3A_282, %swap3A_283], %get3A_133 {add = true, strides = array<i32>} : memref<321x256xf32, #tpu.memory_space<vmem>>, vector<16xf32>,
        %swap3A_285 = arith.index_cast %squeeze3A : i32 to index
        %swap3A_286 = arith.constant 128 : index
        %swap3A_287 = tpu.vector_load %arg5[%swap3A_285, %swap3A_286] {strides = array<i32>} : memref<321x256xf32, #tpu.memory_space<vmem>>, vector<16xf32>,
        tpu.vector_store %arg5[%swap3A_285, %swap3A_286], %get3A_137 {add = true, strides = array<i32>} : memref<321x256xf32, #tpu.memory_space<vmem>>, vector<16xf32>,
        %swap3A_288 = arith.index_cast %squeeze3A : i32 to index
        %swap3A_289 = arith.constant 144 : index
        %swap3A_290 = tpu.vector_load %arg5[%swap3A_288, %swap3A_289] {strides = array<i32>} : memref<321x256xf32, #tpu.memory_space<vmem>>, vector<16xf32>,
        tpu.vector_store %arg5[%swap3A_288, %swap3A_289], %get3A_141 {add = true, strides = array<i32>} : memref<321x256xf32, #tpu.memory_space<vmem>>, vector<16xf32>,
        %swap3A_291 = arith.index_cast %squeeze3A : i32 to index
        %swap3A_292 = arith.constant 160 : index
        %swap3A_293 = tpu.vector_load %arg5[%swap3A_291, %swap3A_292] {strides = array<i32>} : memref<321x256xf32, #tpu.memory_space<vmem>>, vector<16xf32>,
        tpu.vector_store %arg5[%swap3A_291, %swap3A_292], %get3A_145 {add = true, strides = array<i32>} : memref<321x256xf32, #tpu.memory_space<vmem>>, vector<16xf32>,
        %swap3A_294 = arith.index_cast %squeeze3A : i32 to index
        %swap3A_295 = arith.constant 176 : index
        %swap3A_296 = tpu.vector_load %arg5[%swap3A_294, %swap3A_295] {strides = array<i32>} : memref<321x256xf32, #tpu.memory_space<vmem>>, vector<16xf32>,
        tpu.vector_store %arg5[%swap3A_294, %swap3A_295], %get3A_149 {add = true, strides = array<i32>} : memref<321x256xf32, #tpu.memory_space<vmem>>, vector<16xf32>,
        %swap3A_297 = arith.index_cast %squeeze3A : i32 to index
        %swap3A_298 = arith.constant 192 : index
        %swap3A_299 = tpu.vector_load %arg5[%swap3A_297, %swap3A_298] {strides = array<i32>} : memref<321x256xf32, #tpu.memory_space<vmem>>, vector<16xf32>,
        tpu.vector_store %arg5[%swap3A_297, %swap3A_298], %get3A_153 {add = true, strides = array<i32>} : memref<321x256xf32, #tpu.memory_space<vmem>>, vector<16xf32>,
        %swap3A_300 = arith.index_cast %squeeze3A : i32 to index
        %swap3A_301 = arith.constant 208 : index
        %swap3A_302 = tpu.vector_load %arg5[%swap3A_300, %swap3A_301] {strides = array<i32>} : memref<321x256xf32, #tpu.memory_space<vmem>>, vector<16xf32>,
        tpu.vector_store %arg5[%swap3A_300, %swap3A_301], %get3A_157 {add = true, strides = array<i32>} : memref<321x256xf32, #tpu.memory_space<vmem>>, vector<16xf32>,
        %swap3A_303 = arith.index_cast %squeeze3A : i32 to index
        %swap3A_304 = arith.constant 224 : index
        %swap3A_305 = tpu.vector_load %arg5[%swap3A_303, %swap3A_304] {strides = array<i32>} : memref<321x256xf32, #tpu.memory_space<vmem>>, vector<16xf32>,
        tpu.vector_store %arg5[%swap3A_303, %swap3A_304], %get3A_161 {add = true, strides = array<i32>} : memref<321x256xf32, #tpu.memory_space<vmem>>, vector<16xf32>,
        %swap3A_306 = arith.index_cast %squeeze3A : i32 to index
        %swap3A_307 = arith.constant 240 : index
        %swap3A_308 = tpu.vector_load %arg5[%swap3A_306, %swap3A_307] {strides = array<i32>} : memref<321x256xf32, #tpu.memory_space<vmem>>, vector<16xf32>,
        tpu.vector_store %arg5[%swap3A_306, %swap3A_307], %get3A_165 {add = true, strides = array<i32>} : memref<321x256xf32, #tpu.memory_space<vmem>>, vector<16xf32>,
        %swap3A_309 = arith.index_cast %squeeze3A_101 : i32 to index
        %swap3A_310 = arith.constant 0 : index
        %swap3A_311 = tpu.vector_load %arg5[%swap3A_309, %swap3A_310] {strides = array<i32>} : memref<321x256xf32, #tpu.memory_space<vmem>>, vector<16xf32>,
        tpu.vector_store %arg5[%swap3A_309, %swap3A_310], %get3A_171 {add = true, strides = array<i32>} : memref<321x256xf32, #tpu.memory_space<vmem>>, vector<16xf32>,
        %swap3A_312 = arith.index_cast %squeeze3A_101 : i32 to index
        %swap3A_313 = arith.constant 16 : index
        %swap3A_314 = tpu.vector_load %arg5[%swap3A_312, %swap3A_313] {strides = array<i32>} : memref<321x256xf32, #tpu.memory_space<vmem>>, vector<16xf32>,
        tpu.vector_store %arg5[%swap3A_312, %swap3A_313], %get3A_177 {add = true, strides = array<i32>} : memref<321x256xf32, #tpu.memory_space<vmem>>, vector<16xf32>,
        %swap3A_315 = arith.index_cast %squeeze3A_101 : i32 to index
        %swap3A_316 = arith.constant 32 : index
        %swap3A_317 = tpu.vector_load %arg5[%swap3A_315, %swap3A_316] {strides = array<i32>} : memref<321x256xf32, #tpu.memory_space<vmem>>, vector<16xf32>,
        tpu.vector_store %arg5[%swap3A_315, %swap3A_316], %get3A_183 {add = true, strides = array<i32>} : memref<321x256xf32, #tpu.memory_space<vmem>>, vector<16xf32>,
        %swap3A_318 = arith.index_cast %squeeze3A_101 : i32 to index
        %swap3A_319 = arith.constant 48 : index
        %swap3A_320 = tpu.vector_load %arg5[%swap3A_318, %swap3A_319] {strides = array<i32>} : memref<321x256xf32, #tpu.memory_space<vmem>>, vector<16xf32>,
        tpu.vector_store %arg5[%swap3A_318, %swap3A_319], %get3A_189 {add = true, strides = array<i32>} : memref<321x256xf32, #tpu.memory_space<vmem>>, vector<16xf32>,
        %swap3A_321 = arith.index_cast %squeeze3A_101 : i32 to index
        %swap3A_322 = arith.constant 64 : index
        %swap3A_323 = tpu.vector_load %arg5[%swap3A_321, %swap3A_322] {strides = array<i32>} : memref<321x256xf32, #tpu.memory_space<vmem>>, vector<16xf32>,
        tpu.vector_store %arg5[%swap3A_321, %swap3A_322], %get3A_195 {add = true, strides = array<i32>} : memref<321x256xf32, #tpu.memory_space<vmem>>, vector<16xf32>,
        %swap3A_324 = arith.index_cast %squeeze3A_101 : i32 to index
        %swap3A_325 = arith.constant 80 : index
        %swap3A_326 = tpu.vector_load %arg5[%swap3A_324, %swap3A_325] {strides = array<i32>} : memref<321x256xf32, #tpu.memory_space<vmem>>, vector<16xf32>,
        tpu.vector_store %arg5[%swap3A_324, %swap3A_325], %get3A_201 {add = true, strides = array<i32>} : memref<321x256xf32, #tpu.memory_space<vmem>>, vector<16xf32>,
        %swap3A_327 = arith.index_cast %squeeze3A_101 : i32 to index
        %swap3A_328 = arith.constant 96 : index
        %swap3A_329 = tpu.vector_load %arg5[%swap3A_327, %swap3A_328] {strides = array<i32>} : memref<321x256xf32, #tpu.memory_space<vmem>>, vector<16xf32>,
        tpu.vector_store %arg5[%swap3A_327, %swap3A_328], %get3A_207 {add = true, strides = array<i32>} : memref<321x256xf32, #tpu.memory_space<vmem>>, vector<16xf32>,
        %swap3A_330 = arith.index_cast %squeeze3A_101 : i32 to index
        %swap3A_331 = arith.constant 112 : index
        %swap3A_332 = tpu.vector_load %arg5[%swap3A_330, %swap3A_331] {strides = array<i32>} : memref<321x256xf32, #tpu.memory_space<vmem>>, vector<16xf32>,
        tpu.vector_store %arg5[%swap3A_330, %swap3A_331], %get3A_213 {add = true, strides = array<i32>} : memref<321x256xf32, #tpu.memory_space<vmem>>, vector<16xf32>,
        %swap3A_333 = arith.index_cast %squeeze3A_101 : i32 to index
        %swap3A_334 = arith.constant 128 : index
        %swap3A_335 = tpu.vector_load %arg5[%swap3A_333, %swap3A_334] {strides = array<i32>} : memref<321x256xf32, #tpu.memory_space<vmem>>, vector<16xf32>,
        tpu.vector_store %arg5[%swap3A_333, %swap3A_334], %get3A_219 {add = true, strides = array<i32>} : memref<321x256xf32, #tpu.memory_space<vmem>>, vector<16xf32>,
        %swap3A_336 = arith.index_cast %squeeze3A_101 : i32 to index
        %swap3A_337 = arith.constant 144 : index
        %swap3A_338 = tpu.vector_load %arg5[%swap3A_336, %swap3A_337] {strides = array<i32>} : memref<321x256xf32, #tpu.memory_space<vmem>>, vector<16xf32>,
        tpu.vector_store %arg5[%swap3A_336, %swap3A_337], %get3A_225 {add = true, strides = array<i32>} : memref<321x256xf32, #tpu.memory_space<vmem>>, vector<16xf32>,
        %swap3A_339 = arith.index_cast %squeeze3A_101 : i32 to index
        %swap3A_340 = arith.constant 160 : index
        %swap3A_341 = tpu.vector_load %arg5[%swap3A_339, %swap3A_340] {strides = array<i32>} : memref<321x256xf32, #tpu.memory_space<vmem>>, vector<16xf32>,
        tpu.vector_store %arg5[%swap3A_339, %swap3A_340], %get3A_231 {add = true, strides = array<i32>} : memref<321x256xf32, #tpu.memory_space<vmem>>, vector<16xf32>,
        %swap3A_342 = arith.index_cast %squeeze3A_101 : i32 to index
        %swap3A_343 = arith.constant 176 : index
        %swap3A_344 = tpu.vector_load %arg5[%swap3A_342, %swap3A_343] {strides = array<i32>} : memref<321x256xf32, #tpu.memory_space<vmem>>, vector<16xf32>,
        tpu.vector_store %arg5[%swap3A_342, %swap3A_343], %get3A_237 {add = true, strides = array<i32>} : memref<321x256xf32, #tpu.memory_space<vmem>>, vector<16xf32>,
        %swap3A_345 = arith.index_cast %squeeze3A_101 : i32 to index
        %swap3A_346 = arith.constant 192 : index
        %swap3A_347 = tpu.vector_load %arg5[%swap3A_345, %swap3A_346] {strides = array<i32>} : memref<321x256xf32, #tpu.memory_space<vmem>>, vector<16xf32>,
        tpu.vector_store %arg5[%swap3A_345, %swap3A_346], %get3A_243 {add = true, strides = array<i32>} : memref<321x256xf32, #tpu.memory_space<vmem>>, vector<16xf32>,
        %swap3A_348 = arith.index_cast %squeeze3A_101 : i32 to index
        %swap3A_349 = arith.constant 208 : index
        %swap3A_350 = tpu.vector_load %arg5[%swap3A_348, %swap3A_349] {strides = array<i32>} : memref<321x256xf32, #tpu.memory_space<vmem>>, vector<16xf32>,
        tpu.vector_store %arg5[%swap3A_348, %swap3A_349], %get3A_249 {add = true, strides = array<i32>} : memref<321x256xf32, #tpu.memory_space<vmem>>, vector<16xf32>,
        %swap3A_351 = arith.index_cast %squeeze3A_101 : i32 to index
        %swap3A_352 = arith.constant 224 : index
        %swap3A_353 = tpu.vector_load %arg5[%swap3A_351, %swap3A_352] {strides = array<i32>} : memref<321x256xf32, #tpu.memory_space<vmem>>, vector<16xf32>,
        tpu.vector_store %arg5[%swap3A_351, %swap3A_352], %get3A_255 {add = true, strides = array<i32>} : memref<321x256xf32, #tpu.memory_space<vmem>>, vector<16xf32>,
        %swap3A_354 = arith.index_cast %squeeze3A_101 : i32 to index
        %swap3A_355 = arith.constant 240 : index
        %swap3A_356 = tpu.vector_load %arg5[%swap3A_354, %swap3A_355] {strides = array<i32>} : memref<321x256xf32, #tpu.memory_space<vmem>>, vector<16xf32>,
        tpu.vector_store %arg5[%swap3A_354, %swap3A_355], %get3A_261 {add = true, strides = array<i32>} : memref<321x256xf32, #tpu.memory_space<vmem>>, vector<16xf32>,
      }
      %scan3A_92 = arith.constant 32 : i32
    }
    %while3A_39 = arith.constant 1 : i32
    scf.for %while3A_43 = %while3A_37 to %while3A_33 step %while3A_39  : i32 {
      %mul3A_44 = arith.muli %while3A_43, %while3A : i32
      %add3A_45 = arith.addi %scan3A_24#2, %mul3A_44 : i32
      %jit3A = arith.constant 2 : i32
      %eq3A = arith.constant 0 : i32
      %eq3A_46 = arith.cmpi eq, %jit3A, %eq3A : i32
      %jit3A_47 = arith.constant 1 : i32
      %select_n3A = arith.select %eq3A_46, %jit3A_47, %jit3A : i32
      %rem3A = arith.remsi %add3A_45, %select_n3A : i32
      %ne3A = arith.constant 0 : i32
      %ne3A_48 = arith.cmpi ne, %rem3A, %ne3A : i32
      %lt3A = arith.constant 0 : i32
      %lt3A_49 = arith.cmpi slt, %rem3A, %lt3A : i32
      %lt3A_50 = arith.constant 0 : i32
      %lt3A_51 = arith.cmpi slt, %select_n3A, %lt3A_50 : i32
      %ne3A_52 = arith.xori %lt3A_49, %lt3A_51 : i1
      %and3A = arith.andi %ne3A_52, %ne3A_48 : i1
      %add3A_53 = arith.addi %rem3A, %select_n3A : i32
      %select_n3A_54 = arith.select %and3A, %add3A_53, %rem3A : i32
      %dma_wait3A = arith.constant 0 : i32
      %dma_wait3A_55 = arith.constant 0 : i32
      %dma_wait3A_56 = tpu.memref_slice %arg6[%select_n3A_54, %dma_wait3A, %dma_wait3A_55] : memref<2x64x256xf32, #tpu.memory_space<vmem>> -> memref<1x64x256xf32, #tpu.memory_space<vmem>>
      %dma_wait3A_57 = tpu.memref_squeeze %dma_wait3A_56 : memref<1x64x256xf32, #tpu.memory_space<vmem>> -> memref<64x256xf32, #tpu.memory_space<vmem>>
      %dma_wait3A_58 = arith.constant 0 : i32
      %dma_wait3A_59 = arith.constant 0 : i32
      %dma_wait3A_60 = tpu.memref_slice %arg2[%dma_wait3A_58, %dma_wait3A_59] : memref<10000x256xf32, #tpu.memory_space<hbm>> -> memref<64x256xf32, #tpu.memory_space<hbm>>
      %dma_wait3A_61 = arith.constant 0 : i32
      %dma_wait3A_62 = arith.constant 0 : i32
      %dma_wait3A_63 = tpu.memref_slice %arg6[%select_n3A_54, %dma_wait3A_61, %dma_wait3A_62] : memref<2x64x256xf32, #tpu.memory_space<vmem>> -> memref<1x64x256xf32, #tpu.memory_space<vmem>>
      %dma_wait3A_64 = tpu.memref_squeeze %dma_wait3A_63 : memref<1x64x256xf32, #tpu.memory_space<vmem>> -> memref<64x256xf32, #tpu.memory_space<vmem>>
      %dma_wait3A_65 = arith.constant 0 : i32
      %dma_wait3A_66 = arith.constant 0 : i32
      %dma_wait3A_67 = tpu.memref_slice %arg2[%dma_wait3A_65, %dma_wait3A_66] : memref<10000x256xf32, #tpu.memory_space<hbm>> -> memref<64x256xf32, #tpu.memory_space<hbm>>
      tpu.wait_dma2 semaphore(%arg11 : memref<!tpu.dma_semaphore, #tpu.memory_space<semaphore_mem>>) src(%dma_wait3A_67 : memref<64x256xf32, #tpu.memory_space<hbm>>) dst(%dma_wait3A_64 : memref<64x256xf32, #tpu.memory_space<vmem>>)
      %mul3A_68 = arith.constant 64 : i32
      %mul3A_69 = arith.muli %add3A_45, %mul3A_68 : i32
      %and3A_70 = arith.constant 2047 : i32
      %and3A_71 = arith.andi %mul3A_69, %and3A_70 : i32
      %jit3A_72 = arith.constant 2 : i32
      %eq3A_73 = arith.constant 0 : i32
      %eq3A_74 = arith.cmpi eq, %jit3A_72, %eq3A_73 : i32
      %jit3A_75 = arith.constant 1 : i32
      %select_n3A_76 = arith.select %eq3A_74, %jit3A_75, %jit3A_72 : i32
      %rem3A_77 = arith.remsi %add3A_45, %select_n3A_76 : i32
      %ne3A_78 = arith.constant 0 : i32
      %ne3A_79 = arith.cmpi ne, %rem3A_77, %ne3A_78 : i32
      %lt3A_80 = arith.constant 0 : i32
      %lt3A_81 = arith.cmpi slt, %rem3A_77, %lt3A_80 : i32
      %lt3A_82 = arith.constant 0 : i32
      %lt3A_83 = arith.cmpi slt, %select_n3A_76, %lt3A_82 : i32
      %ne3A_84 = arith.xori %lt3A_81, %lt3A_83 : i1
      %and3A_85 = arith.andi %ne3A_84, %ne3A_79 : i1
      %add3A_86 = arith.addi %rem3A_77, %select_n3A_76 : i32
      %select_n3A_87 = arith.select %and3A_85, %add3A_86, %rem3A_77 : i32
      %scan3A_88 = arith.constant 0 : i32
      %scan3A_89 = arith.constant 32 : i32
      %scan3A_90 = arith.addi %scan3A_88, %scan3A_89 : i32
      %scan3A_91 = arith.constant 1 : i32
      scf.for %scan3A_93 = %scan3A_88 to %scan3A_90 step %scan3A_91  : i32 {
        %mul3A_94 = arith.constant 2 : i32
        %mul3A_95 = arith.muli %scan3A_93, %mul3A_94 : i32
        %add3A_96 = arith.constant 0 : i32
        %add3A_97 = arith.addi %add3A_96, %mul3A_95 : i32
        %add3A_98 = arith.addi %and3A_71, %add3A_97 : i32
        %get3A = arith.index_cast %add3A_98 : i32 to index
        %get3A_99 = tpu.vector_load %arg9[%get3A] {strides = array<i32>} : memref<2064xi32, #tpu.memory_space<vmem>>, vector<16xi32>,
        %slice3A = vector.extract_strided_slice %get3A_99 {offsets = [0], sizes = [1], strides = [1]} : vector<16xi32> to vector<1xi32>
        %squeeze3A = vector.extract %slice3A[0] : i32 from vector<1xi32>
        %slice3A_100 = vector.extract_strided_slice %get3A_99 {offsets = [1], sizes = [1], strides = [1]} : vector<16xi32> to vector<1xi32>
        %squeeze3A_101 = vector.extract %slice3A_100[0] : i32 from vector<1xi32>
        %get3A_102 = arith.index_cast %select_n3A_87 : i32 to index
        %get3A_103 = arith.index_cast %add3A_97 : i32 to index
        %get3A_104 = arith.constant 0 : index
        %get3A_105 = tpu.vector_load %arg6[%get3A_102, %get3A_103, %get3A_104] {strides = array<i32>} : memref<2x64x256xf32, #tpu.memory_space<vmem>>, vector<16xf32>,
        %get3A_106 = arith.index_cast %select_n3A_87 : i32 to index
        %get3A_107 = arith.index_cast %add3A_97 : i32 to index
        %get3A_108 = arith.constant 16 : index
        %get3A_109 = tpu.vector_load %arg6[%get3A_106, %get3A_107, %get3A_108] {strides = array<i32>} : memref<2x64x256xf32, #tpu.memory_space<vmem>>, vector<16xf32>,
        %get3A_110 = arith.index_cast %select_n3A_87 : i32 to index
        %get3A_111 = arith.index_cast %add3A_97 : i32 to index
        %get3A_112 = arith.constant 32 : index
        %get3A_113 = tpu.vector_load %arg6[%get3A_110, %get3A_111, %get3A_112] {strides = array<i32>} : memref<2x64x256xf32, #tpu.memory_space<vmem>>, vector<16xf32>,
        %get3A_114 = arith.index_cast %select_n3A_87 : i32 to index
        %get3A_115 = arith.index_cast %add3A_97 : i32 to index
        %get3A_116 = arith.constant 48 : index
        %get3A_117 = tpu.vector_load %arg6[%get3A_114, %get3A_115, %get3A_116] {strides = array<i32>} : memref<2x64x256xf32, #tpu.memory_space<vmem>>, vector<16xf32>,
        %get3A_118 = arith.index_cast %select_n3A_87 : i32 to index
        %get3A_119 = arith.index_cast %add3A_97 : i32 to index
        %get3A_120 = arith.constant 64 : index
        %get3A_121 = tpu.vector_load %arg6[%get3A_118, %get3A_119, %get3A_120] {strides = array<i32>} : memref<2x64x256xf32, #tpu.memory_space<vmem>>, vector<16xf32>,
        %get3A_122 = arith.index_cast %select_n3A_87 : i32 to index
        %get3A_123 = arith.index_cast %add3A_97 : i32 to index
        %get3A_124 = arith.constant 80 : index
        %get3A_125 = tpu.vector_load %arg6[%get3A_122, %get3A_123, %get3A_124] {strides = array<i32>} : memref<2x64x256xf32, #tpu.memory_space<vmem>>, vector<16xf32>,
        %get3A_126 = arith.index_cast %select_n3A_87 : i32 to index
        %get3A_127 = arith.index_cast %add3A_97 : i32 to index
        %get3A_128 = arith.constant 96 : index
        %get3A_129 = tpu.vector_load %arg6[%get3A_126, %get3A_127, %get3A_128] {strides = array<i32>} : memref<2x64x256xf32, #tpu.memory_space<vmem>>, vector<16xf32>,
        %get3A_130 = arith.index_cast %select_n3A_87 : i32 to index
        %get3A_131 = arith.index_cast %add3A_97 : i32 to index
        %get3A_132 = arith.constant 112 : index
        %get3A_133 = tpu.vector_load %arg6[%get3A_130, %get3A_131, %get3A_132] {strides = array<i32>} : memref<2x64x256xf32, #tpu.memory_space<vmem>>, vector<16xf32>,
        %get3A_134 = arith.index_cast %select_n3A_87 : i32 to index
        %get3A_135 = arith.index_cast %add3A_97 : i32 to index
        %get3A_136 = arith.constant 128 : index
        %get3A_137 = tpu.vector_load %arg6[%get3A_134, %get3A_135, %get3A_136] {strides = array<i32>} : memref<2x64x256xf32, #tpu.memory_space<vmem>>, vector<16xf32>,
        %get3A_138 = arith.index_cast %select_n3A_87 : i32 to index
        %get3A_139 = arith.index_cast %add3A_97 : i32 to index
        %get3A_140 = arith.constant 144 : index
        %get3A_141 = tpu.vector_load %arg6[%get3A_138, %get3A_139, %get3A_140] {strides = array<i32>} : memref<2x64x256xf32, #tpu.memory_space<vmem>>, vector<16xf32>,
        %get3A_142 = arith.index_cast %select_n3A_87 : i32 to index
        %get3A_143 = arith.index_cast %add3A_97 : i32 to index
        %get3A_144 = arith.constant 160 : index
        %get3A_145 = tpu.vector_load %arg6[%get3A_142, %get3A_143, %get3A_144] {strides = array<i32>} : memref<2x64x256xf32, #tpu.memory_space<vmem>>, vector<16xf32>,
        %get3A_146 = arith.index_cast %select_n3A_87 : i32 to index
        %get3A_147 = arith.index_cast %add3A_97 : i32 to index
        %get3A_148 = arith.constant 176 : index
        %get3A_149 = tpu.vector_load %arg6[%get3A_146, %get3A_147, %get3A_148] {strides = array<i32>} : memref<2x64x256xf32, #tpu.memory_space<vmem>>, vector<16xf32>,
        %get3A_150 = arith.index_cast %select_n3A_87 : i32 to index
        %get3A_151 = arith.index_cast %add3A_97 : i32 to index
        %get3A_152 = arith.constant 192 : index
        %get3A_153 = tpu.vector_load %arg6[%get3A_150, %get3A_151, %get3A_152] {strides = array<i32>} : memref<2x64x256xf32, #tpu.memory_space<vmem>>, vector<16xf32>,
        %get3A_154 = arith.index_cast %select_n3A_87 : i32 to index
        %get3A_155 = arith.index_cast %add3A_97 : i32 to index
        %get3A_156 = arith.constant 208 : index
        %get3A_157 = tpu.vector_load %arg6[%get3A_154, %get3A_155, %get3A_156] {strides = array<i32>} : memref<2x64x256xf32, #tpu.memory_space<vmem>>, vector<16xf32>,
        %get3A_158 = arith.index_cast %select_n3A_87 : i32 to index
        %get3A_159 = arith.index_cast %add3A_97 : i32 to index
        %get3A_160 = arith.constant 224 : index
        %get3A_161 = tpu.vector_load %arg6[%get3A_158, %get3A_159, %get3A_160] {strides = array<i32>} : memref<2x64x256xf32, #tpu.memory_space<vmem>>, vector<16xf32>,
        %get3A_162 = arith.index_cast %select_n3A_87 : i32 to index
        %get3A_163 = arith.index_cast %add3A_97 : i32 to index
        %get3A_164 = arith.constant 240 : index
        %get3A_165 = tpu.vector_load %arg6[%get3A_162, %get3A_163, %get3A_164] {strides = array<i32>} : memref<2x64x256xf32, #tpu.memory_space<vmem>>, vector<16xf32>,
        %add3A_166 = arith.constant 1 : i32
        %add3A_167 = arith.addi %add3A_97, %add3A_166 : i32
        %get3A_168 = arith.index_cast %select_n3A_87 : i32 to index
        %get3A_169 = arith.index_cast %add3A_167 : i32 to index
        %get3A_170 = arith.constant 0 : index
        %get3A_171 = tpu.vector_load %arg6[%get3A_168, %get3A_169, %get3A_170] {strides = array<i32>} : memref<2x64x256xf32, #tpu.memory_space<vmem>>, vector<16xf32>,
        %add3A_172 = arith.constant 1 : i32
        %add3A_173 = arith.addi %add3A_97, %add3A_172 : i32
        %get3A_174 = arith.index_cast %select_n3A_87 : i32 to index
        %get3A_175 = arith.index_cast %add3A_173 : i32 to index
        %get3A_176 = arith.constant 16 : index
        %get3A_177 = tpu.vector_load %arg6[%get3A_174, %get3A_175, %get3A_176] {strides = array<i32>} : memref<2x64x256xf32, #tpu.memory_space<vmem>>, vector<16xf32>,
        %add3A_178 = arith.constant 1 : i32
        %add3A_179 = arith.addi %add3A_97, %add3A_178 : i32
        %get3A_180 = arith.index_cast %select_n3A_87 : i32 to index
        %get3A_181 = arith.index_cast %add3A_179 : i32 to index
        %get3A_182 = arith.constant 32 : index
        %get3A_183 = tpu.vector_load %arg6[%get3A_180, %get3A_181, %get3A_182] {strides = array<i32>} : memref<2x64x256xf32, #tpu.memory_space<vmem>>, vector<16xf32>,
        %add3A_184 = arith.constant 1 : i32
        %add3A_185 = arith.addi %add3A_97, %add3A_184 : i32
        %get3A_186 = arith.index_cast %select_n3A_87 : i32 to index
        %get3A_187 = arith.index_cast %add3A_185 : i32 to index
        %get3A_188 = arith.constant 48 : index
        %get3A_189 = tpu.vector_load %arg6[%get3A_186, %get3A_187, %get3A_188] {strides = array<i32>} : memref<2x64x256xf32, #tpu.memory_space<vmem>>, vector<16xf32>,
        %add3A_190 = arith.constant 1 : i32
        %add3A_191 = arith.addi %add3A_97, %add3A_190 : i32
        %get3A_192 = arith.index_cast %select_n3A_87 : i32 to index
        %get3A_193 = arith.index_cast %add3A_191 : i32 to index
        %get3A_194 = arith.constant 64 : index
        %get3A_195 = tpu.vector_load %arg6[%get3A_192, %get3A_193, %get3A_194] {strides = array<i32>} : memref<2x64x256xf32, #tpu.memory_space<vmem>>, vector<16xf32>,
        %add3A_196 = arith.constant 1 : i32
        %add3A_197 = arith.addi %add3A_97, %add3A_196 : i32
        %get3A_198 = arith.index_cast %select_n3A_87 : i32 to index
        %get3A_199 = arith.index_cast %add3A_197 : i32 to index
        %get3A_200 = arith.constant 80 : index
        %get3A_201 = tpu.vector_load %arg6[%get3A_198, %get3A_199, %get3A_200] {strides = array<i32>} : memref<2x64x256xf32, #tpu.memory_space<vmem>>, vector<16xf32>,
        %add3A_202 = arith.constant 1 : i32
        %add3A_203 = arith.addi %add3A_97, %add3A_202 : i32
        %get3A_204 = arith.index_cast %select_n3A_87 : i32 to index
        %get3A_205 = arith.index_cast %add3A_203 : i32 to index
        %get3A_206 = arith.constant 96 : index
        %get3A_207 = tpu.vector_load %arg6[%get3A_204, %get3A_205, %get3A_206] {strides = array<i32>} : memref<2x64x256xf32, #tpu.memory_space<vmem>>, vector<16xf32>,
        %add3A_208 = arith.constant 1 : i32
        %add3A_209 = arith.addi %add3A_97, %add3A_208 : i32
        %get3A_210 = arith.index_cast %select_n3A_87 : i32 to index
        %get3A_211 = arith.index_cast %add3A_209 : i32 to index
        %get3A_212 = arith.constant 112 : index
        %get3A_213 = tpu.vector_load %arg6[%get3A_210, %get3A_211, %get3A_212] {strides = array<i32>} : memref<2x64x256xf32, #tpu.memory_space<vmem>>, vector<16xf32>,
        %add3A_214 = arith.constant 1 : i32
        %add3A_215 = arith.addi %add3A_97, %add3A_214 : i32
        %get3A_216 = arith.index_cast %select_n3A_87 : i32 to index
        %get3A_217 = arith.index_cast %add3A_215 : i32 to index
        %get3A_218 = arith.constant 128 : index
        %get3A_219 = tpu.vector_load %arg6[%get3A_216, %get3A_217, %get3A_218] {strides = array<i32>} : memref<2x64x256xf32, #tpu.memory_space<vmem>>, vector<16xf32>,
        %add3A_220 = arith.constant 1 : i32
        %add3A_221 = arith.addi %add3A_97, %add3A_220 : i32
        %get3A_222 = arith.index_cast %select_n3A_87 : i32 to index
        %get3A_223 = arith.index_cast %add3A_221 : i32 to index
        %get3A_224 = arith.constant 144 : index
        %get3A_225 = tpu.vector_load %arg6[%get3A_222, %get3A_223, %get3A_224] {strides = array<i32>} : memref<2x64x256xf32, #tpu.memory_space<vmem>>, vector<16xf32>,
        %add3A_226 = arith.constant 1 : i32
        %add3A_227 = arith.addi %add3A_97, %add3A_226 : i32
        %get3A_228 = arith.index_cast %select_n3A_87 : i32 to index
        %get3A_229 = arith.index_cast %add3A_227 : i32 to index
        %get3A_230 = arith.constant 160 : index
        %get3A_231 = tpu.vector_load %arg6[%get3A_228, %get3A_229, %get3A_230] {strides = array<i32>} : memref<2x64x256xf32, #tpu.memory_space<vmem>>, vector<16xf32>,
        %add3A_232 = arith.constant 1 : i32
        %add3A_233 = arith.addi %add3A_97, %add3A_232 : i32
        %get3A_234 = arith.index_cast %select_n3A_87 : i32 to index
        %get3A_235 = arith.index_cast %add3A_233 : i32 to index
        %get3A_236 = arith.constant 176 : index
        %get3A_237 = tpu.vector_load %arg6[%get3A_234, %get3A_235, %get3A_236] {strides = array<i32>} : memref<2x64x256xf32, #tpu.memory_space<vmem>>, vector<16xf32>,
        %add3A_238 = arith.constant 1 : i32
        %add3A_239 = arith.addi %add3A_97, %add3A_238 : i32
        %get3A_240 = arith.index_cast %select_n3A_87 : i32 to index
        %get3A_241 = arith.index_cast %add3A_239 : i32 to index
        %get3A_242 = arith.constant 192 : index
        %get3A_243 = tpu.vector_load %arg6[%get3A_240, %get3A_241, %get3A_242] {strides = array<i32>} : memref<2x64x256xf32, #tpu.memory_space<vmem>>, vector<16xf32>,
        %add3A_244 = arith.constant 1 : i32
        %add3A_245 = arith.addi %add3A_97, %add3A_244 : i32
        %get3A_246 = arith.index_cast %select_n3A_87 : i32 to index
        %get3A_247 = arith.index_cast %add3A_245 : i32 to index
        %get3A_248 = arith.constant 208 : index
        %get3A_249 = tpu.vector_load %arg6[%get3A_246, %get3A_247, %get3A_248] {strides = array<i32>} : memref<2x64x256xf32, #tpu.memory_space<vmem>>, vector<16xf32>,
        %add3A_250 = arith.constant 1 : i32
        %add3A_251 = arith.addi %add3A_97, %add3A_250 : i32
        %get3A_252 = arith.index_cast %select_n3A_87 : i32 to index
        %get3A_253 = arith.index_cast %add3A_251 : i32 to index
        %get3A_254 = arith.constant 224 : index
        %get3A_255 = tpu.vector_load %arg6[%get3A_252, %get3A_253, %get3A_254] {strides = array<i32>} : memref<2x64x256xf32, #tpu.memory_space<vmem>>, vector<16xf32>,
        %add3A_256 = arith.constant 1 : i32
        %add3A_257 = arith.addi %add3A_97, %add3A_256 : i32
        %get3A_258 = arith.index_cast %select_n3A_87 : i32 to index
        %get3A_259 = arith.index_cast %add3A_257 : i32 to index
        %get3A_260 = arith.constant 240 : index
        %get3A_261 = tpu.vector_load %arg6[%get3A_258, %get3A_259, %get3A_260] {strides = array<i32>} : memref<2x64x256xf32, #tpu.memory_space<vmem>>, vector<16xf32>,
        %swap3A = arith.index_cast %squeeze3A : i32 to index
        %swap3A_262 = arith.constant 0 : index
        %swap3A_263 = tpu.vector_load %arg5[%swap3A, %swap3A_262] {strides = array<i32>} : memref<321x256xf32, #tpu.memory_space<vmem>>, vector<16xf32>,
        tpu.vector_store %arg5[%swap3A, %swap3A_262], %get3A_105 {add = true, strides = array<i32>} : memref<321x256xf32, #tpu.memory_space<vmem>>, vector<16xf32>,
        %swap3A_264 = arith.index_cast %squeeze3A : i32 to index
        %swap3A_265 = arith.constant 16 : index
        %swap3A_266 = tpu.vector_load %arg5[%swap3A_264, %swap3A_265] {strides = array<i32>} : memref<321x256xf32, #tpu.memory_space<vmem>>, vector<16xf32>,
        tpu.vector_store %arg5[%swap3A_264, %swap3A_265], %get3A_109 {add = true, strides = array<i32>} : memref<321x256xf32, #tpu.memory_space<vmem>>, vector<16xf32>,
        %swap3A_267 = arith.index_cast %squeeze3A : i32 to index
        %swap3A_268 = arith.constant 32 : index
        %swap3A_269 = tpu.vector_load %arg5[%swap3A_267, %swap3A_268] {strides = array<i32>} : memref<321x256xf32, #tpu.memory_space<vmem>>, vector<16xf32>,
        tpu.vector_store %arg5[%swap3A_267, %swap3A_268], %get3A_113 {add = true, strides = array<i32>} : memref<321x256xf32, #tpu.memory_space<vmem>>, vector<16xf32>,
        %swap3A_270 = arith.index_cast %squeeze3A : i32 to index
        %swap3A_271 = arith.constant 48 : index
        %swap3A_272 = tpu.vector_load %arg5[%swap3A_270, %swap3A_271] {strides = array<i32>} : memref<321x256xf32, #tpu.memory_space<vmem>>, vector<16xf32>,
        tpu.vector_store %arg5[%swap3A_270, %swap3A_271], %get3A_117 {add = true, strides = array<i32>} : memref<321x256xf32, #tpu.memory_space<vmem>>, vector<16xf32>,
        %swap3A_273 = arith.index_cast %squeeze3A : i32 to index
        %swap3A_274 = arith.constant 64 : index
        %swap3A_275 = tpu.vector_load %arg5[%swap3A_273, %swap3A_274] {strides = array<i32>} : memref<321x256xf32, #tpu.memory_space<vmem>>, vector<16xf32>,
        tpu.vector_store %arg5[%swap3A_273, %swap3A_274], %get3A_121 {add = true, strides = array<i32>} : memref<321x256xf32, #tpu.memory_space<vmem>>, vector<16xf32>,
        %swap3A_276 = arith.index_cast %squeeze3A : i32 to index
        %swap3A_277 = arith.constant 80 : index
        %swap3A_278 = tpu.vector_load %arg5[%swap3A_276, %swap3A_277] {strides = array<i32>} : memref<321x256xf32, #tpu.memory_space<vmem>>, vector<16xf32>,
        tpu.vector_store %arg5[%swap3A_276, %swap3A_277], %get3A_125 {add = true, strides = array<i32>} : memref<321x256xf32, #tpu.memory_space<vmem>>, vector<16xf32>,
        %swap3A_279 = arith.index_cast %squeeze3A : i32 to index
        %swap3A_280 = arith.constant 96 : index
        %swap3A_281 = tpu.vector_load %arg5[%swap3A_279, %swap3A_280] {strides = array<i32>} : memref<321x256xf32, #tpu.memory_space<vmem>>, vector<16xf32>,
        tpu.vector_store %arg5[%swap3A_279, %swap3A_280], %get3A_129 {add = true, strides = array<i32>} : memref<321x256xf32, #tpu.memory_space<vmem>>, vector<16xf32>,
        %swap3A_282 = arith.index_cast %squeeze3A : i32 to index
        %swap3A_283 = arith.constant 112 : index
        %swap3A_284 = tpu.vector_load %arg5[%swap3A_282, %swap3A_283] {strides = array<i32>} : memref<321x256xf32, #tpu.memory_space<vmem>>, vector<16xf32>,
        tpu.vector_store %arg5[%swap3A_282, %swap3A_283], %get3A_133 {add = true, strides = array<i32>} : memref<321x256xf32, #tpu.memory_space<vmem>>, vector<16xf32>,
        %swap3A_285 = arith.index_cast %squeeze3A : i32 to index
        %swap3A_286 = arith.constant 128 : index
        %swap3A_287 = tpu.vector_load %arg5[%swap3A_285, %swap3A_286] {strides = array<i32>} : memref<321x256xf32, #tpu.memory_space<vmem>>, vector<16xf32>,
        tpu.vector_store %arg5[%swap3A_285, %swap3A_286], %get3A_137 {add = true, strides = array<i32>} : memref<321x256xf32, #tpu.memory_space<vmem>>, vector<16xf32>,
        %swap3A_288 = arith.index_cast %squeeze3A : i32 to index
        %swap3A_289 = arith.constant 144 : index
        %swap3A_290 = tpu.vector_load %arg5[%swap3A_288, %swap3A_289] {strides = array<i32>} : memref<321x256xf32, #tpu.memory_space<vmem>>, vector<16xf32>,
        tpu.vector_store %arg5[%swap3A_288, %swap3A_289], %get3A_141 {add = true, strides = array<i32>} : memref<321x256xf32, #tpu.memory_space<vmem>>, vector<16xf32>,
        %swap3A_291 = arith.index_cast %squeeze3A : i32 to index
        %swap3A_292 = arith.constant 160 : index
        %swap3A_293 = tpu.vector_load %arg5[%swap3A_291, %swap3A_292] {strides = array<i32>} : memref<321x256xf32, #tpu.memory_space<vmem>>, vector<16xf32>,
        tpu.vector_store %arg5[%swap3A_291, %swap3A_292], %get3A_145 {add = true, strides = array<i32>} : memref<321x256xf32, #tpu.memory_space<vmem>>, vector<16xf32>,
        %swap3A_294 = arith.index_cast %squeeze3A : i32 to index
        %swap3A_295 = arith.constant 176 : index
        %swap3A_296 = tpu.vector_load %arg5[%swap3A_294, %swap3A_295] {strides = array<i32>} : memref<321x256xf32, #tpu.memory_space<vmem>>, vector<16xf32>,
        tpu.vector_store %arg5[%swap3A_294, %swap3A_295], %get3A_149 {add = true, strides = array<i32>} : memref<321x256xf32, #tpu.memory_space<vmem>>, vector<16xf32>,
        %swap3A_297 = arith.index_cast %squeeze3A : i32 to index
        %swap3A_298 = arith.constant 192 : index
        %swap3A_299 = tpu.vector_load %arg5[%swap3A_297, %swap3A_298] {strides = array<i32>} : memref<321x256xf32, #tpu.memory_space<vmem>>, vector<16xf32>,
        tpu.vector_store %arg5[%swap3A_297, %swap3A_298], %get3A_153 {add = true, strides = array<i32>} : memref<321x256xf32, #tpu.memory_space<vmem>>, vector<16xf32>,
        %swap3A_300 = arith.index_cast %squeeze3A : i32 to index
        %swap3A_301 = arith.constant 208 : index
        %swap3A_302 = tpu.vector_load %arg5[%swap3A_300, %swap3A_301] {strides = array<i32>} : memref<321x256xf32, #tpu.memory_space<vmem>>, vector<16xf32>,
        tpu.vector_store %arg5[%swap3A_300, %swap3A_301], %get3A_157 {add = true, strides = array<i32>} : memref<321x256xf32, #tpu.memory_space<vmem>>, vector<16xf32>,
        %swap3A_303 = arith.index_cast %squeeze3A : i32 to index
        %swap3A_304 = arith.constant 224 : index
        %swap3A_305 = tpu.vector_load %arg5[%swap3A_303, %swap3A_304] {strides = array<i32>} : memref<321x256xf32, #tpu.memory_space<vmem>>, vector<16xf32>,
        tpu.vector_store %arg5[%swap3A_303, %swap3A_304], %get3A_161 {add = true, strides = array<i32>} : memref<321x256xf32, #tpu.memory_space<vmem>>, vector<16xf32>,
        %swap3A_306 = arith.index_cast %squeeze3A : i32 to index
        %swap3A_307 = arith.constant 240 : index
        %swap3A_308 = tpu.vector_load %arg5[%swap3A_306, %swap3A_307] {strides = array<i32>} : memref<321x256xf32, #tpu.memory_space<vmem>>, vector<16xf32>,
        tpu.vector_store %arg5[%swap3A_306, %swap3A_307], %get3A_165 {add = true, strides = array<i32>} : memref<321x256xf32, #tpu.memory_space<vmem>>, vector<16xf32>,
        %swap3A_309 = arith.index_cast %squeeze3A_101 : i32 to index
        %swap3A_310 = arith.constant 0 : index
        %swap3A_311 = tpu.vector_load %arg5[%swap3A_309, %swap3A_310] {strides = array<i32>} : memref<321x256xf32, #tpu.memory_space<vmem>>, vector<16xf32>,
        tpu.vector_store %arg5[%swap3A_309, %swap3A_310], %get3A_171 {add = true, strides = array<i32>} : memref<321x256xf32, #tpu.memory_space<vmem>>, vector<16xf32>,
        %swap3A_312 = arith.index_cast %squeeze3A_101 : i32 to index
        %swap3A_313 = arith.constant 16 : index
        %swap3A_314 = tpu.vector_load %arg5[%swap3A_312, %swap3A_313] {strides = array<i32>} : memref<321x256xf32, #tpu.memory_space<vmem>>, vector<16xf32>,
        tpu.vector_store %arg5[%swap3A_312, %swap3A_313], %get3A_177 {add = true, strides = array<i32>} : memref<321x256xf32, #tpu.memory_space<vmem>>, vector<16xf32>,
        %swap3A_315 = arith.index_cast %squeeze3A_101 : i32 to index
        %swap3A_316 = arith.constant 32 : index
        %swap3A_317 = tpu.vector_load %arg5[%swap3A_315, %swap3A_316] {strides = array<i32>} : memref<321x256xf32, #tpu.memory_space<vmem>>, vector<16xf32>,
        tpu.vector_store %arg5[%swap3A_315, %swap3A_316], %get3A_183 {add = true, strides = array<i32>} : memref<321x256xf32, #tpu.memory_space<vmem>>, vector<16xf32>,
        %swap3A_318 = arith.index_cast %squeeze3A_101 : i32 to index
        %swap3A_319 = arith.constant 48 : index
        %swap3A_320 = tpu.vector_load %arg5[%swap3A_318, %swap3A_319] {strides = array<i32>} : memref<321x256xf32, #tpu.memory_space<vmem>>, vector<16xf32>,
        tpu.vector_store %arg5[%swap3A_318, %swap3A_319], %get3A_189 {add = true, strides = array<i32>} : memref<321x256xf32, #tpu.memory_space<vmem>>, vector<16xf32>,
        %swap3A_321 = arith.index_cast %squeeze3A_101 : i32 to index
        %swap3A_322 = arith.constant 64 : index
        %swap3A_323 = tpu.vector_load %arg5[%swap3A_321, %swap3A_322] {strides = array<i32>} : memref<321x256xf32, #tpu.memory_space<vmem>>, vector<16xf32>,
        tpu.vector_store %arg5[%swap3A_321, %swap3A_322], %get3A_195 {add = true, strides = array<i32>} : memref<321x256xf32, #tpu.memory_space<vmem>>, vector<16xf32>,
        %swap3A_324 = arith.index_cast %squeeze3A_101 : i32 to index
        %swap3A_325 = arith.constant 80 : index
        %swap3A_326 = tpu.vector_load %arg5[%swap3A_324, %swap3A_325] {strides = array<i32>} : memref<321x256xf32, #tpu.memory_space<vmem>>, vector<16xf32>,
        tpu.vector_store %arg5[%swap3A_324, %swap3A_325], %get3A_201 {add = true, strides = array<i32>} : memref<321x256xf32, #tpu.memory_space<vmem>>, vector<16xf32>,
        %swap3A_327 = arith.index_cast %squeeze3A_101 : i32 to index
        %swap3A_328 = arith.constant 96 : index
        %swap3A_329 = tpu.vector_load %arg5[%swap3A_327, %swap3A_328] {strides = array<i32>} : memref<321x256xf32, #tpu.memory_space<vmem>>, vector<16xf32>,
        tpu.vector_store %arg5[%swap3A_327, %swap3A_328], %get3A_207 {add = true, strides = array<i32>} : memref<321x256xf32, #tpu.memory_space<vmem>>, vector<16xf32>,
        %swap3A_330 = arith.index_cast %squeeze3A_101 : i32 to index
        %swap3A_331 = arith.constant 112 : index
        %swap3A_332 = tpu.vector_load %arg5[%swap3A_330, %swap3A_331] {strides = array<i32>} : memref<321x256xf32, #tpu.memory_space<vmem>>, vector<16xf32>,
        tpu.vector_store %arg5[%swap3A_330, %swap3A_331], %get3A_213 {add = true, strides = array<i32>} : memref<321x256xf32, #tpu.memory_space<vmem>>, vector<16xf32>,
        %swap3A_333 = arith.index_cast %squeeze3A_101 : i32 to index
        %swap3A_334 = arith.constant 128 : index
        %swap3A_335 = tpu.vector_load %arg5[%swap3A_333, %swap3A_334] {strides = array<i32>} : memref<321x256xf32, #tpu.memory_space<vmem>>, vector<16xf32>,
        tpu.vector_store %arg5[%swap3A_333, %swap3A_334], %get3A_219 {add = true, strides = array<i32>} : memref<321x256xf32, #tpu.memory_space<vmem>>, vector<16xf32>,
        %swap3A_336 = arith.index_cast %squeeze3A_101 : i32 to index
        %swap3A_337 = arith.constant 144 : index
        %swap3A_338 = tpu.vector_load %arg5[%swap3A_336, %swap3A_337] {strides = array<i32>} : memref<321x256xf32, #tpu.memory_space<vmem>>, vector<16xf32>,
        tpu.vector_store %arg5[%swap3A_336, %swap3A_337], %get3A_225 {add = true, strides = array<i32>} : memref<321x256xf32, #tpu.memory_space<vmem>>, vector<16xf32>,
        %swap3A_339 = arith.index_cast %squeeze3A_101 : i32 to index
        %swap3A_340 = arith.constant 160 : index
        %swap3A_341 = tpu.vector_load %arg5[%swap3A_339, %swap3A_340] {strides = array<i32>} : memref<321x256xf32, #tpu.memory_space<vmem>>, vector<16xf32>,
        tpu.vector_store %arg5[%swap3A_339, %swap3A_340], %get3A_231 {add = true, strides = array<i32>} : memref<321x256xf32, #tpu.memory_space<vmem>>, vector<16xf32>,
        %swap3A_342 = arith.index_cast %squeeze3A_101 : i32 to index
        %swap3A_343 = arith.constant 176 : index
        %swap3A_344 = tpu.vector_load %arg5[%swap3A_342, %swap3A_343] {strides = array<i32>} : memref<321x256xf32, #tpu.memory_space<vmem>>, vector<16xf32>,
        tpu.vector_store %arg5[%swap3A_342, %swap3A_343], %get3A_237 {add = true, strides = array<i32>} : memref<321x256xf32, #tpu.memory_space<vmem>>, vector<16xf32>,
        %swap3A_345 = arith.index_cast %squeeze3A_101 : i32 to index
        %swap3A_346 = arith.constant 192 : index
        %swap3A_347 = tpu.vector_load %arg5[%swap3A_345, %swap3A_346] {strides = array<i32>} : memref<321x256xf32, #tpu.memory_space<vmem>>, vector<16xf32>,
        tpu.vector_store %arg5[%swap3A_345, %swap3A_346], %get3A_243 {add = true, strides = array<i32>} : memref<321x256xf32, #tpu.memory_space<vmem>>, vector<16xf32>,
        %swap3A_348 = arith.index_cast %squeeze3A_101 : i32 to index
        %swap3A_349 = arith.constant 208 : index
        %swap3A_350 = tpu.vector_load %arg5[%swap3A_348, %swap3A_349] {strides = array<i32>} : memref<321x256xf32, #tpu.memory_space<vmem>>, vector<16xf32>,
        tpu.vector_store %arg5[%swap3A_348, %swap3A_349], %get3A_249 {add = true, strides = array<i32>} : memref<321x256xf32, #tpu.memory_space<vmem>>, vector<16xf32>,
        %swap3A_351 = arith.index_cast %squeeze3A_101 : i32 to index
        %swap3A_352 = arith.constant 224 : index
        %swap3A_353 = tpu.vector_load %arg5[%swap3A_351, %swap3A_352] {strides = array<i32>} : memref<321x256xf32, #tpu.memory_space<vmem>>, vector<16xf32>,
        tpu.vector_store %arg5[%swap3A_351, %swap3A_352], %get3A_255 {add = true, strides = array<i32>} : memref<321x256xf32, #tpu.memory_space<vmem>>, vector<16xf32>,
        %swap3A_354 = arith.index_cast %squeeze3A_101 : i32 to index
        %swap3A_355 = arith.constant 240 : index
        %swap3A_356 = tpu.vector_load %arg5[%swap3A_354, %swap3A_355] {strides = array<i32>} : memref<321x256xf32, #tpu.memory_space<vmem>>, vector<16xf32>,
        tpu.vector_store %arg5[%swap3A_354, %swap3A_355], %get3A_261 {add = true, strides = array<i32>} : memref<321x256xf32, #tpu.memory_space<vmem>>, vector<16xf32>,
      }
      %scan3A_92 = arith.constant 32 : i32
    }
    %mul3A_40 = arith.constant 64 : i32
    %mul3A_41 = arith.muli %scan3A_24#1, %mul3A_40 : i32
    %gt3A = arith.cmpi sgt, %scan3A_24#0, %mul3A_41 : i32
    %convert_element_type3A = arith.extui %gt3A : i1 to i32
    %cond3A = arith.constant 0 : i32
    %cond3A_42 = arith.cmpi ne, %convert_element_type3A, %cond3A : i32
    scf.if %cond3A_42 {
      %iota3A = tpu.iota {dimensions = array<i32: 0>} : vector<16xi32>
      %add3A_43 = arith.constant 0 : i32
      %add3A_44 = arith.addi %scan3A_24#0, %add3A_43 : i32
      %add3A_45 = vector.broadcast %add3A_44 : i32 to vector<16xi32>
      %add3A_46 = arith.addi %add3A_45, %iota3A : vector<16xi32>
      %and3A = arith.constant 2047 : i32
      %and3A_47 = vector.broadcast %and3A : i32 to vector<16xi32>
      %and3A_48 = arith.andi %add3A_46, %and3A_47 : vector<16xi32>
      %broadcast_in_dim3A = arith.constant 0 : i32
      %broadcast_in_dim3A_49 = vector.broadcast %broadcast_in_dim3A : i32 to vector<16xi32>
      tpu.vector_store_idx %arg8[%and3A_48], %broadcast_in_dim3A_49 : memref<2064xi32, #tpu.memory_space<vmem>>[vector<16xi32>], vector<16xi32>,
      %broadcast_in_dim3A_50 = arith.constant 320 : i32
      %broadcast_in_dim3A_51 = vector.broadcast %broadcast_in_dim3A_50 : i32 to vector<16xi32>
      tpu.vector_store_idx %arg9[%and3A_48], %broadcast_in_dim3A_51 : memref<2064xi32, #tpu.memory_space<vmem>>[vector<16xi32>], vector<16xi32>,
      %add3A_52 = arith.constant 16 : i32
      %add3A_53 = arith.addi %scan3A_24#0, %add3A_52 : i32
      %add3A_54 = vector.broadcast %add3A_53 : i32 to vector<16xi32>
      %add3A_55 = arith.addi %add3A_54, %iota3A : vector<16xi32>
      %and3A_56 = arith.constant 2047 : i32
      %and3A_57 = vector.broadcast %and3A_56 : i32 to vector<16xi32>
      %and3A_58 = arith.andi %add3A_55, %and3A_57 : vector<16xi32>
      %broadcast_in_dim3A_59 = arith.constant 0 : i32
      %broadcast_in_dim3A_60 = vector.broadcast %broadcast_in_dim3A_59 : i32 to vector<16xi32>
      tpu.vector_store_idx %arg8[%and3A_58], %broadcast_in_dim3A_60 : memref<2064xi32, #tpu.memory_space<vmem>>[vector<16xi32>], vector<16xi32>,
      %broadcast_in_dim3A_61 = arith.constant 320 : i32
      %broadcast_in_dim3A_62 = vector.broadcast %broadcast_in_dim3A_61 : i32 to vector<16xi32>
      tpu.vector_store_idx %arg9[%and3A_58], %broadcast_in_dim3A_62 : memref<2064xi32, #tpu.memory_space<vmem>>[vector<16xi32>], vector<16xi32>,
      %add3A_63 = arith.constant 32 : i32
      %add3A_64 = arith.addi %scan3A_24#0, %add3A_63 : i32
      %add3A_65 = vector.broadcast %add3A_64 : i32 to vector<16xi32>
      %add3A_66 = arith.addi %add3A_65, %iota3A : vector<16xi32>
      %and3A_67 = arith.constant 2047 : i32
      %and3A_68 = vector.broadcast %and3A_67 : i32 to vector<16xi32>
      %and3A_69 = arith.andi %add3A_66, %and3A_68 : vector<16xi32>
      %broadcast_in_dim3A_70 = arith.constant 0 : i32
      %broadcast_in_dim3A_71 = vector.broadcast %broadcast_in_dim3A_70 : i32 to vector<16xi32>
      tpu.vector_store_idx %arg8[%and3A_69], %broadcast_in_dim3A_71 : memref<2064xi32, #tpu.memory_space<vmem>>[vector<16xi32>], vector<16xi32>,
      %broadcast_in_dim3A_72 = arith.constant 320 : i32
      %broadcast_in_dim3A_73 = vector.broadcast %broadcast_in_dim3A_72 : i32 to vector<16xi32>
      tpu.vector_store_idx %arg9[%and3A_69], %broadcast_in_dim3A_73 : memref<2064xi32, #tpu.memory_space<vmem>>[vector<16xi32>], vector<16xi32>,
      %add3A_74 = arith.constant 48 : i32
      %add3A_75 = arith.addi %scan3A_24#0, %add3A_74 : i32
      %add3A_76 = vector.broadcast %add3A_75 : i32 to vector<16xi32>
      %add3A_77 = arith.addi %add3A_76, %iota3A : vector<16xi32>
      %and3A_78 = arith.constant 2047 : i32
      %and3A_79 = vector.broadcast %and3A_78 : i32 to vector<16xi32>
      %and3A_80 = arith.andi %add3A_77, %and3A_79 : vector<16xi32>
      %broadcast_in_dim3A_81 = arith.constant 0 : i32
      %broadcast_in_dim3A_82 = vector.broadcast %broadcast_in_dim3A_81 : i32 to vector<16xi32>
      tpu.vector_store_idx %arg8[%and3A_80], %broadcast_in_dim3A_82 : memref<2064xi32, #tpu.memory_space<vmem>>[vector<16xi32>], vector<16xi32>,
      %broadcast_in_dim3A_83 = arith.constant 320 : i32
      %broadcast_in_dim3A_84 = vector.broadcast %broadcast_in_dim3A_83 : i32 to vector<16xi32>
      tpu.vector_store_idx %arg9[%and3A_80], %broadcast_in_dim3A_84 : memref<2064xi32, #tpu.memory_space<vmem>>[vector<16xi32>], vector<16xi32>,
      %add3A_85 = arith.constant 64 : i32
      %add3A_86 = arith.addi %scan3A_24#0, %add3A_85 : i32
      %add3A_87 = vector.broadcast %add3A_86 : i32 to vector<16xi32>
      %add3A_88 = arith.addi %add3A_87, %iota3A : vector<16xi32>
      %and3A_89 = arith.constant 2047 : i32
      %and3A_90 = vector.broadcast %and3A_89 : i32 to vector<16xi32>
      %and3A_91 = arith.andi %add3A_88, %and3A_90 : vector<16xi32>
      %broadcast_in_dim3A_92 = arith.constant 0 : i32
      %broadcast_in_dim3A_93 = vector.broadcast %broadcast_in_dim3A_92 : i32 to vector<16xi32>
      tpu.vector_store_idx %arg8[%and3A_91], %broadcast_in_dim3A_93 : memref<2064xi32, #tpu.memory_space<vmem>>[vector<16xi32>], vector<16xi32>,
      %broadcast_in_dim3A_94 = arith.constant 320 : i32
      %broadcast_in_dim3A_95 = vector.broadcast %broadcast_in_dim3A_94 : i32 to vector<16xi32>
      tpu.vector_store_idx %arg9[%and3A_91], %broadcast_in_dim3A_95 : memref<2064xi32, #tpu.memory_space<vmem>>[vector<16xi32>], vector<16xi32>,
      %mul3A_96 = arith.constant 64 : i32
      %mul3A_97 = arith.muli %scan3A_24#1, %mul3A_96 : i32
      %and3A_98 = arith.constant 2047 : i32
      %and3A_99 = arith.andi %mul3A_97, %and3A_98 : i32
      %multiple_of3A = tpu.assume_multiple %and3A_99, 64 : i32
      %dma_start3A_100 = arith.constant 0 : i32
      %dma_start3A_101 = arith.constant 0 : i32
      %dma_start3A_102 = arith.constant 0 : i32
      %dma_start3A_103 = tpu.memref_slice %arg6[%dma_start3A_100, %dma_start3A_101, %dma_start3A_102] : memref<2x64x256xf32, #tpu.memory_space<vmem>> -> memref<1x64x256xf32, #tpu.memory_space<vmem>>
      %dma_start3A_104 = tpu.memref_squeeze %dma_start3A_103 : memref<1x64x256xf32, #tpu.memory_space<vmem>> -> memref<64x256xf32, #tpu.memory_space<vmem>>
      %dma_start3A_105 = tpu.memref_slice %arg8[%multiple_of3A] : memref<2064xi32, #tpu.memory_space<vmem>> -> memref<64xi32, #tpu.memory_space<vmem>>
      %dma_start3A_106 = arith.constant 0 : i32
      %dma_start3A_107 = arith.constant 0 : i32
      %dma_start3A_108 = tpu.memref_slice %arg2[%dma_start3A_106, %dma_start3A_107] : memref<10000x256xf32, #tpu.memory_space<hbm>> -> memref<10000x256xf32, #tpu.memory_space<hbm>>
      tpu.enqueue_indirect_dma source(%dma_start3A_108 : memref<10000x256xf32, #tpu.memory_space<hbm>>) target(%dma_start3A_104 : memref<64x256xf32, #tpu.memory_space<vmem>>) offsets(%dma_start3A_105 : memref<64xi32, #tpu.memory_space<vmem>>) semaphore(%arg11 : memref<!tpu.dma_semaphore, #tpu.memory_space<semaphore_mem>>)
      %dma_wait3A = arith.constant 0 : i32
      %dma_wait3A_109 = arith.constant 0 : i32
      %dma_wait3A_110 = arith.constant 0 : i32
      %dma_wait3A_111 = tpu.memref_slice %arg6[%dma_wait3A, %dma_wait3A_109, %dma_wait3A_110] : memref<2x64x256xf32, #tpu.memory_space<vmem>> -> memref<1x64x256xf32, #tpu.memory_space<vmem>>
      %dma_wait3A_112 = tpu.memref_squeeze %dma_wait3A_111 : memref<1x64x256xf32, #tpu.memory_space<vmem>> -> memref<64x256xf32, #tpu.memory_space<vmem>>
      %dma_wait3A_113 = arith.constant 0 : i32
      %dma_wait3A_114 = arith.constant 0 : i32
      %dma_wait3A_115 = tpu.memref_slice %arg2[%dma_wait3A_113, %dma_wait3A_114] : memref<10000x256xf32, #tpu.memory_space<hbm>> -> memref<64x256xf32, #tpu.memory_space<hbm>>
      %dma_wait3A_116 = arith.constant 0 : i32
      %dma_wait3A_117 = arith.constant 0 : i32
      %dma_wait3A_118 = tpu.memref_slice %arg6[%dma_wait3A, %dma_wait3A_116, %dma_wait3A_117] : memref<2x64x256xf32, #tpu.memory_space<vmem>> -> memref<1x64x256xf32, #tpu.memory_space<vmem>>
      %dma_wait3A_119 = tpu.memref_squeeze %dma_wait3A_118 : memref<1x64x256xf32, #tpu.memory_space<vmem>> -> memref<64x256xf32, #tpu.memory_space<vmem>>
      %dma_wait3A_120 = arith.constant 0 : i32
      %dma_wait3A_121 = arith.constant 0 : i32
      %dma_wait3A_122 = tpu.memref_slice %arg2[%dma_wait3A_120, %dma_wait3A_121] : memref<10000x256xf32, #tpu.memory_space<hbm>> -> memref<64x256xf32, #tpu.memory_space<hbm>>
      tpu.wait_dma2 semaphore(%arg11 : memref<!tpu.dma_semaphore, #tpu.memory_space<semaphore_mem>>) src(%dma_wait3A_122 : memref<64x256xf32, #tpu.memory_space<hbm>>) dst(%dma_wait3A_119 : memref<64x256xf32, #tpu.memory_space<vmem>>)
      %mul3A_123 = arith.constant 64 : i32
      %mul3A_124 = arith.muli %scan3A_24#1, %mul3A_123 : i32
      %and3A_125 = arith.constant 2047 : i32
      %and3A_126 = arith.andi %mul3A_124, %and3A_125 : i32
      %scan3A_127 = arith.constant 0 : i32
      %scan3A_128 = arith.constant 32 : i32
      %scan3A_129 = arith.addi %scan3A_127, %scan3A_128 : i32
      %scan3A_130 = arith.constant 1 : i32
      scf.for %scan3A_132 = %scan3A_127 to %scan3A_129 step %scan3A_130  : i32 {
        %mul3A_133 = arith.constant 2 : i32
        %mul3A_134 = arith.muli %scan3A_132, %mul3A_133 : i32
        %add3A_135 = arith.constant 0 : i32
        %add3A_136 = arith.addi %add3A_135, %mul3A_134 : i32
        %add3A_137 = arith.addi %and3A_126, %add3A_136 : i32
        %get3A = arith.index_cast %add3A_137 : i32 to index
        %get3A_138 = tpu.vector_load %arg9[%get3A] {strides = array<i32>} : memref<2064xi32, #tpu.memory_space<vmem>>, vector<16xi32>,
        %slice3A = vector.extract_strided_slice %get3A_138 {offsets = [0], sizes = [1], strides = [1]} : vector<16xi32> to vector<1xi32>
        %squeeze3A = vector.extract %slice3A[0] : i32 from vector<1xi32>
        %slice3A_139 = vector.extract_strided_slice %get3A_138 {offsets = [1], sizes = [1], strides = [1]} : vector<16xi32> to vector<1xi32>
        %squeeze3A_140 = vector.extract %slice3A_139[0] : i32 from vector<1xi32>
        %get3A_141 = arith.constant 0 : i32
        %get3A_142 = arith.index_cast %get3A_141 : i32 to index
        %get3A_143 = arith.index_cast %add3A_136 : i32 to index
        %get3A_144 = arith.constant 0 : index
        %get3A_145 = tpu.vector_load %arg6[%get3A_142, %get3A_143, %get3A_144] {strides = array<i32>} : memref<2x64x256xf32, #tpu.memory_space<vmem>>, vector<16xf32>,
        %get3A_146 = arith.constant 0 : i32
        %get3A_147 = arith.index_cast %get3A_146 : i32 to index
        %get3A_148 = arith.index_cast %add3A_136 : i32 to index
        %get3A_149 = arith.constant 16 : index
        %get3A_150 = tpu.vector_load %arg6[%get3A_147, %get3A_148, %get3A_149] {strides = array<i32>} : memref<2x64x256xf32, #tpu.memory_space<vmem>>, vector<16xf32>,
        %get3A_151 = arith.constant 0 : i32
        %get3A_152 = arith.index_cast %get3A_151 : i32 to index
        %get3A_153 = arith.index_cast %add3A_136 : i32 to index
        %get3A_154 = arith.constant 32 : index
        %get3A_155 = tpu.vector_load %arg6[%get3A_152, %get3A_153, %get3A_154] {strides = array<i32>} : memref<2x64x256xf32, #tpu.memory_space<vmem>>, vector<16xf32>,
        %get3A_156 = arith.constant 0 : i32
        %get3A_157 = arith.index_cast %get3A_156 : i32 to index
        %get3A_158 = arith.index_cast %add3A_136 : i32 to index
        %get3A_159 = arith.constant 48 : index
        %get3A_160 = tpu.vector_load %arg6[%get3A_157, %get3A_158, %get3A_159] {strides = array<i32>} : memref<2x64x256xf32, #tpu.memory_space<vmem>>, vector<16xf32>,
        %get3A_161 = arith.constant 0 : i32
        %get3A_162 = arith.index_cast %get3A_161 : i32 to index
        %get3A_163 = arith.index_cast %add3A_136 : i32 to index
        %get3A_164 = arith.constant 64 : index
        %get3A_165 = tpu.vector_load %arg6[%get3A_162, %get3A_163, %get3A_164] {strides = array<i32>} : memref<2x64x256xf32, #tpu.memory_space<vmem>>, vector<16xf32>,
        %get3A_166 = arith.constant 0 : i32
        %get3A_167 = arith.index_cast %get3A_166 : i32 to index
        %get3A_168 = arith.index_cast %add3A_136 : i32 to index
        %get3A_169 = arith.constant 80 : index
        %get3A_170 = tpu.vector_load %arg6[%get3A_167, %get3A_168, %get3A_169] {strides = array<i32>} : memref<2x64x256xf32, #tpu.memory_space<vmem>>, vector<16xf32>,
        %get3A_171 = arith.constant 0 : i32
        %get3A_172 = arith.index_cast %get3A_171 : i32 to index
        %get3A_173 = arith.index_cast %add3A_136 : i32 to index
        %get3A_174 = arith.constant 96 : index
        %get3A_175 = tpu.vector_load %arg6[%get3A_172, %get3A_173, %get3A_174] {strides = array<i32>} : memref<2x64x256xf32, #tpu.memory_space<vmem>>, vector<16xf32>,
        %get3A_176 = arith.constant 0 : i32
        %get3A_177 = arith.index_cast %get3A_176 : i32 to index
        %get3A_178 = arith.index_cast %add3A_136 : i32 to index
        %get3A_179 = arith.constant 112 : index
        %get3A_180 = tpu.vector_load %arg6[%get3A_177, %get3A_178, %get3A_179] {strides = array<i32>} : memref<2x64x256xf32, #tpu.memory_space<vmem>>, vector<16xf32>,
        %get3A_181 = arith.constant 0 : i32
        %get3A_182 = arith.index_cast %get3A_181 : i32 to index
        %get3A_183 = arith.index_cast %add3A_136 : i32 to index
        %get3A_184 = arith.constant 128 : index
        %get3A_185 = tpu.vector_load %arg6[%get3A_182, %get3A_183, %get3A_184] {strides = array<i32>} : memref<2x64x256xf32, #tpu.memory_space<vmem>>, vector<16xf32>,
        %get3A_186 = arith.constant 0 : i32
        %get3A_187 = arith.index_cast %get3A_186 : i32 to index
        %get3A_188 = arith.index_cast %add3A_136 : i32 to index
        %get3A_189 = arith.constant 144 : index
        %get3A_190 = tpu.vector_load %arg6[%get3A_187, %get3A_188, %get3A_189] {strides = array<i32>} : memref<2x64x256xf32, #tpu.memory_space<vmem>>, vector<16xf32>,
        %get3A_191 = arith.constant 0 : i32
        %get3A_192 = arith.index_cast %get3A_191 : i32 to index
        %get3A_193 = arith.index_cast %add3A_136 : i32 to index
        %get3A_194 = arith.constant 160 : index
        %get3A_195 = tpu.vector_load %arg6[%get3A_192, %get3A_193, %get3A_194] {strides = array<i32>} : memref<2x64x256xf32, #tpu.memory_space<vmem>>, vector<16xf32>,
        %get3A_196 = arith.constant 0 : i32
        %get3A_197 = arith.index_cast %get3A_196 : i32 to index
        %get3A_198 = arith.index_cast %add3A_136 : i32 to index
        %get3A_199 = arith.constant 176 : index
        %get3A_200 = tpu.vector_load %arg6[%get3A_197, %get3A_198, %get3A_199] {strides = array<i32>} : memref<2x64x256xf32, #tpu.memory_space<vmem>>, vector<16xf32>,
        %get3A_201 = arith.constant 0 : i32
        %get3A_202 = arith.index_cast %get3A_201 : i32 to index
        %get3A_203 = arith.index_cast %add3A_136 : i32 to index
        %get3A_204 = arith.constant 192 : index
        %get3A_205 = tpu.vector_load %arg6[%get3A_202, %get3A_203, %get3A_204] {strides = array<i32>} : memref<2x64x256xf32, #tpu.memory_space<vmem>>, vector<16xf32>,
        %get3A_206 = arith.constant 0 : i32
        %get3A_207 = arith.index_cast %get3A_206 : i32 to index
        %get3A_208 = arith.index_cast %add3A_136 : i32 to index
        %get3A_209 = arith.constant 208 : index
        %get3A_210 = tpu.vector_load %arg6[%get3A_207, %get3A_208, %get3A_209] {strides = array<i32>} : memref<2x64x256xf32, #tpu.memory_space<vmem>>, vector<16xf32>,
        %get3A_211 = arith.constant 0 : i32
        %get3A_212 = arith.index_cast %get3A_211 : i32 to index
        %get3A_213 = arith.index_cast %add3A_136 : i32 to index
        %get3A_214 = arith.constant 224 : index
        %get3A_215 = tpu.vector_load %arg6[%get3A_212, %get3A_213, %get3A_214] {strides = array<i32>} : memref<2x64x256xf32, #tpu.memory_space<vmem>>, vector<16xf32>,
        %get3A_216 = arith.constant 0 : i32
        %get3A_217 = arith.index_cast %get3A_216 : i32 to index
        %get3A_218 = arith.index_cast %add3A_136 : i32 to index
        %get3A_219 = arith.constant 240 : index
        %get3A_220 = tpu.vector_load %arg6[%get3A_217, %get3A_218, %get3A_219] {strides = array<i32>} : memref<2x64x256xf32, #tpu.memory_space<vmem>>, vector<16xf32>,
        %add3A_221 = arith.constant 1 : i32
        %add3A_222 = arith.addi %add3A_136, %add3A_221 : i32
        %get3A_223 = arith.constant 0 : i32
        %get3A_224 = arith.index_cast %get3A_223 : i32 to index
        %get3A_225 = arith.index_cast %add3A_222 : i32 to index
        %get3A_226 = arith.constant 0 : index
        %get3A_227 = tpu.vector_load %arg6[%get3A_224, %get3A_225, %get3A_226] {strides = array<i32>} : memref<2x64x256xf32, #tpu.memory_space<vmem>>, vector<16xf32>,
        %add3A_228 = arith.constant 1 : i32
        %add3A_229 = arith.addi %add3A_136, %add3A_228 : i32
        %get3A_230 = arith.constant 0 : i32
        %get3A_231 = arith.index_cast %get3A_230 : i32 to index
        %get3A_232 = arith.index_cast %add3A_229 : i32 to index
        %get3A_233 = arith.constant 16 : index
        %get3A_234 = tpu.vector_load %arg6[%get3A_231, %get3A_232, %get3A_233] {strides = array<i32>} : memref<2x64x256xf32, #tpu.memory_space<vmem>>, vector<16xf32>,
        %add3A_235 = arith.constant 1 : i32
        %add3A_236 = arith.addi %add3A_136, %add3A_235 : i32
        %get3A_237 = arith.constant 0 : i32
        %get3A_238 = arith.index_cast %get3A_237 : i32 to index
        %get3A_239 = arith.index_cast %add3A_236 : i32 to index
        %get3A_240 = arith.constant 32 : index
        %get3A_241 = tpu.vector_load %arg6[%get3A_238, %get3A_239, %get3A_240] {strides = array<i32>} : memref<2x64x256xf32, #tpu.memory_space<vmem>>, vector<16xf32>,
        %add3A_242 = arith.constant 1 : i32
        %add3A_243 = arith.addi %add3A_136, %add3A_242 : i32
        %get3A_244 = arith.constant 0 : i32
        %get3A_245 = arith.index_cast %get3A_244 : i32 to index
        %get3A_246 = arith.index_cast %add3A_243 : i32 to index
        %get3A_247 = arith.constant 48 : index
        %get3A_248 = tpu.vector_load %arg6[%get3A_245, %get3A_246, %get3A_247] {strides = array<i32>} : memref<2x64x256xf32, #tpu.memory_space<vmem>>, vector<16xf32>,
        %add3A_249 = arith.constant 1 : i32
        %add3A_250 = arith.addi %add3A_136, %add3A_249 : i32
        %get3A_251 = arith.constant 0 : i32
        %get3A_252 = arith.index_cast %get3A_251 : i32 to index
        %get3A_253 = arith.index_cast %add3A_250 : i32 to index
        %get3A_254 = arith.constant 64 : index
        %get3A_255 = tpu.vector_load %arg6[%get3A_252, %get3A_253, %get3A_254] {strides = array<i32>} : memref<2x64x256xf32, #tpu.memory_space<vmem>>, vector<16xf32>,
        %add3A_256 = arith.constant 1 : i32
        %add3A_257 = arith.addi %add3A_136, %add3A_256 : i32
        %get3A_258 = arith.constant 0 : i32
        %get3A_259 = arith.index_cast %get3A_258 : i32 to index
        %get3A_260 = arith.index_cast %add3A_257 : i32 to index
        %get3A_261 = arith.constant 80 : index
        %get3A_262 = tpu.vector_load %arg6[%get3A_259, %get3A_260, %get3A_261] {strides = array<i32>} : memref<2x64x256xf32, #tpu.memory_space<vmem>>, vector<16xf32>,
        %add3A_263 = arith.constant 1 : i32
        %add3A_264 = arith.addi %add3A_136, %add3A_263 : i32
        %get3A_265 = arith.constant 0 : i32
        %get3A_266 = arith.index_cast %get3A_265 : i32 to index
        %get3A_267 = arith.index_cast %add3A_264 : i32 to index
        %get3A_268 = arith.constant 96 : index
        %get3A_269 = tpu.vector_load %arg6[%get3A_266, %get3A_267, %get3A_268] {strides = array<i32>} : memref<2x64x256xf32, #tpu.memory_space<vmem>>, vector<16xf32>,
        %add3A_270 = arith.constant 1 : i32
        %add3A_271 = arith.addi %add3A_136, %add3A_270 : i32
        %get3A_272 = arith.constant 0 : i32
        %get3A_273 = arith.index_cast %get3A_272 : i32 to index
        %get3A_274 = arith.index_cast %add3A_271 : i32 to index
        %get3A_275 = arith.constant 112 : index
        %get3A_276 = tpu.vector_load %arg6[%get3A_273, %get3A_274, %get3A_275] {strides = array<i32>} : memref<2x64x256xf32, #tpu.memory_space<vmem>>, vector<16xf32>,
        %add3A_277 = arith.constant 1 : i32
        %add3A_278 = arith.addi %add3A_136, %add3A_277 : i32
        %get3A_279 = arith.constant 0 : i32
        %get3A_280 = arith.index_cast %get3A_279 : i32 to index
        %get3A_281 = arith.index_cast %add3A_278 : i32 to index
        %get3A_282 = arith.constant 128 : index
        %get3A_283 = tpu.vector_load %arg6[%get3A_280, %get3A_281, %get3A_282] {strides = array<i32>} : memref<2x64x256xf32, #tpu.memory_space<vmem>>, vector<16xf32>,
        %add3A_284 = arith.constant 1 : i32
        %add3A_285 = arith.addi %add3A_136, %add3A_284 : i32
        %get3A_286 = arith.constant 0 : i32
        %get3A_287 = arith.index_cast %get3A_286 : i32 to index
        %get3A_288 = arith.index_cast %add3A_285 : i32 to index
        %get3A_289 = arith.constant 144 : index
        %get3A_290 = tpu.vector_load %arg6[%get3A_287, %get3A_288, %get3A_289] {strides = array<i32>} : memref<2x64x256xf32, #tpu.memory_space<vmem>>, vector<16xf32>,
        %add3A_291 = arith.constant 1 : i32
        %add3A_292 = arith.addi %add3A_136, %add3A_291 : i32
        %get3A_293 = arith.constant 0 : i32
        %get3A_294 = arith.index_cast %get3A_293 : i32 to index
        %get3A_295 = arith.index_cast %add3A_292 : i32 to index
        %get3A_296 = arith.constant 160 : index
        %get3A_297 = tpu.vector_load %arg6[%get3A_294, %get3A_295, %get3A_296] {strides = array<i32>} : memref<2x64x256xf32, #tpu.memory_space<vmem>>, vector<16xf32>,
        %add3A_298 = arith.constant 1 : i32
        %add3A_299 = arith.addi %add3A_136, %add3A_298 : i32
        %get3A_300 = arith.constant 0 : i32
        %get3A_301 = arith.index_cast %get3A_300 : i32 to index
        %get3A_302 = arith.index_cast %add3A_299 : i32 to index
        %get3A_303 = arith.constant 176 : index
        %get3A_304 = tpu.vector_load %arg6[%get3A_301, %get3A_302, %get3A_303] {strides = array<i32>} : memref<2x64x256xf32, #tpu.memory_space<vmem>>, vector<16xf32>,
        %add3A_305 = arith.constant 1 : i32
        %add3A_306 = arith.addi %add3A_136, %add3A_305 : i32
        %get3A_307 = arith.constant 0 : i32
        %get3A_308 = arith.index_cast %get3A_307 : i32 to index
        %get3A_309 = arith.index_cast %add3A_306 : i32 to index
        %get3A_310 = arith.constant 192 : index
        %get3A_311 = tpu.vector_load %arg6[%get3A_308, %get3A_309, %get3A_310] {strides = array<i32>} : memref<2x64x256xf32, #tpu.memory_space<vmem>>, vector<16xf32>,
        %add3A_312 = arith.constant 1 : i32
        %add3A_313 = arith.addi %add3A_136, %add3A_312 : i32
        %get3A_314 = arith.constant 0 : i32
        %get3A_315 = arith.index_cast %get3A_314 : i32 to index
        %get3A_316 = arith.index_cast %add3A_313 : i32 to index
        %get3A_317 = arith.constant 208 : index
        %get3A_318 = tpu.vector_load %arg6[%get3A_315, %get3A_316, %get3A_317] {strides = array<i32>} : memref<2x64x256xf32, #tpu.memory_space<vmem>>, vector<16xf32>,
        %add3A_319 = arith.constant 1 : i32
        %add3A_320 = arith.addi %add3A_136, %add3A_319 : i32
        %get3A_321 = arith.constant 0 : i32
        %get3A_322 = arith.index_cast %get3A_321 : i32 to index
        %get3A_323 = arith.index_cast %add3A_320 : i32 to index
        %get3A_324 = arith.constant 224 : index
        %get3A_325 = tpu.vector_load %arg6[%get3A_322, %get3A_323, %get3A_324] {strides = array<i32>} : memref<2x64x256xf32, #tpu.memory_space<vmem>>, vector<16xf32>,
        %add3A_326 = arith.constant 1 : i32
        %add3A_327 = arith.addi %add3A_136, %add3A_326 : i32
        %get3A_328 = arith.constant 0 : i32
        %get3A_329 = arith.index_cast %get3A_328 : i32 to index
        %get3A_330 = arith.index_cast %add3A_327 : i32 to index
        %get3A_331 = arith.constant 240 : index
        %get3A_332 = tpu.vector_load %arg6[%get3A_329, %get3A_330, %get3A_331] {strides = array<i32>} : memref<2x64x256xf32, #tpu.memory_space<vmem>>, vector<16xf32>,
        %swap3A = arith.index_cast %squeeze3A : i32 to index
        %swap3A_333 = arith.constant 0 : index
        %swap3A_334 = tpu.vector_load %arg5[%swap3A, %swap3A_333] {strides = array<i32>} : memref<321x256xf32, #tpu.memory_space<vmem>>, vector<16xf32>,
        tpu.vector_store %arg5[%swap3A, %swap3A_333], %get3A_145 {add = true, strides = array<i32>} : memref<321x256xf32, #tpu.memory_space<vmem>>, vector<16xf32>,
        %swap3A_335 = arith.index_cast %squeeze3A : i32 to index
        %swap3A_336 = arith.constant 16 : index
        %swap3A_337 = tpu.vector_load %arg5[%swap3A_335, %swap3A_336] {strides = array<i32>} : memref<321x256xf32, #tpu.memory_space<vmem>>, vector<16xf32>,
        tpu.vector_store %arg5[%swap3A_335, %swap3A_336], %get3A_150 {add = true, strides = array<i32>} : memref<321x256xf32, #tpu.memory_space<vmem>>, vector<16xf32>,
        %swap3A_338 = arith.index_cast %squeeze3A : i32 to index
        %swap3A_339 = arith.constant 32 : index
        %swap3A_340 = tpu.vector_load %arg5[%swap3A_338, %swap3A_339] {strides = array<i32>} : memref<321x256xf32, #tpu.memory_space<vmem>>, vector<16xf32>,
        tpu.vector_store %arg5[%swap3A_338, %swap3A_339], %get3A_155 {add = true, strides = array<i32>} : memref<321x256xf32, #tpu.memory_space<vmem>>, vector<16xf32>,
        %swap3A_341 = arith.index_cast %squeeze3A : i32 to index
        %swap3A_342 = arith.constant 48 : index
        %swap3A_343 = tpu.vector_load %arg5[%swap3A_341, %swap3A_342] {strides = array<i32>} : memref<321x256xf32, #tpu.memory_space<vmem>>, vector<16xf32>,
        tpu.vector_store %arg5[%swap3A_341, %swap3A_342], %get3A_160 {add = true, strides = array<i32>} : memref<321x256xf32, #tpu.memory_space<vmem>>, vector<16xf32>,
        %swap3A_344 = arith.index_cast %squeeze3A : i32 to index
        %swap3A_345 = arith.constant 64 : index
        %swap3A_346 = tpu.vector_load %arg5[%swap3A_344, %swap3A_345] {strides = array<i32>} : memref<321x256xf32, #tpu.memory_space<vmem>>, vector<16xf32>,
        tpu.vector_store %arg5[%swap3A_344, %swap3A_345], %get3A_165 {add = true, strides = array<i32>} : memref<321x256xf32, #tpu.memory_space<vmem>>, vector<16xf32>,
        %swap3A_347 = arith.index_cast %squeeze3A : i32 to index
        %swap3A_348 = arith.constant 80 : index
        %swap3A_349 = tpu.vector_load %arg5[%swap3A_347, %swap3A_348] {strides = array<i32>} : memref<321x256xf32, #tpu.memory_space<vmem>>, vector<16xf32>,
        tpu.vector_store %arg5[%swap3A_347, %swap3A_348], %get3A_170 {add = true, strides = array<i32>} : memref<321x256xf32, #tpu.memory_space<vmem>>, vector<16xf32>,
        %swap3A_350 = arith.index_cast %squeeze3A : i32 to index
        %swap3A_351 = arith.constant 96 : index
        %swap3A_352 = tpu.vector_load %arg5[%swap3A_350, %swap3A_351] {strides = array<i32>} : memref<321x256xf32, #tpu.memory_space<vmem>>, vector<16xf32>,
        tpu.vector_store %arg5[%swap3A_350, %swap3A_351], %get3A_175 {add = true, strides = array<i32>} : memref<321x256xf32, #tpu.memory_space<vmem>>, vector<16xf32>,
        %swap3A_353 = arith.index_cast %squeeze3A : i32 to index
        %swap3A_354 = arith.constant 112 : index
        %swap3A_355 = tpu.vector_load %arg5[%swap3A_353, %swap3A_354] {strides = array<i32>} : memref<321x256xf32, #tpu.memory_space<vmem>>, vector<16xf32>,
        tpu.vector_store %arg5[%swap3A_353, %swap3A_354], %get3A_180 {add = true, strides = array<i32>} : memref<321x256xf32, #tpu.memory_space<vmem>>, vector<16xf32>,
        %swap3A_356 = arith.index_cast %squeeze3A : i32 to index
        %swap3A_357 = arith.constant 128 : index
        %swap3A_358 = tpu.vector_load %arg5[%swap3A_356, %swap3A_357] {strides = array<i32>} : memref<321x256xf32, #tpu.memory_space<vmem>>, vector<16xf32>,
        tpu.vector_store %arg5[%swap3A_356, %swap3A_357], %get3A_185 {add = true, strides = array<i32>} : memref<321x256xf32, #tpu.memory_space<vmem>>, vector<16xf32>,
        %swap3A_359 = arith.index_cast %squeeze3A : i32 to index
        %swap3A_360 = arith.constant 144 : index
        %swap3A_361 = tpu.vector_load %arg5[%swap3A_359, %swap3A_360] {strides = array<i32>} : memref<321x256xf32, #tpu.memory_space<vmem>>, vector<16xf32>,
        tpu.vector_store %arg5[%swap3A_359, %swap3A_360], %get3A_190 {add = true, strides = array<i32>} : memref<321x256xf32, #tpu.memory_space<vmem>>, vector<16xf32>,
        %swap3A_362 = arith.index_cast %squeeze3A : i32 to index
        %swap3A_363 = arith.constant 160 : index
        %swap3A_364 = tpu.vector_load %arg5[%swap3A_362, %swap3A_363] {strides = array<i32>} : memref<321x256xf32, #tpu.memory_space<vmem>>, vector<16xf32>,
        tpu.vector_store %arg5[%swap3A_362, %swap3A_363], %get3A_195 {add = true, strides = array<i32>} : memref<321x256xf32, #tpu.memory_space<vmem>>, vector<16xf32>,
        %swap3A_365 = arith.index_cast %squeeze3A : i32 to index
        %swap3A_366 = arith.constant 176 : index
        %swap3A_367 = tpu.vector_load %arg5[%swap3A_365, %swap3A_366] {strides = array<i32>} : memref<321x256xf32, #tpu.memory_space<vmem>>, vector<16xf32>,
        tpu.vector_store %arg5[%swap3A_365, %swap3A_366], %get3A_200 {add = true, strides = array<i32>} : memref<321x256xf32, #tpu.memory_space<vmem>>, vector<16xf32>,
        %swap3A_368 = arith.index_cast %squeeze3A : i32 to index
        %swap3A_369 = arith.constant 192 : index
        %swap3A_370 = tpu.vector_load %arg5[%swap3A_368, %swap3A_369] {strides = array<i32>} : memref<321x256xf32, #tpu.memory_space<vmem>>, vector<16xf32>,
        tpu.vector_store %arg5[%swap3A_368, %swap3A_369], %get3A_205 {add = true, strides = array<i32>} : memref<321x256xf32, #tpu.memory_space<vmem>>, vector<16xf32>,
        %swap3A_371 = arith.index_cast %squeeze3A : i32 to index
        %swap3A_372 = arith.constant 208 : index
        %swap3A_373 = tpu.vector_load %arg5[%swap3A_371, %swap3A_372] {strides = array<i32>} : memref<321x256xf32, #tpu.memory_space<vmem>>, vector<16xf32>,
        tpu.vector_store %arg5[%swap3A_371, %swap3A_372], %get3A_210 {add = true, strides = array<i32>} : memref<321x256xf32, #tpu.memory_space<vmem>>, vector<16xf32>,
        %swap3A_374 = arith.index_cast %squeeze3A : i32 to index
        %swap3A_375 = arith.constant 224 : index
        %swap3A_376 = tpu.vector_load %arg5[%swap3A_374, %swap3A_375] {strides = array<i32>} : memref<321x256xf32, #tpu.memory_space<vmem>>, vector<16xf32>,
        tpu.vector_store %arg5[%swap3A_374, %swap3A_375], %get3A_215 {add = true, strides = array<i32>} : memref<321x256xf32, #tpu.memory_space<vmem>>, vector<16xf32>,
        %swap3A_377 = arith.index_cast %squeeze3A : i32 to index
        %swap3A_378 = arith.constant 240 : index
        %swap3A_379 = tpu.vector_load %arg5[%swap3A_377, %swap3A_378] {strides = array<i32>} : memref<321x256xf32, #tpu.memory_space<vmem>>, vector<16xf32>,
        tpu.vector_store %arg5[%swap3A_377, %swap3A_378], %get3A_220 {add = true, strides = array<i32>} : memref<321x256xf32, #tpu.memory_space<vmem>>, vector<16xf32>,
        %swap3A_380 = arith.index_cast %squeeze3A_140 : i32 to index
        %swap3A_381 = arith.constant 0 : index
        %swap3A_382 = tpu.vector_load %arg5[%swap3A_380, %swap3A_381] {strides = array<i32>} : memref<321x256xf32, #tpu.memory_space<vmem>>, vector<16xf32>,
        tpu.vector_store %arg5[%swap3A_380, %swap3A_381], %get3A_227 {add = true, strides = array<i32>} : memref<321x256xf32, #tpu.memory_space<vmem>>, vector<16xf32>,
        %swap3A_383 = arith.index_cast %squeeze3A_140 : i32 to index
        %swap3A_384 = arith.constant 16 : index
        %swap3A_385 = tpu.vector_load %arg5[%swap3A_383, %swap3A_384] {strides = array<i32>} : memref<321x256xf32, #tpu.memory_space<vmem>>, vector<16xf32>,
        tpu.vector_store %arg5[%swap3A_383, %swap3A_384], %get3A_234 {add = true, strides = array<i32>} : memref<321x256xf32, #tpu.memory_space<vmem>>, vector<16xf32>,
        %swap3A_386 = arith.index_cast %squeeze3A_140 : i32 to index
        %swap3A_387 = arith.constant 32 : index
        %swap3A_388 = tpu.vector_load %arg5[%swap3A_386, %swap3A_387] {strides = array<i32>} : memref<321x256xf32, #tpu.memory_space<vmem>>, vector<16xf32>,
        tpu.vector_store %arg5[%swap3A_386, %swap3A_387], %get3A_241 {add = true, strides = array<i32>} : memref<321x256xf32, #tpu.memory_space<vmem>>, vector<16xf32>,
        %swap3A_389 = arith.index_cast %squeeze3A_140 : i32 to index
        %swap3A_390 = arith.constant 48 : index
        %swap3A_391 = tpu.vector_load %arg5[%swap3A_389, %swap3A_390] {strides = array<i32>} : memref<321x256xf32, #tpu.memory_space<vmem>>, vector<16xf32>,
        tpu.vector_store %arg5[%swap3A_389, %swap3A_390], %get3A_248 {add = true, strides = array<i32>} : memref<321x256xf32, #tpu.memory_space<vmem>>, vector<16xf32>,
        %swap3A_392 = arith.index_cast %squeeze3A_140 : i32 to index
        %swap3A_393 = arith.constant 64 : index
        %swap3A_394 = tpu.vector_load %arg5[%swap3A_392, %swap3A_393] {strides = array<i32>} : memref<321x256xf32, #tpu.memory_space<vmem>>, vector<16xf32>,
        tpu.vector_store %arg5[%swap3A_392, %swap3A_393], %get3A_255 {add = true, strides = array<i32>} : memref<321x256xf32, #tpu.memory_space<vmem>>, vector<16xf32>,
        %swap3A_395 = arith.index_cast %squeeze3A_140 : i32 to index
        %swap3A_396 = arith.constant 80 : index
        %swap3A_397 = tpu.vector_load %arg5[%swap3A_395, %swap3A_396] {strides = array<i32>} : memref<321x256xf32, #tpu.memory_space<vmem>>, vector<16xf32>,
        tpu.vector_store %arg5[%swap3A_395, %swap3A_396], %get3A_262 {add = true, strides = array<i32>} : memref<321x256xf32, #tpu.memory_space<vmem>>, vector<16xf32>,
        %swap3A_398 = arith.index_cast %squeeze3A_140 : i32 to index
        %swap3A_399 = arith.constant 96 : index
        %swap3A_400 = tpu.vector_load %arg5[%swap3A_398, %swap3A_399] {strides = array<i32>} : memref<321x256xf32, #tpu.memory_space<vmem>>, vector<16xf32>,
        tpu.vector_store %arg5[%swap3A_398, %swap3A_399], %get3A_269 {add = true, strides = array<i32>} : memref<321x256xf32, #tpu.memory_space<vmem>>, vector<16xf32>,
        %swap3A_401 = arith.index_cast %squeeze3A_140 : i32 to index
        %swap3A_402 = arith.constant 112 : index
        %swap3A_403 = tpu.vector_load %arg5[%swap3A_401, %swap3A_402] {strides = array<i32>} : memref<321x256xf32, #tpu.memory_space<vmem>>, vector<16xf32>,
        tpu.vector_store %arg5[%swap3A_401, %swap3A_402], %get3A_276 {add = true, strides = array<i32>} : memref<321x256xf32, #tpu.memory_space<vmem>>, vector<16xf32>,
        %swap3A_404 = arith.index_cast %squeeze3A_140 : i32 to index
        %swap3A_405 = arith.constant 128 : index
        %swap3A_406 = tpu.vector_load %arg5[%swap3A_404, %swap3A_405] {strides = array<i32>} : memref<321x256xf32, #tpu.memory_space<vmem>>, vector<16xf32>,
        tpu.vector_store %arg5[%swap3A_404, %swap3A_405], %get3A_283 {add = true, strides = array<i32>} : memref<321x256xf32, #tpu.memory_space<vmem>>, vector<16xf32>,
        %swap3A_407 = arith.index_cast %squeeze3A_140 : i32 to index
        %swap3A_408 = arith.constant 144 : index
        %swap3A_409 = tpu.vector_load %arg5[%swap3A_407, %swap3A_408] {strides = array<i32>} : memref<321x256xf32, #tpu.memory_space<vmem>>, vector<16xf32>,
        tpu.vector_store %arg5[%swap3A_407, %swap3A_408], %get3A_290 {add = true, strides = array<i32>} : memref<321x256xf32, #tpu.memory_space<vmem>>, vector<16xf32>,
        %swap3A_410 = arith.index_cast %squeeze3A_140 : i32 to index
        %swap3A_411 = arith.constant 160 : index
        %swap3A_412 = tpu.vector_load %arg5[%swap3A_410, %swap3A_411] {strides = array<i32>} : memref<321x256xf32, #tpu.memory_space<vmem>>, vector<16xf32>,
        tpu.vector_store %arg5[%swap3A_410, %swap3A_411], %get3A_297 {add = true, strides = array<i32>} : memref<321x256xf32, #tpu.memory_space<vmem>>, vector<16xf32>,
        %swap3A_413 = arith.index_cast %squeeze3A_140 : i32 to index
        %swap3A_414 = arith.constant 176 : index
        %swap3A_415 = tpu.vector_load %arg5[%swap3A_413, %swap3A_414] {strides = array<i32>} : memref<321x256xf32, #tpu.memory_space<vmem>>, vector<16xf32>,
        tpu.vector_store %arg5[%swap3A_413, %swap3A_414], %get3A_304 {add = true, strides = array<i32>} : memref<321x256xf32, #tpu.memory_space<vmem>>, vector<16xf32>,
        %swap3A_416 = arith.index_cast %squeeze3A_140 : i32 to index
        %swap3A_417 = arith.constant 192 : index
        %swap3A_418 = tpu.vector_load %arg5[%swap3A_416, %swap3A_417] {strides = array<i32>} : memref<321x256xf32, #tpu.memory_space<vmem>>, vector<16xf32>,
        tpu.vector_store %arg5[%swap3A_416, %swap3A_417], %get3A_311 {add = true, strides = array<i32>} : memref<321x256xf32, #tpu.memory_space<vmem>>, vector<16xf32>,
        %swap3A_419 = arith.index_cast %squeeze3A_140 : i32 to index
        %swap3A_420 = arith.constant 208 : index
        %swap3A_421 = tpu.vector_load %arg5[%swap3A_419, %swap3A_420] {strides = array<i32>} : memref<321x256xf32, #tpu.memory_space<vmem>>, vector<16xf32>,
        tpu.vector_store %arg5[%swap3A_419, %swap3A_420], %get3A_318 {add = true, strides = array<i32>} : memref<321x256xf32, #tpu.memory_space<vmem>>, vector<16xf32>,
        %swap3A_422 = arith.index_cast %squeeze3A_140 : i32 to index
        %swap3A_423 = arith.constant 224 : index
        %swap3A_424 = tpu.vector_load %arg5[%swap3A_422, %swap3A_423] {strides = array<i32>} : memref<321x256xf32, #tpu.memory_space<vmem>>, vector<16xf32>,
        tpu.vector_store %arg5[%swap3A_422, %swap3A_423], %get3A_325 {add = true, strides = array<i32>} : memref<321x256xf32, #tpu.memory_space<vmem>>, vector<16xf32>,
        %swap3A_425 = arith.index_cast %squeeze3A_140 : i32 to index
        %swap3A_426 = arith.constant 240 : index
        %swap3A_427 = tpu.vector_load %arg5[%swap3A_425, %swap3A_426] {strides = array<i32>} : memref<321x256xf32, #tpu.memory_space<vmem>>, vector<16xf32>,
        tpu.vector_store %arg5[%swap3A_425, %swap3A_426], %get3A_332 {add = true, strides = array<i32>} : memref<321x256xf32, #tpu.memory_space<vmem>>, vector<16xf32>,
      }
      %scan3A_131 = arith.constant 32 : i32
    } else {
    }
    "tpu.region"() ({
      %run_scoped3A = tpu.sem_alloc : memref<!tpu.dma_semaphore, #tpu.memory_space<semaphore_mem>>
      %dma_start3A_43 = arith.constant 0 : i32
      %dma_start3A_44 = arith.constant 0 : i32
      %dma_start3A_45 = tpu.memref_slice %arg5[%dma_start3A_43, %dma_start3A_44] : memref<321x256xf32, #tpu.memory_space<vmem>> -> memref<320x256xf32, #tpu.memory_space<vmem>>
      %dma_start3A_46 = arith.constant 0 : i32
      %dma_start3A_47 = tpu.memref_slice %arg4[%mul3A_2, %dma_start3A_46] : memref<10240x256xf32, #tpu.memory_space<hbm>> -> memref<320x256xf32, #tpu.memory_space<hbm>>
      %dma_start3A_48 = arith.constant 0 : i32
      %dma_start3A_49 = tpu.memref_slice %arg4[%mul3A_2, %dma_start3A_48] : memref<10240x256xf32, #tpu.memory_space<hbm>> -> memref<320x256xf32, #tpu.memory_space<hbm>>
      %dma_start3A_50 = arith.constant 0 : i32
      %dma_start3A_51 = arith.constant 0 : i32
      %dma_start3A_52 = tpu.memref_slice %arg5[%dma_start3A_50, %dma_start3A_51] : memref<321x256xf32, #tpu.memory_space<vmem>> -> memref<320x256xf32, #tpu.memory_space<vmem>>
      tpu.enqueue_dma source(%dma_start3A_52 : memref<320x256xf32, #tpu.memory_space<vmem>>) target(%dma_start3A_49 : memref<320x256xf32, #tpu.memory_space<hbm>>) target_semaphore(%run_scoped3A : memref<!tpu.dma_semaphore, #tpu.memory_space<semaphore_mem>>)
      %dma_wait3A = arith.constant 0 : i32
      %dma_wait3A_53 = arith.constant 0 : i32
      %dma_wait3A_54 = tpu.memref_slice %arg5[%dma_wait3A, %dma_wait3A_53] : memref<321x256xf32, #tpu.memory_space<vmem>> -> memref<320x256xf32, #tpu.memory_space<vmem>>
      %dma_wait3A_55 = arith.constant 0 : i32
      %dma_wait3A_56 = tpu.memref_slice %arg4[%mul3A_2, %dma_wait3A_55] : memref<10240x256xf32, #tpu.memory_space<hbm>> -> memref<320x256xf32, #tpu.memory_space<hbm>>
      %dma_wait3A_57 = arith.constant 0 : i32
      %dma_wait3A_58 = tpu.memref_slice %arg4[%mul3A_2, %dma_wait3A_57] : memref<10240x256xf32, #tpu.memory_space<hbm>> -> memref<320x256xf32, #tpu.memory_space<hbm>>
      %dma_wait3A_59 = arith.constant 0 : i32
      %dma_wait3A_60 = arith.constant 0 : i32
      %dma_wait3A_61 = tpu.memref_slice %arg5[%dma_wait3A_59, %dma_wait3A_60] : memref<321x256xf32, #tpu.memory_space<vmem>> -> memref<320x256xf32, #tpu.memory_space<vmem>>
      tpu.wait_dma2 semaphore(%run_scoped3A : memref<!tpu.dma_semaphore, #tpu.memory_space<semaphore_mem>>) src(%dma_wait3A_61 : memref<320x256xf32, #tpu.memory_space<vmem>>) dst(%dma_wait3A_58 : memref<320x256xf32, #tpu.memory_space<hbm>>)
      tpu.yield
    }) : () -> ()
    return
  }
}

module attributes {stable_mosaic.version = 14 : i64} {
  func.func @_mlp_body(%arg0: i32, %arg1: memref<400x256xf32, #tpu.memory_space<vmem>>, %arg2: memref<400x256xf32, #tpu.memory_space<vmem>>, %arg3: memref<256x256xf32, #tpu.memory_space<vmem>>, %arg4: memref<1x256xf32, #tpu.memory_space<vmem>>, %arg5: memref<256x256xf32, #tpu.memory_space<vmem>>, %arg6: memref<1x256xf32, #tpu.memory_space<vmem>>, %arg7: memref<1x1xf32, #tpu.memory_space<smem>>, %arg8: memref<400x256xf32, #tpu.memory_space<vmem>>) attributes {dimension_semantics = [#tpu.dimension_semantics<arbitrary>], iteration_bounds = array<i64: 25>, scalar_prefetch = 0 : i64, scratch_operands = 0 : i64, tpu.core_type = #tpu.core_type<tc>, window_params = [{transform_indices = @transform_0, window_bounds = array<i64: 400, 256>}, {transform_indices = @transform_1, window_bounds = array<i64: 400, 256>}, {pipeline_mode = #tpu.pipeline_mode<synchronous>, transform_indices = @transform_2, window_bounds = array<i64: 256, 256>}, {pipeline_mode = #tpu.pipeline_mode<synchronous>, transform_indices = @transform_3, window_bounds = array<i64: 1, 256>}, {pipeline_mode = #tpu.pipeline_mode<synchronous>, transform_indices = @transform_4, window_bounds = array<i64: 256, 256>}, {pipeline_mode = #tpu.pipeline_mode<synchronous>, transform_indices = @transform_5, window_bounds = array<i64: 1, 256>}, {transform_indices = @transform_6, window_bounds = array<i64: 1, 1>}, {transform_indices = @transform_7, window_bounds = array<i64: 400, 256>}]} {
    %get3A = arith.constant 0 : index
    %get3A_0 = arith.constant 0 : index
    %get3A_1 = vector.load %arg1[%get3A, %get3A_0] : memref<400x256xf32, #tpu.memory_space<vmem>>, vector<400x256xf32>
    %get3A_2 = arith.constant 0 : index
    %get3A_3 = arith.constant 0 : index
    %get3A_4 = memref.load %arg7[%get3A_2, %get3A_3] : memref<1x1xf32, #tpu.memory_space<smem>>
    %mul3A = vector.broadcast %get3A_4 : f32 to vector<400x256xf32>
    %mul3A_5 = arith.mulf %get3A_1, %mul3A : vector<400x256xf32>
    %get3A_6 = arith.constant 0 : index
    %get3A_7 = arith.constant 0 : index
    %get3A_8 = vector.load %arg2[%get3A_6, %get3A_7] : memref<400x256xf32, #tpu.memory_space<vmem>>, vector<400x256xf32>
    %add3A = arith.addf %mul3A_5, %get3A_8 : vector<400x256xf32>
    %get3A_9 = arith.constant 0 : index
    %get3A_10 = arith.constant 0 : index
    %get3A_11 = vector.load %arg3[%get3A_9, %get3A_10] : memref<256x256xf32, #tpu.memory_space<vmem>>, vector<256x256xf32>
    %dot_general3A = arith.constant dense<0.000000e+00> : vector<400x256xf32>
    %dot_general3A_12 = tpu.matmul %add3A, %get3A_11, %dot_general3A {dimension_numbers = #tpu.dot_dimension_numbers<[1], [0], [0], [1], [0, 0, 1, 1], [], []>, transpose_lhs_hint = false} : vector<400x256xf32>, vector<256x256xf32>, vector<400x256xf32> -> vector<400x256xf32>
    %get3A_13 = arith.constant 0 : index
    %get3A_14 = arith.constant 0 : index
    %get3A_15 = vector.load %arg4[%get3A_13, %get3A_14] : memref<1x256xf32, #tpu.memory_space<vmem>>, vector<1x256xf32>
    %add3A_16 = vector.broadcast %get3A_15 : vector<1x256xf32> to vector<400x256xf32>
    %add3A_17 = arith.addf %dot_general3A_12, %add3A_16 : vector<400x256xf32>
    %max3A = arith.constant 0.000000e+00 : f32
    %max3A_18 = vector.broadcast %max3A : f32 to vector<400x256xf32>
    %max3A_19 = arith.maximumf %add3A_17, %max3A_18 : vector<400x256xf32>
    %get3A_20 = arith.constant 0 : index
    %get3A_21 = arith.constant 0 : index
    %get3A_22 = vector.load %arg5[%get3A_20, %get3A_21] : memref<256x256xf32, #tpu.memory_space<vmem>>, vector<256x256xf32>
    %dot_general3A_23 = arith.constant dense<0.000000e+00> : vector<400x256xf32>
    %dot_general3A_24 = tpu.matmul %max3A_19, %get3A_22, %dot_general3A_23 {dimension_numbers = #tpu.dot_dimension_numbers<[1], [0], [0], [1], [0, 0, 1, 1], [], []>, transpose_lhs_hint = false} : vector<400x256xf32>, vector<256x256xf32>, vector<400x256xf32> -> vector<400x256xf32>
    %get3A_25 = arith.constant 0 : index
    %get3A_26 = arith.constant 0 : index
    %get3A_27 = vector.load %arg6[%get3A_25, %get3A_26] : memref<1x256xf32, #tpu.memory_space<vmem>>, vector<1x256xf32>
    %add3A_28 = vector.broadcast %get3A_27 : vector<1x256xf32> to vector<400x256xf32>
    %add3A_29 = arith.addf %dot_general3A_24, %add3A_28 : vector<400x256xf32>
    %swap3A = arith.constant 0 : index
    %swap3A_30 = arith.constant 0 : index
    %swap3A_31 = vector.load %arg8[%swap3A, %swap3A_30] : memref<400x256xf32, #tpu.memory_space<vmem>>, vector<400x256xf32>
    tpu.vector_store %arg8[%swap3A, %swap3A_30], %add3A_29 {strides = array<i32>} : memref<400x256xf32, #tpu.memory_space<vmem>>, vector<400x256xf32>,
    return
  }
  func.func @transform_0(%arg0: i32) -> (i32, i32) {
    %c0_i32 = arith.constant 0 : i32
    %c0_i32_0 = arith.constant 0 : i32
    return %arg0, %c0_i32 : i32, i32
  }
  func.func @transform_1(%arg0: i32) -> (i32, i32) {
    %c0_i32 = arith.constant 0 : i32
    %c0_i32_0 = arith.constant 0 : i32
    return %arg0, %c0_i32 : i32, i32
  }
  func.func @transform_2(%arg0: i32) -> (i32, i32) {
    %c0_i32 = arith.constant 0 : i32
    %c0_i32_0 = arith.constant 0 : i32
    %c0_i32_1 = arith.constant 0 : i32
    return %c0_i32, %c0_i32_0 : i32, i32
  }
  func.func @transform_3(%arg0: i32) -> (i32, i32) {
    %c0_i32 = arith.constant 0 : i32
    %c0_i32_0 = arith.constant 0 : i32
    %c0_i32_1 = arith.constant 0 : i32
    return %c0_i32, %c0_i32_0 : i32, i32
  }
  func.func @transform_4(%arg0: i32) -> (i32, i32) {
    %c0_i32 = arith.constant 0 : i32
    %c0_i32_0 = arith.constant 0 : i32
    %c0_i32_1 = arith.constant 0 : i32
    return %c0_i32, %c0_i32_0 : i32, i32
  }
  func.func @transform_5(%arg0: i32) -> (i32, i32) {
    %c0_i32 = arith.constant 0 : i32
    %c0_i32_0 = arith.constant 0 : i32
    %c0_i32_1 = arith.constant 0 : i32
    return %c0_i32, %c0_i32_0 : i32, i32
  }
  func.func @transform_6(%arg0: i32) -> (i32, i32) {
    %c0_i32 = arith.constant 0 : i32
    %c0_i32_0 = arith.constant 0 : i32
    %c0_i32_1 = arith.constant 0 : i32
    return %c0_i32, %c0_i32_0 : i32, i32
  }
  func.func @transform_7(%arg0: i32) -> (i32, i32) {
    %c0_i32 = arith.constant 0 : i32
    %c0_i32_0 = arith.constant 0 : i32
    return %arg0, %c0_i32 : i32, i32
  }
}

</mosaic_0001>

<sc_bundles>
// kernel: kernel.4.cloned.1.call-start
scs
__scs_entry_jumppad:
0x0: {  	(pc) =	sbr.rel $0x88, $3  }
0x1: {  	(tag) =	ssettag $0x0;
	lr =	simm.s32 $0x1  }
0x2: {  	[smem:$0x3F9A] =	sst lr;
	_ =	strace $0xD0000000  }
0x3: {  	_ = 	snop  }
0x4: {  	_ = 	snop  }
0x5: {  	_ = 	snop  }
0x6: {  	_ = 	snop  }
0x7: {  	_ = 	snop  }
__scs_overlays_trampoline_lowered:
0x8: {  	[smem:$0x3FA9] =	sst s0  }
0x9: {  	[smem:$0x3FAA] =	sst s1  }
0xa: {  	[smem:$0x3FAB] =	sst s2  }
0xb: {  	[smem:$0x3FAC] =	sst s3  }
0xc: {  	[smem:$0x3FAD] =	sst s4  }
0xd: {  	[smem:$0x3FAE] =	sst s5  }
0xe: {  	[smem:$0x3FAF] =	sst s6  }
0xf: {  	[smem:$0x3FB0] =	sst s7  }
0x10: {  	[smem:$0x3FB1] =	sst s8  }
0x11: {  	[smem:$0x3FB2] =	sst s9;
	s0 =	simm.s32 @!p0 $0x0  }
0x12: {  	s1 =	sld [smem:$0x3F98];
	s0 =	simm.s32 @p0 $0x1  }
0x13: {  	[smem:$0x3FB3] =	sst s0;
	s0 =	simm.s32 @!p1 $0x0  }
0x14: {  	s2 =	sld [smem:$0x3F97];
	s0 =	simm.s32 @p1 $0x1  }
0x15: {  	[smem:$0x3FB4] =	sst s0;
	s0 =	simm.s32 @!p2 $0x0  }
0x16: {  	s3 =	sld [smem:$0x3FDB];
	s0 =	simm.s32 @p2 $0x1  }
0x17: {  	s4 =	simm.s32 $0x1BF5;
	[smem:$0x3FB6] =	sst s0  }
0x18: {  	s0 =	sld [smem:$0x3F99];
	_ =	swait.ge [sflag:s4], $0x0  }
0x19: {  	s7 =	sld [smem:$0x3F9A]  }
0x1a: {  	s8 =	sadd.s32 $0xFFFFE003, lr  }
0x1b: {  	s9 =	sadd.s32 $0xFFFFFEF7, lr;
	s5 =	simm.s32 $0xFFFFFFFF;
	p2 =	slt.u32 s8, $0xFFFFF086  }
0x1c: {  	p1 =	slt.u32 s9, $0xF7A;
	s5 =	simm.s32 @!p2 $0x0  }
0x1d: {  	s5 =	simm.s32 @p1 $0x1;
	p0 =	seq.s32 s7, s2  }
0x1e: {  	s7 =	smul.u32 @!p0 $0xF7A, s2;
	p2 =	seq.s32 @!p0 s5, $0x0  }
0x1f: {  	s9 =	smul.u32 $0xF7A, s1;
	s8 =	simm.s32 @!p0 $0x1BF5;
	p2 =	por !p2, p0  }
0x20: {  	[sflag:s8] =	ssyncset.s32 @!p0 $0xFFFFF086;
	s6 =	sadd.s32 @!p0 s3, s7;
	s7 =	simm.s32 @!p0 $0x108  }
0x21: {  	s3 =	sadd.s32 s3, s9;
	s6 =	sadd.s32 @!p0 $0x88, s6;
	s7 =	simm.s32 @p2 $0x1082  }
0x22: {  	[simem:s7], [sflag:s8] =	dma.local @!p0 [hbm:s6], $0xF7A  }
0x23: {  	s9 =	sor.u32 $0xD0000000, s2;
	s6 =	simm.s32 $0x108;
	_ =	swait.ge @!p0 [sflag:s8], $0x0  }
0x24: {  	s3 =	sadd.s32 $0x88, s3;
	s6 =	simm.s32 @!p1 $0x1082;
	[sflag:s4] =	ssyncset.s32 $0xFFFFF086  }
0x25: {  	[simem:s6], [sflag:s4] =	dma.local [hbm:s3], $0xF7A  }
0x26: {  	[smem:$0x3F9A] =	sst s1;
	(tag) =	ssettag s2;
	_ =	strace s9  }
0x27: {  	s1 =	sld [smem:$0x3FAA]  }
0x28: {  	s2 =	sld [smem:$0x3FAB]  }
0x29: {  	s4 =	sld [smem:$0x3FAD]  }
0x2a: {  	p0 =	seq.s32 s5, $0x0;
	s5 =	sld [smem:$0x3FAE]  }
0x2b: {  	s6 =	sld [smem:$0x3FAF]  }
0x2c: {  	s7 =	sld [smem:$0x3FB0]  }
0x2d: {  	s3 =	simm.s32 $0x108;
	s8 =	sld [smem:$0x3FB1]  }
0x2e: {  	s3 =	simm.s32 @!p0 $0x1082;
	s9 =	sld [smem:$0x3FB2]  }
0x2f: {  	lr =	sadd.s32 s0, s3;
	s0 =	sld [smem:$0x3FA9]  }
0x30: {  	s3 =	sld [smem:$0x3FAC]  }
0x31: {  	[smem:$0x3FB5] =	sst s10  }
0x32: {  	s10 =	sld [smem:$0x3FB3];
	_ =	sdelay $0x3  }
0x33: {  	p0 =	seq.s32 s10, $0x1;
	s10 =	sld [smem:$0x3FB5];
	_ =	sdelay $0x3  }
0x34: {  	[smem:$0x3FB5] =	sst s10  }
0x35: {  	s10 =	sld [smem:$0x3FB4];
	_ =	sdelay $0x3  }
0x36: {  	p1 =	seq.s32 s10, $0x1;
	s10 =	sld [smem:$0x3FB5];
	_ =	sdelay $0x3  }
0x37: {  	[smem:$0x3FB5] =	sst s10  }
0x38: {  	s10 =	sld [smem:$0x3FB6]  }
0x39: {  	_ = 	snop;
	(pc) =	sbr.ind lr, $3  }
0x3a: {  	_ = 	snop  }
0x3b: {  	_ = 	snop  }
0x3c: {  	p2 =	seq.s32 s10, $0x1;
	s10 =	sld [smem:$0x3FB5]  }
0x3d: {  	_ =	shalt  }
0x3e: {  	_ =	shalt  }
0x3f: {  	_ =	shalt  }
0x40: {  	_ =	shalt  }
0x41: {  	_ =	shalt  }
0x42: {  	_ =	shalt  }
0x43: {  	_ =	shalt  }
0x44: {  	_ =	shalt  }
0x45: {  	_ =	shalt  }
0x46: {  	_ =	shalt  }
0x47: {  	_ =	shalt  }
0x48: {  	_ =	shalt  }
0x49: {  	_ =	shalt  }
0x4a: {  	_ =	shalt  }
0x4b: {  	_ =	shalt  }
0x4c: {  	_ =	shalt  }
0x4d: {  	_ =	shalt  }
0x4e: {  	_ =	shalt  }
0x4f: {  	_ =	shalt  }
0x50: {  	_ =	shalt  }
0x51: {  	_ =	shalt  }
0x52: {  	_ =	shalt  }
0x53: {  	_ =	shalt  }
0x54: {  	_ =	shalt  }
0x55: {  	_ =	shalt  }
0x56: {  	_ =	shalt  }
0x57: {  	_ =	shalt  }
0x58: {  	_ =	shalt  }
0x59: {  	_ =	shalt  }
0x5a: {  	_ =	shalt  }
0x5b: {  	_ =	shalt  }
0x5c: {  	_ =	shalt  }
0x5d: {  	_ =	shalt  }
0x5e: {  	_ =	shalt  }
0x5f: {  	_ =	shalt  }
0x60: {  	_ =	shalt  }
0x61: {  	_ =	shalt  }
0x62: {  	_ =	shalt  }
0x63: {  	_ =	shalt  }
0x64: {  	_ =	shalt  }
0x65: {  	_ =	shalt  }
0x66: {  	_ =	shalt  }
0x67: {  	_ =	shalt  }
0x68: {  	_ =	shalt  }
0x69: {  	_ =	shalt  }
0x6a: {  	_ =	shalt  }
0x6b: {  	_ =	shalt  }
0x6c: {  	_ =	shalt  }
0x6d: {  	_ =	shalt  }
0x6e: {  	_ =	shalt  }
0x6f: {  	_ =	shalt  }
0x70: {  	_ =	shalt  }
0x71: {  	_ =	shalt  }
0x72: {  	_ =	shalt  }
0x73: {  	_ =	shalt  }
0x74: {  	_ =	shalt  }
0x75: {  	_ =	shalt  }
0x76: {  	_ =	shalt  }
0x77: {  	_ =	shalt  }
0x78: {  	_ =	shalt  }
0x79: {  	_ =	shalt  }
0x7a: {  	_ =	shalt  }
0x7b: {  	_ =	shalt  }
0x7c: {  	_ =	shalt  }
0x7d: {  	_ =	shalt  }
0x7e: {  	_ =	shalt  }
0x7f: {  	_ =	shalt  }
0x80: {  	_ =	shalt  }
0x81: {  	_ =	shalt  }
0x82: {  	_ =	shalt  }
0x83: {  	_ =	shalt  }
0x84: {  	_ =	shalt  }
0x85: {  	_ =	shalt  }
0x86: {  	_ =	shalt  }
0x87: {  	_ =	shalt  }
.Lfunc_end0:
.L_simem_size_0:
called_computation_lowered:
.L_overlay_start_0:
0x88: {  	s2 =	sld [smem:$0x3FD9]  }
0x89: {  	s3 =	sld [smem:$0x3FFE];
	_ =	sdelay $0x1  }
0x8a: {  	s1 =	srdreg.scid  }
0x8b: {  	s0 =	sand.u32 $0x1, s1  }
0x8c: {  	s17 =	sshll.u32 s0, $0xA;
	s2 =	sadd.s32 s3, s2  }
0x8d: {  	s2 =	sadd.s32 s2, s17  }
0x8e: {  	[smem:$0x3FC1] =	sst s2  }
0x8f: {  	_ = 	snop  }
0x90: {  	s2 =	sld [smem:$0x3FC9]  }
0x91: {  	s18 =	sld [smem:$0x3FD0];
	(tm) =	ssettm $0x1  }
0x92: {  	s4 =	sld [smem:$0x3FFB];
	_ =	sdelay $0x3  }
0x93: {  	_ =	strace s4  }
0x94: {  	s4 =	sld [smem:$0x3FFC];
	_ =	sdelay $0x3  }
0x95: {  	_ =	strace s4  }
0x96: {  	s4 =	sld [smem:$0x3FFD];
	_ =	sdelay $0x3  }
0x97: {  	_ =	strace s4  }
0x98: {  	_ =	strace $0x8FFFFFFF  }
0x99: {  	s19 =	sld [smem:$0x3FDB];
	_ =	sdelay $0x1  }
0x9a: {  	s5 =	simm.s32 $_scs_section_size  }
0x9b: {  	s6 =	simm.s32 $_size__tile_overlayer_lowered;
	s7 =	simm.s32 $_tile_overlayer_lowered  }
0x9c: {  	s22 =	simm.s32 $0x1BFF;
	s21 =	sshll.u32 s7, $0x1;
	s4 =	sadd.s32 s5, s19  }
0x9d: {  	s8 =	simm.s32 $0x0;
	s20 =	sshll.u32 s6, $0x1;
	s6 =	sadd.s32 s21, s4  }
0x9e: {  	[timem:s8], [sflag:s22] =	dma.local [hbm:s6], s20  }
0x9f: {  	_ =	swait.ge [sflag:s22], s20  }
0xa0: {  	s5 =	ssub.s32 $0x0, s20;
	[sflag:s22] =	ssyncset.done $0x0  }
0xa1: {  	[sflag:s22] =	ssyncadd.s32 s5;
	_ =	sdelay $0x1  }
0xa2: {  	s23 =	simm.s32 $0x1B8B  }
0xa3: {  	_ =	swait.ge [sflag:s23], $0x1  }
0xa4: {  	[sflag:s23] =	ssyncset.done $0x0  }
0xa5: {  	s25 =	simm.s32 $0x1B8E;
	s24 =	sld [smem:$0x3FFE];
	[sflag:s23] =	ssyncadd.s32 $0xFFFFFFFF  }
0xa6: {  	s26 =	simm.s32 $execute0_lowered;
	[smem:$0x3FD2] =	sst s25  }
0xa7: {  	s6 =	sshll.u32 s26, $0x1;
	_ =	strace $0x80000046;
	[dreg:$0x1] =	wrdreg $0xFFFFFFFF  }
0xa8: {  	s28 =	simm.s32 $_size_execute0_lowered;
	s4 =	sadd.s32 s4, s6;
	[dreg:$0x0] =	wrdreg $0x0  }
0xa9: {  	s6 =	sshll.u32 s28, $0x1;
	[dreg:$0x2] =	wrdreg s4  }
0xaa: {  	[dreg:$0x3] =	wrdreg s6  }
0xab: {  	[dreg:$0x4] =	wrdreg $0xC0  }
0xac: {  	_ =	task [dreg:s8], $0x5FFFF  }
0xad: {  	[dreg:$0x1] =	wrdreg $0xFFFFFFFF  }
0xae: {  	[dreg:$0x0] =	wrdreg $0x60  }
0xaf: {  	[dreg:$0x2] =	wrdreg s2  }
0xb0: {  	[dreg:$0x3] =	wrdreg s18  }
0xb1: {  	[dreg:$0x4] =	wrdreg s24  }
0xb2: {  	[dreg:$0x5] =	wrdreg $0x9  }
0xb3: {  	_ =	task.clear_ibuf [dreg:s8], $0x6FFFF;
	_ =	strace $0x90000046  }
0xb4: {  	s29 =	simm.s32 $0x9;
	_ =	strace $0x80000048  }
0xb5: {  	_ =	swait.ge [sflag:s29], $0x1  }
0xb6: {  	[sflag:s29] =	ssyncadd.s32 $0xFFFFFFFF  }
0xb7: {  	_ =	strace $0x90000048  }
0xb8: {  	_ =	sfence  }
0xb9: {  	s30 =	sld [smem:$0x0];
	_ =	sdelay $0x2  }
0xba: {  	s31 =	sshll.u32 s1, $0xD;
	s1 =	sshrl.u32 s1, $0x2  }
0xbb: {  	s3 =	sand.u32 $0x4000, s31;
	s1 =	sadd.s32 s1, s30  }
0xbc: {  	s0 =	sor.u32 s3, s0;
	s1 =	sshll.u32 s1, $0x11  }
0xbd: {  	s0 =	sor.u32 s1, s0  }
0xbe: {  	s0 =	sadd.s32 $0x8F2B, s0  }
0xbf: {  	[sflag:s0] =	ssyncadd.remote.s32 $0x1  }
0xc0: {  	_ =	sfence.sel $0xFFFF  }
0xc1: {  	[dreg:$0x0] =	wrdreg $0xFFFFFFFF;
	(pc) =	sbr.abs _section_cstart, $3  }
0xc2: {  	[dreg:$0x1] =	wrdreg $0xFFFFFFFF  }
0xc3: {  	_ =	task.clear_ibuf [dreg:s8], $0x2FFFF;
	_ =	strace $0x9FFFFFFF  }
0xc4: {  	(tm) =	ssettm $0x7FFFFFFF  }
0xc5: {  	_ =	shalt  }
tec
execute0_lowered:
.L_overlay_start_1:
0x0: {  	(tag) =	ssettag $0x1  }
0x1: {  	s1 =	rddreg [dreg:$0x0]  }
0x2: {  	s0 =	srdreg.scid;
	s2 =	stileid.u32  }
0x3: {  	s18 =	rddreg [dreg:$0x1];
	s0 =	sand.u32 $0x1, s0;
	s2 =	sshll.u32 s2, $0x1  }
0x4: {  	s5 =	rddreg [dreg:$0x2];
	s4 =	simm.s32 $0x0;
	s2 =	sor.u32 s0, s2  }
0x5: {  	s7 =	simm.s32 $0x1;
	s0 =	ssub.s32 $0x2, s0;
	s6 =	smul.u32 $0x2800, s2  }
.Ltmp0:
0x6: {  	s8 =	simm.s32 $0x1E200;
	s31 =	sshrl.u32 s0, $0x1;
	(pc) =	sbr.rel .LBB2_1-.Ltmp0, $4  }
0x7: {  	s9 =	simm.s32 $0x1EA80;
	v0 =	vlaneseq.u32;
	[smem:$0x7FF] =	sst s4;
	s0 =	ssub.s32 s0, s31  }
0x8: {  	v2 =	vimm.f32 $0.0e+00;
	v3 =	vimm.s32 $0x0;
	vm0 =	vmmov $0xffff;
	s2 =	smul.u32 $0x140, s2;
	s5 =	sadd.s32 s6, s5;
	s0 =	smax.u32 s0, $0x1  }
0x9: {  	v7 =	vimm.s32 $0x140;
	v5 =	vshrl.u32 v0, $0x3;
	v4 =	vand.u32 $0x7, v0;
	_ =	strace $0x80000047;
	s3 =	sadd.s32 $0x1200, s5;
	[dreg:$0x7] =	wrdreg s0  }
0xa: {  	s10 =	simm.s32 $0x2;
	v6 =	vor.u32 $0x8, v0;
	v5 =	vmul.u32 $0x8, v5;
	v1 =	vmov s2;
	[dreg:$0x6] =	wrdreg s3;
	s3 =	simm.s32 $0x0  }
.LBB2_35:
0xb: {  	s0 =	rddreg [dreg:$0x6];
	s2 =	simm.s32 $0x3  }
0xc: {  	[hbm4b:s0+s4] =	stream.linear.scatter [tilespmem:s4], [sflag:$0x3], $0x14000, $0x38;
	[tilespmem:$0x1F300] =	vst v63  }
0xd: {  	_ =	swait.ge [sflag:s2], $0x14000  }
0xe: {  	s3 =	sadd.s32 $0x1, s3;
	s31 =	rddreg [dreg:$0x7]  }
0xf: {  	p0 =	sne.s32 s3, s31  }
.Ltmp1:
0x10: {  	_ = 	snop;
	(pc) =	sbr.rel @!p0 .LBB2_36-.Ltmp1, $3  }
0x11: {  	_ =	sdelay $0x1  }
0x12: {  	[sflag:s2] =	ssyncset.done $0x0  }
0x13: {  	[sflag:s2] =	ssyncadd.s32 $0xFFFEC000  }
.LBB2_1:
0x14: {  	s0 =	sand.u32 $0x1F800, s4;
	s2 =	sand.u32 $0x380, s4  }
0x15: {  	s0 =	sor.u32 s2, s0  }
0x16: {  	[tilespmem:s0+$0x470] =	vst v2  }
0x17: {  	[tilespmem:s0+$0x0] =	vst v2  }
0x18: {  	[tilespmem:s0+$0x10] =	vst v2  }
0x19: {  	[tilespmem:s0+$0x20] =	vst v2  }
0x1a: {  	[tilespmem:s0+$0x30] =	vst v2  }
0x1b: {  	[tilespmem:s0+$0x40] =	vst v2  }
0x1c: {  	[tilespmem:s0+$0x50] =	vst v2  }
0x1d: {  	[tilespmem:s0+$0x60] =	vst v2  }
0x1e: {  	[tilespmem:s0+$0x70] =	vst v2  }
0x1f: {  	[tilespmem:s0+$0x400] =	vst v2  }
0x20: {  	[tilespmem:s0+$0x410] =	vst v2  }
0x21: {  	[tilespmem:s0+$0x420] =	vst v2  }
0x22: {  	[tilespmem:s0+$0x430] =	vst v2  }
0x23: {  	s11 =	simm.s32 $0x100;
	s2 =	simm.s32 $0x80;
	[tilespmem:s0+$0x440] =	vst v2  }
0x24: {  	s12 =	sand.u32 $0x1F800, s11;
	s11 =	simm.s32 $0x200;
	s13 =	sand.u32 $0x380, s2;
	[tilespmem:s0+$0x450] =	vst v2  }
.LBB2_2:
0x25: {  	p0 =	sne.s32 s11, $0x14000;
	[tilespmem:s0+$0x460] =	vst v2;
	s0 =	sor.u32 s13, s12  }
0x26: {  	[tilespmem:s0+$0x470] =	vst v2  }
0x27: {  	[tilespmem:s0+$0x0] =	vst v2  }
0x28: {  	[tilespmem:s0+$0x10] =	vst v2  }
0x29: {  	[tilespmem:s0+$0x20] =	vst v2  }
0x2a: {  	[tilespmem:s0+$0x30] =	vst v2  }
0x2b: {  	[tilespmem:s0+$0x40] =	vst v2  }
0x2c: {  	[tilespmem:s0+$0x50] =	vst v2  }
0x2d: {  	[tilespmem:s0+$0x60] =	vst v2  }
0x2e: {  	[tilespmem:s0+$0x70] =	vst v2  }
0x2f: {  	[tilespmem:s0+$0x400] =	vst v2  }
.Ltmp2:
0x30: {  	[tilespmem:s0+$0x410] =	vst v2;
	(pc) =	sbr.rel @p0 .LBB2_2-.Ltmp2, $4  }
0x31: {  	[tilespmem:s0+$0x420] =	vst v2  }
0x32: {  	[tilespmem:s0+$0x430] =	vst v2  }
0x33: {  	s2 =	sadd.s32 $0x80, s2;
	[tilespmem:s0+$0x440] =	vst v2  }
0x34: {  	s12 =	sand.u32 $0x1F800, s11;
	s11 =	sadd.s32 $0x100, s11;
	s13 =	sand.u32 $0x380, s2;
	[tilespmem:s0+$0x450] =	vst v2  }
0x35: {  	s2 =	sor.u32 s13, s12;
	[tilespmem:s0+$0x460] =	vst v2  }
0x36: {  	[tilespmem:s2+$0x470] =	vst v2  }
0x37: {  	[tilespmem:s2+$0x0] =	vst v2  }
0x38: {  	[tilespmem:s2+$0x10] =	vst v2  }
0x39: {  	[tilespmem:s2+$0x20] =	vst v2  }
0x3a: {  	[tilespmem:s2+$0x30] =	vst v2  }
0x3b: {  	[tilespmem:s2+$0x40] =	vst v2  }
0x3c: {  	[tilespmem:s2+$0x50] =	vst v2  }
0x3d: {  	[tilespmem:s2+$0x60] =	vst v2  }
0x3e: {  	[tilespmem:s2+$0x70] =	vst v2  }
0x3f: {  	[tilespmem:s2+$0x400] =	vst v2  }
0x40: {  	[tilespmem:s2+$0x410] =	vst v2  }
0x41: {  	[tilespmem:s2+$0x420] =	vst v2  }
0x42: {  	[tilespmem:s2+$0x430] =	vst v2  }
0x43: {  	[tilespmem:s2+$0x440] =	vst v2  }
0x44: {  	[dreg:$0x8] =	wrdreg s3;
	[tilespmem:s2+$0x450] =	vst v2  }
0x45: {  	s25 =	simm.s32 $0x0;
	s0 =	simm.s32 $0x1C800;
	[tilespmem:s2+$0x460] =	vst v2;
	s2 =	simm.s32 $0x0  }
.LBB2_4:
0x46: {  	p0 =	seq.s32 s2, $0x190  }
.Ltmp3:
0x47: {  	_ = 	snop;
	(pc) =	sbr.rel @!p0 .LBB2_4-.Ltmp3, $4  }
0x48: {  	_ = 	snop  }
0x49: {  	s11 =	sadd.s32 s2, s18  }
0x4a: {  	[tilespmem:s0], [sflag:$0x1] =	stream.linear.gather [hbm4b:s11+s25], $0x80, $0x38;
	[tilespmem:$0x1F300] =	vst v63  }
0x4b: {  	s2 =	sadd.s32 $0x10, s2;
	s0 =	sadd.s32 $0x100, s0  }
.Ltmp4:
0x4c: {  	(pc) =	sbr.rel .LBB2_7-.Ltmp4, $3  }
0x4d: {  	_ =	sdelay $0x1  }
0x4e: {  	p0 =	por $0x1, $0x1;
	p1 =	por $0x0, $0x0  }
0x4f: {  	s24 =	simm.s32 $0x0;
	s22 =	simm.s32 $0x0;
	s23 =	simm.s32 $0x0  }
.LBB2_6:
0x50: {  	p4 =	seq.s32 s23, $0x63  }
.Ltmp5:
0x51: {  	_ = 	snop;
	(pc) =	sbr.rel @p4 .LBB2_26-.Ltmp5, $2  }
0x52: {  	_ =	sdelay $0x2  }
0x53: {  	p0 =	por !p0, !p0;
	p1 =	por !p1, !p1  }
.LBB2_7:
0x54: {  	p2 =	seq.s32 s23, $0x62  }
.Ltmp6:
0x55: {  	_ = 	snop;
	(pc) =	sbr.rel @p2 .LBB2_11-.Ltmp6, $4  }
0x56: {  	_ = 	snop  }
0x57: {  	_ =	swait.ge [sflag:s7], $0xD00  }
0x58: {  	[sflag:s7] =	ssyncset.done $0x0  }
0x59: {  	s21 =	smov.u32 s25;
	s23 =	sadd.s32 $0x1, s23;
	[sflag:s7] =	ssyncadd.s32 $0xFFFFF300  }
0x5a: {  	s0 =	simm.s32 $0x1  }
0x5b: {  	s2 =	smul.u32 $0x1A0, s23;
	s0 =	simm.s32 @!p0 $0x0  }
0x5c: {  	s3 =	rddreg [dreg:$0x1];
	s0 =	sshll.u32 s0, $0x7  }
0x5d: {  	s2 =	sadd.s32 s3, s2;
	s0 =	sor.u32 $0x1C800, s0  }
0x5e: {  	s11 =	simm.s32 $0x10;
	s13 =	sadd.s32 $0x0, s2;
	s12 =	sadd.s32 $0x100, s0  }
.LBB2_9:
0x5f: {  	[tilespmem:s0], [sflag:$0x1] =	stream.linear.gather [hbm4b:s13+s4], $0x80, $0x38;
	[tilespmem:$0x1F300] =	vst v63  }
0x60: {  	s13 =	smov.u32 s11;
	s0 =	smov.u32 s12;
	p2 =	sne.s32 s11, $0x190  }
.Ltmp7:
0x61: {  	s11 =	sadd.s32 $0x10, s11;
	(pc) =	sbr.rel @p2 .LBB2_9-.Ltmp7, $2  }
0x62: {  	_ =	sdelay $0x2  }
0x63: {  	s12 =	sadd.s32 $0x100, s12;
	s13 =	sadd.s32 s13, s2  }
0x64: {  	[tilespmem:s0], [sflag:$0x1] =	stream.linear.gather [hbm4b:s13+s4], $0x80, $0x38;
	[tilespmem:$0x1F300] =	vst v63  }
.LBB2_11:
0x65: {  	s0 =	simm.s32 $0x1  }
0x66: {  	s0 =	simm.s32 @!p1 $0x0  }
0x67: {  	s0 =	sshll.u32 s0, $0x7  }
0x68: {  	s0 =	sor.u32 $0x1D570, s0  }
0x69: {  	v8 =	vmov s0;
	_ =	sdelay $0x3  }
0x6a: {  	s16 =	simm.s32 $0xFFFFF300  }
0x6b: {  	v9 =	vld.idx.msk [tilespmem:v8+s16+$0xC90 ss:$0x1], $0xffff;
	_ =	sdelay $0x1  }
0x6c: {  	v10 =	vld.idx.msk [tilespmem:v8+s16+$0xCA0 ss:$0x1], $0xffff;
	_ =	sdelay $0x1  }
0x6d: {  	v11 =	vld.idx.msk [tilespmem:v8+s16+$0xCB0 ss:$0x1], $0xffff  }
0x6e: {  	v12 =	vsub.s32 v9, v1  }
0x6f: {  	v9 =	vld.idx.msk [tilespmem:v8+s16+$0xCC0 ss:$0x1], $0xffff;
	vm7 =	vlt.u32 v12, $0x140  }
0x70: {  	v10 =	vsub.s32 v10, v1;
	v13 =	vsel vm7, $0x1, v3  }
0x71: {  	v14 =	vld.idx.msk [tilespmem:v8+s16+$0xCD0 ss:$0x1], $0xffff;
	vm5 =	vlt.u32 v10, $0x140;
	(xrf0) =	vadd.scan.msk.s32 $0xffff, v13  }
0x72: {  	v11 =	vsub.s32 v11, v1;
	v54 =	vsel vm5, $0x1, v3  }
0x73: {  	v15 =	vld.idx.msk [tilespmem:v8+s16+$0xCE0 ss:$0x1], $0xffff;
	vm4 =	vlt.u32 v11, $0x140;
	(xrf0) =	vadd.scan.msk.s32 $0xffff, v54  }
0x74: {  	v55 =	vsub.s32 v9, v1;
	v9 =	vsel vm4, $0x1, v3  }
0x75: {  	v16 =	vld.idx.msk [tilespmem:v8+s16+$0xCF0 ss:$0x1], $0xffff;
	vm2 =	vlt.u32 v55, $0x140;
	(xrf0) =	vadd.scan.msk.s32 $0xffff, v9  }
0x76: {  	v14 =	vsub.s32 v14, v1;
	v9 =	vsel vm2, $0x1, v3  }
0x77: {  	vm3 =	vlt.u32 v14, $0x140;
	(xrf0) =	vadd.scan.msk.s32 $0xffff, v9;
	v17, _, _ =	vpop (xrf0)  }
0x78: {  	v15 =	vsub.s32 v15, v1;
	v9 =	vsel vm3, $0x1, v3;
	(v2sf) =	vpush v17, $0xF  }
0x79: {  	vm6 =	vlt.u32 v15, $0x140;
	(xrf0) =	vadd.scan.msk.s32 $0xffff, v9;
	v18, _, _ =	vpop (xrf0)  }
0x7a: {  	v16 =	vsub.s32 v16, v1;
	v9 =	vsel vm6, $0x1, v3;
	(v2sf) =	vpush v18, $0xF  }
0x7b: {  	vm8 =	vlt.u32 v16, $0x140;
	(xrf0) =	vadd.scan.msk.s32 $0xffff, v9;
	v19, _, _ =	vpop (xrf0)  }
0x7c: {  	v9 =	vsel vm8, $0x1, v3;
	(v2sf) =	vpush v19, $0xF  }
0x7d: {  	v20 =	vld.idx.msk [tilespmem:v8+s16+$0xD00 ss:$0x1], $0xffff;
	(xrf0) =	vadd.scan.msk.s32 $0xffff, v9;
	v21, _, _ =	vpop (xrf0)  }
0x7e: {  	(v2sf) =	vpush v21, $0xF  }
0x7f: {  	v22, _, _ =	vpop (xrf0)  }
0x80: {  	(v2sf) =	vpush v22, $0xF  }
0x81: {  	v23, _, _ =	vpop (xrf0)  }
0x82: {  	v9 =	vsub.s32 v20, v1;
	(v2sf) =	vpush v23, $0xF  }
0x83: {  	vm1 =	vlt.u32 v9, $0x140;
	v56, _, _ =	vpop (xrf0)  }
0x84: {  	v24 =	vsel vm1, $0x1, v3;
	(v2sf) =	vpush v56, $0xF  }
0x85: {  	(xrf0) =	vadd.scan.msk.s32 $0xffff, v24;
	_ =	sdelay $0x1  }
0x86: {  	s2 =	sadd.s32 $0xFFFFFFFF, s22;
	v57 =	vld.idx.msk [tilespmem:v8+s16+$0x0 ss:$0x1], $0xffff;
	s11 =	spop (v2sf)  }
0x87: {  	v25 =	vld.idx.msk [tilespmem:v8+s16+$0xFFFFFFF0 ss:$0x1], $0xffff;
	v17 =	vadd.s32 s2, v17;
	s17 =	sadd.s32 s22, s11  }
0x88: {  	v26 =	vld.idx.msk [tilespmem:v8+s16+$0xFFFFFF90 ss:$0x1], $0xffff;
	v17 =	vand.u32 $0x7FF, v17;
	s12 =	spop (v2sf);
	s11 =	sadd.s32 $0xFFFFFFFF, s17  }
0x89: {  	v27 =	vld.idx.msk [tilespmem:v8+s16+$0xFFFFFFE0 ss:$0x1], $0xffff;
	s2 =	sadd.s32 s17, s12;
	v18 =	vadd.s32 s11, v18  }
0x8a: {  	v28 =	vld.idx.msk [tilespmem:v8+s16+$0xFFFFFFA0 ss:$0x1], $0xffff;
	v29, _, _ =	vpop (xrf0);
	s18 =	spop (v2sf);
	s12 =	sadd.s32 $0xFFFFFFFF, s2;
	v18 =	vand.u32 $0x7FF, v18  }
0x8b: {  	v30 =	vld.idx.msk [tilespmem:v8+s16+$0xFFFFFFD0 ss:$0x1], $0xffff;
	(v2sf) =	vpush v29, $0xF;
	s2 =	sadd.s32 s2, s18;
	v19 =	vadd.s32 s12, v19  }
0x8c: {  	v31 =	vld.idx.msk [tilespmem:v8+s16+$0xFFFFFFB0 ss:$0x1], $0xffff;
	s19 =	spop (v2sf);
	s20 =	sadd.s32 $0xFFFFFFFF, s2;
	v19 =	vand.u32 $0x7FF, v19  }
0x8d: {  	v32 =	vld.idx.msk [tilespmem:v8+s16+$0xFFFFFFC0 ss:$0x1], $0xffff;
	[tilespmem:v17+s8+$0x0] =	vst.idx.msk vm7, v26;
	s22 =	sadd.s32 s2, s19;
	v21 =	vadd.s32 s20, v21  }
0x8e: {  	[tilespmem:v17+s9+$0x0] =	vst.idx.msk vm7, v12;
	s25 =	spop (v2sf);
	s11 =	sadd.s32 $0xFFFFFFFF, s22;
	v58 =	vand.u32 $0x7FF, v21  }
0x8f: {  	s0 =	sadd.s32 s22, s25;
	v59 =	vadd.s32 s11, v22;
	[tilespmem:v18+s8+$0x0] =	vst.idx.msk vm5, v28  }
0x90: {  	s26 =	spop (v2sf);
	s28 =	sadd.s32 $0xFFFFFFFF, s0;
	[tilespmem:v18+s9+$0x0] =	vst.idx.msk vm5, v10;
	v10 =	vand.u32 $0x7FF, v59  }
0x91: {  	s0 =	sadd.s32 s0, s26;
	v60 =	vadd.s32 s28, v23;
	[tilespmem:v19+s8+$0x0] =	vst.idx.msk vm4, v31  }
0x92: {  	s29 =	spop (v2sf);
	s30 =	sadd.s32 $0xFFFFFFFF, s0;
	[tilespmem:v19+s9+$0x0] =	vst.idx.msk vm4, v11;
	v11 =	vand.u32 $0x7FF, v60  }
0x93: {  	s0 =	sadd.s32 s0, s29;
	v61 =	vadd.s32 s30, v56;
	[tilespmem:v58+s8+$0x0] =	vst.idx.msk vm2, v32  }
0x94: {  	s2 =	sadd.s32 $0xFFFFFFFF, s0;
	v62 =	vand.u32 $0x7FF, v61;
	[tilespmem:v58+s9+$0x0] =	vst.idx.msk vm2, v55  }
0x95: {  	v63 =	vadd.s32 s2, v29;
	[tilespmem:v10+s8+$0x0] =	vst.idx.msk vm3, v30  }
0x96: {  	[tilespmem:v10+s9+$0x0] =	vst.idx.msk vm3, v14;
	v10 =	vand.u32 $0x7FF, v63  }
0x97: {  	[tilespmem:v11+s8+$0x0] =	vst.idx.msk vm6, v27  }
0x98: {  	[tilespmem:v11+s9+$0x0] =	vst.idx.msk vm6, v15  }
0x99: {  	[tilespmem:v62+s8+$0x0] =	vst.idx.msk vm8, v25  }
0x9a: {  	s31 =	spop (v2sf);
	[tilespmem:v62+s9+$0x0] =	vst.idx.msk vm8, v16  }
0x9b: {  	s11 =	simm.s32 $0xFFFFD400;
	s2 =	simm.s32 $0xFFFFD000;
	s0 =	sadd.s32 s0, s31;
	[tilespmem:v10+s8+$0x0] =	vst.idx.msk vm1, v57  }
.LBB2_12:
0x9c: {  	p2 =	sne.s32 s11, $0xFFFFFC00  }
0x9d: {  	s12 =	sshra.s32 s2, $0x2;
	[tilespmem:v10+s9+$0x0] =	vst.idx.msk vm1, v9;
	s2 =	smov.u32 s11;
	s11 =	sadd.s32 $0x400, s11  }
0x9e: {  	v9 =	vld.idx.msk [tilespmem:v8+s12+$0xC90 ss:$0x1], $0xffff  }
0x9f: {  	v10 =	vld.idx.msk [tilespmem:v8+s12+$0xCA0 ss:$0x1], $0xffff;
	_ =	sdelay $0x1  }
0xa0: {  	v11 =	vld.idx.msk [tilespmem:v8+s12+$0xCB0 ss:$0x1], $0xffff  }
0xa1: {  	v12 =	vld.idx.msk [tilespmem:v8+s12+$0xCC0 ss:$0x1], $0xffff  }
0xa2: {  	v13 =	vld.idx.msk [tilespmem:v8+s12+$0xCD0 ss:$0x1], $0xffff  }
0xa3: {  	v14 =	vsub.s32 v9, v1;
	v9 =	vld.idx.msk [tilespmem:v8+s12+$0xCE0 ss:$0x1], $0xffff  }
0xa4: {  	vm8 =	vlt.u32 v14, $0x140;
	v15 =	vld.idx.msk [tilespmem:v8+s12+$0xCF0 ss:$0x1], $0xffff  }
0xa5: {  	v10 =	vsub.s32 v10, v1;
	v16 =	vsel vm8, $0x1, v3;
	v17 =	vld.idx.msk [tilespmem:v8+s12+$0xD00 ss:$0x1], $0xffff  }
0xa6: {  	vm7 =	vlt.u32 v10, $0x140;
	v11 =	vsub.s32 v11, v1;
	(xrf0) =	vadd.scan.msk.s32 $0xffff, v16  }
0xa7: {  	v16 =	vsel vm7, $0x1, v3;
	vm5 =	vlt.u32 v11, $0x140;
	v12 =	vsub.s32 v12, v1  }
0xa8: {  	v18 =	vsel vm5, $0x1, v3;
	vm2 =	vlt.u32 v12, $0x140;
	v13 =	vsub.s32 v13, v1;
	(xrf0) =	vadd.scan.msk.s32 $0xffff, v16  }
0xa9: {  	v16 =	vsel vm2, $0x1, v3;
	vm3 =	vlt.u32 v13, $0x140;
	v19 =	vsub.s32 v9, v1;
	(xrf0) =	vadd.scan.msk.s32 $0xffff, v18  }
0xaa: {  	v20 =	vsel vm3, $0x1, v3;
	vm4 =	vlt.u32 v19, $0x140;
	v15 =	vsub.s32 v15, v1;
	(xrf0) =	vadd.scan.msk.s32 $0xffff, v16  }
0xab: {  	v16 =	vsel vm4, $0x1, v3;
	vm6 =	vlt.u32 v15, $0x140;
	v9 =	vsub.s32 v17, v1;
	(xrf0) =	vadd.scan.msk.s32 $0xffff, v20  }
0xac: {  	s13 =	sadd.s32 $0xFFFFFFFF, s0;
	v17 =	vsel vm6, $0x1, v3;
	vm1 =	vlt.u32 v9, $0x140;
	v18, _, _ =	vpop (xrf0);
	(xrf0) =	vadd.scan.msk.s32 $0xffff, v16  }
0xad: {  	v21 =	vsel vm1, $0x1, v3;
	v20 =	vadd.s32 s13, v18;
	(xrf0) =	vadd.scan.msk.s32 $0xffff, v17;
	(v2sf) =	vpush v18, $0xF  }
0xae: {  	v17 =	vand.u32 $0x7FF, v20;
	v18, _, _ =	vpop (xrf0);
	(xrf0) =	vadd.scan.msk.s32 $0xffff, v21  }
0xaf: {  	v16, _, _ =	vpop (xrf0);
	(v2sf) =	vpush v18, $0xF  }
0xb0: {  	v20, _, _ =	vpop (xrf0);
	(v2sf) =	vpush v16, $0xF  }
0xb1: {  	v21, _, _ =	vpop (xrf0);
	(v2sf) =	vpush v20, $0xF  }
0xb2: {  	v22, _, _ =	vpop (xrf0);
	(v2sf) =	vpush v21, $0xF  }
0xb3: {  	v23, _, _ =	vpop (xrf0);
	(v2sf) =	vpush v22, $0xF  }
0xb4: {  	v24, _, _ =	vpop (xrf0);
	(v2sf) =	vpush v23, $0xF  }
0xb5: {  	(v2sf) =	vpush v24, $0xF;
	_ =	sdelay $0x5  }
0xb6: {  	v25 =	vld.idx.msk [tilespmem:v8+s12+$0x0 ss:$0x1], $0xffff  }
0xb7: {  	v26 =	vld.idx.msk [tilespmem:v8+s12+$0xFFFFFFF0 ss:$0x1], $0xffff;
	s13 =	spop (v2sf)  }
0xb8: {  	v27 =	vld.idx.msk [tilespmem:v8+s12+$0xFFFFFF90 ss:$0x1], $0xffff;
	s0 =	sadd.s32 s0, s13  }
0xb9: {  	v28 =	vld.idx.msk [tilespmem:v8+s12+$0xFFFFFFE0 ss:$0x1], $0xffff;
	s13 =	sadd.s32 $0xFFFFFFFF, s0;
	s14 =	spop (v2sf)  }
0xba: {  	v29 =	vld.idx.msk [tilespmem:v8+s12+$0xFFFFFFA0 ss:$0x1], $0xffff;
	v18 =	vadd.s32 s13, v18;
	s0 =	sadd.s32 s0, s14;
	s13 =	spop (v2sf)  }
0xbb: {  	v30 =	vld.idx.msk [tilespmem:v8+s12+$0xFFFFFFD0 ss:$0x1], $0xffff;
	v18 =	vand.u32 $0x7FF, v18;
	s14 =	sadd.s32 $0xFFFFFFFF, s0;
	s0 =	sadd.s32 s0, s13;
	s13 =	spop (v2sf)  }
0xbc: {  	v31 =	vld.idx.msk [tilespmem:v8+s12+$0xFFFFFFB0 ss:$0x1], $0xffff;
	v16 =	vadd.s32 s14, v16;
	s14 =	sadd.s32 $0xFFFFFFFF, s0;
	s0 =	sadd.s32 s0, s13;
	s13 =	spop (v2sf)  }
0xbd: {  	v32 =	vld.idx.msk [tilespmem:v8+s12+$0xFFFFFFC0 ss:$0x1], $0xffff;
	v16 =	vand.u32 $0x7FF, v16;
	v20 =	vadd.s32 s14, v20;
	s12 =	sadd.s32 $0xFFFFFFFF, s0;
	s0 =	sadd.s32 s0, s13;
	s13 =	spop (v2sf)  }
0xbe: {  	[tilespmem:v17+s8+$0x0] =	vst.idx.msk vm8, v27;
	v21 =	vadd.s32 s12, v21;
	s12 =	sadd.s32 $0xFFFFFFFF, s0;
	s0 =	sadd.s32 s0, s13;
	s13 =	spop (v2sf)  }
0xbf: {  	[tilespmem:v17+s9+$0x0] =	vst.idx.msk vm8, v14;
	v14 =	vand.u32 $0x7FF, v20;
	v17 =	vadd.s32 s12, v22;
	s12 =	sadd.s32 $0xFFFFFFFF, s0;
	s0 =	sadd.s32 s0, s13;
	s13 =	spop (v2sf)  }
0xc0: {  	[tilespmem:v18+s8+$0x0] =	vst.idx.msk vm7, v29;
	v20 =	vadd.s32 s12, v23;
	s12 =	sadd.s32 $0xFFFFFFFF, s0;
	s0 =	sadd.s32 s0, s13  }
0xc1: {  	[tilespmem:v18+s9+$0x0] =	vst.idx.msk vm7, v10;
	v10 =	vand.u32 $0x7FF, v21;
	v18 =	vadd.s32 s12, v24  }
0xc2: {  	[tilespmem:v16+s8+$0x0] =	vst.idx.msk vm5, v31  }
0xc3: {  	[tilespmem:v16+s9+$0x0] =	vst.idx.msk vm5, v11;
	v11 =	vand.u32 $0x7FF, v17  }
0xc4: {  	[tilespmem:v14+s8+$0x0] =	vst.idx.msk vm2, v32  }
0xc5: {  	[tilespmem:v14+s9+$0x0] =	vst.idx.msk vm2, v12;
	v12 =	vand.u32 $0x7FF, v20  }
0xc6: {  	[tilespmem:v10+s8+$0x0] =	vst.idx.msk vm3, v30  }
0xc7: {  	[tilespmem:v10+s9+$0x0] =	vst.idx.msk vm3, v13;
	v10 =	vand.u32 $0x7FF, v18  }
.Ltmp8:
0xc8: {  	[tilespmem:v11+s8+$0x0] =	vst.idx.msk vm4, v28;
	(pc) =	sbr.rel @p2 .LBB2_12-.Ltmp8, $4  }
0xc9: {  	[tilespmem:v11+s9+$0x0] =	vst.idx.msk vm4, v19  }
0xca: {  	[tilespmem:v12+s8+$0x0] =	vst.idx.msk vm6, v26  }
0xcb: {  	[tilespmem:v12+s9+$0x0] =	vst.idx.msk vm6, v15  }
0xcc: {  	[tilespmem:v10+s8+$0x0] =	vst.idx.msk vm1, v25  }
0xcd: {  	_ =	sdelay $0x4  }
0xce: {  	s2 =	sshra.s32 s2, $0x2;
	[tilespmem:v10+s9+$0x0] =	vst.idx.msk vm1, v9  }
0xcf: {  	v9 =	vld.idx.msk [tilespmem:v8+s2+$0xC90 ss:$0x1], $0xffff;
	_ =	sdelay $0x1  }
0xd0: {  	v10 =	vld.idx.msk [tilespmem:v8+s2+$0xCA0 ss:$0x1], $0xffff;
	_ =	sdelay $0x1  }
0xd1: {  	v11 =	vld.idx.msk [tilespmem:v8+s2+$0xCB0 ss:$0x1], $0xffff  }
0xd2: {  	v9 =	vsub.s32 v9, v1  }
0xd3: {  	v12 =	vld.idx.msk [tilespmem:v8+s2+$0xCC0 ss:$0x1], $0xffff;
	vm6 =	vlt.u32 v9, $0x140  }
0xd4: {  	v10 =	vsub.s32 v10, v1;
	v13 =	vsel vm6, $0x1, v3  }
0xd5: {  	v14 =	vld.idx.msk [tilespmem:v8+s2+$0xCD0 ss:$0x1], $0xffff;
	vm4 =	vlt.u32 v10, $0x140;
	(xrf0) =	vadd.scan.msk.s32 $0xffff, v13  }
0xd6: {  	v11 =	vsub.s32 v11, v1;
	v48 =	vsel vm4, $0x1, v3  }
0xd7: {  	v15 =	vld.idx.msk [tilespmem:v8+s2+$0xCE0 ss:$0x1], $0xffff;
	vm3 =	vlt.u32 v11, $0x140;
	(xrf0) =	vadd.scan.msk.s32 $0xffff, v48  }
0xd8: {  	v12 =	vsub.s32 v12, v1;
	v49 =	vsel vm3, $0x1, v3  }
0xd9: {  	v16 =	vld.idx.msk [tilespmem:v8+s2+$0xCF0 ss:$0x1], $0xffff;
	vm1 =	vlt.u32 v12, $0x140;
	(xrf0) =	vadd.scan.msk.s32 $0xffff, v49  }
0xda: {  	v50 =	vsub.s32 v14, v1;
	v51 =	vsel vm1, $0x1, v3  }
0xdb: {  	vm2 =	vlt.u32 v50, $0x140;
	(xrf0) =	vadd.scan.msk.s32 $0xffff, v51;
	v52, _, _ =	vpop (xrf0)  }
0xdc: {  	v15 =	vsub.s32 v15, v1;
	v17 =	vsel vm2, $0x1, v3;
	(v2sf) =	vpush v52, $0xF  }
0xdd: {  	vm5 =	vlt.u32 v15, $0x140;
	(xrf0) =	vadd.scan.msk.s32 $0xffff, v17;
	v53, _, _ =	vpop (xrf0)  }
0xde: {  	v16 =	vsub.s32 v16, v1;
	v18 =	vsel vm5, $0x1, v3;
	(v2sf) =	vpush v53, $0xF  }
0xdf: {  	vm7 =	vlt.u32 v16, $0x140;
	(xrf0) =	vadd.scan.msk.s32 $0xffff, v18;
	v54, _, _ =	vpop (xrf0)  }
0xe0: {  	v19 =	vsel vm7, $0x1, v3;
	(v2sf) =	vpush v54, $0xF  }
0xe1: {  	(xrf0) =	vadd.scan.msk.s32 $0xffff, v19;
	v55, _, _ =	vpop (xrf0)  }
0xe2: {  	v20 =	vld.idx.msk [tilespmem:v8+s2+$0xD00 ss:$0x1], $0xffff;
	(v2sf) =	vpush v55, $0xF  }
0xe3: {  	v21, _, _ =	vpop (xrf0)  }
0xe4: {  	(v2sf) =	vpush v21, $0xF  }
0xe5: {  	v22, _, _ =	vpop (xrf0)  }
0xe6: {  	(v2sf) =	vpush v22, $0xF  }
0xe7: {  	v20 =	vsub.s32 v20, v1;
	v23, _, _ =	vpop (xrf0)  }
0xe8: {  	vm8 =	vlt.u32 v20, $0x140;
	(v2sf) =	vpush v23, $0xF  }
0xe9: {  	v24 =	vsel vm8, $0x1, v3  }
0xea: {  	(xrf0) =	vadd.scan.msk.s32 $0xffff, v24  }
0xeb: {  	s11 =	sadd.s32 $0xFFFFFFFF, s0;
	v56 =	vld.idx.msk [tilespmem:v8+s2+$0x0 ss:$0x1], $0xffff;
	s12 =	spop (v2sf)  }
0xec: {  	v25 =	vld.idx.msk [tilespmem:v8+s2+$0xFFFFFFF0 ss:$0x1], $0xffff;
	v14 =	vadd.s32 s11, v52;
	s16 =	sadd.s32 s0, s12  }
0xed: {  	v26 =	vld.idx.msk [tilespmem:v8+s2+$0xFFFFFF90 ss:$0x1], $0xffff;
	v14 =	vand.u32 $0x7FF, v14;
	s18 =	spop (v2sf);
	s17 =	sadd.s32 $0xFFFFFFFF, s16  }
0xee: {  	v27 =	vld.idx.msk [tilespmem:v8+s2+$0xFFFFFFE0 ss:$0x1], $0xffff;
	s0 =	sadd.s32 s16, s18;
	v17 =	vadd.s32 s17, v53  }
0xef: {  	v28 =	vld.idx.msk [tilespmem:v8+s2+$0xFFFFFFA0 ss:$0x1], $0xffff;
	s19 =	spop (v2sf);
	s12 =	sadd.s32 $0xFFFFFFFF, s0;
	v17 =	vand.u32 $0x7FF, v17  }
0xf0: {  	v29 =	vld.idx.msk [tilespmem:v8+s2+$0xFFFFFFD0 ss:$0x1], $0xffff;
	v30, _, _ =	vpop (xrf0);
	s0 =	sadd.s32 s0, s19;
	v18 =	vadd.s32 s12, v54  }
0xf1: {  	v31 =	vld.idx.msk [tilespmem:v8+s2+$0xFFFFFFB0 ss:$0x1], $0xffff;
	(v2sf) =	vpush v30, $0xF;
	s20 =	spop (v2sf);
	s22 =	sadd.s32 $0xFFFFFFFF, s0;
	v18 =	vand.u32 $0x7FF, v18  }
0xf2: {  	v8 =	vld.idx.msk [tilespmem:v8+s2+$0xFFFFFFC0 ss:$0x1], $0xffff;
	[tilespmem:v14+s8+$0x0] =	vst.idx.msk vm6, v26;
	s0 =	sadd.s32 s0, s20;
	v19 =	vadd.s32 s22, v55  }
0xf3: {  	[tilespmem:v14+s9+$0x0] =	vst.idx.msk vm6, v9;
	s11 =	sadd.s32 $0xFFFFFFFF, s0;
	s25 =	spop (v2sf);
	v57 =	vand.u32 $0x7FF, v19  }
0xf4: {  	v58 =	vadd.s32 s11, v21;
	s0 =	sadd.s32 s0, s25;
	[tilespmem:v17+s8+$0x0] =	vst.idx.msk vm4, v28  }
0xf5: {  	s26 =	spop (v2sf);
	v59 =	vand.u32 $0x7FF, v58;
	s28 =	sadd.s32 $0xFFFFFFFF, s0;
	[tilespmem:v17+s9+$0x0] =	vst.idx.msk vm4, v10  }
0xf6: {  	s0 =	sadd.s32 s0, s26;
	v60 =	vadd.s32 s28, v22;
	[tilespmem:v18+s8+$0x0] =	vst.idx.msk vm3, v31  }
0xf7: {  	s29 =	spop (v2sf);
	s30 =	sadd.s32 $0xFFFFFFFF, s0;
	v61 =	vand.u32 $0x7FF, v60;
	[tilespmem:v18+s9+$0x0] =	vst.idx.msk vm3, v11  }
0xf8: {  	s2 =	sadd.s32 s0, s29;
	v62 =	vadd.s32 s30, v23;
	[tilespmem:v57+s8+$0x0] =	vst.idx.msk vm1, v8  }
0xf9: {  	s0 =	sadd.s32 $0xFFFFFFFF, s2;
	v8 =	vand.u32 $0x7FF, v62;
	[tilespmem:v57+s9+$0x0] =	vst.idx.msk vm1, v12  }
0xfa: {  	v63 =	vadd.s32 s0, v30;
	[tilespmem:v59+s8+$0x0] =	vst.idx.msk vm2, v29  }
0xfb: {  	s0 =	ssub.s32 s21, s24;
	v9 =	vand.u32 $0x7FF, v63;
	[tilespmem:v59+s9+$0x0] =	vst.idx.msk vm2, v50  }
0xfc: {  	p2 =	slt.s32 s0, $0x1;
	[tilespmem:v61+s8+$0x0] =	vst.idx.msk vm5, v27  }
.Ltmp9:
0xfd: {  	[tilespmem:v61+s9+$0x0] =	vst.idx.msk vm5, v15;
	(pc) =	sbr.rel @p2 .LBB2_18-.Ltmp9, $4  }
0xfe: {  	[tilespmem:v8+s8+$0x0] =	vst.idx.msk vm7, v25  }
0xff: {  	[tilespmem:v8+s9+$0x0] =	vst.idx.msk vm7, v16  }
0x100: {  	s31 =	spop (v2sf);
	[tilespmem:v9+s8+$0x0] =	vst.idx.msk vm8, v56  }
0x101: {  	s22 =	sadd.s32 s2, s31;
	[tilespmem:v9+s9+$0x0] =	vst.idx.msk vm8, v20  }
0x102: {  	s2 =	sshll.u32 s24, $0x6;
	s25 =	simm.s32 $0x0;
	s26 =	simm.s32 $0x0  }
.LBB2_15:
0x103: {  	s11 =	sadd.s32 s24, s26  }
0x104: {  	s11 =	sshll.u32 s11, $0xE  }
0x105: {  	s11 =	sand.u32 $0x4000, s11  }
0x106: {  	_ =	swait.ge [sflag:s10], $0x4000;
	s11 =	sadd.s32 $0x14800, s11  }
0x107: {  	s20 =	sand.u32 $0x7C0, s2;
	s13 =	sand.u32 $0x3800, s25;
	[dreg:$0x4] =	wrdreg s11  }
0x108: {  	s14 =	sand.u32 $0x300, s25;
	[sflag:s10] =	ssyncset.done $0x0;
	s12 =	rddreg [dreg:$0x4]  }
0x109: {  	[sflag:s10] =	ssyncadd.s32 $0xFFFFC000;
	s11 =	sadd.s32 $0x1EA80, s20;
	s12 =	sadd.s32 s13, s12  }
0x10a: {  	v22 =	vld [tilespmem:s11+$0x0];
	s12 =	sadd.s32 s14, s12  }
0x10b: {  	v8 =	vld [tilespmem:s12+$0x4F0]  }
0x10c: {  	v9 =	vld [tilespmem:s12+$0x4E0]  }
0x10d: {  	v10 =	vld [tilespmem:s12+$0x4D0]  }
0x10e: {  	v11 =	vld [tilespmem:s12+$0x4C0]  }
0x10f: {  	v12 =	vld [tilespmem:s12+$0x4B0]  }
0x110: {  	v13 =	vld [tilespmem:s12+$0x4A0]  }
0x111: {  	v14 =	vld [tilespmem:s12+$0x490]  }
0x112: {  	v15 =	vld [tilespmem:s12+$0x480]  }
0x113: {  	v16 =	vld [tilespmem:s12+$0xF0]  }
0x114: {  	v17 =	vld [tilespmem:s12+$0xE0]  }
0x115: {  	v18 =	vld [tilespmem:s12+$0xD0]  }
0x116: {  	v19 =	vld [tilespmem:s12+$0xC0]  }
0x117: {  	v20 =	vld [tilespmem:s12+$0xB0]  }
0x118: {  	v21 =	vld [tilespmem:s12+$0xA0];
	(v2sf) =	vpush v22, $0x0  }
0x119: {  	v24 =	vld [tilespmem:s12+$0x40]  }
0x11a: {  	v25 =	vld [tilespmem:s12+$0x30]  }
0x11b: {  	v26 =	vld [tilespmem:s12+$0x20]  }
0x11c: {  	v27 =	vld [tilespmem:s12+$0x10]  }
0x11d: {  	v28 =	vld [tilespmem:s12+$0x0]  }
0x11e: {  	v29 =	vld [tilespmem:s12+$0x50]  }
0x11f: {  	v30 =	vld [tilespmem:s12+$0x60]  }
0x120: {  	v31 =	vld [tilespmem:s12+$0x70]  }
0x121: {  	v32 =	vld [tilespmem:s12+$0x400]  }
0x122: {  	v33 =	vld [tilespmem:s12+$0x410]  }
0x123: {  	v34 =	vld [tilespmem:s12+$0x420]  }
0x124: {  	v35 =	vld [tilespmem:s12+$0x430]  }
0x125: {  	v36 =	vld [tilespmem:s12+$0x440]  }
0x126: {  	v37 =	vld [tilespmem:s12+$0x450]  }
0x127: {  	v38 =	vld [tilespmem:s12+$0x460];
	(v2sf) =	vpush v22, $0x1;
	s29 =	spop (v2sf)  }
0x128: {  	v39 =	vld [tilespmem:s12+$0x470];
	s30 =	sshll.u32 s29, $0x8;
	s13 =	sshll.u32 s29, $0x7  }
0x129: {  	v23 =	vld [tilespmem:s12+$0x80];
	s14 =	sand.u32 $0xFFFFF800, s30;
	s13 =	sand.u32 $0x380, s13  }
0x12a: {  	v22 =	vld [tilespmem:s12+$0x90];
	s13 =	sor.u32 s13, s14  }
0x12b: {  	s31 =	sor.u32 $0x10, s13;
	[tilespmem:s13+$0x0] =	vst.add.f32.msk $0xffff, v28  }
0x12c: {  	s14 =	sor.u32 $0x20, s13;
	[tilespmem:s31+$0x0] =	vst.add.f32.msk $0xffff, v27  }
0x12d: {  	s3 =	sor.u32 $0x30, s13;
	[tilespmem:s14+$0x0] =	vst.add.f32.msk $0xffff, v26  }
0x12e: {  	s5 =	sor.u32 $0x40, s13;
	[tilespmem:s3+$0x0] =	vst.add.f32.msk $0xffff, v25  }
0x12f: {  	s6 =	sor.u32 $0x50, s13;
	[tilespmem:s5+$0x0] =	vst.add.f32.msk $0xffff, v24  }
0x130: {  	s14 =	sor.u32 $0x60, s13;
	[tilespmem:s6+$0x0] =	vst.add.f32.msk $0xffff, v29  }
0x131: {  	s15 =	sor.u32 $0x70, s13;
	[tilespmem:s14+$0x0] =	vst.add.f32.msk $0xffff, v30  }
0x132: {  	s16 =	sor.u32 $0x400, s13;
	[tilespmem:s15+$0x0] =	vst.add.f32.msk $0xffff, v31  }
0x133: {  	s17 =	sor.u32 $0x410, s13;
	[tilespmem:s16+$0x0] =	vst.add.f32.msk $0xffff, v32  }
0x134: {  	s18 =	sor.u32 $0x420, s13;
	[tilespmem:s17+$0x0] =	vst.add.f32.msk $0xffff, v33  }
0x135: {  	s19 =	sor.u32 $0x430, s13;
	[tilespmem:s18+$0x0] =	vst.add.f32.msk $0xffff, v34  }
0x136: {  	s20 =	spop (v2sf);
	s15 =	sor.u32 $0x440, s13;
	[tilespmem:s19+$0x0] =	vst.add.f32.msk $0xffff, v35  }
0x137: {  	s29 =	sshll.u32 s20, $0x8;
	s12 =	sshll.u32 s20, $0x7;
	s16 =	sor.u32 $0x450, s13;
	[tilespmem:s15+$0x0] =	vst.add.f32.msk $0xffff, v36  }
0x138: {  	s12 =	sand.u32 $0x380, s12;
	s30 =	sor.u32 $0x460, s13;
	s14 =	sand.u32 $0xFFFFF800, s29;
	[tilespmem:s16+$0x0] =	vst.add.f32.msk $0xffff, v37  }
0x139: {  	s28 =	simm.s32 $0x200;
	s31 =	sor.u32 $0x470, s13;
	s13 =	sor.u32 s12, s14;
	[tilespmem:s30+$0x0] =	vst.add.f32.msk $0xffff, v38  }
0x13a: {  	s12 =	simm.s32 $0x0;
	s14 =	sor.u32 $0x20, s13;
	s15 =	sor.u32 $0x10, s13;
	[tilespmem:s31+$0x0] =	vst.add.f32.msk $0xffff, v39  }
.LBB2_16:
0x13b: {  	[tilespmem:s13+$0x0] =	vst.add.f32.msk $0xffff, v23  }
0x13c: {  	[tilespmem:s15+$0x0] =	vst.add.f32.msk $0xffff, v22  }
0x13d: {  	s19 =	sor.u32 $0x30, s13;
	[tilespmem:s14+$0x0] =	vst.add.f32.msk $0xffff, v21  }
0x13e: {  	s20 =	sor.u32 $0x40, s13;
	[tilespmem:s19+$0x0] =	vst.add.f32.msk $0xffff, v20  }
0x13f: {  	s29 =	sor.u32 $0x50, s13;
	[tilespmem:s20+$0x0] =	vst.add.f32.msk $0xffff, v19  }
0x140: {  	s30 =	sor.u32 $0x60, s13;
	[tilespmem:s29+$0x0] =	vst.add.f32.msk $0xffff, v18  }
0x141: {  	s31 =	sor.u32 $0x70, s13;
	[tilespmem:s30+$0x0] =	vst.add.f32.msk $0xffff, v17  }
0x142: {  	s3 =	sor.u32 $0x400, s13;
	[tilespmem:s31+$0x0] =	vst.add.f32.msk $0xffff, v16  }
0x143: {  	s5 =	sor.u32 $0x410, s13;
	[tilespmem:s3+$0x0] =	vst.add.f32.msk $0xffff, v15  }
0x144: {  	s6 =	sor.u32 $0x420, s13;
	[tilespmem:s5+$0x0] =	vst.add.f32.msk $0xffff, v14  }
0x145: {  	s17 =	sor.u32 $0x430, s13;
	[tilespmem:s6+$0x0] =	vst.add.f32.msk $0xffff, v13  }
0x146: {  	s18 =	sor.u32 $0x440, s13;
	[tilespmem:s17+$0x0] =	vst.add.f32.msk $0xffff, v12  }
0x147: {  	s19 =	sor.u32 $0x450, s13;
	[tilespmem:s18+$0x0] =	vst.add.f32.msk $0xffff, v11  }
0x148: {  	s12 =	sadd.s32 $0x100, s12;
	s16 =	smov.u32 s28;
	s20 =	sor.u32 $0x460, s13;
	[tilespmem:s19+$0x0] =	vst.add.f32.msk $0xffff, v10  }
0x149: {  	s29 =	sor.u32 $0x470, s13;
	s30 =	sand.u32 $0x3800, s16;
	s17 =	rddreg [dreg:$0x4];
	[tilespmem:s20+$0x0] =	vst.add.f32.msk $0xffff, v9  }
0x14a: {  	s11 =	sadd.s32 $0x2, s11;
	s31 =	sand.u32 $0x300, s12;
	s15 =	sadd.s32 s30, s17;
	[tilespmem:s29+$0x0] =	vst.add.f32.msk $0xffff, v8  }
0x14b: {  	s3 =	sadd.s32 s31, s15;
	v14 =	vld [tilespmem:s11+$0x0]  }
0x14c: {  	v8 =	vld [tilespmem:s3+$0x4F0]  }
0x14d: {  	v9 =	vld [tilespmem:s3+$0x4E0]  }
0x14e: {  	v10 =	vld [tilespmem:s3+$0x4D0]  }
0x14f: {  	v11 =	vld [tilespmem:s3+$0x4C0]  }
0x150: {  	v12 =	vld [tilespmem:s3+$0x4B0]  }
0x151: {  	v13 =	vld [tilespmem:s3+$0x4A0]  }
0x152: {  	v15 =	vld [tilespmem:s3+$0x480]  }
0x153: {  	v16 =	vld [tilespmem:s3+$0xF0]  }
0x154: {  	v17 =	vld [tilespmem:s3+$0xE0]  }
0x155: {  	v18 =	vld [tilespmem:s3+$0xD0]  }
0x156: {  	v19 =	vld [tilespmem:s3+$0xC0]  }
0x157: {  	v20 =	vld [tilespmem:s3+$0xB0]  }
0x158: {  	v21 =	vld [tilespmem:s3+$0xA0]  }
0x159: {  	v24 =	vld [tilespmem:s3+$0x40];
	(v2sf) =	vpush v14, $0x0  }
0x15a: {  	v25 =	vld [tilespmem:s3+$0x30]  }
0x15b: {  	v26 =	vld [tilespmem:s3+$0x20]  }
0x15c: {  	v27 =	vld [tilespmem:s3+$0x10]  }
0x15d: {  	v28 =	vld [tilespmem:s3+$0x0]  }
0x15e: {  	v29 =	vld [tilespmem:s3+$0x50]  }
0x15f: {  	v30 =	vld [tilespmem:s3+$0x60]  }
0x160: {  	v31 =	vld [tilespmem:s3+$0x70]  }
0x161: {  	v32 =	vld [tilespmem:s3+$0x400]  }
0x162: {  	v33 =	vld [tilespmem:s3+$0x410]  }
0x163: {  	v34 =	vld [tilespmem:s3+$0x420]  }
0x164: {  	v35 =	vld [tilespmem:s3+$0x430];
	(v2sf) =	vpush v14, $0x1  }
0x165: {  	v36 =	vld [tilespmem:s3+$0x440]  }
0x166: {  	v37 =	vld [tilespmem:s3+$0x450]  }
0x167: {  	v38 =	vld [tilespmem:s3+$0x460]  }
0x168: {  	v39 =	vld [tilespmem:s3+$0x470];
	s20 =	spop (v2sf)  }
0x169: {  	v23 =	vld [tilespmem:s3+$0x80];
	s29 =	sshll.u32 s20, $0x8;
	s14 =	sshll.u32 s20, $0x7  }
0x16a: {  	v22 =	vld [tilespmem:s3+$0x90];
	s15 =	sand.u32 $0xFFFFF800, s29;
	s31 =	sand.u32 $0x380, s14  }
0x16b: {  	v14 =	vld [tilespmem:s3+$0x490];
	s17 =	sor.u32 s31, s15  }
0x16c: {  	s31 =	sor.u32 $0x10, s17;
	[tilespmem:s17+$0x0] =	vst.add.f32.msk $0xffff, v28  }
0x16d: {  	s6 =	sor.u32 $0x20, s17;
	[tilespmem:s31+$0x0] =	vst.add.f32.msk $0xffff, v27  }
0x16e: {  	s3 =	sor.u32 $0x30, s17;
	[tilespmem:s6+$0x0] =	vst.add.f32.msk $0xffff, v26  }
0x16f: {  	s20 =	sor.u32 $0x40, s17;
	[tilespmem:s3+$0x0] =	vst.add.f32.msk $0xffff, v25  }
0x170: {  	s3 =	sor.u32 $0x50, s17;
	[tilespmem:s20+$0x0] =	vst.add.f32.msk $0xffff, v24  }
0x171: {  	s13 =	sor.u32 $0x60, s17;
	[tilespmem:s3+$0x0] =	vst.add.f32.msk $0xffff, v29  }
0x172: {  	s16 =	sor.u32 $0x70, s17;
	[tilespmem:s13+$0x0] =	vst.add.f32.msk $0xffff, v30  }
0x173: {  	s30 =	spop (v2sf);
	s29 =	sor.u32 $0x400, s17;
	[tilespmem:s16+$0x0] =	vst.add.f32.msk $0xffff, v31  }
0x174: {  	s14 =	sshll.u32 s30, $0x8;
	s15 =	sshll.u32 s30, $0x7;
	s30 =	sor.u32 $0x410, s17;
	[tilespmem:s29+$0x0] =	vst.add.f32.msk $0xffff, v32  }
0x175: {  	s16 =	sor.u32 $0x420, s17;
	[tilespmem:s30+$0x0] =	vst.add.f32.msk $0xffff, v33  }
0x176: {  	p2 =	sne.s32 s28, $0x3E00;
	s18 =	sor.u32 $0x430, s17;
	[tilespmem:s16+$0x0] =	vst.add.f32.msk $0xffff, v34  }
.Ltmp10:
0x177: {  	s5 =	sor.u32 $0x440, s17;
	[tilespmem:s18+$0x0] =	vst.add.f32.msk $0xffff, v35;
	(pc) =	sbr.rel @p2 .LBB2_16-.Ltmp10, $4  }
0x178: {  	s19 =	sor.u32 $0x450, s17;
	[tilespmem:s5+$0x0] =	vst.add.f32.msk $0xffff, v36  }
0x179: {  	s31 =	sand.u32 $0x380, s15;
	s20 =	sor.u32 $0x460, s17;
	s30 =	sand.u32 $0xFFFFF800, s14;
	[tilespmem:s19+$0x0] =	vst.add.f32.msk $0xffff, v37  }
0x17a: {  	s29 =	sor.u32 $0x470, s17;
	s13 =	sor.u32 s31, s30;
	[tilespmem:s20+$0x0] =	vst.add.f32.msk $0xffff, v38  }
0x17b: {  	s28 =	sadd.s32 $0x200, s28;
	s15 =	sor.u32 $0x10, s13;
	s14 =	sor.u32 $0x20, s13;
	[tilespmem:s29+$0x0] =	vst.add.f32.msk $0xffff, v39  }
0x17c: {  	[tilespmem:s13+$0x0] =	vst.add.f32.msk $0xffff, v23  }
0x17d: {  	[tilespmem:s15+$0x0] =	vst.add.f32.msk $0xffff, v22  }
0x17e: {  	s5 =	sor.u32 $0x30, s13;
	[tilespmem:s14+$0x0] =	vst.add.f32.msk $0xffff, v21  }
0x17f: {  	s6 =	sor.u32 $0x40, s13;
	[tilespmem:s5+$0x0] =	vst.add.f32.msk $0xffff, v20  }
0x180: {  	s14 =	sor.u32 $0x50, s13;
	[tilespmem:s6+$0x0] =	vst.add.f32.msk $0xffff, v19  }
0x181: {  	s15 =	sor.u32 $0x60, s13;
	[tilespmem:s14+$0x0] =	vst.add.f32.msk $0xffff, v18  }
0x182: {  	s16 =	sor.u32 $0x70, s13;
	[tilespmem:s15+$0x0] =	vst.add.f32.msk $0xffff, v17  }
0x183: {  	s17 =	sor.u32 $0x400, s13;
	[tilespmem:s16+$0x0] =	vst.add.f32.msk $0xffff, v16  }
0x184: {  	s18 =	sor.u32 $0x410, s13;
	[tilespmem:s17+$0x0] =	vst.add.f32.msk $0xffff, v15  }
0x185: {  	s19 =	sor.u32 $0x420, s13;
	s26 =	sadd.s32 $0x1, s26;
	[tilespmem:s18+$0x0] =	vst.add.f32.msk $0xffff, v14  }
0x186: {  	s20 =	sor.u32 $0x430, s13;
	p2 =	sne.s32 s26, s0;
	[tilespmem:s19+$0x0] =	vst.add.f32.msk $0xffff, v13  }
.Ltmp11:
0x187: {  	s28 =	sor.u32 $0x440, s13;
	[tilespmem:s20+$0x0] =	vst.add.f32.msk $0xffff, v12;
	(pc) =	sbr.rel @p2 .LBB2_15-.Ltmp11, $4  }
0x188: {  	s29 =	sor.u32 $0x450, s13;
	[tilespmem:s28+$0x0] =	vst.add.f32.msk $0xffff, v11  }
0x189: {  	s30 =	sor.u32 $0x460, s13;
	[tilespmem:s29+$0x0] =	vst.add.f32.msk $0xffff, v10  }
0x18a: {  	s31 =	sor.u32 $0x470, s13;
	[tilespmem:s30+$0x0] =	vst.add.f32.msk $0xffff, v9  }
0x18b: {  	s2 =	sadd.s32 $0x40, s2;
	[tilespmem:s31+$0x0] =	vst.add.f32.msk $0xffff, v8  }
.LBB2_18:
0x18c: {  	s0 =	sand.u32 $0x3F, s22  }
0x18d: {  	s2 =	sshra.s32 s22, $0x1F;
	p2 =	slt.s32 s22, $0x1;
	p3 =	sne.s32 s0, $0x0  }
0x18e: {  	s31 =	sshrl.u32 s2, $0x1A;
	p4 =	por !p2, !p3  }
0x18f: {  	s2 =	simm.s32 $0x1;
	s0 =	sadd.s32 s31, s22;
	p4 =	por !p4, !p4  }
0x190: {  	s26 =	sshra.s32 s0, $0x6;
	s2 =	simm.s32 @!p4 $0x0  }
0x191: {  	s25 =	ssub.s32 s26, s2  }
0x192: {  	s24 =	ssub.s32 s25, s21  }
0x193: {  	p4 =	sgt.s32 s24, $0x2;
	s0 =	smov.u32 s24  }
0x194: {  	s0 =	simm.s32 @!p4 $0x2;
	p4 =	slt.s32 s24, $0x3  }
.Ltmp12:
0x195: {  	_ = 	snop;
	(pc) =	sbr.rel @p4 .LBB2_23-.Ltmp12, $2  }
0x196: {  	_ =	sdelay $0x2  }
0x197: {  	s28 =	sadd.s32 $0xFFFFFFFE, s0  }
0x198: {  	s29 =	smax.u32 s28, $0x1  }
0x199: {  	s30 =	sshll.u32 s21, $0x6;
	s31 =	simm.s32 $0x0;
	s2 =	simm.s32 $0x0  }
.LBB2_20:
0x19a: {  	s0 =	sadd.s32 s21, s2  }
0x19b: {  	s5 =	sshll.u32 s0, $0x6  }
0x19c: {  	s5 =	sand.u32 $0x7C0, s5  }
0x19d: {  	v8 =	vld [tilespmem:s5+$0x1E200];
	_ =	sdelay $0x4  }
0x19e: {  	v9 =	vshll.u32 v8, $0x1  }
0x19f: {  	v8 =	vand.u32 $0x7, v8;
	v9 =	vand.u32 $0xFFFFFFF0, v9  }
0x1a0: {  	v8 =	vor.u32 v8, v9  }
0x1a1: {  	v9 =	vperm.xlane v8, v4;
	_ =	sdelay $0x1  }
0x1a2: {  	v8 =	vperm.xlane v8, v6;
	v9 =	vadd.s32 v5, v9;
	_ =	sdelay $0x1  }
0x1a3: {  	s0 =	sshll.u32 s0, $0xE;
	v8 =	vadd.s32 v5, v8  }
0x1a4: {  	s6 =	sand.u32 $0x4000, s0  }
0x1a5: {  	s0 =	sadd.s32 $0x14800, s6  }
0x1a6: {  	[tilespmem:s0], [sflag:$0x2] =	stream.indirect_vreg.gather [hbm4b:s1+s31], $0x80, v9, vm0, $0xb8;
	[tilespmem:$0x1F300] =	vst v63  }
0x1a7: {  	s11 =	sadd.s32 $0x15000, s6  }
0x1a8: {  	[tilespmem:s11], [sflag:$0x2] =	stream.indirect_vreg.gather [hbm4b:s1+s31], $0x80, v8, vm0, $0xb8;
	[tilespmem:$0x1F300] =	vst v63  }
0x1a9: {  	v8 =	vld [tilespmem:s5+$0x1E210];
	_ =	sdelay $0x4  }
0x1aa: {  	v9 =	vshll.u32 v8, $0x1  }
0x1ab: {  	v8 =	vand.u32 $0x7, v8;
	v9 =	vand.u32 $0xFFFFFFF0, v9  }
0x1ac: {  	v8 =	vor.u32 v8, v9  }
0x1ad: {  	v9 =	vperm.xlane v8, v4;
	_ =	sdelay $0x1  }
0x1ae: {  	v8 =	vperm.xlane v8, v6;
	v9 =	vadd.s32 v5, v9;
	_ =	sdelay $0x1  }
0x1af: {  	v8 =	vadd.s32 v5, v8;
	_ =	sdelay $0x1  }
0x1b0: {  	s18 =	sadd.s32 $0x15800, s6  }
0x1b1: {  	[tilespmem:s18], [sflag:$0x2] =	stream.indirect_vreg.gather [hbm4b:s1+s31], $0x80, v9, vm0, $0xb8;
	[tilespmem:$0x1F300] =	vst v63  }
0x1b2: {  	s19 =	sadd.s32 $0x16000, s6  }
0x1b3: {  	[tilespmem:s19], [sflag:$0x2] =	stream.indirect_vreg.gather [hbm4b:s1+s31], $0x80, v8, vm0, $0xb8;
	[tilespmem:$0x1F300] =	vst v63  }
0x1b4: {  	v8 =	vld [tilespmem:s5+$0x1E220];
	_ =	sdelay $0x4  }
0x1b5: {  	v9 =	vshll.u32 v8, $0x1  }
0x1b6: {  	v8 =	vand.u32 $0x7, v8;
	v9 =	vand.u32 $0xFFFFFFF0, v9  }
0x1b7: {  	v8 =	vor.u32 v8, v9  }
0x1b8: {  	v9 =	vperm.xlane v8, v4;
	_ =	sdelay $0x1  }
0x1b9: {  	v8 =	vperm.xlane v8, v6;
	v9 =	vadd.s32 v5, v9;
	_ =	sdelay $0x1  }
0x1ba: {  	v8 =	vadd.s32 v5, v8;
	_ =	sdelay $0x1  }
0x1bb: {  	s20 =	sadd.s32 $0x16800, s6  }
0x1bc: {  	[tilespmem:s20], [sflag:$0x2] =	stream.indirect_vreg.gather [hbm4b:s1+s31], $0x80, v9, vm0, $0xb8;
	[tilespmem:$0x1F300] =	vst v63  }
0x1bd: {  	s3 =	sadd.s32 $0x17000, s6  }
0x1be: {  	[tilespmem:s3], [sflag:$0x2] =	stream.indirect_vreg.gather [hbm4b:s1+s31], $0x80, v8, vm0, $0xb8;
	[tilespmem:$0x1F300] =	vst v63  }
0x1bf: {  	v8 =	vld [tilespmem:s5+$0x1E230];
	_ =	sdelay $0x4  }
0x1c0: {  	v9 =	vshll.u32 v8, $0x1  }
0x1c1: {  	v8 =	vand.u32 $0x7, v8;
	v9 =	vand.u32 $0xFFFFFFF0, v9  }
0x1c2: {  	v8 =	vor.u32 v8, v9  }
0x1c3: {  	v9 =	vperm.xlane v8, v4;
	_ =	sdelay $0x1  }
0x1c4: {  	v8 =	vperm.xlane v8, v6;
	v9 =	vadd.s32 v5, v9;
	_ =	sdelay $0x1  }
0x1c5: {  	v8 =	vadd.s32 v5, v8;
	_ =	sdelay $0x1  }
0x1c6: {  	s12 =	sadd.s32 $0x17800, s6  }
0x1c7: {  	[tilespmem:s12], [sflag:$0x2] =	stream.indirect_vreg.gather [hbm4b:s1+s31], $0x80, v9, vm0, $0xb8;
	[tilespmem:$0x1F300] =	vst v63  }
0x1c8: {  	s13 =	sor.u32 $0x18000, s6  }
0x1c9: {  	[tilespmem:s13], [sflag:$0x2] =	stream.indirect_vreg.gather [hbm4b:s1+s31], $0x80, v8, vm0, $0xb8;
	[tilespmem:$0x1F300] =	vst v63  }
0x1ca: {  	s14 =	sand.u32 $0x7C0, s30;
	_ =	swait.ge [sflag:s10], $0x4000  }
0x1cb: {  	s15 =	sand.u32 $0x3800, s31;
	s16 =	sand.u32 $0x300, s31;
	[sflag:s10] =	ssyncset.done $0x0  }
0x1cc: {  	s11 =	sadd.s32 $0x1EA80, s14;
	s5 =	sadd.s32 s15, s0;
	[sflag:s10] =	ssyncadd.s32 $0xFFFFC000  }
0x1cd: {  	s5 =	sadd.s32 s16, s5;
	v13 =	vld [tilespmem:s11+$0x0]  }
0x1ce: {  	v8 =	vld [tilespmem:s5+$0x4F0]  }
0x1cf: {  	v9 =	vld [tilespmem:s5+$0x4E0]  }
0x1d0: {  	v10 =	vld [tilespmem:s5+$0x4D0]  }
0x1d1: {  	v11 =	vld [tilespmem:s5+$0x4C0]  }
0x1d2: {  	v12 =	vld [tilespmem:s5+$0x4B0]  }
0x1d3: {  	v15 =	vld [tilespmem:s5+$0x40]  }
0x1d4: {  	v16 =	vld [tilespmem:s5+$0x30]  }
0x1d5: {  	v17 =	vld [tilespmem:s5+$0x20]  }
0x1d6: {  	v18 =	vld [tilespmem:s5+$0x10]  }
0x1d7: {  	v19 =	vld [tilespmem:s5+$0x0]  }
0x1d8: {  	v20 =	vld [tilespmem:s5+$0x50]  }
0x1d9: {  	v21 =	vld [tilespmem:s5+$0x60]  }
0x1da: {  	v22 =	vld [tilespmem:s5+$0x70];
	(v2sf) =	vpush v13, $0x1  }
0x1db: {  	v23 =	vld [tilespmem:s5+$0x400];
	(v2sf) =	vpush v13, $0x0  }
0x1dc: {  	v24 =	vld [tilespmem:s5+$0x410]  }
0x1dd: {  	v25 =	vld [tilespmem:s5+$0x420]  }
0x1de: {  	v26 =	vld [tilespmem:s5+$0x430]  }
0x1df: {  	v27 =	vld [tilespmem:s5+$0x440]  }
0x1e0: {  	v28 =	vld [tilespmem:s5+$0x450]  }
0x1e1: {  	v29 =	vld [tilespmem:s5+$0x460]  }
0x1e2: {  	v30 =	vld [tilespmem:s5+$0x470]  }
0x1e3: {  	v31 =	vld [tilespmem:s5+$0x80]  }
0x1e4: {  	v32 =	vld [tilespmem:s5+$0x90]  }
0x1e5: {  	v33 =	vld [tilespmem:s5+$0xA0]  }
0x1e6: {  	v34 =	vld [tilespmem:s5+$0xB0]  }
0x1e7: {  	v35 =	vld [tilespmem:s5+$0xC0]  }
0x1e8: {  	v36 =	vld [tilespmem:s5+$0xD0]  }
0x1e9: {  	v37 =	vld [tilespmem:s5+$0xE0];
	s6 =	spop (v2sf)  }
0x1ea: {  	v38 =	vld [tilespmem:s5+$0xF0];
	s12 =	spop (v2sf)  }
0x1eb: {  	v39 =	vld [tilespmem:s5+$0x480];
	s13 =	sshll.u32 s12, $0x8;
	s12 =	sshll.u32 s12, $0x7  }
0x1ec: {  	v14 =	vld [tilespmem:s5+$0x490];
	s13 =	sand.u32 $0xFFFFF800, s13;
	s12 =	sand.u32 $0x380, s12  }
0x1ed: {  	v13 =	vld [tilespmem:s5+$0x4A0];
	s12 =	sor.u32 s12, s13  }
0x1ee: {  	s17 =	sor.u32 $0x10, s12;
	[tilespmem:s12+$0x0] =	vst.add.f32.msk $0xffff, v19  }
0x1ef: {  	s13 =	sor.u32 $0x20, s12;
	[tilespmem:s17+$0x0] =	vst.add.f32.msk $0xffff, v18  }
0x1f0: {  	s18 =	sor.u32 $0x30, s12;
	[tilespmem:s13+$0x0] =	vst.add.f32.msk $0xffff, v17  }
0x1f1: {  	s19 =	sor.u32 $0x40, s12;
	[tilespmem:s18+$0x0] =	vst.add.f32.msk $0xffff, v16  }
0x1f2: {  	s20 =	sor.u32 $0x50, s12;
	[tilespmem:s19+$0x0] =	vst.add.f32.msk $0xffff, v15  }
0x1f3: {  	s3 =	sor.u32 $0x60, s12;
	[tilespmem:s20+$0x0] =	vst.add.f32.msk $0xffff, v20  }
0x1f4: {  	s14 =	sor.u32 $0x70, s12;
	[tilespmem:s3+$0x0] =	vst.add.f32.msk $0xffff, v21  }
0x1f5: {  	s15 =	sor.u32 $0x400, s12;
	[tilespmem:s14+$0x0] =	vst.add.f32.msk $0xffff, v22  }
0x1f6: {  	s16 =	sor.u32 $0x410, s12;
	[tilespmem:s15+$0x0] =	vst.add.f32.msk $0xffff, v23  }
0x1f7: {  	s17 =	sor.u32 $0x420, s12;
	[tilespmem:s16+$0x0] =	vst.add.f32.msk $0xffff, v24  }
0x1f8: {  	s18 =	sor.u32 $0x430, s12;
	[tilespmem:s17+$0x0] =	vst.add.f32.msk $0xffff, v25  }
0x1f9: {  	s19 =	sor.u32 $0x440, s12;
	[tilespmem:s18+$0x0] =	vst.add.f32.msk $0xffff, v26  }
0x1fa: {  	s20 =	sor.u32 $0x450, s12;
	[tilespmem:s19+$0x0] =	vst.add.f32.msk $0xffff, v27  }
0x1fb: {  	s3 =	sshll.u32 s6, $0x8;
	s6 =	sshll.u32 s6, $0x7;
	s14 =	sor.u32 $0x460, s12;
	[tilespmem:s20+$0x0] =	vst.add.f32.msk $0xffff, v28  }
0x1fc: {  	s13 =	sand.u32 $0xFFFFF800, s3;
	s6 =	sand.u32 $0x380, s6;
	s12 =	sor.u32 $0x470, s12;
	[tilespmem:s14+$0x0] =	vst.add.f32.msk $0xffff, v29  }
0x1fd: {  	s14 =	sor.u32 s6, s13;
	[tilespmem:s12+$0x0] =	vst.add.f32.msk $0xffff, v30  }
0x1fe: {  	s5 =	sor.u32 $0x10, s14;
	[tilespmem:s14+$0x0] =	vst.add.f32.msk $0xffff, v31  }
0x1ff: {  	s6 =	sor.u32 $0x20, s14;
	[tilespmem:s5+$0x0] =	vst.add.f32.msk $0xffff, v32  }
0x200: {  	s15 =	sor.u32 $0x30, s14;
	[tilespmem:s6+$0x0] =	vst.add.f32.msk $0xffff, v33  }
0x201: {  	s16 =	sor.u32 $0x40, s14;
	[tilespmem:s15+$0x0] =	vst.add.f32.msk $0xffff, v34  }
0x202: {  	s17 =	sor.u32 $0x50, s14;
	[tilespmem:s16+$0x0] =	vst.add.f32.msk $0xffff, v35  }
0x203: {  	s18 =	sor.u32 $0x60, s14;
	[tilespmem:s17+$0x0] =	vst.add.f32.msk $0xffff, v36  }
0x204: {  	s19 =	sor.u32 $0x70, s14;
	[tilespmem:s18+$0x0] =	vst.add.f32.msk $0xffff, v37  }
0x205: {  	s13 =	simm.s32 $0x0;
	s12 =	simm.s32 $0x200;
	s20 =	sor.u32 $0x400, s14;
	[tilespmem:s19+$0x0] =	vst.add.f32.msk $0xffff, v38  }
0x206: {  	s15 =	sor.u32 $0x430, s14;
	s16 =	sor.u32 $0x410, s14;
	s17 =	sor.u32 $0x420, s14;
	[tilespmem:s20+$0x0] =	vst.add.f32.msk $0xffff, v39  }
.LBB2_21:
0x207: {  	p4 =	sne.s32 s12, $0x3E00;
	[tilespmem:s16+$0x0] =	vst.add.f32.msk $0xffff, v14;
	s13 =	sadd.s32 $0x100, s13;
	s11 =	sadd.s32 $0x2, s11  }
0x208: {  	s5 =	sor.u32 $0x440, s14;
	s6 =	smov.u32 s12;
	s12 =	sadd.s32 $0x200, s12;
	[tilespmem:s17+$0x0] =	vst.add.f32.msk $0xffff, v13  }
0x209: {  	[tilespmem:s15+$0x0] =	vst.add.f32.msk $0xffff, v12;
	s15 =	sor.u32 $0x450, s14  }
0x20a: {  	[tilespmem:s5+$0x0] =	vst.add.f32.msk $0xffff, v11;
	s5 =	sor.u32 $0x460, s14  }
0x20b: {  	s14 =	sor.u32 $0x470, s14;
	[tilespmem:s15+$0x0] =	vst.add.f32.msk $0xffff, v10  }
0x20c: {  	s6 =	sand.u32 $0x3800, s6;
	[tilespmem:s5+$0x0] =	vst.add.f32.msk $0xffff, v9  }
0x20d: {  	s6 =	sadd.s32 s6, s0;
	s5 =	sand.u32 $0x300, s13;
	[tilespmem:s14+$0x0] =	vst.add.f32.msk $0xffff, v8  }
0x20e: {  	s16 =	sadd.s32 s5, s6;
	v13 =	vld [tilespmem:s11+$0x0]  }
0x20f: {  	v8 =	vld [tilespmem:s16+$0x4F0]  }
0x210: {  	v9 =	vld [tilespmem:s16+$0x4E0]  }
0x211: {  	v10 =	vld [tilespmem:s16+$0x4D0]  }
0x212: {  	v11 =	vld [tilespmem:s16+$0x4C0]  }
0x213: {  	v12 =	vld [tilespmem:s16+$0x4B0];
	(v2sf) =	vpush v13, $0x1  }
0x214: {  	v15 =	vld [tilespmem:s16+$0x40]  }
0x215: {  	v16 =	vld [tilespmem:s16+$0x30]  }
0x216: {  	v17 =	vld [tilespmem:s16+$0x20];
	(v2sf) =	vpush v13, $0x0  }
0x217: {  	v18 =	vld [tilespmem:s16+$0x10]  }
0x218: {  	v19 =	vld [tilespmem:s16+$0x0]  }
0x219: {  	v20 =	vld [tilespmem:s16+$0x50]  }
0x21a: {  	v21 =	vld [tilespmem:s16+$0x60]  }
0x21b: {  	v22 =	vld [tilespmem:s16+$0x70]  }
0x21c: {  	v23 =	vld [tilespmem:s16+$0x400]  }
0x21d: {  	v24 =	vld [tilespmem:s16+$0x410]  }
0x21e: {  	v25 =	vld [tilespmem:s16+$0x420]  }
0x21f: {  	v26 =	vld [tilespmem:s16+$0x430]  }
0x220: {  	v27 =	vld [tilespmem:s16+$0x440]  }
0x221: {  	v28 =	vld [tilespmem:s16+$0x450]  }
0x222: {  	v29 =	vld [tilespmem:s16+$0x460];
	s5 =	spop (v2sf)  }
0x223: {  	v30 =	vld [tilespmem:s16+$0x470];
	s6 =	sshll.u32 s5, $0x8;
	s5 =	sshll.u32 s5, $0x7  }
0x224: {  	v31 =	vld [tilespmem:s16+$0x80];
	s6 =	sand.u32 $0xFFFFF800, s6;
	s5 =	sand.u32 $0x380, s5  }
0x225: {  	v32 =	vld [tilespmem:s16+$0x90];
	s14 =	sor.u32 s5, s6;
	s5 =	spop (v2sf)  }
0x226: {  	v33 =	vld [tilespmem:s16+$0xA0];
	s6 =	sshll.u32 s5, $0x8;
	s5 =	sshll.u32 s5, $0x7;
	s15 =	sor.u32 $0x430, s14  }
0x227: {  	v34 =	vld [tilespmem:s16+$0xB0];
	s6 =	sand.u32 $0xFFFFF800, s6;
	s5 =	sand.u32 $0x380, s5  }
0x228: {  	v35 =	vld [tilespmem:s16+$0xC0];
	s5 =	sor.u32 s5, s6  }
0x229: {  	v36 =	vld [tilespmem:s16+$0xD0];
	s6 =	sor.u32 $0x10, s5  }
0x22a: {  	s17 =	sor.u32 $0x20, s5;
	v37 =	vld [tilespmem:s16+$0xE0]  }
0x22b: {  	s18 =	sor.u32 $0x30, s5;
	v13 =	vld [tilespmem:s16+$0x4A0]  }
0x22c: {  	s19 =	sor.u32 $0x40, s5;
	v38 =	vld [tilespmem:s16+$0xF0]  }
0x22d: {  	s20 =	sor.u32 $0x50, s5;
	v39 =	vld [tilespmem:s16+$0x480]  }
0x22e: {  	v14 =	vld [tilespmem:s16+$0x490];
	s16 =	sor.u32 $0x60, s5  }
0x22f: {  	s3 =	sor.u32 $0x70, s5;
	[tilespmem:s5+$0x0] =	vst.add.f32.msk $0xffff, v19  }
0x230: {  	[tilespmem:s6+$0x0] =	vst.add.f32.msk $0xffff, v18;
	s6 =	sor.u32 $0x400, s5  }
0x231: {  	[tilespmem:s17+$0x0] =	vst.add.f32.msk $0xffff, v17;
	s17 =	sor.u32 $0x410, s5  }
0x232: {  	[tilespmem:s18+$0x0] =	vst.add.f32.msk $0xffff, v16;
	s18 =	sor.u32 $0x420, s5  }
0x233: {  	[tilespmem:s19+$0x0] =	vst.add.f32.msk $0xffff, v15;
	s19 =	sor.u32 $0x430, s5  }
0x234: {  	[tilespmem:s20+$0x0] =	vst.add.f32.msk $0xffff, v20;
	s20 =	sor.u32 $0x440, s5  }
0x235: {  	[tilespmem:s16+$0x0] =	vst.add.f32.msk $0xffff, v21;
	s16 =	sor.u32 $0x450, s5  }
0x236: {  	[tilespmem:s3+$0x0] =	vst.add.f32.msk $0xffff, v22;
	s3 =	sor.u32 $0x460, s5  }
0x237: {  	s5 =	sor.u32 $0x470, s5;
	[tilespmem:s6+$0x0] =	vst.add.f32.msk $0xffff, v23  }
0x238: {  	[tilespmem:s17+$0x0] =	vst.add.f32.msk $0xffff, v24  }
0x239: {  	[tilespmem:s18+$0x0] =	vst.add.f32.msk $0xffff, v25  }
0x23a: {  	[tilespmem:s19+$0x0] =	vst.add.f32.msk $0xffff, v26  }
0x23b: {  	[tilespmem:s20+$0x0] =	vst.add.f32.msk $0xffff, v27  }
0x23c: {  	[tilespmem:s16+$0x0] =	vst.add.f32.msk $0xffff, v28  }
0x23d: {  	[tilespmem:s3+$0x0] =	vst.add.f32.msk $0xffff, v29  }
0x23e: {  	s3 =	sor.u32 $0x10, s14;
	[tilespmem:s5+$0x0] =	vst.add.f32.msk $0xffff, v30  }
0x23f: {  	s5 =	sor.u32 $0x20, s14;
	[tilespmem:s14+$0x0] =	vst.add.f32.msk $0xffff, v31  }
0x240: {  	[tilespmem:s3+$0x0] =	vst.add.f32.msk $0xffff, v32;
	s3 =	sor.u32 $0x30, s14  }
0x241: {  	[tilespmem:s5+$0x0] =	vst.add.f32.msk $0xffff, v33;
	s5 =	sor.u32 $0x40, s14  }
0x242: {  	[tilespmem:s3+$0x0] =	vst.add.f32.msk $0xffff, v34;
	s3 =	sor.u32 $0x50, s14  }
.Ltmp13:
0x243: {  	[tilespmem:s5+$0x0] =	vst.add.f32.msk $0xffff, v35;
	s5 =	sor.u32 $0x60, s14;
	(pc) =	sbr.rel @p4 .LBB2_21-.Ltmp13, $4  }
0x244: {  	[tilespmem:s3+$0x0] =	vst.add.f32.msk $0xffff, v36;
	s3 =	sor.u32 $0x70, s14  }
0x245: {  	[tilespmem:s5+$0x0] =	vst.add.f32.msk $0xffff, v37;
	s5 =	sor.u32 $0x400, s14  }
0x246: {  	s16 =	sor.u32 $0x410, s14;
	[tilespmem:s3+$0x0] =	vst.add.f32.msk $0xffff, v38  }
0x247: {  	s17 =	sor.u32 $0x420, s14;
	[tilespmem:s5+$0x0] =	vst.add.f32.msk $0xffff, v39  }
0x248: {  	[tilespmem:s16+$0x0] =	vst.add.f32.msk $0xffff, v14;
	s2 =	sadd.s32 $0x1, s2  }
0x249: {  	[tilespmem:s17+$0x0] =	vst.add.f32.msk $0xffff, v13;
	p4 =	sne.s32 s2, s29  }
.Ltmp14:
0x24a: {  	s0 =	sor.u32 $0x440, s14;
	[tilespmem:s15+$0x0] =	vst.add.f32.msk $0xffff, v12;
	(pc) =	sbr.rel @p4 .LBB2_20-.Ltmp14, $4  }
0x24b: {  	s3 =	sor.u32 $0x450, s14;
	[tilespmem:s0+$0x0] =	vst.add.f32.msk $0xffff, v11  }
0x24c: {  	s19 =	sor.u32 $0x460, s14;
	[tilespmem:s3+$0x0] =	vst.add.f32.msk $0xffff, v10  }
0x24d: {  	s20 =	sor.u32 $0x470, s14;
	[tilespmem:s19+$0x0] =	vst.add.f32.msk $0xffff, v9  }
0x24e: {  	s30 =	sadd.s32 $0x40, s30;
	[tilespmem:s20+$0x0] =	vst.add.f32.msk $0xffff, v8  }
.LBB2_23:
0x24f: {  	s0 =	ssub.s32 s24, s28  }
0x250: {  	p4 =	slt.s32 s0, $0x1  }
.Ltmp15:
0x251: {  	_ = 	snop;
	(pc) =	sbr.rel @p4 .LBB2_6-.Ltmp15, $2  }
0x252: {  	_ =	sdelay $0x2  }
0x253: {  	s24 =	sadd.s32 s21, s28  }
0x254: {  	s2 =	sshll.u32 s24, $0xE;
	s11 =	sshll.u32 s24, $0x6;
	s12 =	simm.s32 $0x0  }
.LBB2_25:
0x255: {  	s3 =	sand.u32 $0x7C0, s11  }
0x256: {  	v8 =	vld [tilespmem:s3+$0x1E200];
	_ =	sdelay $0x4  }
0x257: {  	v9 =	vshll.u32 v8, $0x1  }
0x258: {  	v8 =	vand.u32 $0x7, v8;
	v9 =	vand.u32 $0xFFFFFFF0, v9  }
0x259: {  	v8 =	vor.u32 v8, v9  }
0x25a: {  	v9 =	vperm.xlane v8, v4;
	_ =	sdelay $0x1  }
0x25b: {  	v8 =	vperm.xlane v8, v6;
	v9 =	vadd.s32 v5, v9;
	_ =	sdelay $0x1  }
0x25c: {  	v8 =	vadd.s32 v5, v8  }
0x25d: {  	s5 =	sand.u32 $0x4000, s2  }
0x25e: {  	s6 =	sadd.s32 $0x14800, s5  }
0x25f: {  	[tilespmem:s6], [sflag:$0x2] =	stream.indirect_vreg.gather [hbm4b:s1+s4], $0x80, v9, vm0, $0xb8;
	[tilespmem:$0x1F300] =	vst v63  }
0x260: {  	s18 =	sadd.s32 $0x15000, s5  }
0x261: {  	[tilespmem:s18], [sflag:$0x2] =	stream.indirect_vreg.gather [hbm4b:s1+s4], $0x80, v8, vm0, $0xb8;
	[tilespmem:$0x1F300] =	vst v63  }
0x262: {  	v8 =	vld [tilespmem:s3+$0x1E210];
	_ =	sdelay $0x4  }
0x263: {  	v61 =	vshll.u32 v8, $0x1  }
0x264: {  	v8 =	vand.u32 $0x7, v8;
	v9 =	vand.u32 $0xFFFFFFF0, v61  }
0x265: {  	v8 =	vor.u32 v8, v9  }
0x266: {  	v9 =	vperm.xlane v8, v4;
	_ =	sdelay $0x1  }
0x267: {  	v8 =	vperm.xlane v8, v6;
	v9 =	vadd.s32 v5, v9;
	_ =	sdelay $0x1  }
0x268: {  	v8 =	vadd.s32 v5, v8;
	_ =	sdelay $0x1  }
0x269: {  	s19 =	sadd.s32 $0x15800, s5  }
0x26a: {  	[tilespmem:s19], [sflag:$0x2] =	stream.indirect_vreg.gather [hbm4b:s1+s4], $0x80, v9, vm0, $0xb8;
	[tilespmem:$0x1F300] =	vst v63  }
0x26b: {  	s20 =	sadd.s32 $0x16000, s5  }
0x26c: {  	[tilespmem:s20], [sflag:$0x2] =	stream.indirect_vreg.gather [hbm4b:s1+s4], $0x80, v8, vm0, $0xb8;
	[tilespmem:$0x1F300] =	vst v63  }
0x26d: {  	v8 =	vld [tilespmem:s3+$0x1E220];
	_ =	sdelay $0x4  }
0x26e: {  	v62 =	vshll.u32 v8, $0x1  }
0x26f: {  	v8 =	vand.u32 $0x7, v8;
	v9 =	vand.u32 $0xFFFFFFF0, v62  }
0x270: {  	v8 =	vor.u32 v8, v9  }
0x271: {  	v9 =	vperm.xlane v8, v4;
	_ =	sdelay $0x1  }
0x272: {  	v8 =	vperm.xlane v8, v6;
	v9 =	vadd.s32 v5, v9;
	_ =	sdelay $0x1  }
0x273: {  	v8 =	vadd.s32 v5, v8;
	_ =	sdelay $0x1  }
0x274: {  	s28 =	sadd.s32 $0x16800, s5  }
0x275: {  	[tilespmem:s28], [sflag:$0x2] =	stream.indirect_vreg.gather [hbm4b:s1+s4], $0x80, v9, vm0, $0xb8;
	[tilespmem:$0x1F300] =	vst v63  }
0x276: {  	s29 =	sadd.s32 $0x17000, s5  }
0x277: {  	[tilespmem:s29], [sflag:$0x2] =	stream.indirect_vreg.gather [hbm4b:s1+s4], $0x80, v8, vm0, $0xb8;
	[tilespmem:$0x1F300] =	vst v63  }
0x278: {  	v8 =	vld [tilespmem:s3+$0x1E230];
	_ =	sdelay $0x4  }
0x279: {  	v63 =	vshll.u32 v8, $0x1  }
0x27a: {  	v8 =	vand.u32 $0x7, v8;
	v9 =	vand.u32 $0xFFFFFFF0, v63  }
0x27b: {  	v8 =	vor.u32 v8, v9  }
0x27c: {  	v9 =	vperm.xlane v8, v4;
	_ =	sdelay $0x1  }
0x27d: {  	v8 =	vperm.xlane v8, v6;
	v9 =	vadd.s32 v5, v9  }
0x27e: {  	s12 =	sadd.s32 $0x1, s12  }
0x27f: {  	p4 =	slt.s32 s12, s0;
	v8 =	vadd.s32 v5, v8  }
.Ltmp16:
0x280: {  	_ = 	snop;
	(pc) =	sbr.rel @p4 .LBB2_25-.Ltmp16, $4  }
0x281: {  	s30 =	sadd.s32 $0x17800, s5  }
0x282: {  	[tilespmem:s30], [sflag:$0x2] =	stream.indirect_vreg.gather [hbm4b:s1+s4], $0x80, v9, vm0, $0xb8;
	[tilespmem:$0x1F300] =	vst v63  }
0x283: {  	s2 =	sadd.s32 $0x4000, s2;
	s11 =	sadd.s32 $0x40, s11;
	s31 =	sor.u32 $0x18000, s5  }
0x284: {  	[tilespmem:s31], [sflag:$0x2] =	stream.indirect_vreg.gather [hbm4b:s1+s4], $0x80, v8, vm0, $0xb8;
	[tilespmem:$0x1F300] =	vst v63  }
.Ltmp17:
0x285: {  	_ = 	snop;
	(pc) =	sbr.rel .LBB2_6-.Ltmp17, $1  }
0x286: {  	_ =	sdelay $0x3  }
.LBB2_26:
0x287: {  	s0 =	ssub.s32 s25, s24  }
0x288: {  	p0 =	slt.s32 s0, $0x1  }
.Ltmp18:
0x289: {  	_ = 	snop;
	(pc) =	sbr.rel @p0 .LBB2_31-.Ltmp18, $1  }
0x28a: {  	_ =	sdelay $0x3  }
0x28b: {  	p0 =	por !p3, !p2  }
0x28c: {  	s2 =	simm.s32 $0x1;
	p0 =	por !p0, !p0  }
0x28d: {  	s2 =	simm.s32 @!p0 $0x0  }
0x28e: {  	s2 =	ssub.s32 s26, s2  }
0x28f: {  	s2 =	ssub.s32 s2, s21  }
0x290: {  	p0 =	sgt.s32 s2, $0x2  }
0x291: {  	s2 =	simm.s32 @!p0 $0x2  }
0x292: {  	s2 =	sadd.s32 s2, s21  }
0x293: {  	s2 =	sshll.u32 s2, $0x6  }
0x294: {  	s23 =	simm.s32 $0x0;
	s21 =	simm.s32 $0x0;
	s2 =	sadd.s32 $0xFFFFFF80, s2  }
.LBB2_28:
0x295: {  	s3 =	sadd.s32 s24, s23  }
0x296: {  	s3 =	sshll.u32 s3, $0xE  }
0x297: {  	s3 =	sand.u32 $0x4000, s3  }
0x298: {  	_ =	swait.ge [sflag:s10], $0x4000;
	s3 =	sadd.s32 $0x14800, s3  }
0x299: {  	s5 =	sand.u32 $0x7C0, s2;
	s31 =	sand.u32 $0x3800, s21;
	[dreg:$0x5] =	wrdreg s3  }
0x29a: {  	s6 =	sand.u32 $0x300, s21;
	[sflag:s10] =	ssyncset.done $0x0;
	s3 =	rddreg [dreg:$0x5]  }
0x29b: {  	s11 =	sadd.s32 $0x1EA80, s5;
	[sflag:s10] =	ssyncadd.s32 $0xFFFFC000;
	s3 =	sadd.s32 s31, s3  }
0x29c: {  	v22 =	vld [tilespmem:s11+$0x0];
	s3 =	sadd.s32 s6, s3  }
0x29d: {  	v8 =	vld [tilespmem:s3+$0x4F0]  }
0x29e: {  	v9 =	vld [tilespmem:s3+$0x4E0]  }
0x29f: {  	v10 =	vld [tilespmem:s3+$0x4D0]  }
0x2a0: {  	v11 =	vld [tilespmem:s3+$0x4C0]  }
0x2a1: {  	v12 =	vld [tilespmem:s3+$0x4B0]  }
0x2a2: {  	v13 =	vld [tilespmem:s3+$0x4A0]  }
0x2a3: {  	v14 =	vld [tilespmem:s3+$0x490]  }
0x2a4: {  	v15 =	vld [tilespmem:s3+$0x480]  }
0x2a5: {  	v16 =	vld [tilespmem:s3+$0xF0]  }
0x2a6: {  	v17 =	vld [tilespmem:s3+$0xE0]  }
0x2a7: {  	v18 =	vld [tilespmem:s3+$0xD0]  }
0x2a8: {  	v19 =	vld [tilespmem:s3+$0xC0]  }
0x2a9: {  	v20 =	vld [tilespmem:s3+$0xB0]  }
0x2aa: {  	(v2sf) =	vpush v22, $0x0;
	v21 =	vld [tilespmem:s3+$0xA0]  }
0x2ab: {  	v24 =	vld [tilespmem:s3+$0x40]  }
0x2ac: {  	v25 =	vld [tilespmem:s3+$0x30]  }
0x2ad: {  	v26 =	vld [tilespmem:s3+$0x20]  }
0x2ae: {  	v27 =	vld [tilespmem:s3+$0x10]  }
0x2af: {  	v28 =	vld [tilespmem:s3+$0x0]  }
0x2b0: {  	v29 =	vld [tilespmem:s3+$0x50]  }
0x2b1: {  	v30 =	vld [tilespmem:s3+$0x60]  }
0x2b2: {  	v31 =	vld [tilespmem:s3+$0x70]  }
0x2b3: {  	v32 =	vld [tilespmem:s3+$0x400]  }
0x2b4: {  	v33 =	vld [tilespmem:s3+$0x410]  }
0x2b5: {  	v34 =	vld [tilespmem:s3+$0x420]  }
0x2b6: {  	v35 =	vld [tilespmem:s3+$0x430]  }
0x2b7: {  	v36 =	vld [tilespmem:s3+$0x440]  }
0x2b8: {  	v37 =	vld [tilespmem:s3+$0x450]  }
0x2b9: {  	v38 =	vld [tilespmem:s3+$0x460];
	(v2sf) =	vpush v22, $0x1;
	s6 =	spop (v2sf)  }
0x2ba: {  	v39 =	vld [tilespmem:s3+$0x470];
	s12 =	sshll.u32 s6, $0x8;
	s5 =	sshll.u32 s6, $0x7  }
0x2bb: {  	v23 =	vld [tilespmem:s3+$0x80];
	s6 =	sand.u32 $0xFFFFF800, s12;
	s5 =	sand.u32 $0x380, s5  }
0x2bc: {  	v22 =	vld [tilespmem:s3+$0x90];
	s5 =	sor.u32 s5, s6  }
0x2bd: {  	s13 =	sor.u32 $0x10, s5;
	[tilespmem:s5+$0x0] =	vst.add.f32.msk $0xffff, v28  }
0x2be: {  	s6 =	sor.u32 $0x20, s5;
	[tilespmem:s13+$0x0] =	vst.add.f32.msk $0xffff, v27  }
0x2bf: {  	s14 =	sor.u32 $0x30, s5;
	[tilespmem:s6+$0x0] =	vst.add.f32.msk $0xffff, v26  }
0x2c0: {  	s15 =	sor.u32 $0x40, s5;
	[tilespmem:s14+$0x0] =	vst.add.f32.msk $0xffff, v25  }
0x2c1: {  	s16 =	sor.u32 $0x50, s5;
	[tilespmem:s15+$0x0] =	vst.add.f32.msk $0xffff, v24  }
0x2c2: {  	s17 =	sor.u32 $0x60, s5;
	[tilespmem:s16+$0x0] =	vst.add.f32.msk $0xffff, v29  }
0x2c3: {  	s18 =	sor.u32 $0x70, s5;
	[tilespmem:s17+$0x0] =	vst.add.f32.msk $0xffff, v30  }
0x2c4: {  	s19 =	sor.u32 $0x400, s5;
	[tilespmem:s18+$0x0] =	vst.add.f32.msk $0xffff, v31  }
0x2c5: {  	s20 =	sor.u32 $0x410, s5;
	[tilespmem:s19+$0x0] =	vst.add.f32.msk $0xffff, v32  }
0x2c6: {  	s26 =	sor.u32 $0x420, s5;
	[tilespmem:s20+$0x0] =	vst.add.f32.msk $0xffff, v33  }
0x2c7: {  	s28 =	sor.u32 $0x430, s5;
	[tilespmem:s26+$0x0] =	vst.add.f32.msk $0xffff, v34  }
0x2c8: {  	s29 =	spop (v2sf);
	s12 =	sor.u32 $0x440, s5;
	[tilespmem:s28+$0x0] =	vst.add.f32.msk $0xffff, v35  }
0x2c9: {  	s30 =	sshll.u32 s29, $0x8;
	s3 =	sshll.u32 s29, $0x7;
	s13 =	sor.u32 $0x450, s5;
	[tilespmem:s12+$0x0] =	vst.add.f32.msk $0xffff, v36  }
0x2ca: {  	s3 =	sand.u32 $0x380, s3;
	s31 =	sor.u32 $0x460, s5;
	s6 =	sand.u32 $0xFFFFF800, s30;
	[tilespmem:s13+$0x0] =	vst.add.f32.msk $0xffff, v37  }
0x2cb: {  	s5 =	sor.u32 $0x470, s5;
	s26 =	simm.s32 $0x200;
	s13 =	sor.u32 s3, s6;
	[tilespmem:s31+$0x0] =	vst.add.f32.msk $0xffff, v38  }
0x2cc: {  	s12 =	simm.s32 $0x0;
	s15 =	sor.u32 $0x10, s13;
	s14 =	sor.u32 $0x20, s13;
	[tilespmem:s5+$0x0] =	vst.add.f32.msk $0xffff, v39  }
.LBB2_29:
0x2cd: {  	[tilespmem:s13+$0x0] =	vst.add.f32.msk $0xffff, v23  }
0x2ce: {  	[tilespmem:s15+$0x0] =	vst.add.f32.msk $0xffff, v22  }
0x2cf: {  	s3 =	sor.u32 $0x30, s13;
	[tilespmem:s14+$0x0] =	vst.add.f32.msk $0xffff, v21  }
0x2d0: {  	s6 =	sor.u32 $0x40, s13;
	[tilespmem:s3+$0x0] =	vst.add.f32.msk $0xffff, v20  }
0x2d1: {  	s29 =	sor.u32 $0x50, s13;
	[tilespmem:s6+$0x0] =	vst.add.f32.msk $0xffff, v19  }
0x2d2: {  	s30 =	sor.u32 $0x60, s13;
	[tilespmem:s29+$0x0] =	vst.add.f32.msk $0xffff, v18  }
0x2d3: {  	s31 =	sor.u32 $0x70, s13;
	[tilespmem:s30+$0x0] =	vst.add.f32.msk $0xffff, v17  }
0x2d4: {  	s14 =	sor.u32 $0x400, s13;
	[tilespmem:s31+$0x0] =	vst.add.f32.msk $0xffff, v16  }
0x2d5: {  	s15 =	sor.u32 $0x410, s13;
	[tilespmem:s14+$0x0] =	vst.add.f32.msk $0xffff, v15  }
0x2d6: {  	s16 =	sor.u32 $0x420, s13;
	[tilespmem:s15+$0x0] =	vst.add.f32.msk $0xffff, v14  }
0x2d7: {  	s17 =	sor.u32 $0x430, s13;
	[tilespmem:s16+$0x0] =	vst.add.f32.msk $0xffff, v13  }
0x2d8: {  	s18 =	sor.u32 $0x440, s13;
	[tilespmem:s17+$0x0] =	vst.add.f32.msk $0xffff, v12  }
0x2d9: {  	s19 =	sor.u32 $0x450, s13;
	[tilespmem:s18+$0x0] =	vst.add.f32.msk $0xffff, v11  }
0x2da: {  	s12 =	sadd.s32 $0x100, s12;
	s5 =	smov.u32 s26;
	s28 =	sor.u32 $0x460, s13;
	[tilespmem:s19+$0x0] =	vst.add.f32.msk $0xffff, v10  }
0x2db: {  	s20 =	rddreg [dreg:$0x5];
	s5 =	sand.u32 $0x3800, s5;
	s29 =	sor.u32 $0x470, s13;
	[tilespmem:s28+$0x0] =	vst.add.f32.msk $0xffff, v9  }
0x2dc: {  	s11 =	sadd.s32 $0x2, s11;
	s5 =	sadd.s32 s5, s20;
	s30 =	sand.u32 $0x300, s12;
	[tilespmem:s29+$0x0] =	vst.add.f32.msk $0xffff, v8  }
0x2dd: {  	s31 =	sadd.s32 s30, s5;
	v14 =	vld [tilespmem:s11+$0x0]  }
0x2de: {  	v8 =	vld [tilespmem:s31+$0x4F0]  }
0x2df: {  	v9 =	vld [tilespmem:s31+$0x4E0]  }
0x2e0: {  	v10 =	vld [tilespmem:s31+$0x4D0]  }
0x2e1: {  	v11 =	vld [tilespmem:s31+$0x4C0]  }
0x2e2: {  	v12 =	vld [tilespmem:s31+$0x4B0]  }
0x2e3: {  	v13 =	vld [tilespmem:s31+$0x4A0]  }
0x2e4: {  	v15 =	vld [tilespmem:s31+$0x480]  }
0x2e5: {  	v16 =	vld [tilespmem:s31+$0xF0]  }
0x2e6: {  	v17 =	vld [tilespmem:s31+$0xE0]  }
0x2e7: {  	v18 =	vld [tilespmem:s31+$0xD0]  }
0x2e8: {  	v19 =	vld [tilespmem:s31+$0xC0]  }
0x2e9: {  	v20 =	vld [tilespmem:s31+$0xB0]  }
0x2ea: {  	v21 =	vld [tilespmem:s31+$0xA0]  }
0x2eb: {  	v24 =	vld [tilespmem:s31+$0x40];
	(v2sf) =	vpush v14, $0x0  }
0x2ec: {  	v25 =	vld [tilespmem:s31+$0x30]  }
0x2ed: {  	v26 =	vld [tilespmem:s31+$0x20]  }
0x2ee: {  	v27 =	vld [tilespmem:s31+$0x10]  }
0x2ef: {  	v28 =	vld [tilespmem:s31+$0x0]  }
0x2f0: {  	v29 =	vld [tilespmem:s31+$0x50]  }
0x2f1: {  	v30 =	vld [tilespmem:s31+$0x60]  }
0x2f2: {  	v31 =	vld [tilespmem:s31+$0x70]  }
0x2f3: {  	v32 =	vld [tilespmem:s31+$0x400]  }
0x2f4: {  	v33 =	vld [tilespmem:s31+$0x410]  }
0x2f5: {  	v34 =	vld [tilespmem:s31+$0x420]  }
0x2f6: {  	v35 =	vld [tilespmem:s31+$0x430]  }
0x2f7: {  	v36 =	vld [tilespmem:s31+$0x440]  }
0x2f8: {  	v37 =	vld [tilespmem:s31+$0x450]  }
0x2f9: {  	v38 =	vld [tilespmem:s31+$0x460]  }
0x2fa: {  	v39 =	vld [tilespmem:s31+$0x470];
	(v2sf) =	vpush v14, $0x1;
	s19 =	spop (v2sf)  }
0x2fb: {  	v23 =	vld [tilespmem:s31+$0x80];
	s20 =	sshll.u32 s19, $0x8;
	s3 =	sshll.u32 s19, $0x7  }
0x2fc: {  	v22 =	vld [tilespmem:s31+$0x90];
	s5 =	sand.u32 $0xFFFFF800, s20;
	s3 =	sand.u32 $0x380, s3  }
0x2fd: {  	v14 =	vld [tilespmem:s31+$0x490];
	s3 =	sor.u32 s3, s5  }
0x2fe: {  	s17 =	sor.u32 $0x10, s3;
	[tilespmem:s3+$0x0] =	vst.add.f32.msk $0xffff, v28  }
0x2ff: {  	s20 =	sor.u32 $0x20, s3;
	[tilespmem:s17+$0x0] =	vst.add.f32.msk $0xffff, v27  }
0x300: {  	s29 =	sor.u32 $0x30, s3;
	[tilespmem:s20+$0x0] =	vst.add.f32.msk $0xffff, v26  }
0x301: {  	s30 =	sor.u32 $0x40, s3;
	[tilespmem:s29+$0x0] =	vst.add.f32.msk $0xffff, v25  }
0x302: {  	s31 =	sor.u32 $0x50, s3;
	[tilespmem:s30+$0x0] =	vst.add.f32.msk $0xffff, v24  }
0x303: {  	s17 =	sor.u32 $0x60, s3;
	[tilespmem:s31+$0x0] =	vst.add.f32.msk $0xffff, v29  }
0x304: {  	s5 =	sor.u32 $0x70, s3;
	[tilespmem:s17+$0x0] =	vst.add.f32.msk $0xffff, v30  }
0x305: {  	s6 =	sor.u32 $0x400, s3;
	[tilespmem:s5+$0x0] =	vst.add.f32.msk $0xffff, v31  }
0x306: {  	s16 =	sor.u32 $0x410, s3;
	[tilespmem:s6+$0x0] =	vst.add.f32.msk $0xffff, v32  }
0x307: {  	s20 =	sor.u32 $0x420, s3;
	[tilespmem:s16+$0x0] =	vst.add.f32.msk $0xffff, v33  }
0x308: {  	p0 =	sne.s32 s26, $0x3E00;
	s18 =	sor.u32 $0x430, s3;
	[tilespmem:s20+$0x0] =	vst.add.f32.msk $0xffff, v34  }
.Ltmp19:
0x309: {  	s28 =	spop (v2sf);
	s19 =	sor.u32 $0x440, s3;
	[tilespmem:s18+$0x0] =	vst.add.f32.msk $0xffff, v35;
	(pc) =	sbr.rel @p0 .LBB2_29-.Ltmp19, $4  }
0x30a: {  	s14 =	sshll.u32 s28, $0x8;
	s15 =	sshll.u32 s28, $0x7;
	s28 =	sor.u32 $0x450, s3;
	[tilespmem:s19+$0x0] =	vst.add.f32.msk $0xffff, v36  }
0x30b: {  	s29 =	sor.u32 $0x460, s3;
	s30 =	sand.u32 $0xFFFFF800, s14;
	s31 =	sand.u32 $0x380, s15;
	[tilespmem:s28+$0x0] =	vst.add.f32.msk $0xffff, v37  }
0x30c: {  	s3 =	sor.u32 $0x470, s3;
	s13 =	sor.u32 s31, s30;
	[tilespmem:s29+$0x0] =	vst.add.f32.msk $0xffff, v38  }
0x30d: {  	s26 =	sadd.s32 $0x200, s26;
	s15 =	sor.u32 $0x10, s13;
	s14 =	sor.u32 $0x20, s13;
	[tilespmem:s3+$0x0] =	vst.add.f32.msk $0xffff, v39  }
0x30e: {  	[tilespmem:s13+$0x0] =	vst.add.f32.msk $0xffff, v23  }
0x30f: {  	[tilespmem:s15+$0x0] =	vst.add.f32.msk $0xffff, v22  }
0x310: {  	s3 =	sor.u32 $0x30, s13;
	[tilespmem:s14+$0x0] =	vst.add.f32.msk $0xffff, v21  }
0x311: {  	s5 =	sor.u32 $0x40, s13;
	[tilespmem:s3+$0x0] =	vst.add.f32.msk $0xffff, v20  }
0x312: {  	s15 =	sor.u32 $0x50, s13;
	[tilespmem:s5+$0x0] =	vst.add.f32.msk $0xffff, v19  }
0x313: {  	s16 =	sor.u32 $0x60, s13;
	[tilespmem:s15+$0x0] =	vst.add.f32.msk $0xffff, v18  }
0x314: {  	s17 =	sor.u32 $0x70, s13;
	[tilespmem:s16+$0x0] =	vst.add.f32.msk $0xffff, v17  }
0x315: {  	s18 =	sor.u32 $0x400, s13;
	[tilespmem:s17+$0x0] =	vst.add.f32.msk $0xffff, v16  }
0x316: {  	s19 =	sor.u32 $0x410, s13;
	[tilespmem:s18+$0x0] =	vst.add.f32.msk $0xffff, v15  }
0x317: {  	s20 =	sor.u32 $0x420, s13;
	s23 =	sadd.s32 $0x1, s23;
	[tilespmem:s19+$0x0] =	vst.add.f32.msk $0xffff, v14  }
0x318: {  	s26 =	sor.u32 $0x430, s13;
	p0 =	slt.s32 s23, s0;
	[tilespmem:s20+$0x0] =	vst.add.f32.msk $0xffff, v13  }
.Ltmp20:
0x319: {  	s28 =	sor.u32 $0x440, s13;
	[tilespmem:s26+$0x0] =	vst.add.f32.msk $0xffff, v12;
	(pc) =	sbr.rel @p0 .LBB2_28-.Ltmp20, $4  }
0x31a: {  	s29 =	sor.u32 $0x450, s13;
	[tilespmem:s28+$0x0] =	vst.add.f32.msk $0xffff, v11  }
0x31b: {  	s30 =	sor.u32 $0x460, s13;
	[tilespmem:s29+$0x0] =	vst.add.f32.msk $0xffff, v10  }
0x31c: {  	s31 =	sor.u32 $0x470, s13;
	[tilespmem:s30+$0x0] =	vst.add.f32.msk $0xffff, v9  }
0x31d: {  	s2 =	sadd.s32 $0x40, s2;
	[tilespmem:s31+$0x0] =	vst.add.f32.msk $0xffff, v8  }
.LBB2_31:
0x31e: {  	s0 =	sshll.u32 s25, $0x6  }
0x31f: {  	p0 =	sle.s32 s22, s0  }
.Ltmp21:
0x320: {  	_ = 	snop;
	(pc) =	sbr.rel @p0 .LBB2_35-.Ltmp21, $3  }
0x321: {  	_ =	sdelay $0x1  }
0x322: {  	s18 =	rddreg [dreg:$0x1]  }
0x323: {  	s3 =	rddreg [dreg:$0x8]  }
0x324: {  	v8 =	vadd.s32 s22, v0  }
0x325: {  	s2 =	sadd.s32 $0x10, s22;
	v8 =	vand.u32 $0x7FF, v8  }
0x326: {  	v9 =	vadd.s32 s2, v0  }
0x327: {  	s14 =	sadd.s32 $0x20, s22;
	v9 =	vand.u32 $0x7FF, v9  }
0x328: {  	v10 =	vadd.s32 s14, v0  }
0x329: {  	s15 =	sadd.s32 $0x30, s22;
	v10 =	vand.u32 $0x7FF, v10  }
0x32a: {  	v11 =	vadd.s32 s15, v0;
	[tilespmem:v8+s8+$0x0] =	vst.idx.msk $0xffff, v3  }
0x32b: {  	s16 =	sadd.s32 $0x40, s22;
	[tilespmem:v8+s9+$0x0] =	vst.idx.msk $0xffff, v7;
	v8 =	vand.u32 $0x7FF, v11  }
0x32c: {  	v11 =	vadd.s32 s16, v0;
	[tilespmem:v9+s8+$0x0] =	vst.idx.msk $0xffff, v3  }
0x32d: {  	[tilespmem:v9+s9+$0x0] =	vst.idx.msk $0xffff, v7;
	v9 =	vand.u32 $0x7FF, v11  }
0x32e: {  	[tilespmem:v10+s8+$0x0] =	vst.idx.msk $0xffff, v3  }
0x32f: {  	[tilespmem:v10+s9+$0x0] =	vst.idx.msk $0xffff, v7  }
0x330: {  	[tilespmem:v8+s8+$0x0] =	vst.idx.msk $0xffff, v3  }
0x331: {  	[tilespmem:v8+s9+$0x0] =	vst.idx.msk $0xffff, v7  }
0x332: {  	[tilespmem:v9+s8+$0x0] =	vst.idx.msk $0xffff, v3  }
0x333: {  	s17 =	sand.u32 $0x7C0, s0;
	[tilespmem:v9+s9+$0x0] =	vst.idx.msk $0xffff, v7  }
0x334: {  	v8 =	vld [tilespmem:s17+$0x1E200];
	_ =	sdelay $0x4  }
0x335: {  	v9 =	vshll.u32 v8, $0x1  }
0x336: {  	v8 =	vand.u32 $0x7, v8;
	v9 =	vand.u32 $0xFFFFFFF0, v9  }
0x337: {  	v8 =	vor.u32 v8, v9  }
0x338: {  	v9 =	vperm.xlane v8, v4;
	_ =	sdelay $0x1  }
0x339: {  	v8 =	vperm.xlane v8, v6;
	v9 =	vadd.s32 v5, v9;
	_ =	sdelay $0x1  }
0x33a: {  	v8 =	vadd.s32 v5, v8;
	_ =	sdelay $0x1  }
0x33b: {  	s0 =	simm.s32 $0x0;
	s3 =	simm.s32 $0x14800  }
0x33c: {  	[tilespmem:s3], [sflag:$0x2] =	stream.indirect_vreg.gather [hbm4b:s1+s0], $0x80, v9, vm0, $0xb8;
	[tilespmem:$0x1F300] =	vst v63  }
0x33d: {  	s19 =	simm.s32 $0x15000  }
0x33e: {  	[tilespmem:s19], [sflag:$0x2] =	stream.indirect_vreg.gather [hbm4b:s1+s0], $0x80, v8, vm0, $0xb8;
	[tilespmem:$0x1F300] =	vst v63  }
0x33f: {  	v8 =	vld [tilespmem:s17+$0x1E210];
	_ =	sdelay $0x4  }
0x340: {  	v9 =	vshll.u32 v8, $0x1  }
0x341: {  	v8 =	vand.u32 $0x7, v8;
	v9 =	vand.u32 $0xFFFFFFF0, v9  }
0x342: {  	v8 =	vor.u32 v8, v9  }
0x343: {  	v9 =	vperm.xlane v8, v4;
	_ =	sdelay $0x1  }
0x344: {  	v8 =	vperm.xlane v8, v6;
	v9 =	vadd.s32 v5, v9;
	_ =	sdelay $0x1  }
0x345: {  	v8 =	vadd.s32 v5, v8;
	_ =	sdelay $0x1  }
0x346: {  	s20 =	simm.s32 $0x15800  }
0x347: {  	[tilespmem:s20], [sflag:$0x2] =	stream.indirect_vreg.gather [hbm4b:s1+s0], $0x80, v9, vm0, $0xb8;
	[tilespmem:$0x1F300] =	vst v63  }
0x348: {  	s21 =	simm.s32 $0x16000  }
0x349: {  	[tilespmem:s21], [sflag:$0x2] =	stream.indirect_vreg.gather [hbm4b:s1+s0], $0x80, v8, vm0, $0xb8;
	[tilespmem:$0x1F300] =	vst v63  }
0x34a: {  	v8 =	vld [tilespmem:s17+$0x1E220];
	_ =	sdelay $0x4  }
0x34b: {  	v9 =	vshll.u32 v8, $0x1  }
0x34c: {  	v8 =	vand.u32 $0x7, v8;
	v9 =	vand.u32 $0xFFFFFFF0, v9  }
0x34d: {  	v8 =	vor.u32 v8, v9  }
0x34e: {  	v9 =	vperm.xlane v8, v4;
	_ =	sdelay $0x1  }
0x34f: {  	v8 =	vperm.xlane v8, v6;
	v9 =	vadd.s32 v5, v9;
	_ =	sdelay $0x1  }
0x350: {  	v8 =	vadd.s32 v5, v8;
	_ =	sdelay $0x1  }
0x351: {  	s22 =	simm.s32 $0x16800  }
0x352: {  	[tilespmem:s22], [sflag:$0x2] =	stream.indirect_vreg.gather [hbm4b:s1+s0], $0x80, v9, vm0, $0xb8;
	[tilespmem:$0x1F300] =	vst v63  }
0x353: {  	s23 =	simm.s32 $0x17000  }
0x354: {  	[tilespmem:s23], [sflag:$0x2] =	stream.indirect_vreg.gather [hbm4b:s1+s0], $0x80, v8, vm0, $0xb8;
	[tilespmem:$0x1F300] =	vst v63  }
0x355: {  	v8 =	vld [tilespmem:s17+$0x1E230];
	_ =	sdelay $0x4  }
0x356: {  	v9 =	vshll.u32 v8, $0x1  }
0x357: {  	v8 =	vand.u32 $0x7, v8;
	v9 =	vand.u32 $0xFFFFFFF0, v9  }
0x358: {  	v8 =	vor.u32 v8, v9  }
0x359: {  	v9 =	vperm.xlane v8, v4;
	_ =	sdelay $0x1  }
0x35a: {  	v8 =	vperm.xlane v8, v6;
	v9 =	vadd.s32 v5, v9;
	_ =	sdelay $0x1  }
0x35b: {  	v8 =	vadd.s32 v5, v8;
	_ =	sdelay $0x1  }
0x35c: {  	s24 =	simm.s32 $0x17800  }
0x35d: {  	[tilespmem:s24], [sflag:$0x2] =	stream.indirect_vreg.gather [hbm4b:s1+s0], $0x80, v9, vm0, $0xb8;
	[tilespmem:$0x1F300] =	vst v63  }
0x35e: {  	s25 =	simm.s32 $0x18000  }
0x35f: {  	[tilespmem:s25], [sflag:$0x2] =	stream.indirect_vreg.gather [hbm4b:s1+s0], $0x80, v8, vm0, $0xb8;
	[tilespmem:$0x1F300] =	vst v63  }
0x360: {  	_ =	swait.ge [sflag:s10], $0x4000  }
0x361: {  	s2 =	sadd.s32 $0x1EA80, s17;
	[sflag:s10] =	ssyncset.done $0x0  }
0x362: {  	s26 =	sand.u32 $0x3800, s0;
	s5 =	sand.u32 $0x300, s0;
	[sflag:s10] =	ssyncadd.s32 $0xFFFFC000  }
0x363: {  	s3 =	sor.u32 s5, s26;
	v13 =	vld [tilespmem:s2+$0x0]  }
0x364: {  	s5 =	sadd.s32 $0x14800, s3;
	v14 =	vld [tilespmem:s3+$0x14800]  }
0x365: {  	v8 =	vld [tilespmem:s5+$0x4F0]  }
0x366: {  	v9 =	vld [tilespmem:s5+$0x4E0]  }
0x367: {  	v10 =	vld [tilespmem:s5+$0x4D0]  }
0x368: {  	v11 =	vld [tilespmem:s5+$0x4C0]  }
0x369: {  	v15 =	vld [tilespmem:s5+$0x40]  }
0x36a: {  	v16 =	vld [tilespmem:s5+$0x30]  }
0x36b: {  	v17 =	vld [tilespmem:s5+$0x20]  }
0x36c: {  	v18 =	vld [tilespmem:s5+$0x10]  }
0x36d: {  	v12 =	vld [tilespmem:s5+$0x4B0]  }
0x36e: {  	v19 =	vld [tilespmem:s5+$0x50]  }
0x36f: {  	v20 =	vld [tilespmem:s5+$0x60]  }
0x370: {  	v21 =	vld [tilespmem:s5+$0x70];
	(v2sf) =	vpush v13, $0x1  }
0x371: {  	v22 =	vld [tilespmem:s5+$0x400];
	(v2sf) =	vpush v13, $0x0  }
0x372: {  	v23 =	vld [tilespmem:s5+$0x410]  }
0x373: {  	v24 =	vld [tilespmem:s5+$0x420]  }
0x374: {  	v25 =	vld [tilespmem:s5+$0x430]  }
0x375: {  	v26 =	vld [tilespmem:s5+$0x440]  }
0x376: {  	v27 =	vld [tilespmem:s5+$0x450]  }
0x377: {  	v28 =	vld [tilespmem:s5+$0x460]  }
0x378: {  	v29 =	vld [tilespmem:s5+$0x470]  }
0x379: {  	v30 =	vld [tilespmem:s5+$0x80]  }
0x37a: {  	v31 =	vld [tilespmem:s5+$0x90]  }
0x37b: {  	v32 =	vld [tilespmem:s5+$0xA0]  }
0x37c: {  	v33 =	vld [tilespmem:s5+$0xB0]  }
0x37d: {  	v34 =	vld [tilespmem:s5+$0xC0]  }
0x37e: {  	v35 =	vld [tilespmem:s5+$0xD0]  }
0x37f: {  	v36 =	vld [tilespmem:s5+$0xE0];
	s28 =	spop (v2sf)  }
0x380: {  	v37 =	vld [tilespmem:s5+$0xF0];
	s6 =	spop (v2sf)  }
0x381: {  	v38 =	vld [tilespmem:s5+$0x480];
	s11 =	sshll.u32 s6, $0x8;
	s6 =	sshll.u32 s6, $0x7  }
0x382: {  	v39 =	vld [tilespmem:s5+$0x490];
	s11 =	sand.u32 $0xFFFFF800, s11;
	s6 =	sand.u32 $0x380, s6  }
0x383: {  	v13 =	vld [tilespmem:s5+$0x4A0];
	s6 =	sor.u32 s6, s11  }
0x384: {  	s29 =	sor.u32 $0x10, s6;
	[tilespmem:s6+$0x0] =	vst.add.f32.msk $0xffff, v14  }
0x385: {  	s11 =	sor.u32 $0x20, s6;
	[tilespmem:s29+$0x0] =	vst.add.f32.msk $0xffff, v18  }
0x386: {  	s30 =	sor.u32 $0x30, s6;
	[tilespmem:s11+$0x0] =	vst.add.f32.msk $0xffff, v17  }
0x387: {  	s31 =	sor.u32 $0x40, s6;
	[tilespmem:s30+$0x0] =	vst.add.f32.msk $0xffff, v16  }
0x388: {  	s12 =	sor.u32 $0x50, s6;
	[tilespmem:s31+$0x0] =	vst.add.f32.msk $0xffff, v15  }
0x389: {  	s13 =	sor.u32 $0x60, s6;
	[tilespmem:s12+$0x0] =	vst.add.f32.msk $0xffff, v19  }
0x38a: {  	s14 =	sor.u32 $0x70, s6;
	[tilespmem:s13+$0x0] =	vst.add.f32.msk $0xffff, v20  }
0x38b: {  	s15 =	sor.u32 $0x400, s6;
	[tilespmem:s14+$0x0] =	vst.add.f32.msk $0xffff, v21  }
0x38c: {  	s16 =	sor.u32 $0x410, s6;
	[tilespmem:s15+$0x0] =	vst.add.f32.msk $0xffff, v22  }
0x38d: {  	s17 =	sor.u32 $0x420, s6;
	[tilespmem:s16+$0x0] =	vst.add.f32.msk $0xffff, v23  }
0x38e: {  	s19 =	sor.u32 $0x430, s6;
	[tilespmem:s17+$0x0] =	vst.add.f32.msk $0xffff, v24  }
0x38f: {  	s20 =	sor.u32 $0x440, s6;
	[tilespmem:s19+$0x0] =	vst.add.f32.msk $0xffff, v25  }
0x390: {  	s21 =	sor.u32 $0x450, s6;
	[tilespmem:s20+$0x0] =	vst.add.f32.msk $0xffff, v26  }
0x391: {  	s22 =	sshll.u32 s28, $0x8;
	s3 =	sshll.u32 s28, $0x7;
	s12 =	sor.u32 $0x460, s6;
	[tilespmem:s21+$0x0] =	vst.add.f32.msk $0xffff, v27  }
0x392: {  	s23 =	sand.u32 $0xFFFFF800, s22;
	s3 =	sand.u32 $0x380, s3;
	s6 =	sor.u32 $0x470, s6;
	[tilespmem:s12+$0x0] =	vst.add.f32.msk $0xffff, v28  }
0x393: {  	s12 =	sor.u32 s3, s23;
	[tilespmem:s6+$0x0] =	vst.add.f32.msk $0xffff, v29  }
0x394: {  	s3 =	sor.u32 $0x10, s12;
	[tilespmem:s12+$0x0] =	vst.add.f32.msk $0xffff, v30  }
0x395: {  	s5 =	sor.u32 $0x20, s12;
	[tilespmem:s3+$0x0] =	vst.add.f32.msk $0xffff, v31  }
0x396: {  	s24 =	sor.u32 $0x30, s12;
	[tilespmem:s5+$0x0] =	vst.add.f32.msk $0xffff, v32  }
0x397: {  	s25 =	sor.u32 $0x40, s12;
	[tilespmem:s24+$0x0] =	vst.add.f32.msk $0xffff, v33  }
0x398: {  	s26 =	sor.u32 $0x50, s12;
	[tilespmem:s25+$0x0] =	vst.add.f32.msk $0xffff, v34  }
0x399: {  	s28 =	sor.u32 $0x60, s12;
	[tilespmem:s26+$0x0] =	vst.add.f32.msk $0xffff, v35  }
0x39a: {  	s29 =	sor.u32 $0x70, s12;
	[tilespmem:s28+$0x0] =	vst.add.f32.msk $0xffff, v36  }
0x39b: {  	s30 =	sor.u32 $0x400, s12;
	[tilespmem:s29+$0x0] =	vst.add.f32.msk $0xffff, v37  }
0x39c: {  	s11 =	simm.s32 $0x200;
	s31 =	sor.u32 $0x410, s12;
	[tilespmem:s30+$0x0] =	vst.add.f32.msk $0xffff, v38  }
0x39d: {  	s13 =	sor.u32 $0x440, s12;
	s14 =	sor.u32 $0x420, s12;
	s15 =	sor.u32 $0x430, s12;
	[tilespmem:s31+$0x0] =	vst.add.f32.msk $0xffff, v39  }
.LBB2_33:
0x39e: {  	p0 =	sne.s32 s11, $0x3E00;
	[tilespmem:s14+$0x0] =	vst.add.f32.msk $0xffff, v13;
	s0 =	sadd.s32 $0x100, s0;
	s2 =	sadd.s32 $0x2, s2  }
0x39f: {  	s3 =	sor.u32 $0x450, s12;
	s5 =	smov.u32 s11;
	s11 =	sadd.s32 $0x200, s11;
	[tilespmem:s15+$0x0] =	vst.add.f32.msk $0xffff, v12  }
0x3a0: {  	s6 =	sor.u32 $0x460, s12;
	[tilespmem:s13+$0x0] =	vst.add.f32.msk $0xffff, v11  }
0x3a1: {  	[tilespmem:s3+$0x0] =	vst.add.f32.msk $0xffff, v10;
	s3 =	sor.u32 $0x470, s12  }
0x3a2: {  	[tilespmem:s6+$0x0] =	vst.add.f32.msk $0xffff, v9  }
0x3a3: {  	s5 =	sand.u32 $0x3800, s5;
	s6 =	sand.u32 $0x300, s0;
	[tilespmem:s3+$0x0] =	vst.add.f32.msk $0xffff, v8  }
0x3a4: {  	s3 =	sor.u32 s6, s5;
	v12 =	vld [tilespmem:s2+$0x0]  }
0x3a5: {  	s14 =	sadd.s32 $0x14800, s3;
	v14 =	vld [tilespmem:s3+$0x14800]  }
0x3a6: {  	v8 =	vld [tilespmem:s14+$0x4F0]  }
0x3a7: {  	v9 =	vld [tilespmem:s14+$0x4E0]  }
0x3a8: {  	v10 =	vld [tilespmem:s14+$0x4D0]  }
0x3a9: {  	v11 =	vld [tilespmem:s14+$0x4C0];
	(v2sf) =	vpush v12, $0x1  }
0x3aa: {  	v15 =	vld [tilespmem:s14+$0x40]  }
0x3ab: {  	v16 =	vld [tilespmem:s14+$0x30]  }
0x3ac: {  	v17 =	vld [tilespmem:s14+$0x20]  }
0x3ad: {  	v18 =	vld [tilespmem:s14+$0x10];
	(v2sf) =	vpush v12, $0x0  }
0x3ae: {  	v12 =	vld [tilespmem:s14+$0x4B0]  }
0x3af: {  	v19 =	vld [tilespmem:s14+$0x50]  }
0x3b0: {  	v20 =	vld [tilespmem:s14+$0x60]  }
0x3b1: {  	v21 =	vld [tilespmem:s14+$0x70]  }
0x3b2: {  	v22 =	vld [tilespmem:s14+$0x400]  }
0x3b3: {  	v23 =	vld [tilespmem:s14+$0x410]  }
0x3b4: {  	v24 =	vld [tilespmem:s14+$0x420]  }
0x3b5: {  	v25 =	vld [tilespmem:s14+$0x430]  }
0x3b6: {  	v26 =	vld [tilespmem:s14+$0x440]  }
0x3b7: {  	v27 =	vld [tilespmem:s14+$0x450]  }
0x3b8: {  	v28 =	vld [tilespmem:s14+$0x460];
	s3 =	spop (v2sf)  }
0x3b9: {  	v29 =	vld [tilespmem:s14+$0x470];
	s5 =	sshll.u32 s3, $0x8;
	s3 =	sshll.u32 s3, $0x7  }
0x3ba: {  	v30 =	vld [tilespmem:s14+$0x80];
	s5 =	sand.u32 $0xFFFFF800, s5;
	s3 =	sand.u32 $0x380, s3  }
0x3bb: {  	v31 =	vld [tilespmem:s14+$0x90];
	s12 =	sor.u32 s3, s5  }
0x3bc: {  	v32 =	vld [tilespmem:s14+$0xA0];
	s13 =	sor.u32 $0x440, s12;
	s3 =	spop (v2sf)  }
0x3bd: {  	v33 =	vld [tilespmem:s14+$0xB0];
	s5 =	sshll.u32 s3, $0x8;
	s3 =	sshll.u32 s3, $0x7  }
0x3be: {  	v34 =	vld [tilespmem:s14+$0xC0];
	s5 =	sand.u32 $0xFFFFF800, s5;
	s3 =	sand.u32 $0x380, s3  }
0x3bf: {  	v35 =	vld [tilespmem:s14+$0xD0];
	s3 =	sor.u32 s3, s5  }
0x3c0: {  	v36 =	vld [tilespmem:s14+$0xE0];
	s5 =	sor.u32 $0x10, s3  }
0x3c1: {  	s6 =	sor.u32 $0x20, s3;
	v13 =	vld [tilespmem:s14+$0x4A0]  }
0x3c2: {  	s15 =	sor.u32 $0x30, s3;
	v37 =	vld [tilespmem:s14+$0xF0]  }
0x3c3: {  	s16 =	sor.u32 $0x40, s3;
	v38 =	vld [tilespmem:s14+$0x480]  }
0x3c4: {  	v39 =	vld [tilespmem:s14+$0x490];
	s14 =	sor.u32 $0x50, s3  }
0x3c5: {  	s17 =	sor.u32 $0x60, s3;
	[tilespmem:s3+$0x0] =	vst.add.f32.msk $0xffff, v14  }
0x3c6: {  	[tilespmem:s5+$0x0] =	vst.add.f32.msk $0xffff, v18;
	s5 =	sor.u32 $0x70, s3  }
0x3c7: {  	[tilespmem:s6+$0x0] =	vst.add.f32.msk $0xffff, v17;
	s6 =	sor.u32 $0x400, s3  }
0x3c8: {  	[tilespmem:s15+$0x0] =	vst.add.f32.msk $0xffff, v16;
	s15 =	sor.u32 $0x410, s3  }
0x3c9: {  	[tilespmem:s16+$0x0] =	vst.add.f32.msk $0xffff, v15;
	s16 =	sor.u32 $0x420, s3  }
0x3ca: {  	[tilespmem:s14+$0x0] =	vst.add.f32.msk $0xffff, v19;
	s14 =	sor.u32 $0x430, s3  }
0x3cb: {  	[tilespmem:s17+$0x0] =	vst.add.f32.msk $0xffff, v20;
	s17 =	sor.u32 $0x440, s3  }
0x3cc: {  	[tilespmem:s5+$0x0] =	vst.add.f32.msk $0xffff, v21;
	s5 =	sor.u32 $0x450, s3  }
0x3cd: {  	[tilespmem:s6+$0x0] =	vst.add.f32.msk $0xffff, v22;
	s6 =	sor.u32 $0x460, s3  }
0x3ce: {  	s3 =	sor.u32 $0x470, s3;
	[tilespmem:s15+$0x0] =	vst.add.f32.msk $0xffff, v23  }
0x3cf: {  	[tilespmem:s16+$0x0] =	vst.add.f32.msk $0xffff, v24  }
0x3d0: {  	[tilespmem:s14+$0x0] =	vst.add.f32.msk $0xffff, v25  }
0x3d1: {  	[tilespmem:s17+$0x0] =	vst.add.f32.msk $0xffff, v26  }
0x3d2: {  	[tilespmem:s5+$0x0] =	vst.add.f32.msk $0xffff, v27  }
0x3d3: {  	[tilespmem:s6+$0x0] =	vst.add.f32.msk $0xffff, v28  }
0x3d4: {  	[tilespmem:s3+$0x0] =	vst.add.f32.msk $0xffff, v29;
	s3 =	sor.u32 $0x10, s12  }
0x3d5: {  	s5 =	sor.u32 $0x20, s12;
	[tilespmem:s12+$0x0] =	vst.add.f32.msk $0xffff, v30  }
0x3d6: {  	[tilespmem:s3+$0x0] =	vst.add.f32.msk $0xffff, v31;
	s3 =	sor.u32 $0x30, s12  }
0x3d7: {  	[tilespmem:s5+$0x0] =	vst.add.f32.msk $0xffff, v32;
	s5 =	sor.u32 $0x40, s12  }
0x3d8: {  	[tilespmem:s3+$0x0] =	vst.add.f32.msk $0xffff, v33;
	s3 =	sor.u32 $0x50, s12  }
0x3d9: {  	[tilespmem:s5+$0x0] =	vst.add.f32.msk $0xffff, v34;
	s5 =	sor.u32 $0x60, s12  }
.Ltmp22:
0x3da: {  	[tilespmem:s3+$0x0] =	vst.add.f32.msk $0xffff, v35;
	s3 =	sor.u32 $0x70, s12;
	(pc) =	sbr.rel @p0 .LBB2_33-.Ltmp22, $4  }
0x3db: {  	[tilespmem:s5+$0x0] =	vst.add.f32.msk $0xffff, v36;
	s5 =	sor.u32 $0x400, s12  }
0x3dc: {  	[tilespmem:s3+$0x0] =	vst.add.f32.msk $0xffff, v37;
	s3 =	sor.u32 $0x410, s12  }
0x3dd: {  	s14 =	sor.u32 $0x420, s12;
	[tilespmem:s5+$0x0] =	vst.add.f32.msk $0xffff, v38  }
0x3de: {  	s15 =	sor.u32 $0x430, s12;
	[tilespmem:s3+$0x0] =	vst.add.f32.msk $0xffff, v39  }
0x3df: {  	[tilespmem:s14+$0x0] =	vst.add.f32.msk $0xffff, v13  }
.Ltmp23:
0x3e0: {  	[tilespmem:s15+$0x0] =	vst.add.f32.msk $0xffff, v12;
	(pc) =	sbr.rel .LBB2_35-.Ltmp23, $4  }
0x3e1: {  	s0 =	sor.u32 $0x450, s12;
	[tilespmem:s13+$0x0] =	vst.add.f32.msk $0xffff, v11  }
0x3e2: {  	s2 =	sor.u32 $0x460, s12;
	[tilespmem:s0+$0x0] =	vst.add.f32.msk $0xffff, v10  }
0x3e3: {  	s31 =	sor.u32 $0x470, s12;
	[tilespmem:s2+$0x0] =	vst.add.f32.msk $0xffff, v9  }
0x3e4: {  	s3 =	rddreg [dreg:$0x8];
	[tilespmem:s31+$0x0] =	vst.add.f32.msk $0xffff, v8  }
.LBB2_36:
0x3e5: {  	_ =	sfence.sel $0x180000  }
0x3e6: {  	[bflag:$0x0] =	sbarrier.arrive $0xFFFF  }
0x3e7: {  	_ =	strace $0x90000047  }
0x3e8: {  	s0 =	stileid.u32;
	[bflag:$0x2] =	sbarrier.arrive $0xFFFF  }
0x3e9: {  	p0 =	sne.s32 s0, $0x0;
	s0 =	rddreg [dreg:$0x3]  }
0x3ea: {  	s0 =	sadd.s32 @!p0 $0x100000, s0  }
0x3eb: {  	[sflag:s0] =	ssyncadd.tile.s32 @!p0 $0x1;
	_ =	shalt  }
.Lfunc_end2:
_tile_overlayer_lowered:
.L_overlay_start_2:
0x3ec: {  	(tag) =	ssettag $0x2  }
0x3ed: {  	s0 =	rddreg [dreg:$0x0];
	s2 =	stileid.u32  }
0x3ee: {  	s1 =	rddreg [dreg:$0x1];
	p0 =	sne.s32 s2, $0x0  }
0x3ef: {  	s3 =	rddreg [dreg:$0x2];
	[bflag:$0x3] =	sbarrier.arrive $0xFFFF;
	s2 =	simm.s32 @!p0 $0x1C03  }
0x3f0: {  	[timem:s3], [sflag:s2] =	dma.local @!p0 [hbm:s0], s1  }
0x3f1: {  	s0 =	simm.s32 @!p0 $0x3  }
0x3f2: {  	_ =	swait.ge @!p0 [sflag:s0], s1  }
0x3f3: {  	s1 =	ssub.s32 @!p0 $0x0, s1;
	[sflag:s0] =	ssyncset.done @!p0 $0x0  }
0x3f4: {  	[sflag:s0] =	ssyncadd.s32 @!p0 s1  }
0x3f5: {  	[bflag:$0x3] =	sbarrier.arrive $0xFFFF  }
0x3f6: {  	_ =	shalt  }

</sc_bundles>
